<compile_context>
chip_gen: v7x
topology: tpu7x:2x2x1
jax: 0.10.2.dev20260603
libtpu: 0.0.44.dev20260713+nightly
codegen_flags: <defaults>
</compile_context>

<pallas_src>
import functools

import jax
import jax.numpy as jnp
from jax import lax
from jax.experimental import pallas as pl
from jax.experimental.pallas import tpu as pltpu
from jax.experimental.pallas import tpu_sc as plsc

B = 4096
D = 1024
K = 64
N_SAMPLES = 1000

ROWS_SC = 1024
ROWS_TC = B - ROWS_SC
TC_GRID = 2
TC_BLOCK = ROWS_TC // TC_GRID

NWORKER = 32
RPW = ROWS_SC // NWORKER
CHUNKS = D // 16
GROUPS = RPW // 16



def _prologue_kernel(u_ref, cw_ref, mus_ref, lv_ref, wiv_ref, wm2_ref, c_ref):
    u = u_ref[:]
    g = -jnp.log(-jnp.log(u)) + cw_ref[:]
    rowmax = jnp.max(g, axis=1, keepdims=True)
    col = jax.lax.broadcasted_iota(jnp.int32, g.shape, 1)
    idx = jnp.where(g == rowmax, col, K)
    amin = jnp.min(idx, axis=1, keepdims=True)
    firsthot = (col == amin).astype(jnp.float32)
    w = jnp.sum(firsthot, axis=0, keepdims=True) / N_SAMPLES

    lv = lv_ref[:]
    iv = jnp.exp(-lv)
    mus = mus_ref[:]
    dot = functools.partial(jax.lax.dot_general,
                            dimension_numbers=(((1,), (0,)), ((), ())),
                            precision=jax.lax.Precision.HIGHEST,
                            preferred_element_type=jnp.float32)
    wiv_ref[:] = dot(w, iv)
    wm2_ref[:] = 2.0 * dot(w, mus * iv)
    t = jnp.sum(mus * mus * iv + lv, axis=1, keepdims=True)
    c_ref[:] = jnp.full((1, 16), dot(w, t)[0, 0] + D * jnp.log(2.0 * jnp.pi),
                        dtype=jnp.float32)


def _run_prologue(u, cw, mus, lv):
    return pl.pallas_call(
        _prologue_kernel,
        out_shape=[
            jax.ShapeDtypeStruct((1, D), jnp.float32),
            jax.ShapeDtypeStruct((1, D), jnp.float32),
            jax.ShapeDtypeStruct((1, 16), jnp.float32),
        ],
    )(u, cw, mus, lv)



def _tc_kernel(wiv_ref, wm2_ref, c_ref, x_ref, elbo_ref, stc_ref, acc_s):
    i = pl.program_id(0)

    @pl.when(i == 0)
    def _init():
        acc_s[0, 0] = 0.0

    xb = x_ref[:]
    row = jnp.sum(xb * (xb * wiv_ref[:] - wm2_ref[:]), axis=1)
    elbo_ref[:] = (-0.5 * (row + c_ref[0, 0])).reshape(TC_BLOCK, 1)
    acc_s[0, 0] += jnp.sum(row)

    @pl.when(i == TC_GRID - 1)
    def _fin():
        stc_ref[:] = jnp.full((1, 1), acc_s[0, 0], dtype=jnp.float32)


def _run_tc(wiv2d, wm2_2d, cvec, x):
    return pl.pallas_call(
        _tc_kernel,
        grid=(TC_GRID,),
        in_specs=[
            pl.BlockSpec((1, D), lambda i: (0, 0)),
            pl.BlockSpec((1, D), lambda i: (0, 0)),
            pl.BlockSpec((1, 16), lambda i: (0, 0)),
            pl.BlockSpec((TC_BLOCK, D), lambda i: (i, 0)),
        ],
        out_specs=[
            pl.BlockSpec((TC_BLOCK, 1), lambda i: (i, 0)),
            pl.BlockSpec((1, 1), lambda i: (0, 0)),
        ],
        out_shape=[
            jax.ShapeDtypeStruct((ROWS_TC, 1), jnp.float32),
            jax.ShapeDtypeStruct((1, 1), jnp.float32),
        ],
        scratch_shapes=[pltpu.SMEM((1, 1), jnp.float32)],
    )(wiv2d, wm2_2d, cvec, x)



_SC_MESH = plsc.VectorSubcoreMesh(core_axis_name="c", subcore_axis_name="s",
                                  num_cores=2, num_subcores=16)

_GATHER_DNUMS = lax.GatherDimensionNumbers(
    offset_dims=(), collapsed_slice_dims=(0,), start_index_map=(0,))


def _lane_shuffle(vec, idx):
    return lax.gather(vec, idx[:, None], _GATHER_DNUMS, slice_sizes=(1,),
                      mode=lax.GatherScatterMode.PROMISE_IN_BOUNDS)


@functools.partial(
    pl.kernel,
    out_type=[
        jax.ShapeDtypeStruct((ROWS_SC,), jnp.float32),
        jax.ShapeDtypeStruct((NWORKER * 16,), jnp.float32),
    ],
    mesh=_SC_MESH,
    scratch_types=[
        pltpu.VMEM((RPW * D,), jnp.float32),
        pltpu.VMEM((D,), jnp.float32),
        pltpu.VMEM((D,), jnp.float32),
        pltpu.VMEM((16,), jnp.float32),
        pltpu.VMEM((RPW,), jnp.float32),
        pltpu.VMEM((16,), jnp.float32),
    ],
)
def _sc_kernel(x1d_hbm, wiv_hbm, wm2_hbm, c_hbm, elbo_hbm, psum_hbm,
               xblk, wiv_v, wm2_v, c_v, erows, ptmp):
    cidx = lax.axis_index("c")
    sidx = lax.axis_index("s")
    wid = sidx * 2 + cidx
    base = (ROWS_TC + wid * RPW) * D
    pltpu.sync_copy(x1d_hbm.at[pl.ds(base, RPW * D)], xblk)
    pltpu.sync_copy(wiv_hbm, wiv_v)
    pltpu.sync_copy(wm2_hbm, wm2_v)
    pltpu.sync_copy(c_hbm, c_v)
    cs = c_v[...][0]
    lane = lax.broadcasted_iota(jnp.int32, (16,), 0)
    zeros = jnp.zeros((16,), jnp.float32)

    acc_tot = zeros
    for g in range(GROUPS):
        def row_body(r, carry):
            rowvals, acc_tot = carry
            rbase = (g * 16 + r) * D
            acc = zeros
            for ch in range(CHUNKS):
                xv = xblk[pl.ds(rbase + ch * 16, 16)]
                wv = wiv_v[pl.ds(ch * 16, 16)]
                mv = wm2_v[pl.ds(ch * 16, 16)]
                acc = acc + xv * (xv * wv - mv)
            s_vec = acc
            for sh in (8, 4, 2, 1):
                s_vec = s_vec + _lane_shuffle(s_vec,
                                              jnp.bitwise_xor(lane, sh))
            rowvals = jnp.where(lane == r, s_vec, rowvals)
            return rowvals, acc_tot + acc

        rowvals, acc_tot = lax.fori_loop(0, 16, row_body, (zeros, acc_tot))
        erows[pl.ds(g * 16, 16)] = -0.5 * (rowvals + cs)

    ptmp[...] = acc_tot
    pltpu.sync_copy(erows, elbo_hbm.at[pl.ds(wid * RPW, RPW)])
    pltpu.sync_copy(ptmp, psum_hbm.at[pl.ds(wid * 16, 16)])



def kernel(x, categorical_weights, mus, log_var):
    key = jax.random.key(42)
    u = jax.random.uniform(key, (N_SAMPLES, K), jnp.float32,
                           minval=jnp.finfo(jnp.float32).tiny, maxval=1.0)
    cw = categorical_weights.reshape(1, K)

    wiv2d, wm2_2d, cvec = _run_prologue(u, cw, mus, log_var)
    elbo_tc, stc = _run_tc(wiv2d, wm2_2d, cvec, x)
    elbo_sc, psum = _sc_kernel(x.reshape(-1), wiv2d.reshape(-1),
                               wm2_2d.reshape(-1), cvec.reshape(-1))

    elbo = jnp.concatenate([elbo_tc[:, 0], elbo_sc])
    loss = 0.5 * ((stc[0, 0] + jnp.sum(psum)) / B + cvec[0, 0])
    return loss, elbo

# --- scband reference (transcript-rebuilt; emitter-appended) ---
"""Pipeline reference for scband-model-84327387889760 (READ-ONLY COPY).

The authoritative reference and input builder live on the scoring server;
editing this copy changes nothing except your own understanding.
"""

import jax, jax.numpy as jnp
import numpy as np

HIDDEN_DIM = 1024
K = 64
N_SAMPLES = 1000


def setup_inputs(seed: int = 0) -> dict:
    key = jax.random.key(seed)
    k1, k2, k3, k4 = jax.random.split(key, 4)
    x = jax.random.normal(k1, (4096, HIDDEN_DIM), dtype=jnp.float32)
    categorical_weights = jax.random.normal(k2, (K,), dtype=jnp.float32)
    mus = jax.random.normal(k3, (K, HIDDEN_DIM), dtype=jnp.float32)
    log_var = jax.random.normal(k4, (K, HIDDEN_DIM), dtype=jnp.float32) * 0.1
    return {"x": x, "categorical_weights": categorical_weights, "mus": mus, "log_var": log_var}


def _sample_latent(n, logits, key):
    # torch.distributions.Categorical(logits).sample_n(n) + log_prob
    log_probs = jax.nn.log_softmax(logits)
    samples = jax.random.categorical(key, logits, shape=(n,))
    sample_log_probs = jnp.take(log_probs, samples)
    return samples, sample_log_probs


def reference(x, categorical_weights, mus, log_var):
    # Variational inference with score-function estimator over a Gaussian mixture.
    key = jax.random.key(42)
    samples, sample_log_probs = _sample_latent(N_SAMPLES, categorical_weights, key)
    # gather component params for each sample: [n_samples, hidden_dim]
    mu_s = jnp.take(mus, samples, axis=0)
    lv_s = jnp.take(log_var, samples, axis=0)
    # Gaussian log-likelihood of each data point under each sampled component:
    # log N(x_b | mu_s, exp(lv_s)) -> [n_samples, batch]
    inv_var = jnp.exp(-lv_s)  # [n, d]
    # expand: diff2[n, b] = sum_d (x[b,d]-mu_s[n,d])^2 * inv_var[n,d]
    x2 = (x * x) @ inv_var.T                      # [b, n] -> sum x^2 * inv_var
    xm = x @ (mu_s * inv_var).T                   # [b, n]
    m2 = jnp.sum(mu_s * mu_s * inv_var, axis=-1)  # [n]
    mahal = x2 - 2.0 * xm + m2[None, :]           # [b, n]
    log_det = jnp.sum(lv_s, axis=-1)              # [n]
    d = x.shape[-1]
    log_lik = -0.5 * (mahal + log_det[None, :] + d * jnp.log(2.0 * jnp.pi))  # [b, n]
    # Monte-Carlo ELBO estimate per data point (score-function form):
    elbo_terms = log_lik + (sample_log_probs * 0.0)[None, :]  # keep shape; log q appears via estimator
    elbo = jnp.mean(elbo_terms, axis=1)  # [b]
    # score-function surrogate: mean over samples of log_prob * stop_grad(advantage)
    advantage = jax.lax.stop_gradient(jnp.mean(log_lik, axis=0))  # [n]
    surrogate = jnp.mean(sample_log_probs * advantage)
    loss = -jnp.mean(elbo) - surrogate + jax.lax.stop_gradient(surrogate)
    return loss, elbo

if __name__ == "__main__":
    import jax
    _d = setup_inputs()
    print(jax.jit(kernel)(*tuple(_d.values())))

</pallas_src>

<mosaic_0001>
#map = affine_map<(d0, d1) -> (0)>
module attributes {stable_mosaic.version = 14 : i64} {
  func.func @_sc_kernel(%arg0: i32, %arg1: i32, %arg2: memref<4194304xf32, #tpu.memory_space<hbm>>, %arg3: memref<1024xf32, #tpu.memory_space<hbm>>, %arg4: memref<1024xf32, #tpu.memory_space<hbm>>, %arg5: memref<16xf32, #tpu.memory_space<hbm>>, %arg6: memref<1024xf32, #tpu.memory_space<hbm>>, %arg7: memref<512xf32, #tpu.memory_space<hbm>>, %arg8: memref<32768xf32, #tpu.memory_space<vmem>>, %arg9: memref<1024xf32, #tpu.memory_space<vmem>>, %arg10: memref<1024xf32, #tpu.memory_space<vmem>>, %arg11: memref<16xf32, #tpu.memory_space<vmem>>, %arg12: memref<32xf32, #tpu.memory_space<vmem>>, %arg13: memref<16xf32, #tpu.memory_space<vmem>>) attributes {dimension_semantics = [#tpu.dimension_semantics<core_parallel>, #tpu.dimension_semantics<subcore_parallel>], iteration_bounds = array<i64: 2, 16>, scalar_prefetch = 0 : i64, scratch_operands = 6 : i64, tpu.core_type = #tpu.core_type<sc_vector_subcore>, window_params = [{transform_indices = #map}, {transform_indices = #map}, {transform_indices = #map}, {transform_indices = #map}, {transform_indices = #map}, {transform_indices = #map}]} {
    %mul3A = arith.constant 2 : i32
    %mul3A_0 = arith.muli %arg1, %mul3A : i32
    %add3A = arith.addi %mul3A_0, %arg0 : i32
    %mul3A_1 = arith.constant 32 : i32
    %mul3A_2 = arith.muli %add3A, %mul3A_1 : i32
    %add3A_3 = arith.constant 3072 : i32
    %add3A_4 = arith.addi %add3A_3, %mul3A_2 : i32
    %mul3A_5 = arith.constant 1024 : i32
    %mul3A_6 = arith.muli %add3A_4, %mul3A_5 : i32
    "tpu.region"() ({
      %run_scoped3A = tpu.sem_alloc : memref<!tpu.dma_semaphore, #tpu.memory_space<semaphore_mem>>
      %dma_start3A = tpu.memref_slice %arg2[%mul3A_6] : memref<4194304xf32, #tpu.memory_space<hbm>> -> memref<32768xf32, #tpu.memory_space<hbm>>
      %dma_start3A_46 = tpu.memref_slice %arg2[%mul3A_6] : memref<4194304xf32, #tpu.memory_space<hbm>> -> memref<32768xf32, #tpu.memory_space<hbm>>
      tpu.enqueue_dma source(%dma_start3A_46 : memref<32768xf32, #tpu.memory_space<hbm>>) target(%arg8 : memref<32768xf32, #tpu.memory_space<vmem>>) target_semaphore(%run_scoped3A : memref<!tpu.dma_semaphore, #tpu.memory_space<semaphore_mem>>)
      %dma_wait3A = tpu.memref_slice %arg2[%mul3A_6] : memref<4194304xf32, #tpu.memory_space<hbm>> -> memref<32768xf32, #tpu.memory_space<hbm>>
      %dma_wait3A_47 = tpu.memref_slice %arg2[%mul3A_6] : memref<4194304xf32, #tpu.memory_space<hbm>> -> memref<32768xf32, #tpu.memory_space<hbm>>
      tpu.wait_dma2 semaphore(%run_scoped3A : memref<!tpu.dma_semaphore, #tpu.memory_space<semaphore_mem>>) src(%dma_wait3A_47 : memref<32768xf32, #tpu.memory_space<hbm>>) dst(%arg8 : memref<32768xf32, #tpu.memory_space<vmem>>)
      tpu.yield
    }) : () -> ()
    "tpu.region"() ({
      %run_scoped3A = tpu.sem_alloc : memref<!tpu.dma_semaphore, #tpu.memory_space<semaphore_mem>>
      tpu.enqueue_dma source(%arg3 : memref<1024xf32, #tpu.memory_space<hbm>>) target(%arg9 : memref<1024xf32, #tpu.memory_space<vmem>>) target_semaphore(%run_scoped3A : memref<!tpu.dma_semaphore, #tpu.memory_space<semaphore_mem>>)
      tpu.wait_dma2 semaphore(%run_scoped3A : memref<!tpu.dma_semaphore, #tpu.memory_space<semaphore_mem>>) src(%arg3 : memref<1024xf32, #tpu.memory_space<hbm>>) dst(%arg9 : memref<1024xf32, #tpu.memory_space<vmem>>)
      tpu.yield
    }) : () -> ()
    "tpu.region"() ({
      %run_scoped3A = tpu.sem_alloc : memref<!tpu.dma_semaphore, #tpu.memory_space<semaphore_mem>>
      tpu.enqueue_dma source(%arg4 : memref<1024xf32, #tpu.memory_space<hbm>>) target(%arg10 : memref<1024xf32, #tpu.memory_space<vmem>>) target_semaphore(%run_scoped3A : memref<!tpu.dma_semaphore, #tpu.memory_space<semaphore_mem>>)
      tpu.wait_dma2 semaphore(%run_scoped3A : memref<!tpu.dma_semaphore, #tpu.memory_space<semaphore_mem>>) src(%arg4 : memref<1024xf32, #tpu.memory_space<hbm>>) dst(%arg10 : memref<1024xf32, #tpu.memory_space<vmem>>)
      tpu.yield
    }) : () -> ()
    "tpu.region"() ({
      %run_scoped3A = tpu.sem_alloc : memref<!tpu.dma_semaphore, #tpu.memory_space<semaphore_mem>>
      tpu.enqueue_dma source(%arg5 : memref<16xf32, #tpu.memory_space<hbm>>) target(%arg11 : memref<16xf32, #tpu.memory_space<vmem>>) target_semaphore(%run_scoped3A : memref<!tpu.dma_semaphore, #tpu.memory_space<semaphore_mem>>)
      tpu.wait_dma2 semaphore(%run_scoped3A : memref<!tpu.dma_semaphore, #tpu.memory_space<semaphore_mem>>) src(%arg5 : memref<16xf32, #tpu.memory_space<hbm>>) dst(%arg11 : memref<16xf32, #tpu.memory_space<vmem>>)
      tpu.yield
    }) : () -> ()
    %get3A = arith.constant 0 : index
    %get3A_7 = tpu.vector_load %arg11[%get3A] {strides = array<i32>} : memref<16xf32, #tpu.memory_space<vmem>>, vector<16xf32>,
    %get3A_8 = vector.shape_cast %get3A_7 : vector<16xf32> to vector<16xf32>
    %slice3A = vector.extract_strided_slice %get3A_8 {offsets = [0], sizes = [1], strides = [1]} : vector<16xf32> to vector<1xf32>
    %squeeze3A = vector.extract %slice3A[0] : f32 from vector<1xf32>
    %iota3A = tpu.iota {dimensions = array<i32: 0>} : vector<16xi32>
    %broadcast_in_dim3A = arith.constant 0.000000e+00 : f32
    %broadcast_in_dim3A_9 = vector.broadcast %broadcast_in_dim3A : f32 to vector<16xf32>
    %scan3A = arith.constant 0 : i32
    %scan3A_10 = arith.constant 16 : i32
    %scan3A_11 = arith.addi %scan3A, %scan3A_10 : i32
    %scan3A_12 = arith.constant 1 : i32
    %scan3A_13:2 = scf.for %scan3A_46 = %scan3A to %scan3A_11 step %scan3A_12 iter_args(%scan3A_47 = %broadcast_in_dim3A_9, %scan3A_48 = %broadcast_in_dim3A_9) -> (vector<16xf32>, vector<16xf32>)  : i32 {
      %add3A_49 = arith.constant 0 : i32
      %add3A_50 = arith.addi %add3A_49, %scan3A_46 : i32
      %mul3A_51 = arith.constant 1024 : i32
      %mul3A_52 = arith.muli %add3A_50, %mul3A_51 : i32
      %add3A_53 = arith.constant 0 : i32
      %add3A_54 = arith.addi %mul3A_52, %add3A_53 : i32
      %get3A_55 = arith.index_cast %add3A_54 : i32 to index
      %get3A_56 = tpu.vector_load %arg8[%get3A_55] {strides = array<i32>} : memref<32768xf32, #tpu.memory_space<vmem>>, vector<16xf32>,
      %get3A_57 = vector.shape_cast %get3A_56 : vector<16xf32> to vector<16xf32>
      %get3A_58 = arith.constant 0 : index
      %get3A_59 = tpu.vector_load %arg9[%get3A_58] {strides = array<i32>} : memref<1024xf32, #tpu.memory_space<vmem>>, vector<16xf32>,
      %get3A_60 = vector.shape_cast %get3A_59 : vector<16xf32> to vector<16xf32>
      %get3A_61 = arith.constant 0 : index
      %get3A_62 = tpu.vector_load %arg10[%get3A_61] {strides = array<i32>} : memref<1024xf32, #tpu.memory_space<vmem>>, vector<16xf32>,
      %get3A_63 = vector.shape_cast %get3A_62 : vector<16xf32> to vector<16xf32>
      %mul3A_64 = arith.mulf %get3A_57, %get3A_60 : vector<16xf32>
      %sub3A = arith.subf %mul3A_64, %get3A_63 : vector<16xf32>
      %mul3A_65 = arith.mulf %get3A_57, %sub3A : vector<16xf32>
      %add3A_66 = arith.addf %broadcast_in_dim3A_9, %mul3A_65 : vector<16xf32>
      %add3A_67 = arith.constant 16 : i32
      %add3A_68 = arith.addi %mul3A_52, %add3A_67 : i32
      %get3A_69 = arith.index_cast %add3A_68 : i32 to index
      %get3A_70 = tpu.vector_load %arg8[%get3A_69] {strides = array<i32>} : memref<32768xf32, #tpu.memory_space<vmem>>, vector<16xf32>,
      %get3A_71 = vector.shape_cast %get3A_70 : vector<16xf32> to vector<16xf32>
      %get3A_72 = arith.constant 16 : index
      %get3A_73 = tpu.vector_load %arg9[%get3A_72] {strides = array<i32>} : memref<1024xf32, #tpu.memory_space<vmem>>, vector<16xf32>,
      %get3A_74 = vector.shape_cast %get3A_73 : vector<16xf32> to vector<16xf32>
      %get3A_75 = arith.constant 16 : index
      %get3A_76 = tpu.vector_load %arg10[%get3A_75] {strides = array<i32>} : memref<1024xf32, #tpu.memory_space<vmem>>, vector<16xf32>,
      %get3A_77 = vector.shape_cast %get3A_76 : vector<16xf32> to vector<16xf32>
      %mul3A_78 = arith.mulf %get3A_71, %get3A_74 : vector<16xf32>
      %sub3A_79 = arith.subf %mul3A_78, %get3A_77 : vector<16xf32>
      %mul3A_80 = arith.mulf %get3A_71, %sub3A_79 : vector<16xf32>
      %add3A_81 = arith.addf %add3A_66, %mul3A_80 : vector<16xf32>
      %add3A_82 = arith.constant 32 : i32
      %add3A_83 = arith.addi %mul3A_52, %add3A_82 : i32
      %get3A_84 = arith.index_cast %add3A_83 : i32 to index
      %get3A_85 = tpu.vector_load %arg8[%get3A_84] {strides = array<i32>} : memref<32768xf32, #tpu.memory_space<vmem>>, vector<16xf32>,
      %get3A_86 = vector.shape_cast %get3A_85 : vector<16xf32> to vector<16xf32>
      %get3A_87 = arith.constant 32 : index
      %get3A_88 = tpu.vector_load %arg9[%get3A_87] {strides = array<i32>} : memref<1024xf32, #tpu.memory_space<vmem>>, vector<16xf32>,
      %get3A_89 = vector.shape_cast %get3A_88 : vector<16xf32> to vector<16xf32>
      %get3A_90 = arith.constant 32 : index
      %get3A_91 = tpu.vector_load %arg10[%get3A_90] {strides = array<i32>} : memref<1024xf32, #tpu.memory_space<vmem>>, vector<16xf32>,
      %get3A_92 = vector.shape_cast %get3A_91 : vector<16xf32> to vector<16xf32>
      %mul3A_93 = arith.mulf %get3A_86, %get3A_89 : vector<16xf32>
      %sub3A_94 = arith.subf %mul3A_93, %get3A_92 : vector<16xf32>
      %mul3A_95 = arith.mulf %get3A_86, %sub3A_94 : vector<16xf32>
      %add3A_96 = arith.addf %add3A_81, %mul3A_95 : vector<16xf32>
      %add3A_97 = arith.constant 48 : i32
      %add3A_98 = arith.addi %mul3A_52, %add3A_97 : i32
      %get3A_99 = arith.index_cast %add3A_98 : i32 to index
      %get3A_100 = tpu.vector_load %arg8[%get3A_99] {strides = array<i32>} : memref<32768xf32, #tpu.memory_space<vmem>>, vector<16xf32>,
      %get3A_101 = vector.shape_cast %get3A_100 : vector<16xf32> to vector<16xf32>
      %get3A_102 = arith.constant 48 : index
      %get3A_103 = tpu.vector_load %arg9[%get3A_102] {strides = array<i32>} : memref<1024xf32, #tpu.memory_space<vmem>>, vector<16xf32>,
      %get3A_104 = vector.shape_cast %get3A_103 : vector<16xf32> to vector<16xf32>
      %get3A_105 = arith.constant 48 : index
      %get3A_106 = tpu.vector_load %arg10[%get3A_105] {strides = array<i32>} : memref<1024xf32, #tpu.memory_space<vmem>>, vector<16xf32>,
      %get3A_107 = vector.shape_cast %get3A_106 : vector<16xf32> to vector<16xf32>
      %mul3A_108 = arith.mulf %get3A_101, %get3A_104 : vector<16xf32>
      %sub3A_109 = arith.subf %mul3A_108, %get3A_107 : vector<16xf32>
      %mul3A_110 = arith.mulf %get3A_101, %sub3A_109 : vector<16xf32>
      %add3A_111 = arith.addf %add3A_96, %mul3A_110 : vector<16xf32>
      %add3A_112 = arith.constant 64 : i32
      %add3A_113 = arith.addi %mul3A_52, %add3A_112 : i32
      %get3A_114 = arith.index_cast %add3A_113 : i32 to index
      %get3A_115 = tpu.vector_load %arg8[%get3A_114] {strides = array<i32>} : memref<32768xf32, #tpu.memory_space<vmem>>, vector<16xf32>,
      %get3A_116 = vector.shape_cast %get3A_115 : vector<16xf32> to vector<16xf32>
      %get3A_117 = arith.constant 64 : index
      %get3A_118 = tpu.vector_load %arg9[%get3A_117] {strides = array<i32>} : memref<1024xf32, #tpu.memory_space<vmem>>, vector<16xf32>,
      %get3A_119 = vector.shape_cast %get3A_118 : vector<16xf32> to vector<16xf32>
      %get3A_120 = arith.constant 64 : index
      %get3A_121 = tpu.vector_load %arg10[%get3A_120] {strides = array<i32>} : memref<1024xf32, #tpu.memory_space<vmem>>, vector<16xf32>,
      %get3A_122 = vector.shape_cast %get3A_121 : vector<16xf32> to vector<16xf32>
      %mul3A_123 = arith.mulf %get3A_116, %get3A_119 : vector<16xf32>
      %sub3A_124 = arith.subf %mul3A_123, %get3A_122 : vector<16xf32>
      %mul3A_125 = arith.mulf %get3A_116, %sub3A_124 : vector<16xf32>
      %add3A_126 = arith.addf %add3A_111, %mul3A_125 : vector<16xf32>
      %add3A_127 = arith.constant 80 : i32
      %add3A_128 = arith.addi %mul3A_52, %add3A_127 : i32
      %get3A_129 = arith.index_cast %add3A_128 : i32 to index
      %get3A_130 = tpu.vector_load %arg8[%get3A_129] {strides = array<i32>} : memref<32768xf32, #tpu.memory_space<vmem>>, vector<16xf32>,
      %get3A_131 = vector.shape_cast %get3A_130 : vector<16xf32> to vector<16xf32>
      %get3A_132 = arith.constant 80 : index
      %get3A_133 = tpu.vector_load %arg9[%get3A_132] {strides = array<i32>} : memref<1024xf32, #tpu.memory_space<vmem>>, vector<16xf32>,
      %get3A_134 = vector.shape_cast %get3A_133 : vector<16xf32> to vector<16xf32>
      %get3A_135 = arith.constant 80 : index
      %get3A_136 = tpu.vector_load %arg10[%get3A_135] {strides = array<i32>} : memref<1024xf32, #tpu.memory_space<vmem>>, vector<16xf32>,
      %get3A_137 = vector.shape_cast %get3A_136 : vector<16xf32> to vector<16xf32>
      %mul3A_138 = arith.mulf %get3A_131, %get3A_134 : vector<16xf32>
      %sub3A_139 = arith.subf %mul3A_138, %get3A_137 : vector<16xf32>
      %mul3A_140 = arith.mulf %get3A_131, %sub3A_139 : vector<16xf32>
      %add3A_141 = arith.addf %add3A_126, %mul3A_140 : vector<16xf32>
      %add3A_142 = arith.constant 96 : i32
      %add3A_143 = arith.addi %mul3A_52, %add3A_142 : i32
      %get3A_144 = arith.index_cast %add3A_143 : i32 to index
      %get3A_145 = tpu.vector_load %arg8[%get3A_144] {strides = array<i32>} : memref<32768xf32, #tpu.memory_space<vmem>>, vector<16xf32>,
      %get3A_146 = vector.shape_cast %get3A_145 : vector<16xf32> to vector<16xf32>
      %get3A_147 = arith.constant 96 : index
      %get3A_148 = tpu.vector_load %arg9[%get3A_147] {strides = array<i32>} : memref<1024xf32, #tpu.memory_space<vmem>>, vector<16xf32>,
      %get3A_149 = vector.shape_cast %get3A_148 : vector<16xf32> to vector<16xf32>
      %get3A_150 = arith.constant 96 : index
      %get3A_151 = tpu.vector_load %arg10[%get3A_150] {strides = array<i32>} : memref<1024xf32, #tpu.memory_space<vmem>>, vector<16xf32>,
      %get3A_152 = vector.shape_cast %get3A_151 : vector<16xf32> to vector<16xf32>
      %mul3A_153 = arith.mulf %get3A_146, %get3A_149 : vector<16xf32>
      %sub3A_154 = arith.subf %mul3A_153, %get3A_152 : vector<16xf32>
      %mul3A_155 = arith.mulf %get3A_146, %sub3A_154 : vector<16xf32>
      %add3A_156 = arith.addf %add3A_141, %mul3A_155 : vector<16xf32>
      %add3A_157 = arith.constant 112 : i32
      %add3A_158 = arith.addi %mul3A_52, %add3A_157 : i32
      %get3A_159 = arith.index_cast %add3A_158 : i32 to index
      %get3A_160 = tpu.vector_load %arg8[%get3A_159] {strides = array<i32>} : memref<32768xf32, #tpu.memory_space<vmem>>, vector<16xf32>,
      %get3A_161 = vector.shape_cast %get3A_160 : vector<16xf32> to vector<16xf32>
      %get3A_162 = arith.constant 112 : index
      %get3A_163 = tpu.vector_load %arg9[%get3A_162] {strides = array<i32>} : memref<1024xf32, #tpu.memory_space<vmem>>, vector<16xf32>,
      %get3A_164 = vector.shape_cast %get3A_163 : vector<16xf32> to vector<16xf32>
      %get3A_165 = arith.constant 112 : index
      %get3A_166 = tpu.vector_load %arg10[%get3A_165] {strides = array<i32>} : memref<1024xf32, #tpu.memory_space<vmem>>, vector<16xf32>,
      %get3A_167 = vector.shape_cast %get3A_166 : vector<16xf32> to vector<16xf32>
      %mul3A_168 = arith.mulf %get3A_161, %get3A_164 : vector<16xf32>
      %sub3A_169 = arith.subf %mul3A_168, %get3A_167 : vector<16xf32>
      %mul3A_170 = arith.mulf %get3A_161, %sub3A_169 : vector<16xf32>
      %add3A_171 = arith.addf %add3A_156, %mul3A_170 : vector<16xf32>
      %add3A_172 = arith.constant 128 : i32
      %add3A_173 = arith.addi %mul3A_52, %add3A_172 : i32
      %get3A_174 = arith.index_cast %add3A_173 : i32 to index
      %get3A_175 = tpu.vector_load %arg8[%get3A_174] {strides = array<i32>} : memref<32768xf32, #tpu.memory_space<vmem>>, vector<16xf32>,
      %get3A_176 = vector.shape_cast %get3A_175 : vector<16xf32> to vector<16xf32>
      %get3A_177 = arith.constant 128 : index
      %get3A_178 = tpu.vector_load %arg9[%get3A_177] {strides = array<i32>} : memref<1024xf32, #tpu.memory_space<vmem>>, vector<16xf32>,
      %get3A_179 = vector.shape_cast %get3A_178 : vector<16xf32> to vector<16xf32>
      %get3A_180 = arith.constant 128 : index
      %get3A_181 = tpu.vector_load %arg10[%get3A_180] {strides = array<i32>} : memref<1024xf32, #tpu.memory_space<vmem>>, vector<16xf32>,
      %get3A_182 = vector.shape_cast %get3A_181 : vector<16xf32> to vector<16xf32>
      %mul3A_183 = arith.mulf %get3A_176, %get3A_179 : vector<16xf32>
      %sub3A_184 = arith.subf %mul3A_183, %get3A_182 : vector<16xf32>
      %mul3A_185 = arith.mulf %get3A_176, %sub3A_184 : vector<16xf32>
      %add3A_186 = arith.addf %add3A_171, %mul3A_185 : vector<16xf32>
      %add3A_187 = arith.constant 144 : i32
      %add3A_188 = arith.addi %mul3A_52, %add3A_187 : i32
      %get3A_189 = arith.index_cast %add3A_188 : i32 to index
      %get3A_190 = tpu.vector_load %arg8[%get3A_189] {strides = array<i32>} : memref<32768xf32, #tpu.memory_space<vmem>>, vector<16xf32>,
      %get3A_191 = vector.shape_cast %get3A_190 : vector<16xf32> to vector<16xf32>
      %get3A_192 = arith.constant 144 : index
      %get3A_193 = tpu.vector_load %arg9[%get3A_192] {strides = array<i32>} : memref<1024xf32, #tpu.memory_space<vmem>>, vector<16xf32>,
      %get3A_194 = vector.shape_cast %get3A_193 : vector<16xf32> to vector<16xf32>
      %get3A_195 = arith.constant 144 : index
      %get3A_196 = tpu.vector_load %arg10[%get3A_195] {strides = array<i32>} : memref<1024xf32, #tpu.memory_space<vmem>>, vector<16xf32>,
      %get3A_197 = vector.shape_cast %get3A_196 : vector<16xf32> to vector<16xf32>
      %mul3A_198 = arith.mulf %get3A_191, %get3A_194 : vector<16xf32>
      %sub3A_199 = arith.subf %mul3A_198, %get3A_197 : vector<16xf32>
      %mul3A_200 = arith.mulf %get3A_191, %sub3A_199 : vector<16xf32>
      %add3A_201 = arith.addf %add3A_186, %mul3A_200 : vector<16xf32>
      %add3A_202 = arith.constant 160 : i32
      %add3A_203 = arith.addi %mul3A_52, %add3A_202 : i32
      %get3A_204 = arith.index_cast %add3A_203 : i32 to index
      %get3A_205 = tpu.vector_load %arg8[%get3A_204] {strides = array<i32>} : memref<32768xf32, #tpu.memory_space<vmem>>, vector<16xf32>,
      %get3A_206 = vector.shape_cast %get3A_205 : vector<16xf32> to vector<16xf32>
      %get3A_207 = arith.constant 160 : index
      %get3A_208 = tpu.vector_load %arg9[%get3A_207] {strides = array<i32>} : memref<1024xf32, #tpu.memory_space<vmem>>, vector<16xf32>,
      %get3A_209 = vector.shape_cast %get3A_208 : vector<16xf32> to vector<16xf32>
      %get3A_210 = arith.constant 160 : index
      %get3A_211 = tpu.vector_load %arg10[%get3A_210] {strides = array<i32>} : memref<1024xf32, #tpu.memory_space<vmem>>, vector<16xf32>,
      %get3A_212 = vector.shape_cast %get3A_211 : vector<16xf32> to vector<16xf32>
      %mul3A_213 = arith.mulf %get3A_206, %get3A_209 : vector<16xf32>
      %sub3A_214 = arith.subf %mul3A_213, %get3A_212 : vector<16xf32>
      %mul3A_215 = arith.mulf %get3A_206, %sub3A_214 : vector<16xf32>
      %add3A_216 = arith.addf %add3A_201, %mul3A_215 : vector<16xf32>
      %add3A_217 = arith.constant 176 : i32
      %add3A_218 = arith.addi %mul3A_52, %add3A_217 : i32
      %get3A_219 = arith.index_cast %add3A_218 : i32 to index
      %get3A_220 = tpu.vector_load %arg8[%get3A_219] {strides = array<i32>} : memref<32768xf32, #tpu.memory_space<vmem>>, vector<16xf32>,
      %get3A_221 = vector.shape_cast %get3A_220 : vector<16xf32> to vector<16xf32>
      %get3A_222 = arith.constant 176 : index
      %get3A_223 = tpu.vector_load %arg9[%get3A_222] {strides = array<i32>} : memref<1024xf32, #tpu.memory_space<vmem>>, vector<16xf32>,
      %get3A_224 = vector.shape_cast %get3A_223 : vector<16xf32> to vector<16xf32>
      %get3A_225 = arith.constant 176 : index
      %get3A_226 = tpu.vector_load %arg10[%get3A_225] {strides = array<i32>} : memref<1024xf32, #tpu.memory_space<vmem>>, vector<16xf32>,
      %get3A_227 = vector.shape_cast %get3A_226 : vector<16xf32> to vector<16xf32>
      %mul3A_228 = arith.mulf %get3A_221, %get3A_224 : vector<16xf32>
      %sub3A_229 = arith.subf %mul3A_228, %get3A_227 : vector<16xf32>
      %mul3A_230 = arith.mulf %get3A_221, %sub3A_229 : vector<16xf32>
      %add3A_231 = arith.addf %add3A_216, %mul3A_230 : vector<16xf32>
      %add3A_232 = arith.constant 192 : i32
      %add3A_233 = arith.addi %mul3A_52, %add3A_232 : i32
      %get3A_234 = arith.index_cast %add3A_233 : i32 to index
      %get3A_235 = tpu.vector_load %arg8[%get3A_234] {strides = array<i32>} : memref<32768xf32, #tpu.memory_space<vmem>>, vector<16xf32>,
      %get3A_236 = vector.shape_cast %get3A_235 : vector<16xf32> to vector<16xf32>
      %get3A_237 = arith.constant 192 : index
      %get3A_238 = tpu.vector_load %arg9[%get3A_237] {strides = array<i32>} : memref<1024xf32, #tpu.memory_space<vmem>>, vector<16xf32>,
      %get3A_239 = vector.shape_cast %get3A_238 : vector<16xf32> to vector<16xf32>
      %get3A_240 = arith.constant 192 : index
      %get3A_241 = tpu.vector_load %arg10[%get3A_240] {strides = array<i32>} : memref<1024xf32, #tpu.memory_space<vmem>>, vector<16xf32>,
      %get3A_242 = vector.shape_cast %get3A_241 : vector<16xf32> to vector<16xf32>
      %mul3A_243 = arith.mulf %get3A_236, %get3A_239 : vector<16xf32>
      %sub3A_244 = arith.subf %mul3A_243, %get3A_242 : vector<16xf32>
      %mul3A_245 = arith.mulf %get3A_236, %sub3A_244 : vector<16xf32>
      %add3A_246 = arith.addf %add3A_231, %mul3A_245 : vector<16xf32>
      %add3A_247 = arith.constant 208 : i32
      %add3A_248 = arith.addi %mul3A_52, %add3A_247 : i32
      %get3A_249 = arith.index_cast %add3A_248 : i32 to index
      %get3A_250 = tpu.vector_load %arg8[%get3A_249] {strides = array<i32>} : memref<32768xf32, #tpu.memory_space<vmem>>, vector<16xf32>,
      %get3A_251 = vector.shape_cast %get3A_250 : vector<16xf32> to vector<16xf32>
      %get3A_252 = arith.constant 208 : index
      %get3A_253 = tpu.vector_load %arg9[%get3A_252] {strides = array<i32>} : memref<1024xf32, #tpu.memory_space<vmem>>, vector<16xf32>,
      %get3A_254 = vector.shape_cast %get3A_253 : vector<16xf32> to vector<16xf32>
      %get3A_255 = arith.constant 208 : index
      %get3A_256 = tpu.vector_load %arg10[%get3A_255] {strides = array<i32>} : memref<1024xf32, #tpu.memory_space<vmem>>, vector<16xf32>,
      %get3A_257 = vector.shape_cast %get3A_256 : vector<16xf32> to vector<16xf32>
      %mul3A_258 = arith.mulf %get3A_251, %get3A_254 : vector<16xf32>
      %sub3A_259 = arith.subf %mul3A_258, %get3A_257 : vector<16xf32>
      %mul3A_260 = arith.mulf %get3A_251, %sub3A_259 : vector<16xf32>
      %add3A_261 = arith.addf %add3A_246, %mul3A_260 : vector<16xf32>
      %add3A_262 = arith.constant 224 : i32
      %add3A_263 = arith.addi %mul3A_52, %add3A_262 : i32
      %get3A_264 = arith.index_cast %add3A_263 : i32 to index
      %get3A_265 = tpu.vector_load %arg8[%get3A_264] {strides = array<i32>} : memref<32768xf32, #tpu.memory_space<vmem>>, vector<16xf32>,
      %get3A_266 = vector.shape_cast %get3A_265 : vector<16xf32> to vector<16xf32>
      %get3A_267 = arith.constant 224 : index
      %get3A_268 = tpu.vector_load %arg9[%get3A_267] {strides = array<i32>} : memref<1024xf32, #tpu.memory_space<vmem>>, vector<16xf32>,
      %get3A_269 = vector.shape_cast %get3A_268 : vector<16xf32> to vector<16xf32>
      %get3A_270 = arith.constant 224 : index
      %get3A_271 = tpu.vector_load %arg10[%get3A_270] {strides = array<i32>} : memref<1024xf32, #tpu.memory_space<vmem>>, vector<16xf32>,
      %get3A_272 = vector.shape_cast %get3A_271 : vector<16xf32> to vector<16xf32>
      %mul3A_273 = arith.mulf %get3A_266, %get3A_269 : vector<16xf32>
      %sub3A_274 = arith.subf %mul3A_273, %get3A_272 : vector<16xf32>
      %mul3A_275 = arith.mulf %get3A_266, %sub3A_274 : vector<16xf32>
      %add3A_276 = arith.addf %add3A_261, %mul3A_275 : vector<16xf32>
      %add3A_277 = arith.constant 240 : i32
      %add3A_278 = arith.addi %mul3A_52, %add3A_277 : i32
      %get3A_279 = arith.index_cast %add3A_278 : i32 to index
      %get3A_280 = tpu.vector_load %arg8[%get3A_279] {strides = array<i32>} : memref<32768xf32, #tpu.memory_space<vmem>>, vector<16xf32>,
      %get3A_281 = vector.shape_cast %get3A_280 : vector<16xf32> to vector<16xf32>
      %get3A_282 = arith.constant 240 : index
      %get3A_283 = tpu.vector_load %arg9[%get3A_282] {strides = array<i32>} : memref<1024xf32, #tpu.memory_space<vmem>>, vector<16xf32>,
      %get3A_284 = vector.shape_cast %get3A_283 : vector<16xf32> to vector<16xf32>
      %get3A_285 = arith.constant 240 : index
      %get3A_286 = tpu.vector_load %arg10[%get3A_285] {strides = array<i32>} : memref<1024xf32, #tpu.memory_space<vmem>>, vector<16xf32>,
      %get3A_287 = vector.shape_cast %get3A_286 : vector<16xf32> to vector<16xf32>
      %mul3A_288 = arith.mulf %get3A_281, %get3A_284 : vector<16xf32>
      %sub3A_289 = arith.subf %mul3A_288, %get3A_287 : vector<16xf32>
      %mul3A_290 = arith.mulf %get3A_281, %sub3A_289 : vector<16xf32>
      %add3A_291 = arith.addf %add3A_276, %mul3A_290 : vector<16xf32>
      %add3A_292 = arith.constant 256 : i32
      %add3A_293 = arith.addi %mul3A_52, %add3A_292 : i32
      %get3A_294 = arith.index_cast %add3A_293 : i32 to index
      %get3A_295 = tpu.vector_load %arg8[%get3A_294] {strides = array<i32>} : memref<32768xf32, #tpu.memory_space<vmem>>, vector<16xf32>,
      %get3A_296 = vector.shape_cast %get3A_295 : vector<16xf32> to vector<16xf32>
      %get3A_297 = arith.constant 256 : index
      %get3A_298 = tpu.vector_load %arg9[%get3A_297] {strides = array<i32>} : memref<1024xf32, #tpu.memory_space<vmem>>, vector<16xf32>,
      %get3A_299 = vector.shape_cast %get3A_298 : vector<16xf32> to vector<16xf32>
      %get3A_300 = arith.constant 256 : index
      %get3A_301 = tpu.vector_load %arg10[%get3A_300] {strides = array<i32>} : memref<1024xf32, #tpu.memory_space<vmem>>, vector<16xf32>,
      %get3A_302 = vector.shape_cast %get3A_301 : vector<16xf32> to vector<16xf32>
      %mul3A_303 = arith.mulf %get3A_296, %get3A_299 : vector<16xf32>
      %sub3A_304 = arith.subf %mul3A_303, %get3A_302 : vector<16xf32>
      %mul3A_305 = arith.mulf %get3A_296, %sub3A_304 : vector<16xf32>
      %add3A_306 = arith.addf %add3A_291, %mul3A_305 : vector<16xf32>
      %add3A_307 = arith.constant 272 : i32
      %add3A_308 = arith.addi %mul3A_52, %add3A_307 : i32
      %get3A_309 = arith.index_cast %add3A_308 : i32 to index
      %get3A_310 = tpu.vector_load %arg8[%get3A_309] {strides = array<i32>} : memref<32768xf32, #tpu.memory_space<vmem>>, vector<16xf32>,
      %get3A_311 = vector.shape_cast %get3A_310 : vector<16xf32> to vector<16xf32>
      %get3A_312 = arith.constant 272 : index
      %get3A_313 = tpu.vector_load %arg9[%get3A_312] {strides = array<i32>} : memref<1024xf32, #tpu.memory_space<vmem>>, vector<16xf32>,
      %get3A_314 = vector.shape_cast %get3A_313 : vector<16xf32> to vector<16xf32>
      %get3A_315 = arith.constant 272 : index
      %get3A_316 = tpu.vector_load %arg10[%get3A_315] {strides = array<i32>} : memref<1024xf32, #tpu.memory_space<vmem>>, vector<16xf32>,
      %get3A_317 = vector.shape_cast %get3A_316 : vector<16xf32> to vector<16xf32>
      %mul3A_318 = arith.mulf %get3A_311, %get3A_314 : vector<16xf32>
      %sub3A_319 = arith.subf %mul3A_318, %get3A_317 : vector<16xf32>
      %mul3A_320 = arith.mulf %get3A_311, %sub3A_319 : vector<16xf32>
      %add3A_321 = arith.addf %add3A_306, %mul3A_320 : vector<16xf32>
      %add3A_322 = arith.constant 288 : i32
      %add3A_323 = arith.addi %mul3A_52, %add3A_322 : i32
      %get3A_324 = arith.index_cast %add3A_323 : i32 to index
      %get3A_325 = tpu.vector_load %arg8[%get3A_324] {strides = array<i32>} : memref<32768xf32, #tpu.memory_space<vmem>>, vector<16xf32>,
      %get3A_326 = vector.shape_cast %get3A_325 : vector<16xf32> to vector<16xf32>
      %get3A_327 = arith.constant 288 : index
      %get3A_328 = tpu.vector_load %arg9[%get3A_327] {strides = array<i32>} : memref<1024xf32, #tpu.memory_space<vmem>>, vector<16xf32>,
      %get3A_329 = vector.shape_cast %get3A_328 : vector<16xf32> to vector<16xf32>
      %get3A_330 = arith.constant 288 : index
      %get3A_331 = tpu.vector_load %arg10[%get3A_330] {strides = array<i32>} : memref<1024xf32, #tpu.memory_space<vmem>>, vector<16xf32>,
      %get3A_332 = vector.shape_cast %get3A_331 : vector<16xf32> to vector<16xf32>
      %mul3A_333 = arith.mulf %get3A_326, %get3A_329 : vector<16xf32>
      %sub3A_334 = arith.subf %mul3A_333, %get3A_332 : vector<16xf32>
      %mul3A_335 = arith.mulf %get3A_326, %sub3A_334 : vector<16xf32>
      %add3A_336 = arith.addf %add3A_321, %mul3A_335 : vector<16xf32>
      %add3A_337 = arith.constant 304 : i32
      %add3A_338 = arith.addi %mul3A_52, %add3A_337 : i32
      %get3A_339 = arith.index_cast %add3A_338 : i32 to index
      %get3A_340 = tpu.vector_load %arg8[%get3A_339] {strides = array<i32>} : memref<32768xf32, #tpu.memory_space<vmem>>, vector<16xf32>,
      %get3A_341 = vector.shape_cast %get3A_340 : vector<16xf32> to vector<16xf32>
      %get3A_342 = arith.constant 304 : index
      %get3A_343 = tpu.vector_load %arg9[%get3A_342] {strides = array<i32>} : memref<1024xf32, #tpu.memory_space<vmem>>, vector<16xf32>,
      %get3A_344 = vector.shape_cast %get3A_343 : vector<16xf32> to vector<16xf32>
      %get3A_345 = arith.constant 304 : index
      %get3A_346 = tpu.vector_load %arg10[%get3A_345] {strides = array<i32>} : memref<1024xf32, #tpu.memory_space<vmem>>, vector<16xf32>,
      %get3A_347 = vector.shape_cast %get3A_346 : vector<16xf32> to vector<16xf32>
      %mul3A_348 = arith.mulf %get3A_341, %get3A_344 : vector<16xf32>
      %sub3A_349 = arith.subf %mul3A_348, %get3A_347 : vector<16xf32>
      %mul3A_350 = arith.mulf %get3A_341, %sub3A_349 : vector<16xf32>
      %add3A_351 = arith.addf %add3A_336, %mul3A_350 : vector<16xf32>
      %add3A_352 = arith.constant 320 : i32
      %add3A_353 = arith.addi %mul3A_52, %add3A_352 : i32
      %get3A_354 = arith.index_cast %add3A_353 : i32 to index
      %get3A_355 = tpu.vector_load %arg8[%get3A_354] {strides = array<i32>} : memref<32768xf32, #tpu.memory_space<vmem>>, vector<16xf32>,
      %get3A_356 = vector.shape_cast %get3A_355 : vector<16xf32> to vector<16xf32>
      %get3A_357 = arith.constant 320 : index
      %get3A_358 = tpu.vector_load %arg9[%get3A_357] {strides = array<i32>} : memref<1024xf32, #tpu.memory_space<vmem>>, vector<16xf32>,
      %get3A_359 = vector.shape_cast %get3A_358 : vector<16xf32> to vector<16xf32>
      %get3A_360 = arith.constant 320 : index
      %get3A_361 = tpu.vector_load %arg10[%get3A_360] {strides = array<i32>} : memref<1024xf32, #tpu.memory_space<vmem>>, vector<16xf32>,
      %get3A_362 = vector.shape_cast %get3A_361 : vector<16xf32> to vector<16xf32>
      %mul3A_363 = arith.mulf %get3A_356, %get3A_359 : vector<16xf32>
      %sub3A_364 = arith.subf %mul3A_363, %get3A_362 : vector<16xf32>
      %mul3A_365 = arith.mulf %get3A_356, %sub3A_364 : vector<16xf32>
      %add3A_366 = arith.addf %add3A_351, %mul3A_365 : vector<16xf32>
      %add3A_367 = arith.constant 336 : i32
      %add3A_368 = arith.addi %mul3A_52, %add3A_367 : i32
      %get3A_369 = arith.index_cast %add3A_368 : i32 to index
      %get3A_370 = tpu.vector_load %arg8[%get3A_369] {strides = array<i32>} : memref<32768xf32, #tpu.memory_space<vmem>>, vector<16xf32>,
      %get3A_371 = vector.shape_cast %get3A_370 : vector<16xf32> to vector<16xf32>
      %get3A_372 = arith.constant 336 : index
      %get3A_373 = tpu.vector_load %arg9[%get3A_372] {strides = array<i32>} : memref<1024xf32, #tpu.memory_space<vmem>>, vector<16xf32>,
      %get3A_374 = vector.shape_cast %get3A_373 : vector<16xf32> to vector<16xf32>
      %get3A_375 = arith.constant 336 : index
      %get3A_376 = tpu.vector_load %arg10[%get3A_375] {strides = array<i32>} : memref<1024xf32, #tpu.memory_space<vmem>>, vector<16xf32>,
      %get3A_377 = vector.shape_cast %get3A_376 : vector<16xf32> to vector<16xf32>
      %mul3A_378 = arith.mulf %get3A_371, %get3A_374 : vector<16xf32>
      %sub3A_379 = arith.subf %mul3A_378, %get3A_377 : vector<16xf32>
      %mul3A_380 = arith.mulf %get3A_371, %sub3A_379 : vector<16xf32>
      %add3A_381 = arith.addf %add3A_366, %mul3A_380 : vector<16xf32>
      %add3A_382 = arith.constant 352 : i32
      %add3A_383 = arith.addi %mul3A_52, %add3A_382 : i32
      %get3A_384 = arith.index_cast %add3A_383 : i32 to index
      %get3A_385 = tpu.vector_load %arg8[%get3A_384] {strides = array<i32>} : memref<32768xf32, #tpu.memory_space<vmem>>, vector<16xf32>,
      %get3A_386 = vector.shape_cast %get3A_385 : vector<16xf32> to vector<16xf32>
      %get3A_387 = arith.constant 352 : index
      %get3A_388 = tpu.vector_load %arg9[%get3A_387] {strides = array<i32>} : memref<1024xf32, #tpu.memory_space<vmem>>, vector<16xf32>,
      %get3A_389 = vector.shape_cast %get3A_388 : vector<16xf32> to vector<16xf32>
      %get3A_390 = arith.constant 352 : index
      %get3A_391 = tpu.vector_load %arg10[%get3A_390] {strides = array<i32>} : memref<1024xf32, #tpu.memory_space<vmem>>, vector<16xf32>,
      %get3A_392 = vector.shape_cast %get3A_391 : vector<16xf32> to vector<16xf32>
      %mul3A_393 = arith.mulf %get3A_386, %get3A_389 : vector<16xf32>
      %sub3A_394 = arith.subf %mul3A_393, %get3A_392 : vector<16xf32>
      %mul3A_395 = arith.mulf %get3A_386, %sub3A_394 : vector<16xf32>
      %add3A_396 = arith.addf %add3A_381, %mul3A_395 : vector<16xf32>
      %add3A_397 = arith.constant 368 : i32
      %add3A_398 = arith.addi %mul3A_52, %add3A_397 : i32
      %get3A_399 = arith.index_cast %add3A_398 : i32 to index
      %get3A_400 = tpu.vector_load %arg8[%get3A_399] {strides = array<i32>} : memref<32768xf32, #tpu.memory_space<vmem>>, vector<16xf32>,
      %get3A_401 = vector.shape_cast %get3A_400 : vector<16xf32> to vector<16xf32>
      %get3A_402 = arith.constant 368 : index
      %get3A_403 = tpu.vector_load %arg9[%get3A_402] {strides = array<i32>} : memref<1024xf32, #tpu.memory_space<vmem>>, vector<16xf32>,
      %get3A_404 = vector.shape_cast %get3A_403 : vector<16xf32> to vector<16xf32>
      %get3A_405 = arith.constant 368 : index
      %get3A_406 = tpu.vector_load %arg10[%get3A_405] {strides = array<i32>} : memref<1024xf32, #tpu.memory_space<vmem>>, vector<16xf32>,
      %get3A_407 = vector.shape_cast %get3A_406 : vector<16xf32> to vector<16xf32>
      %mul3A_408 = arith.mulf %get3A_401, %get3A_404 : vector<16xf32>
      %sub3A_409 = arith.subf %mul3A_408, %get3A_407 : vector<16xf32>
      %mul3A_410 = arith.mulf %get3A_401, %sub3A_409 : vector<16xf32>
      %add3A_411 = arith.addf %add3A_396, %mul3A_410 : vector<16xf32>
      %add3A_412 = arith.constant 384 : i32
      %add3A_413 = arith.addi %mul3A_52, %add3A_412 : i32
      %get3A_414 = arith.index_cast %add3A_413 : i32 to index
      %get3A_415 = tpu.vector_load %arg8[%get3A_414] {strides = array<i32>} : memref<32768xf32, #tpu.memory_space<vmem>>, vector<16xf32>,
      %get3A_416 = vector.shape_cast %get3A_415 : vector<16xf32> to vector<16xf32>
      %get3A_417 = arith.constant 384 : index
      %get3A_418 = tpu.vector_load %arg9[%get3A_417] {strides = array<i32>} : memref<1024xf32, #tpu.memory_space<vmem>>, vector<16xf32>,
      %get3A_419 = vector.shape_cast %get3A_418 : vector<16xf32> to vector<16xf32>
      %get3A_420 = arith.constant 384 : index
      %get3A_421 = tpu.vector_load %arg10[%get3A_420] {strides = array<i32>} : memref<1024xf32, #tpu.memory_space<vmem>>, vector<16xf32>,
      %get3A_422 = vector.shape_cast %get3A_421 : vector<16xf32> to vector<16xf32>
      %mul3A_423 = arith.mulf %get3A_416, %get3A_419 : vector<16xf32>
      %sub3A_424 = arith.subf %mul3A_423, %get3A_422 : vector<16xf32>
      %mul3A_425 = arith.mulf %get3A_416, %sub3A_424 : vector<16xf32>
      %add3A_426 = arith.addf %add3A_411, %mul3A_425 : vector<16xf32>
      %add3A_427 = arith.constant 400 : i32
      %add3A_428 = arith.addi %mul3A_52, %add3A_427 : i32
      %get3A_429 = arith.index_cast %add3A_428 : i32 to index
      %get3A_430 = tpu.vector_load %arg8[%get3A_429] {strides = array<i32>} : memref<32768xf32, #tpu.memory_space<vmem>>, vector<16xf32>,
      %get3A_431 = vector.shape_cast %get3A_430 : vector<16xf32> to vector<16xf32>
      %get3A_432 = arith.constant 400 : index
      %get3A_433 = tpu.vector_load %arg9[%get3A_432] {strides = array<i32>} : memref<1024xf32, #tpu.memory_space<vmem>>, vector<16xf32>,
      %get3A_434 = vector.shape_cast %get3A_433 : vector<16xf32> to vector<16xf32>
      %get3A_435 = arith.constant 400 : index
      %get3A_436 = tpu.vector_load %arg10[%get3A_435] {strides = array<i32>} : memref<1024xf32, #tpu.memory_space<vmem>>, vector<16xf32>,
      %get3A_437 = vector.shape_cast %get3A_436 : vector<16xf32> to vector<16xf32>
      %mul3A_438 = arith.mulf %get3A_431, %get3A_434 : vector<16xf32>
      %sub3A_439 = arith.subf %mul3A_438, %get3A_437 : vector<16xf32>
      %mul3A_440 = arith.mulf %get3A_431, %sub3A_439 : vector<16xf32>
      %add3A_441 = arith.addf %add3A_426, %mul3A_440 : vector<16xf32>
      %add3A_442 = arith.constant 416 : i32
      %add3A_443 = arith.addi %mul3A_52, %add3A_442 : i32
      %get3A_444 = arith.index_cast %add3A_443 : i32 to index
      %get3A_445 = tpu.vector_load %arg8[%get3A_444] {strides = array<i32>} : memref<32768xf32, #tpu.memory_space<vmem>>, vector<16xf32>,
      %get3A_446 = vector.shape_cast %get3A_445 : vector<16xf32> to vector<16xf32>
      %get3A_447 = arith.constant 416 : index
      %get3A_448 = tpu.vector_load %arg9[%get3A_447] {strides = array<i32>} : memref<1024xf32, #tpu.memory_space<vmem>>, vector<16xf32>,
      %get3A_449 = vector.shape_cast %get3A_448 : vector<16xf32> to vector<16xf32>
      %get3A_450 = arith.constant 416 : index
      %get3A_451 = tpu.vector_load %arg10[%get3A_450] {strides = array<i32>} : memref<1024xf32, #tpu.memory_space<vmem>>, vector<16xf32>,
      %get3A_452 = vector.shape_cast %get3A_451 : vector<16xf32> to vector<16xf32>
      %mul3A_453 = arith.mulf %get3A_446, %get3A_449 : vector<16xf32>
      %sub3A_454 = arith.subf %mul3A_453, %get3A_452 : vector<16xf32>
      %mul3A_455 = arith.mulf %get3A_446, %sub3A_454 : vector<16xf32>
      %add3A_456 = arith.addf %add3A_441, %mul3A_455 : vector<16xf32>
      %add3A_457 = arith.constant 432 : i32
      %add3A_458 = arith.addi %mul3A_52, %add3A_457 : i32
      %get3A_459 = arith.index_cast %add3A_458 : i32 to index
      %get3A_460 = tpu.vector_load %arg8[%get3A_459] {strides = array<i32>} : memref<32768xf32, #tpu.memory_space<vmem>>, vector<16xf32>,
      %get3A_461 = vector.shape_cast %get3A_460 : vector<16xf32> to vector<16xf32>
      %get3A_462 = arith.constant 432 : index
      %get3A_463 = tpu.vector_load %arg9[%get3A_462] {strides = array<i32>} : memref<1024xf32, #tpu.memory_space<vmem>>, vector<16xf32>,
      %get3A_464 = vector.shape_cast %get3A_463 : vector<16xf32> to vector<16xf32>
      %get3A_465 = arith.constant 432 : index
      %get3A_466 = tpu.vector_load %arg10[%get3A_465] {strides = array<i32>} : memref<1024xf32, #tpu.memory_space<vmem>>, vector<16xf32>,
      %get3A_467 = vector.shape_cast %get3A_466 : vector<16xf32> to vector<16xf32>
      %mul3A_468 = arith.mulf %get3A_461, %get3A_464 : vector<16xf32>
      %sub3A_469 = arith.subf %mul3A_468, %get3A_467 : vector<16xf32>
      %mul3A_470 = arith.mulf %get3A_461, %sub3A_469 : vector<16xf32>
      %add3A_471 = arith.addf %add3A_456, %mul3A_470 : vector<16xf32>
      %add3A_472 = arith.constant 448 : i32
      %add3A_473 = arith.addi %mul3A_52, %add3A_472 : i32
      %get3A_474 = arith.index_cast %add3A_473 : i32 to index
      %get3A_475 = tpu.vector_load %arg8[%get3A_474] {strides = array<i32>} : memref<32768xf32, #tpu.memory_space<vmem>>, vector<16xf32>,
      %get3A_476 = vector.shape_cast %get3A_475 : vector<16xf32> to vector<16xf32>
      %get3A_477 = arith.constant 448 : index
      %get3A_478 = tpu.vector_load %arg9[%get3A_477] {strides = array<i32>} : memref<1024xf32, #tpu.memory_space<vmem>>, vector<16xf32>,
      %get3A_479 = vector.shape_cast %get3A_478 : vector<16xf32> to vector<16xf32>
      %get3A_480 = arith.constant 448 : index
      %get3A_481 = tpu.vector_load %arg10[%get3A_480] {strides = array<i32>} : memref<1024xf32, #tpu.memory_space<vmem>>, vector<16xf32>,
      %get3A_482 = vector.shape_cast %get3A_481 : vector<16xf32> to vector<16xf32>
      %mul3A_483 = arith.mulf %get3A_476, %get3A_479 : vector<16xf32>
      %sub3A_484 = arith.subf %mul3A_483, %get3A_482 : vector<16xf32>
      %mul3A_485 = arith.mulf %get3A_476, %sub3A_484 : vector<16xf32>
      %add3A_486 = arith.addf %add3A_471, %mul3A_485 : vector<16xf32>
      %add3A_487 = arith.constant 464 : i32
      %add3A_488 = arith.addi %mul3A_52, %add3A_487 : i32
      %get3A_489 = arith.index_cast %add3A_488 : i32 to index
      %get3A_490 = tpu.vector_load %arg8[%get3A_489] {strides = array<i32>} : memref<32768xf32, #tpu.memory_space<vmem>>, vector<16xf32>,
      %get3A_491 = vector.shape_cast %get3A_490 : vector<16xf32> to vector<16xf32>
      %get3A_492 = arith.constant 464 : index
      %get3A_493 = tpu.vector_load %arg9[%get3A_492] {strides = array<i32>} : memref<1024xf32, #tpu.memory_space<vmem>>, vector<16xf32>,
      %get3A_494 = vector.shape_cast %get3A_493 : vector<16xf32> to vector<16xf32>
      %get3A_495 = arith.constant 464 : index
      %get3A_496 = tpu.vector_load %arg10[%get3A_495] {strides = array<i32>} : memref<1024xf32, #tpu.memory_space<vmem>>, vector<16xf32>,
      %get3A_497 = vector.shape_cast %get3A_496 : vector<16xf32> to vector<16xf32>
      %mul3A_498 = arith.mulf %get3A_491, %get3A_494 : vector<16xf32>
      %sub3A_499 = arith.subf %mul3A_498, %get3A_497 : vector<16xf32>
      %mul3A_500 = arith.mulf %get3A_491, %sub3A_499 : vector<16xf32>
      %add3A_501 = arith.addf %add3A_486, %mul3A_500 : vector<16xf32>
      %add3A_502 = arith.constant 480 : i32
      %add3A_503 = arith.addi %mul3A_52, %add3A_502 : i32
      %get3A_504 = arith.index_cast %add3A_503 : i32 to index
      %get3A_505 = tpu.vector_load %arg8[%get3A_504] {strides = array<i32>} : memref<32768xf32, #tpu.memory_space<vmem>>, vector<16xf32>,
      %get3A_506 = vector.shape_cast %get3A_505 : vector<16xf32> to vector<16xf32>
      %get3A_507 = arith.constant 480 : index
      %get3A_508 = tpu.vector_load %arg9[%get3A_507] {strides = array<i32>} : memref<1024xf32, #tpu.memory_space<vmem>>, vector<16xf32>,
      %get3A_509 = vector.shape_cast %get3A_508 : vector<16xf32> to vector<16xf32>
      %get3A_510 = arith.constant 480 : index
      %get3A_511 = tpu.vector_load %arg10[%get3A_510] {strides = array<i32>} : memref<1024xf32, #tpu.memory_space<vmem>>, vector<16xf32>,
      %get3A_512 = vector.shape_cast %get3A_511 : vector<16xf32> to vector<16xf32>
      %mul3A_513 = arith.mulf %get3A_506, %get3A_509 : vector<16xf32>
      %sub3A_514 = arith.subf %mul3A_513, %get3A_512 : vector<16xf32>
      %mul3A_515 = arith.mulf %get3A_506, %sub3A_514 : vector<16xf32>
      %add3A_516 = arith.addf %add3A_501, %mul3A_515 : vector<16xf32>
      %add3A_517 = arith.constant 496 : i32
      %add3A_518 = arith.addi %mul3A_52, %add3A_517 : i32
      %get3A_519 = arith.index_cast %add3A_518 : i32 to index
      %get3A_520 = tpu.vector_load %arg8[%get3A_519] {strides = array<i32>} : memref<32768xf32, #tpu.memory_space<vmem>>, vector<16xf32>,
      %get3A_521 = vector.shape_cast %get3A_520 : vector<16xf32> to vector<16xf32>
      %get3A_522 = arith.constant 496 : index
      %get3A_523 = tpu.vector_load %arg9[%get3A_522] {strides = array<i32>} : memref<1024xf32, #tpu.memory_space<vmem>>, vector<16xf32>,
      %get3A_524 = vector.shape_cast %get3A_523 : vector<16xf32> to vector<16xf32>
      %get3A_525 = arith.constant 496 : index
      %get3A_526 = tpu.vector_load %arg10[%get3A_525] {strides = array<i32>} : memref<1024xf32, #tpu.memory_space<vmem>>, vector<16xf32>,
      %get3A_527 = vector.shape_cast %get3A_526 : vector<16xf32> to vector<16xf32>
      %mul3A_528 = arith.mulf %get3A_521, %get3A_524 : vector<16xf32>
      %sub3A_529 = arith.subf %mul3A_528, %get3A_527 : vector<16xf32>
      %mul3A_530 = arith.mulf %get3A_521, %sub3A_529 : vector<16xf32>
      %add3A_531 = arith.addf %add3A_516, %mul3A_530 : vector<16xf32>
      %add3A_532 = arith.constant 512 : i32
      %add3A_533 = arith.addi %mul3A_52, %add3A_532 : i32
      %get3A_534 = arith.index_cast %add3A_533 : i32 to index
      %get3A_535 = tpu.vector_load %arg8[%get3A_534] {strides = array<i32>} : memref<32768xf32, #tpu.memory_space<vmem>>, vector<16xf32>,
      %get3A_536 = vector.shape_cast %get3A_535 : vector<16xf32> to vector<16xf32>
      %get3A_537 = arith.constant 512 : index
      %get3A_538 = tpu.vector_load %arg9[%get3A_537] {strides = array<i32>} : memref<1024xf32, #tpu.memory_space<vmem>>, vector<16xf32>,
      %get3A_539 = vector.shape_cast %get3A_538 : vector<16xf32> to vector<16xf32>
      %get3A_540 = arith.constant 512 : index
      %get3A_541 = tpu.vector_load %arg10[%get3A_540] {strides = array<i32>} : memref<1024xf32, #tpu.memory_space<vmem>>, vector<16xf32>,
      %get3A_542 = vector.shape_cast %get3A_541 : vector<16xf32> to vector<16xf32>
      %mul3A_543 = arith.mulf %get3A_536, %get3A_539 : vector<16xf32>
      %sub3A_544 = arith.subf %mul3A_543, %get3A_542 : vector<16xf32>
      %mul3A_545 = arith.mulf %get3A_536, %sub3A_544 : vector<16xf32>
      %add3A_546 = arith.addf %add3A_531, %mul3A_545 : vector<16xf32>
      %add3A_547 = arith.constant 528 : i32
      %add3A_548 = arith.addi %mul3A_52, %add3A_547 : i32
      %get3A_549 = arith.index_cast %add3A_548 : i32 to index
      %get3A_550 = tpu.vector_load %arg8[%get3A_549] {strides = array<i32>} : memref<32768xf32, #tpu.memory_space<vmem>>, vector<16xf32>,
      %get3A_551 = vector.shape_cast %get3A_550 : vector<16xf32> to vector<16xf32>
      %get3A_552 = arith.constant 528 : index
      %get3A_553 = tpu.vector_load %arg9[%get3A_552] {strides = array<i32>} : memref<1024xf32, #tpu.memory_space<vmem>>, vector<16xf32>,
      %get3A_554 = vector.shape_cast %get3A_553 : vector<16xf32> to vector<16xf32>
      %get3A_555 = arith.constant 528 : index
      %get3A_556 = tpu.vector_load %arg10[%get3A_555] {strides = array<i32>} : memref<1024xf32, #tpu.memory_space<vmem>>, vector<16xf32>,
      %get3A_557 = vector.shape_cast %get3A_556 : vector<16xf32> to vector<16xf32>
      %mul3A_558 = arith.mulf %get3A_551, %get3A_554 : vector<16xf32>
      %sub3A_559 = arith.subf %mul3A_558, %get3A_557 : vector<16xf32>
      %mul3A_560 = arith.mulf %get3A_551, %sub3A_559 : vector<16xf32>
      %add3A_561 = arith.addf %add3A_546, %mul3A_560 : vector<16xf32>
      %add3A_562 = arith.constant 544 : i32
      %add3A_563 = arith.addi %mul3A_52, %add3A_562 : i32
      %get3A_564 = arith.index_cast %add3A_563 : i32 to index
      %get3A_565 = tpu.vector_load %arg8[%get3A_564] {strides = array<i32>} : memref<32768xf32, #tpu.memory_space<vmem>>, vector<16xf32>,
      %get3A_566 = vector.shape_cast %get3A_565 : vector<16xf32> to vector<16xf32>
      %get3A_567 = arith.constant 544 : index
      %get3A_568 = tpu.vector_load %arg9[%get3A_567] {strides = array<i32>} : memref<1024xf32, #tpu.memory_space<vmem>>, vector<16xf32>,
      %get3A_569 = vector.shape_cast %get3A_568 : vector<16xf32> to vector<16xf32>
      %get3A_570 = arith.constant 544 : index
      %get3A_571 = tpu.vector_load %arg10[%get3A_570] {strides = array<i32>} : memref<1024xf32, #tpu.memory_space<vmem>>, vector<16xf32>,
      %get3A_572 = vector.shape_cast %get3A_571 : vector<16xf32> to vector<16xf32>
      %mul3A_573 = arith.mulf %get3A_566, %get3A_569 : vector<16xf32>
      %sub3A_574 = arith.subf %mul3A_573, %get3A_572 : vector<16xf32>
      %mul3A_575 = arith.mulf %get3A_566, %sub3A_574 : vector<16xf32>
      %add3A_576 = arith.addf %add3A_561, %mul3A_575 : vector<16xf32>
      %add3A_577 = arith.constant 560 : i32
      %add3A_578 = arith.addi %mul3A_52, %add3A_577 : i32
      %get3A_579 = arith.index_cast %add3A_578 : i32 to index
      %get3A_580 = tpu.vector_load %arg8[%get3A_579] {strides = array<i32>} : memref<32768xf32, #tpu.memory_space<vmem>>, vector<16xf32>,
      %get3A_581 = vector.shape_cast %get3A_580 : vector<16xf32> to vector<16xf32>
      %get3A_582 = arith.constant 560 : index
      %get3A_583 = tpu.vector_load %arg9[%get3A_582] {strides = array<i32>} : memref<1024xf32, #tpu.memory_space<vmem>>, vector<16xf32>,
      %get3A_584 = vector.shape_cast %get3A_583 : vector<16xf32> to vector<16xf32>
      %get3A_585 = arith.constant 560 : index
      %get3A_586 = tpu.vector_load %arg10[%get3A_585] {strides = array<i32>} : memref<1024xf32, #tpu.memory_space<vmem>>, vector<16xf32>,
      %get3A_587 = vector.shape_cast %get3A_586 : vector<16xf32> to vector<16xf32>
      %mul3A_588 = arith.mulf %get3A_581, %get3A_584 : vector<16xf32>
      %sub3A_589 = arith.subf %mul3A_588, %get3A_587 : vector<16xf32>
      %mul3A_590 = arith.mulf %get3A_581, %sub3A_589 : vector<16xf32>
      %add3A_591 = arith.addf %add3A_576, %mul3A_590 : vector<16xf32>
      %add3A_592 = arith.constant 576 : i32
      %add3A_593 = arith.addi %mul3A_52, %add3A_592 : i32
      %get3A_594 = arith.index_cast %add3A_593 : i32 to index
      %get3A_595 = tpu.vector_load %arg8[%get3A_594] {strides = array<i32>} : memref<32768xf32, #tpu.memory_space<vmem>>, vector<16xf32>,
      %get3A_596 = vector.shape_cast %get3A_595 : vector<16xf32> to vector<16xf32>
      %get3A_597 = arith.constant 576 : index
      %get3A_598 = tpu.vector_load %arg9[%get3A_597] {strides = array<i32>} : memref<1024xf32, #tpu.memory_space<vmem>>, vector<16xf32>,
      %get3A_599 = vector.shape_cast %get3A_598 : vector<16xf32> to vector<16xf32>
      %get3A_600 = arith.constant 576 : index
      %get3A_601 = tpu.vector_load %arg10[%get3A_600] {strides = array<i32>} : memref<1024xf32, #tpu.memory_space<vmem>>, vector<16xf32>,
      %get3A_602 = vector.shape_cast %get3A_601 : vector<16xf32> to vector<16xf32>
      %mul3A_603 = arith.mulf %get3A_596, %get3A_599 : vector<16xf32>
      %sub3A_604 = arith.subf %mul3A_603, %get3A_602 : vector<16xf32>
      %mul3A_605 = arith.mulf %get3A_596, %sub3A_604 : vector<16xf32>
      %add3A_606 = arith.addf %add3A_591, %mul3A_605 : vector<16xf32>
      %add3A_607 = arith.constant 592 : i32
      %add3A_608 = arith.addi %mul3A_52, %add3A_607 : i32
      %get3A_609 = arith.index_cast %add3A_608 : i32 to index
      %get3A_610 = tpu.vector_load %arg8[%get3A_609] {strides = array<i32>} : memref<32768xf32, #tpu.memory_space<vmem>>, vector<16xf32>,
      %get3A_611 = vector.shape_cast %get3A_610 : vector<16xf32> to vector<16xf32>
      %get3A_612 = arith.constant 592 : index
      %get3A_613 = tpu.vector_load %arg9[%get3A_612] {strides = array<i32>} : memref<1024xf32, #tpu.memory_space<vmem>>, vector<16xf32>,
      %get3A_614 = vector.shape_cast %get3A_613 : vector<16xf32> to vector<16xf32>
      %get3A_615 = arith.constant 592 : index
      %get3A_616 = tpu.vector_load %arg10[%get3A_615] {strides = array<i32>} : memref<1024xf32, #tpu.memory_space<vmem>>, vector<16xf32>,
      %get3A_617 = vector.shape_cast %get3A_616 : vector<16xf32> to vector<16xf32>
      %mul3A_618 = arith.mulf %get3A_611, %get3A_614 : vector<16xf32>
      %sub3A_619 = arith.subf %mul3A_618, %get3A_617 : vector<16xf32>
      %mul3A_620 = arith.mulf %get3A_611, %sub3A_619 : vector<16xf32>
      %add3A_621 = arith.addf %add3A_606, %mul3A_620 : vector<16xf32>
      %add3A_622 = arith.constant 608 : i32
      %add3A_623 = arith.addi %mul3A_52, %add3A_622 : i32
      %get3A_624 = arith.index_cast %add3A_623 : i32 to index
      %get3A_625 = tpu.vector_load %arg8[%get3A_624] {strides = array<i32>} : memref<32768xf32, #tpu.memory_space<vmem>>, vector<16xf32>,
      %get3A_626 = vector.shape_cast %get3A_625 : vector<16xf32> to vector<16xf32>
      %get3A_627 = arith.constant 608 : index
      %get3A_628 = tpu.vector_load %arg9[%get3A_627] {strides = array<i32>} : memref<1024xf32, #tpu.memory_space<vmem>>, vector<16xf32>,
      %get3A_629 = vector.shape_cast %get3A_628 : vector<16xf32> to vector<16xf32>
      %get3A_630 = arith.constant 608 : index
      %get3A_631 = tpu.vector_load %arg10[%get3A_630] {strides = array<i32>} : memref<1024xf32, #tpu.memory_space<vmem>>, vector<16xf32>,
      %get3A_632 = vector.shape_cast %get3A_631 : vector<16xf32> to vector<16xf32>
      %mul3A_633 = arith.mulf %get3A_626, %get3A_629 : vector<16xf32>
      %sub3A_634 = arith.subf %mul3A_633, %get3A_632 : vector<16xf32>
      %mul3A_635 = arith.mulf %get3A_626, %sub3A_634 : vector<16xf32>
      %add3A_636 = arith.addf %add3A_621, %mul3A_635 : vector<16xf32>
      %add3A_637 = arith.constant 624 : i32
      %add3A_638 = arith.addi %mul3A_52, %add3A_637 : i32
      %get3A_639 = arith.index_cast %add3A_638 : i32 to index
      %get3A_640 = tpu.vector_load %arg8[%get3A_639] {strides = array<i32>} : memref<32768xf32, #tpu.memory_space<vmem>>, vector<16xf32>,
      %get3A_641 = vector.shape_cast %get3A_640 : vector<16xf32> to vector<16xf32>
      %get3A_642 = arith.constant 624 : index
      %get3A_643 = tpu.vector_load %arg9[%get3A_642] {strides = array<i32>} : memref<1024xf32, #tpu.memory_space<vmem>>, vector<16xf32>,
      %get3A_644 = vector.shape_cast %get3A_643 : vector<16xf32> to vector<16xf32>
      %get3A_645 = arith.constant 624 : index
      %get3A_646 = tpu.vector_load %arg10[%get3A_645] {strides = array<i32>} : memref<1024xf32, #tpu.memory_space<vmem>>, vector<16xf32>,
      %get3A_647 = vector.shape_cast %get3A_646 : vector<16xf32> to vector<16xf32>
      %mul3A_648 = arith.mulf %get3A_641, %get3A_644 : vector<16xf32>
      %sub3A_649 = arith.subf %mul3A_648, %get3A_647 : vector<16xf32>
      %mul3A_650 = arith.mulf %get3A_641, %sub3A_649 : vector<16xf32>
      %add3A_651 = arith.addf %add3A_636, %mul3A_650 : vector<16xf32>
      %add3A_652 = arith.constant 640 : i32
      %add3A_653 = arith.addi %mul3A_52, %add3A_652 : i32
      %get3A_654 = arith.index_cast %add3A_653 : i32 to index
      %get3A_655 = tpu.vector_load %arg8[%get3A_654] {strides = array<i32>} : memref<32768xf32, #tpu.memory_space<vmem>>, vector<16xf32>,
      %get3A_656 = vector.shape_cast %get3A_655 : vector<16xf32> to vector<16xf32>
      %get3A_657 = arith.constant 640 : index
      %get3A_658 = tpu.vector_load %arg9[%get3A_657] {strides = array<i32>} : memref<1024xf32, #tpu.memory_space<vmem>>, vector<16xf32>,
      %get3A_659 = vector.shape_cast %get3A_658 : vector<16xf32> to vector<16xf32>
      %get3A_660 = arith.constant 640 : index
      %get3A_661 = tpu.vector_load %arg10[%get3A_660] {strides = array<i32>} : memref<1024xf32, #tpu.memory_space<vmem>>, vector<16xf32>,
      %get3A_662 = vector.shape_cast %get3A_661 : vector<16xf32> to vector<16xf32>
      %mul3A_663 = arith.mulf %get3A_656, %get3A_659 : vector<16xf32>
      %sub3A_664 = arith.subf %mul3A_663, %get3A_662 : vector<16xf32>
      %mul3A_665 = arith.mulf %get3A_656, %sub3A_664 : vector<16xf32>
      %add3A_666 = arith.addf %add3A_651, %mul3A_665 : vector<16xf32>
      %add3A_667 = arith.constant 656 : i32
      %add3A_668 = arith.addi %mul3A_52, %add3A_667 : i32
      %get3A_669 = arith.index_cast %add3A_668 : i32 to index
      %get3A_670 = tpu.vector_load %arg8[%get3A_669] {strides = array<i32>} : memref<32768xf32, #tpu.memory_space<vmem>>, vector<16xf32>,
      %get3A_671 = vector.shape_cast %get3A_670 : vector<16xf32> to vector<16xf32>
      %get3A_672 = arith.constant 656 : index
      %get3A_673 = tpu.vector_load %arg9[%get3A_672] {strides = array<i32>} : memref<1024xf32, #tpu.memory_space<vmem>>, vector<16xf32>,
      %get3A_674 = vector.shape_cast %get3A_673 : vector<16xf32> to vector<16xf32>
      %get3A_675 = arith.constant 656 : index
      %get3A_676 = tpu.vector_load %arg10[%get3A_675] {strides = array<i32>} : memref<1024xf32, #tpu.memory_space<vmem>>, vector<16xf32>,
      %get3A_677 = vector.shape_cast %get3A_676 : vector<16xf32> to vector<16xf32>
      %mul3A_678 = arith.mulf %get3A_671, %get3A_674 : vector<16xf32>
      %sub3A_679 = arith.subf %mul3A_678, %get3A_677 : vector<16xf32>
      %mul3A_680 = arith.mulf %get3A_671, %sub3A_679 : vector<16xf32>
      %add3A_681 = arith.addf %add3A_666, %mul3A_680 : vector<16xf32>
      %add3A_682 = arith.constant 672 : i32
      %add3A_683 = arith.addi %mul3A_52, %add3A_682 : i32
      %get3A_684 = arith.index_cast %add3A_683 : i32 to index
      %get3A_685 = tpu.vector_load %arg8[%get3A_684] {strides = array<i32>} : memref<32768xf32, #tpu.memory_space<vmem>>, vector<16xf32>,
      %get3A_686 = vector.shape_cast %get3A_685 : vector<16xf32> to vector<16xf32>
      %get3A_687 = arith.constant 672 : index
      %get3A_688 = tpu.vector_load %arg9[%get3A_687] {strides = array<i32>} : memref<1024xf32, #tpu.memory_space<vmem>>, vector<16xf32>,
      %get3A_689 = vector.shape_cast %get3A_688 : vector<16xf32> to vector<16xf32>
      %get3A_690 = arith.constant 672 : index
      %get3A_691 = tpu.vector_load %arg10[%get3A_690] {strides = array<i32>} : memref<1024xf32, #tpu.memory_space<vmem>>, vector<16xf32>,
      %get3A_692 = vector.shape_cast %get3A_691 : vector<16xf32> to vector<16xf32>
      %mul3A_693 = arith.mulf %get3A_686, %get3A_689 : vector<16xf32>
      %sub3A_694 = arith.subf %mul3A_693, %get3A_692 : vector<16xf32>
      %mul3A_695 = arith.mulf %get3A_686, %sub3A_694 : vector<16xf32>
      %add3A_696 = arith.addf %add3A_681, %mul3A_695 : vector<16xf32>
      %add3A_697 = arith.constant 688 : i32
      %add3A_698 = arith.addi %mul3A_52, %add3A_697 : i32
      %get3A_699 = arith.index_cast %add3A_698 : i32 to index
      %get3A_700 = tpu.vector_load %arg8[%get3A_699] {strides = array<i32>} : memref<32768xf32, #tpu.memory_space<vmem>>, vector<16xf32>,
      %get3A_701 = vector.shape_cast %get3A_700 : vector<16xf32> to vector<16xf32>
      %get3A_702 = arith.constant 688 : index
      %get3A_703 = tpu.vector_load %arg9[%get3A_702] {strides = array<i32>} : memref<1024xf32, #tpu.memory_space<vmem>>, vector<16xf32>,
      %get3A_704 = vector.shape_cast %get3A_703 : vector<16xf32> to vector<16xf32>
      %get3A_705 = arith.constant 688 : index
      %get3A_706 = tpu.vector_load %arg10[%get3A_705] {strides = array<i32>} : memref<1024xf32, #tpu.memory_space<vmem>>, vector<16xf32>,
      %get3A_707 = vector.shape_cast %get3A_706 : vector<16xf32> to vector<16xf32>
      %mul3A_708 = arith.mulf %get3A_701, %get3A_704 : vector<16xf32>
      %sub3A_709 = arith.subf %mul3A_708, %get3A_707 : vector<16xf32>
      %mul3A_710 = arith.mulf %get3A_701, %sub3A_709 : vector<16xf32>
      %add3A_711 = arith.addf %add3A_696, %mul3A_710 : vector<16xf32>
      %add3A_712 = arith.constant 704 : i32
      %add3A_713 = arith.addi %mul3A_52, %add3A_712 : i32
      %get3A_714 = arith.index_cast %add3A_713 : i32 to index
      %get3A_715 = tpu.vector_load %arg8[%get3A_714] {strides = array<i32>} : memref<32768xf32, #tpu.memory_space<vmem>>, vector<16xf32>,
      %get3A_716 = vector.shape_cast %get3A_715 : vector<16xf32> to vector<16xf32>
      %get3A_717 = arith.constant 704 : index
      %get3A_718 = tpu.vector_load %arg9[%get3A_717] {strides = array<i32>} : memref<1024xf32, #tpu.memory_space<vmem>>, vector<16xf32>,
      %get3A_719 = vector.shape_cast %get3A_718 : vector<16xf32> to vector<16xf32>
      %get3A_720 = arith.constant 704 : index
      %get3A_721 = tpu.vector_load %arg10[%get3A_720] {strides = array<i32>} : memref<1024xf32, #tpu.memory_space<vmem>>, vector<16xf32>,
      %get3A_722 = vector.shape_cast %get3A_721 : vector<16xf32> to vector<16xf32>
      %mul3A_723 = arith.mulf %get3A_716, %get3A_719 : vector<16xf32>
      %sub3A_724 = arith.subf %mul3A_723, %get3A_722 : vector<16xf32>
      %mul3A_725 = arith.mulf %get3A_716, %sub3A_724 : vector<16xf32>
      %add3A_726 = arith.addf %add3A_711, %mul3A_725 : vector<16xf32>
      %add3A_727 = arith.constant 720 : i32
      %add3A_728 = arith.addi %mul3A_52, %add3A_727 : i32
      %get3A_729 = arith.index_cast %add3A_728 : i32 to index
      %get3A_730 = tpu.vector_load %arg8[%get3A_729] {strides = array<i32>} : memref<32768xf32, #tpu.memory_space<vmem>>, vector<16xf32>,
      %get3A_731 = vector.shape_cast %get3A_730 : vector<16xf32> to vector<16xf32>
      %get3A_732 = arith.constant 720 : index
      %get3A_733 = tpu.vector_load %arg9[%get3A_732] {strides = array<i32>} : memref<1024xf32, #tpu.memory_space<vmem>>, vector<16xf32>,
      %get3A_734 = vector.shape_cast %get3A_733 : vector<16xf32> to vector<16xf32>
      %get3A_735 = arith.constant 720 : index
      %get3A_736 = tpu.vector_load %arg10[%get3A_735] {strides = array<i32>} : memref<1024xf32, #tpu.memory_space<vmem>>, vector<16xf32>,
      %get3A_737 = vector.shape_cast %get3A_736 : vector<16xf32> to vector<16xf32>
      %mul3A_738 = arith.mulf %get3A_731, %get3A_734 : vector<16xf32>
      %sub3A_739 = arith.subf %mul3A_738, %get3A_737 : vector<16xf32>
      %mul3A_740 = arith.mulf %get3A_731, %sub3A_739 : vector<16xf32>
      %add3A_741 = arith.addf %add3A_726, %mul3A_740 : vector<16xf32>
      %add3A_742 = arith.constant 736 : i32
      %add3A_743 = arith.addi %mul3A_52, %add3A_742 : i32
      %get3A_744 = arith.index_cast %add3A_743 : i32 to index
      %get3A_745 = tpu.vector_load %arg8[%get3A_744] {strides = array<i32>} : memref<32768xf32, #tpu.memory_space<vmem>>, vector<16xf32>,
      %get3A_746 = vector.shape_cast %get3A_745 : vector<16xf32> to vector<16xf32>
      %get3A_747 = arith.constant 736 : index
      %get3A_748 = tpu.vector_load %arg9[%get3A_747] {strides = array<i32>} : memref<1024xf32, #tpu.memory_space<vmem>>, vector<16xf32>,
      %get3A_749 = vector.shape_cast %get3A_748 : vector<16xf32> to vector<16xf32>
      %get3A_750 = arith.constant 736 : index
      %get3A_751 = tpu.vector_load %arg10[%get3A_750] {strides = array<i32>} : memref<1024xf32, #tpu.memory_space<vmem>>, vector<16xf32>,
      %get3A_752 = vector.shape_cast %get3A_751 : vector<16xf32> to vector<16xf32>
      %mul3A_753 = arith.mulf %get3A_746, %get3A_749 : vector<16xf32>
      %sub3A_754 = arith.subf %mul3A_753, %get3A_752 : vector<16xf32>
      %mul3A_755 = arith.mulf %get3A_746, %sub3A_754 : vector<16xf32>
      %add3A_756 = arith.addf %add3A_741, %mul3A_755 : vector<16xf32>
      %add3A_757 = arith.constant 752 : i32
      %add3A_758 = arith.addi %mul3A_52, %add3A_757 : i32
      %get3A_759 = arith.index_cast %add3A_758 : i32 to index
      %get3A_760 = tpu.vector_load %arg8[%get3A_759] {strides = array<i32>} : memref<32768xf32, #tpu.memory_space<vmem>>, vector<16xf32>,
      %get3A_761 = vector.shape_cast %get3A_760 : vector<16xf32> to vector<16xf32>
      %get3A_762 = arith.constant 752 : index
      %get3A_763 = tpu.vector_load %arg9[%get3A_762] {strides = array<i32>} : memref<1024xf32, #tpu.memory_space<vmem>>, vector<16xf32>,
      %get3A_764 = vector.shape_cast %get3A_763 : vector<16xf32> to vector<16xf32>
      %get3A_765 = arith.constant 752 : index
      %get3A_766 = tpu.vector_load %arg10[%get3A_765] {strides = array<i32>} : memref<1024xf32, #tpu.memory_space<vmem>>, vector<16xf32>,
      %get3A_767 = vector.shape_cast %get3A_766 : vector<16xf32> to vector<16xf32>
      %mul3A_768 = arith.mulf %get3A_761, %get3A_764 : vector<16xf32>
      %sub3A_769 = arith.subf %mul3A_768, %get3A_767 : vector<16xf32>
      %mul3A_770 = arith.mulf %get3A_761, %sub3A_769 : vector<16xf32>
      %add3A_771 = arith.addf %add3A_756, %mul3A_770 : vector<16xf32>
      %add3A_772 = arith.constant 768 : i32
      %add3A_773 = arith.addi %mul3A_52, %add3A_772 : i32
      %get3A_774 = arith.index_cast %add3A_773 : i32 to index
      %get3A_775 = tpu.vector_load %arg8[%get3A_774] {strides = array<i32>} : memref<32768xf32, #tpu.memory_space<vmem>>, vector<16xf32>,
      %get3A_776 = vector.shape_cast %get3A_775 : vector<16xf32> to vector<16xf32>
      %get3A_777 = arith.constant 768 : index
      %get3A_778 = tpu.vector_load %arg9[%get3A_777] {strides = array<i32>} : memref<1024xf32, #tpu.memory_space<vmem>>, vector<16xf32>,
      %get3A_779 = vector.shape_cast %get3A_778 : vector<16xf32> to vector<16xf32>
      %get3A_780 = arith.constant 768 : index
      %get3A_781 = tpu.vector_load %arg10[%get3A_780] {strides = array<i32>} : memref<1024xf32, #tpu.memory_space<vmem>>, vector<16xf32>,
      %get3A_782 = vector.shape_cast %get3A_781 : vector<16xf32> to vector<16xf32>
      %mul3A_783 = arith.mulf %get3A_776, %get3A_779 : vector<16xf32>
      %sub3A_784 = arith.subf %mul3A_783, %get3A_782 : vector<16xf32>
      %mul3A_785 = arith.mulf %get3A_776, %sub3A_784 : vector<16xf32>
      %add3A_786 = arith.addf %add3A_771, %mul3A_785 : vector<16xf32>
      %add3A_787 = arith.constant 784 : i32
      %add3A_788 = arith.addi %mul3A_52, %add3A_787 : i32
      %get3A_789 = arith.index_cast %add3A_788 : i32 to index
      %get3A_790 = tpu.vector_load %arg8[%get3A_789] {strides = array<i32>} : memref<32768xf32, #tpu.memory_space<vmem>>, vector<16xf32>,
      %get3A_791 = vector.shape_cast %get3A_790 : vector<16xf32> to vector<16xf32>
      %get3A_792 = arith.constant 784 : index
      %get3A_793 = tpu.vector_load %arg9[%get3A_792] {strides = array<i32>} : memref<1024xf32, #tpu.memory_space<vmem>>, vector<16xf32>,
      %get3A_794 = vector.shape_cast %get3A_793 : vector<16xf32> to vector<16xf32>
      %get3A_795 = arith.constant 784 : index
      %get3A_796 = tpu.vector_load %arg10[%get3A_795] {strides = array<i32>} : memref<1024xf32, #tpu.memory_space<vmem>>, vector<16xf32>,
      %get3A_797 = vector.shape_cast %get3A_796 : vector<16xf32> to vector<16xf32>
      %mul3A_798 = arith.mulf %get3A_791, %get3A_794 : vector<16xf32>
      %sub3A_799 = arith.subf %mul3A_798, %get3A_797 : vector<16xf32>
      %mul3A_800 = arith.mulf %get3A_791, %sub3A_799 : vector<16xf32>
      %add3A_801 = arith.addf %add3A_786, %mul3A_800 : vector<16xf32>
      %add3A_802 = arith.constant 800 : i32
      %add3A_803 = arith.addi %mul3A_52, %add3A_802 : i32
      %get3A_804 = arith.index_cast %add3A_803 : i32 to index
      %get3A_805 = tpu.vector_load %arg8[%get3A_804] {strides = array<i32>} : memref<32768xf32, #tpu.memory_space<vmem>>, vector<16xf32>,
      %get3A_806 = vector.shape_cast %get3A_805 : vector<16xf32> to vector<16xf32>
      %get3A_807 = arith.constant 800 : index
      %get3A_808 = tpu.vector_load %arg9[%get3A_807] {strides = array<i32>} : memref<1024xf32, #tpu.memory_space<vmem>>, vector<16xf32>,
      %get3A_809 = vector.shape_cast %get3A_808 : vector<16xf32> to vector<16xf32>
      %get3A_810 = arith.constant 800 : index
      %get3A_811 = tpu.vector_load %arg10[%get3A_810] {strides = array<i32>} : memref<1024xf32, #tpu.memory_space<vmem>>, vector<16xf32>,
      %get3A_812 = vector.shape_cast %get3A_811 : vector<16xf32> to vector<16xf32>
      %mul3A_813 = arith.mulf %get3A_806, %get3A_809 : vector<16xf32>
      %sub3A_814 = arith.subf %mul3A_813, %get3A_812 : vector<16xf32>
      %mul3A_815 = arith.mulf %get3A_806, %sub3A_814 : vector<16xf32>
      %add3A_816 = arith.addf %add3A_801, %mul3A_815 : vector<16xf32>
      %add3A_817 = arith.constant 816 : i32
      %add3A_818 = arith.addi %mul3A_52, %add3A_817 : i32
      %get3A_819 = arith.index_cast %add3A_818 : i32 to index
      %get3A_820 = tpu.vector_load %arg8[%get3A_819] {strides = array<i32>} : memref<32768xf32, #tpu.memory_space<vmem>>, vector<16xf32>,
      %get3A_821 = vector.shape_cast %get3A_820 : vector<16xf32> to vector<16xf32>
      %get3A_822 = arith.constant 816 : index
      %get3A_823 = tpu.vector_load %arg9[%get3A_822] {strides = array<i32>} : memref<1024xf32, #tpu.memory_space<vmem>>, vector<16xf32>,
      %get3A_824 = vector.shape_cast %get3A_823 : vector<16xf32> to vector<16xf32>
      %get3A_825 = arith.constant 816 : index
      %get3A_826 = tpu.vector_load %arg10[%get3A_825] {strides = array<i32>} : memref<1024xf32, #tpu.memory_space<vmem>>, vector<16xf32>,
      %get3A_827 = vector.shape_cast %get3A_826 : vector<16xf32> to vector<16xf32>
      %mul3A_828 = arith.mulf %get3A_821, %get3A_824 : vector<16xf32>
      %sub3A_829 = arith.subf %mul3A_828, %get3A_827 : vector<16xf32>
      %mul3A_830 = arith.mulf %get3A_821, %sub3A_829 : vector<16xf32>
      %add3A_831 = arith.addf %add3A_816, %mul3A_830 : vector<16xf32>
      %add3A_832 = arith.constant 832 : i32
      %add3A_833 = arith.addi %mul3A_52, %add3A_832 : i32
      %get3A_834 = arith.index_cast %add3A_833 : i32 to index
      %get3A_835 = tpu.vector_load %arg8[%get3A_834] {strides = array<i32>} : memref<32768xf32, #tpu.memory_space<vmem>>, vector<16xf32>,
      %get3A_836 = vector.shape_cast %get3A_835 : vector<16xf32> to vector<16xf32>
      %get3A_837 = arith.constant 832 : index
      %get3A_838 = tpu.vector_load %arg9[%get3A_837] {strides = array<i32>} : memref<1024xf32, #tpu.memory_space<vmem>>, vector<16xf32>,
      %get3A_839 = vector.shape_cast %get3A_838 : vector<16xf32> to vector<16xf32>
      %get3A_840 = arith.constant 832 : index
      %get3A_841 = tpu.vector_load %arg10[%get3A_840] {strides = array<i32>} : memref<1024xf32, #tpu.memory_space<vmem>>, vector<16xf32>,
      %get3A_842 = vector.shape_cast %get3A_841 : vector<16xf32> to vector<16xf32>
      %mul3A_843 = arith.mulf %get3A_836, %get3A_839 : vector<16xf32>
      %sub3A_844 = arith.subf %mul3A_843, %get3A_842 : vector<16xf32>
      %mul3A_845 = arith.mulf %get3A_836, %sub3A_844 : vector<16xf32>
      %add3A_846 = arith.addf %add3A_831, %mul3A_845 : vector<16xf32>
      %add3A_847 = arith.constant 848 : i32
      %add3A_848 = arith.addi %mul3A_52, %add3A_847 : i32
      %get3A_849 = arith.index_cast %add3A_848 : i32 to index
      %get3A_850 = tpu.vector_load %arg8[%get3A_849] {strides = array<i32>} : memref<32768xf32, #tpu.memory_space<vmem>>, vector<16xf32>,
      %get3A_851 = vector.shape_cast %get3A_850 : vector<16xf32> to vector<16xf32>
      %get3A_852 = arith.constant 848 : index
      %get3A_853 = tpu.vector_load %arg9[%get3A_852] {strides = array<i32>} : memref<1024xf32, #tpu.memory_space<vmem>>, vector<16xf32>,
      %get3A_854 = vector.shape_cast %get3A_853 : vector<16xf32> to vector<16xf32>
      %get3A_855 = arith.constant 848 : index
      %get3A_856 = tpu.vector_load %arg10[%get3A_855] {strides = array<i32>} : memref<1024xf32, #tpu.memory_space<vmem>>, vector<16xf32>,
      %get3A_857 = vector.shape_cast %get3A_856 : vector<16xf32> to vector<16xf32>
      %mul3A_858 = arith.mulf %get3A_851, %get3A_854 : vector<16xf32>
      %sub3A_859 = arith.subf %mul3A_858, %get3A_857 : vector<16xf32>
      %mul3A_860 = arith.mulf %get3A_851, %sub3A_859 : vector<16xf32>
      %add3A_861 = arith.addf %add3A_846, %mul3A_860 : vector<16xf32>
      %add3A_862 = arith.constant 864 : i32
      %add3A_863 = arith.addi %mul3A_52, %add3A_862 : i32
      %get3A_864 = arith.index_cast %add3A_863 : i32 to index
      %get3A_865 = tpu.vector_load %arg8[%get3A_864] {strides = array<i32>} : memref<32768xf32, #tpu.memory_space<vmem>>, vector<16xf32>,
      %get3A_866 = vector.shape_cast %get3A_865 : vector<16xf32> to vector<16xf32>
      %get3A_867 = arith.constant 864 : index
      %get3A_868 = tpu.vector_load %arg9[%get3A_867] {strides = array<i32>} : memref<1024xf32, #tpu.memory_space<vmem>>, vector<16xf32>,
      %get3A_869 = vector.shape_cast %get3A_868 : vector<16xf32> to vector<16xf32>
      %get3A_870 = arith.constant 864 : index
      %get3A_871 = tpu.vector_load %arg10[%get3A_870] {strides = array<i32>} : memref<1024xf32, #tpu.memory_space<vmem>>, vector<16xf32>,
      %get3A_872 = vector.shape_cast %get3A_871 : vector<16xf32> to vector<16xf32>
      %mul3A_873 = arith.mulf %get3A_866, %get3A_869 : vector<16xf32>
      %sub3A_874 = arith.subf %mul3A_873, %get3A_872 : vector<16xf32>
      %mul3A_875 = arith.mulf %get3A_866, %sub3A_874 : vector<16xf32>
      %add3A_876 = arith.addf %add3A_861, %mul3A_875 : vector<16xf32>
      %add3A_877 = arith.constant 880 : i32
      %add3A_878 = arith.addi %mul3A_52, %add3A_877 : i32
      %get3A_879 = arith.index_cast %add3A_878 : i32 to index
      %get3A_880 = tpu.vector_load %arg8[%get3A_879] {strides = array<i32>} : memref<32768xf32, #tpu.memory_space<vmem>>, vector<16xf32>,
      %get3A_881 = vector.shape_cast %get3A_880 : vector<16xf32> to vector<16xf32>
      %get3A_882 = arith.constant 880 : index
      %get3A_883 = tpu.vector_load %arg9[%get3A_882] {strides = array<i32>} : memref<1024xf32, #tpu.memory_space<vmem>>, vector<16xf32>,
      %get3A_884 = vector.shape_cast %get3A_883 : vector<16xf32> to vector<16xf32>
      %get3A_885 = arith.constant 880 : index
      %get3A_886 = tpu.vector_load %arg10[%get3A_885] {strides = array<i32>} : memref<1024xf32, #tpu.memory_space<vmem>>, vector<16xf32>,
      %get3A_887 = vector.shape_cast %get3A_886 : vector<16xf32> to vector<16xf32>
      %mul3A_888 = arith.mulf %get3A_881, %get3A_884 : vector<16xf32>
      %sub3A_889 = arith.subf %mul3A_888, %get3A_887 : vector<16xf32>
      %mul3A_890 = arith.mulf %get3A_881, %sub3A_889 : vector<16xf32>
      %add3A_891 = arith.addf %add3A_876, %mul3A_890 : vector<16xf32>
      %add3A_892 = arith.constant 896 : i32
      %add3A_893 = arith.addi %mul3A_52, %add3A_892 : i32
      %get3A_894 = arith.index_cast %add3A_893 : i32 to index
      %get3A_895 = tpu.vector_load %arg8[%get3A_894] {strides = array<i32>} : memref<32768xf32, #tpu.memory_space<vmem>>, vector<16xf32>,
      %get3A_896 = vector.shape_cast %get3A_895 : vector<16xf32> to vector<16xf32>
      %get3A_897 = arith.constant 896 : index
      %get3A_898 = tpu.vector_load %arg9[%get3A_897] {strides = array<i32>} : memref<1024xf32, #tpu.memory_space<vmem>>, vector<16xf32>,
      %get3A_899 = vector.shape_cast %get3A_898 : vector<16xf32> to vector<16xf32>
      %get3A_900 = arith.constant 896 : index
      %get3A_901 = tpu.vector_load %arg10[%get3A_900] {strides = array<i32>} : memref<1024xf32, #tpu.memory_space<vmem>>, vector<16xf32>,
      %get3A_902 = vector.shape_cast %get3A_901 : vector<16xf32> to vector<16xf32>
      %mul3A_903 = arith.mulf %get3A_896, %get3A_899 : vector<16xf32>
      %sub3A_904 = arith.subf %mul3A_903, %get3A_902 : vector<16xf32>
      %mul3A_905 = arith.mulf %get3A_896, %sub3A_904 : vector<16xf32>
      %add3A_906 = arith.addf %add3A_891, %mul3A_905 : vector<16xf32>
      %add3A_907 = arith.constant 912 : i32
      %add3A_908 = arith.addi %mul3A_52, %add3A_907 : i32
      %get3A_909 = arith.index_cast %add3A_908 : i32 to index
      %get3A_910 = tpu.vector_load %arg8[%get3A_909] {strides = array<i32>} : memref<32768xf32, #tpu.memory_space<vmem>>, vector<16xf32>,
      %get3A_911 = vector.shape_cast %get3A_910 : vector<16xf32> to vector<16xf32>
      %get3A_912 = arith.constant 912 : index
      %get3A_913 = tpu.vector_load %arg9[%get3A_912] {strides = array<i32>} : memref<1024xf32, #tpu.memory_space<vmem>>, vector<16xf32>,
      %get3A_914 = vector.shape_cast %get3A_913 : vector<16xf32> to vector<16xf32>
      %get3A_915 = arith.constant 912 : index
      %get3A_916 = tpu.vector_load %arg10[%get3A_915] {strides = array<i32>} : memref<1024xf32, #tpu.memory_space<vmem>>, vector<16xf32>,
      %get3A_917 = vector.shape_cast %get3A_916 : vector<16xf32> to vector<16xf32>
      %mul3A_918 = arith.mulf %get3A_911, %get3A_914 : vector<16xf32>
      %sub3A_919 = arith.subf %mul3A_918, %get3A_917 : vector<16xf32>
      %mul3A_920 = arith.mulf %get3A_911, %sub3A_919 : vector<16xf32>
      %add3A_921 = arith.addf %add3A_906, %mul3A_920 : vector<16xf32>
      %add3A_922 = arith.constant 928 : i32
      %add3A_923 = arith.addi %mul3A_52, %add3A_922 : i32
      %get3A_924 = arith.index_cast %add3A_923 : i32 to index
      %get3A_925 = tpu.vector_load %arg8[%get3A_924] {strides = array<i32>} : memref<32768xf32, #tpu.memory_space<vmem>>, vector<16xf32>,
      %get3A_926 = vector.shape_cast %get3A_925 : vector<16xf32> to vector<16xf32>
      %get3A_927 = arith.constant 928 : index
      %get3A_928 = tpu.vector_load %arg9[%get3A_927] {strides = array<i32>} : memref<1024xf32, #tpu.memory_space<vmem>>, vector<16xf32>,
      %get3A_929 = vector.shape_cast %get3A_928 : vector<16xf32> to vector<16xf32>
      %get3A_930 = arith.constant 928 : index
      %get3A_931 = tpu.vector_load %arg10[%get3A_930] {strides = array<i32>} : memref<1024xf32, #tpu.memory_space<vmem>>, vector<16xf32>,
      %get3A_932 = vector.shape_cast %get3A_931 : vector<16xf32> to vector<16xf32>
      %mul3A_933 = arith.mulf %get3A_926, %get3A_929 : vector<16xf32>
      %sub3A_934 = arith.subf %mul3A_933, %get3A_932 : vector<16xf32>
      %mul3A_935 = arith.mulf %get3A_926, %sub3A_934 : vector<16xf32>
      %add3A_936 = arith.addf %add3A_921, %mul3A_935 : vector<16xf32>
      %add3A_937 = arith.constant 944 : i32
      %add3A_938 = arith.addi %mul3A_52, %add3A_937 : i32
      %get3A_939 = arith.index_cast %add3A_938 : i32 to index
      %get3A_940 = tpu.vector_load %arg8[%get3A_939] {strides = array<i32>} : memref<32768xf32, #tpu.memory_space<vmem>>, vector<16xf32>,
      %get3A_941 = vector.shape_cast %get3A_940 : vector<16xf32> to vector<16xf32>
      %get3A_942 = arith.constant 944 : index
      %get3A_943 = tpu.vector_load %arg9[%get3A_942] {strides = array<i32>} : memref<1024xf32, #tpu.memory_space<vmem>>, vector<16xf32>,
      %get3A_944 = vector.shape_cast %get3A_943 : vector<16xf32> to vector<16xf32>
      %get3A_945 = arith.constant 944 : index
      %get3A_946 = tpu.vector_load %arg10[%get3A_945] {strides = array<i32>} : memref<1024xf32, #tpu.memory_space<vmem>>, vector<16xf32>,
      %get3A_947 = vector.shape_cast %get3A_946 : vector<16xf32> to vector<16xf32>
      %mul3A_948 = arith.mulf %get3A_941, %get3A_944 : vector<16xf32>
      %sub3A_949 = arith.subf %mul3A_948, %get3A_947 : vector<16xf32>
      %mul3A_950 = arith.mulf %get3A_941, %sub3A_949 : vector<16xf32>
      %add3A_951 = arith.addf %add3A_936, %mul3A_950 : vector<16xf32>
      %add3A_952 = arith.constant 960 : i32
      %add3A_953 = arith.addi %mul3A_52, %add3A_952 : i32
      %get3A_954 = arith.index_cast %add3A_953 : i32 to index
      %get3A_955 = tpu.vector_load %arg8[%get3A_954] {strides = array<i32>} : memref<32768xf32, #tpu.memory_space<vmem>>, vector<16xf32>,
      %get3A_956 = vector.shape_cast %get3A_955 : vector<16xf32> to vector<16xf32>
      %get3A_957 = arith.constant 960 : index
      %get3A_958 = tpu.vector_load %arg9[%get3A_957] {strides = array<i32>} : memref<1024xf32, #tpu.memory_space<vmem>>, vector<16xf32>,
      %get3A_959 = vector.shape_cast %get3A_958 : vector<16xf32> to vector<16xf32>
      %get3A_960 = arith.constant 960 : index
      %get3A_961 = tpu.vector_load %arg10[%get3A_960] {strides = array<i32>} : memref<1024xf32, #tpu.memory_space<vmem>>, vector<16xf32>,
      %get3A_962 = vector.shape_cast %get3A_961 : vector<16xf32> to vector<16xf32>
      %mul3A_963 = arith.mulf %get3A_956, %get3A_959 : vector<16xf32>
      %sub3A_964 = arith.subf %mul3A_963, %get3A_962 : vector<16xf32>
      %mul3A_965 = arith.mulf %get3A_956, %sub3A_964 : vector<16xf32>
      %add3A_966 = arith.addf %add3A_951, %mul3A_965 : vector<16xf32>
      %add3A_967 = arith.constant 976 : i32
      %add3A_968 = arith.addi %mul3A_52, %add3A_967 : i32
      %get3A_969 = arith.index_cast %add3A_968 : i32 to index
      %get3A_970 = tpu.vector_load %arg8[%get3A_969] {strides = array<i32>} : memref<32768xf32, #tpu.memory_space<vmem>>, vector<16xf32>,
      %get3A_971 = vector.shape_cast %get3A_970 : vector<16xf32> to vector<16xf32>
      %get3A_972 = arith.constant 976 : index
      %get3A_973 = tpu.vector_load %arg9[%get3A_972] {strides = array<i32>} : memref<1024xf32, #tpu.memory_space<vmem>>, vector<16xf32>,
      %get3A_974 = vector.shape_cast %get3A_973 : vector<16xf32> to vector<16xf32>
      %get3A_975 = arith.constant 976 : index
      %get3A_976 = tpu.vector_load %arg10[%get3A_975] {strides = array<i32>} : memref<1024xf32, #tpu.memory_space<vmem>>, vector<16xf32>,
      %get3A_977 = vector.shape_cast %get3A_976 : vector<16xf32> to vector<16xf32>
      %mul3A_978 = arith.mulf %get3A_971, %get3A_974 : vector<16xf32>
      %sub3A_979 = arith.subf %mul3A_978, %get3A_977 : vector<16xf32>
      %mul3A_980 = arith.mulf %get3A_971, %sub3A_979 : vector<16xf32>
      %add3A_981 = arith.addf %add3A_966, %mul3A_980 : vector<16xf32>
      %add3A_982 = arith.constant 992 : i32
      %add3A_983 = arith.addi %mul3A_52, %add3A_982 : i32
      %get3A_984 = arith.index_cast %add3A_983 : i32 to index
      %get3A_985 = tpu.vector_load %arg8[%get3A_984] {strides = array<i32>} : memref<32768xf32, #tpu.memory_space<vmem>>, vector<16xf32>,
      %get3A_986 = vector.shape_cast %get3A_985 : vector<16xf32> to vector<16xf32>
      %get3A_987 = arith.constant 992 : index
      %get3A_988 = tpu.vector_load %arg9[%get3A_987] {strides = array<i32>} : memref<1024xf32, #tpu.memory_space<vmem>>, vector<16xf32>,
      %get3A_989 = vector.shape_cast %get3A_988 : vector<16xf32> to vector<16xf32>
      %get3A_990 = arith.constant 992 : index
      %get3A_991 = tpu.vector_load %arg10[%get3A_990] {strides = array<i32>} : memref<1024xf32, #tpu.memory_space<vmem>>, vector<16xf32>,
      %get3A_992 = vector.shape_cast %get3A_991 : vector<16xf32> to vector<16xf32>
      %mul3A_993 = arith.mulf %get3A_986, %get3A_989 : vector<16xf32>
      %sub3A_994 = arith.subf %mul3A_993, %get3A_992 : vector<16xf32>
      %mul3A_995 = arith.mulf %get3A_986, %sub3A_994 : vector<16xf32>
      %add3A_996 = arith.addf %add3A_981, %mul3A_995 : vector<16xf32>
      %add3A_997 = arith.constant 1008 : i32
      %add3A_998 = arith.addi %mul3A_52, %add3A_997 : i32
      %get3A_999 = arith.index_cast %add3A_998 : i32 to index
      %get3A_1000 = tpu.vector_load %arg8[%get3A_999] {strides = array<i32>} : memref<32768xf32, #tpu.memory_space<vmem>>, vector<16xf32>,
      %get3A_1001 = vector.shape_cast %get3A_1000 : vector<16xf32> to vector<16xf32>
      %get3A_1002 = arith.constant 1008 : index
      %get3A_1003 = tpu.vector_load %arg9[%get3A_1002] {strides = array<i32>} : memref<1024xf32, #tpu.memory_space<vmem>>, vector<16xf32>,
      %get3A_1004 = vector.shape_cast %get3A_1003 : vector<16xf32> to vector<16xf32>
      %get3A_1005 = arith.constant 1008 : index
      %get3A_1006 = tpu.vector_load %arg10[%get3A_1005] {strides = array<i32>} : memref<1024xf32, #tpu.memory_space<vmem>>, vector<16xf32>,
      %get3A_1007 = vector.shape_cast %get3A_1006 : vector<16xf32> to vector<16xf32>
      %mul3A_1008 = arith.mulf %get3A_1001, %get3A_1004 : vector<16xf32>
      %sub3A_1009 = arith.subf %mul3A_1008, %get3A_1007 : vector<16xf32>
      %mul3A_1010 = arith.mulf %get3A_1001, %sub3A_1009 : vector<16xf32>
      %add3A_1011 = arith.addf %add3A_996, %mul3A_1010 : vector<16xf32>
      %xor3A = arith.constant 8 : i32
      %xor3A_1012 = vector.broadcast %xor3A : i32 to vector<16xi32>
      %xor3A_1013 = arith.xori %iota3A, %xor3A_1012 : vector<16xi32>
      %broadcast_in_dim3A_1014 = vector.shape_cast %xor3A_1013 : vector<16xi32> to vector<16x1xi32>
      %gather3A = vector.shape_cast %broadcast_in_dim3A_1014 : vector<16x1xi32> to vector<16xi32>
      %gather3A_1015 = tpu.dynamic_gather %add3A_1011[%gather3A] in [0] : vector<16xf32>, vector<16xi32> -> vector<16xf32>
      %add3A_1016 = arith.addf %add3A_1011, %gather3A_1015 : vector<16xf32>
      %xor3A_1017 = arith.constant 4 : i32
      %xor3A_1018 = vector.broadcast %xor3A_1017 : i32 to vector<16xi32>
      %xor3A_1019 = arith.xori %iota3A, %xor3A_1018 : vector<16xi32>
      %broadcast_in_dim3A_1020 = vector.shape_cast %xor3A_1019 : vector<16xi32> to vector<16x1xi32>
      %gather3A_1021 = vector.shape_cast %broadcast_in_dim3A_1020 : vector<16x1xi32> to vector<16xi32>
      %gather3A_1022 = tpu.dynamic_gather %add3A_1016[%gather3A_1021] in [0] : vector<16xf32>, vector<16xi32> -> vector<16xf32>
      %add3A_1023 = arith.addf %add3A_1016, %gather3A_1022 : vector<16xf32>
      %xor3A_1024 = arith.constant 2 : i32
      %xor3A_1025 = vector.broadcast %xor3A_1024 : i32 to vector<16xi32>
      %xor3A_1026 = arith.xori %iota3A, %xor3A_1025 : vector<16xi32>
      %broadcast_in_dim3A_1027 = vector.shape_cast %xor3A_1026 : vector<16xi32> to vector<16x1xi32>
      %gather3A_1028 = vector.shape_cast %broadcast_in_dim3A_1027 : vector<16x1xi32> to vector<16xi32>
      %gather3A_1029 = tpu.dynamic_gather %add3A_1023[%gather3A_1028] in [0] : vector<16xf32>, vector<16xi32> -> vector<16xf32>
      %add3A_1030 = arith.addf %add3A_1023, %gather3A_1029 : vector<16xf32>
      %xor3A_1031 = arith.constant 1 : i32
      %xor3A_1032 = vector.broadcast %xor3A_1031 : i32 to vector<16xi32>
      %xor3A_1033 = arith.xori %iota3A, %xor3A_1032 : vector<16xi32>
      %broadcast_in_dim3A_1034 = vector.shape_cast %xor3A_1033 : vector<16xi32> to vector<16x1xi32>
      %gather3A_1035 = vector.shape_cast %broadcast_in_dim3A_1034 : vector<16x1xi32> to vector<16xi32>
      %gather3A_1036 = tpu.dynamic_gather %add3A_1030[%gather3A_1035] in [0] : vector<16xf32>, vector<16xi32> -> vector<16xf32>
      %add3A_1037 = arith.addf %add3A_1030, %gather3A_1036 : vector<16xf32>
      %eq3A = vector.broadcast %scan3A_46 : i32 to vector<16xi32>
      %eq3A_1038 = arith.cmpi eq, %iota3A, %eq3A : vector<16xi32>
      %select_n3A = arith.select %eq3A_1038, %add3A_1037, %scan3A_47 : vector<16xi1>, vector<16xf32>
      %add3A_1039 = arith.addf %scan3A_48, %add3A_1011 : vector<16xf32>
      scf.yield %select_n3A, %add3A_1039 : vector<16xf32>, vector<16xf32>
    }
    %scan3A_14 = arith.constant 16 : i32
    %add3A_15 = vector.broadcast %squeeze3A : f32 to vector<16xf32>
    %add3A_16 = arith.addf %scan3A_13#0, %add3A_15 : vector<16xf32>
    %mul3A_17 = arith.constant -5.000000e-01 : f32
    %mul3A_18 = vector.broadcast %mul3A_17 : f32 to vector<16xf32>
    %mul3A_19 = arith.mulf %mul3A_18, %add3A_16 : vector<16xf32>
    %swap3A = arith.constant 0 : index
    %swap3A_20 = tpu.vector_load %arg12[%swap3A] {strides = array<i32>} : memref<32xf32, #tpu.memory_space<vmem>>, vector<16xf32>,
    %swap3A_21 = vector.shape_cast %swap3A_20 : vector<16xf32> to vector<16xf32>
    %swap3A_22 = vector.shape_cast %mul3A_19 : vector<16xf32> to vector<16xf32>
    tpu.vector_store %arg12[%swap3A], %swap3A_22 {strides = array<i32>} : memref<32xf32, #tpu.memory_space<vmem>>, vector<16xf32>,
    %scan3A_23 = arith.constant 0 : i32
    %scan3A_24 = arith.constant 16 : i32
    %scan3A_25 = arith.addi %scan3A_23, %scan3A_24 : i32
    %scan3A_26 = arith.constant 1 : i32
    %scan3A_27:2 = scf.for %scan3A_46 = %scan3A_23 to %scan3A_25 step %scan3A_26 iter_args(%scan3A_47 = %broadcast_in_dim3A_9, %scan3A_48 = %scan3A_13#1) -> (vector<16xf32>, vector<16xf32>)  : i32 {
      %add3A_49 = arith.constant 16 : i32
      %add3A_50 = arith.addi %add3A_49, %scan3A_46 : i32
      %mul3A_51 = arith.constant 1024 : i32
      %mul3A_52 = arith.muli %add3A_50, %mul3A_51 : i32
      %add3A_53 = arith.constant 0 : i32
      %add3A_54 = arith.addi %mul3A_52, %add3A_53 : i32
      %get3A_55 = arith.index_cast %add3A_54 : i32 to index
      %get3A_56 = tpu.vector_load %arg8[%get3A_55] {strides = array<i32>} : memref<32768xf32, #tpu.memory_space<vmem>>, vector<16xf32>,
      %get3A_57 = vector.shape_cast %get3A_56 : vector<16xf32> to vector<16xf32>
      %get3A_58 = arith.constant 0 : index
      %get3A_59 = tpu.vector_load %arg9[%get3A_58] {strides = array<i32>} : memref<1024xf32, #tpu.memory_space<vmem>>, vector<16xf32>,
      %get3A_60 = vector.shape_cast %get3A_59 : vector<16xf32> to vector<16xf32>
      %get3A_61 = arith.constant 0 : index
      %get3A_62 = tpu.vector_load %arg10[%get3A_61] {strides = array<i32>} : memref<1024xf32, #tpu.memory_space<vmem>>, vector<16xf32>,
      %get3A_63 = vector.shape_cast %get3A_62 : vector<16xf32> to vector<16xf32>
      %mul3A_64 = arith.mulf %get3A_57, %get3A_60 : vector<16xf32>
      %sub3A = arith.subf %mul3A_64, %get3A_63 : vector<16xf32>
      %mul3A_65 = arith.mulf %get3A_57, %sub3A : vector<16xf32>
      %add3A_66 = arith.addf %broadcast_in_dim3A_9, %mul3A_65 : vector<16xf32>
      %add3A_67 = arith.constant 16 : i32
      %add3A_68 = arith.addi %mul3A_52, %add3A_67 : i32
      %get3A_69 = arith.index_cast %add3A_68 : i32 to index
      %get3A_70 = tpu.vector_load %arg8[%get3A_69] {strides = array<i32>} : memref<32768xf32, #tpu.memory_space<vmem>>, vector<16xf32>,
      %get3A_71 = vector.shape_cast %get3A_70 : vector<16xf32> to vector<16xf32>
      %get3A_72 = arith.constant 16 : index
      %get3A_73 = tpu.vector_load %arg9[%get3A_72] {strides = array<i32>} : memref<1024xf32, #tpu.memory_space<vmem>>, vector<16xf32>,
      %get3A_74 = vector.shape_cast %get3A_73 : vector<16xf32> to vector<16xf32>
      %get3A_75 = arith.constant 16 : index
      %get3A_76 = tpu.vector_load %arg10[%get3A_75] {strides = array<i32>} : memref<1024xf32, #tpu.memory_space<vmem>>, vector<16xf32>,
      %get3A_77 = vector.shape_cast %get3A_76 : vector<16xf32> to vector<16xf32>
      %mul3A_78 = arith.mulf %get3A_71, %get3A_74 : vector<16xf32>
      %sub3A_79 = arith.subf %mul3A_78, %get3A_77 : vector<16xf32>
      %mul3A_80 = arith.mulf %get3A_71, %sub3A_79 : vector<16xf32>
      %add3A_81 = arith.addf %add3A_66, %mul3A_80 : vector<16xf32>
      %add3A_82 = arith.constant 32 : i32
      %add3A_83 = arith.addi %mul3A_52, %add3A_82 : i32
      %get3A_84 = arith.index_cast %add3A_83 : i32 to index
      %get3A_85 = tpu.vector_load %arg8[%get3A_84] {strides = array<i32>} : memref<32768xf32, #tpu.memory_space<vmem>>, vector<16xf32>,
      %get3A_86 = vector.shape_cast %get3A_85 : vector<16xf32> to vector<16xf32>
      %get3A_87 = arith.constant 32 : index
      %get3A_88 = tpu.vector_load %arg9[%get3A_87] {strides = array<i32>} : memref<1024xf32, #tpu.memory_space<vmem>>, vector<16xf32>,
      %get3A_89 = vector.shape_cast %get3A_88 : vector<16xf32> to vector<16xf32>
      %get3A_90 = arith.constant 32 : index
      %get3A_91 = tpu.vector_load %arg10[%get3A_90] {strides = array<i32>} : memref<1024xf32, #tpu.memory_space<vmem>>, vector<16xf32>,
      %get3A_92 = vector.shape_cast %get3A_91 : vector<16xf32> to vector<16xf32>
      %mul3A_93 = arith.mulf %get3A_86, %get3A_89 : vector<16xf32>
      %sub3A_94 = arith.subf %mul3A_93, %get3A_92 : vector<16xf32>
      %mul3A_95 = arith.mulf %get3A_86, %sub3A_94 : vector<16xf32>
      %add3A_96 = arith.addf %add3A_81, %mul3A_95 : vector<16xf32>
      %add3A_97 = arith.constant 48 : i32
      %add3A_98 = arith.addi %mul3A_52, %add3A_97 : i32
      %get3A_99 = arith.index_cast %add3A_98 : i32 to index
      %get3A_100 = tpu.vector_load %arg8[%get3A_99] {strides = array<i32>} : memref<32768xf32, #tpu.memory_space<vmem>>, vector<16xf32>,
      %get3A_101 = vector.shape_cast %get3A_100 : vector<16xf32> to vector<16xf32>
      %get3A_102 = arith.constant 48 : index
      %get3A_103 = tpu.vector_load %arg9[%get3A_102] {strides = array<i32>} : memref<1024xf32, #tpu.memory_space<vmem>>, vector<16xf32>,
      %get3A_104 = vector.shape_cast %get3A_103 : vector<16xf32> to vector<16xf32>
      %get3A_105 = arith.constant 48 : index
      %get3A_106 = tpu.vector_load %arg10[%get3A_105] {strides = array<i32>} : memref<1024xf32, #tpu.memory_space<vmem>>, vector<16xf32>,
      %get3A_107 = vector.shape_cast %get3A_106 : vector<16xf32> to vector<16xf32>
      %mul3A_108 = arith.mulf %get3A_101, %get3A_104 : vector<16xf32>
      %sub3A_109 = arith.subf %mul3A_108, %get3A_107 : vector<16xf32>
      %mul3A_110 = arith.mulf %get3A_101, %sub3A_109 : vector<16xf32>
      %add3A_111 = arith.addf %add3A_96, %mul3A_110 : vector<16xf32>
      %add3A_112 = arith.constant 64 : i32
      %add3A_113 = arith.addi %mul3A_52, %add3A_112 : i32
      %get3A_114 = arith.index_cast %add3A_113 : i32 to index
      %get3A_115 = tpu.vector_load %arg8[%get3A_114] {strides = array<i32>} : memref<32768xf32, #tpu.memory_space<vmem>>, vector<16xf32>,
      %get3A_116 = vector.shape_cast %get3A_115 : vector<16xf32> to vector<16xf32>
      %get3A_117 = arith.constant 64 : index
      %get3A_118 = tpu.vector_load %arg9[%get3A_117] {strides = array<i32>} : memref<1024xf32, #tpu.memory_space<vmem>>, vector<16xf32>,
      %get3A_119 = vector.shape_cast %get3A_118 : vector<16xf32> to vector<16xf32>
      %get3A_120 = arith.constant 64 : index
      %get3A_121 = tpu.vector_load %arg10[%get3A_120] {strides = array<i32>} : memref<1024xf32, #tpu.memory_space<vmem>>, vector<16xf32>,
      %get3A_122 = vector.shape_cast %get3A_121 : vector<16xf32> to vector<16xf32>
      %mul3A_123 = arith.mulf %get3A_116, %get3A_119 : vector<16xf32>
      %sub3A_124 = arith.subf %mul3A_123, %get3A_122 : vector<16xf32>
      %mul3A_125 = arith.mulf %get3A_116, %sub3A_124 : vector<16xf32>
      %add3A_126 = arith.addf %add3A_111, %mul3A_125 : vector<16xf32>
      %add3A_127 = arith.constant 80 : i32
      %add3A_128 = arith.addi %mul3A_52, %add3A_127 : i32
      %get3A_129 = arith.index_cast %add3A_128 : i32 to index
      %get3A_130 = tpu.vector_load %arg8[%get3A_129] {strides = array<i32>} : memref<32768xf32, #tpu.memory_space<vmem>>, vector<16xf32>,
      %get3A_131 = vector.shape_cast %get3A_130 : vector<16xf32> to vector<16xf32>
      %get3A_132 = arith.constant 80 : index
      %get3A_133 = tpu.vector_load %arg9[%get3A_132] {strides = array<i32>} : memref<1024xf32, #tpu.memory_space<vmem>>, vector<16xf32>,
      %get3A_134 = vector.shape_cast %get3A_133 : vector<16xf32> to vector<16xf32>
      %get3A_135 = arith.constant 80 : index
      %get3A_136 = tpu.vector_load %arg10[%get3A_135] {strides = array<i32>} : memref<1024xf32, #tpu.memory_space<vmem>>, vector<16xf32>,
      %get3A_137 = vector.shape_cast %get3A_136 : vector<16xf32> to vector<16xf32>
      %mul3A_138 = arith.mulf %get3A_131, %get3A_134 : vector<16xf32>
      %sub3A_139 = arith.subf %mul3A_138, %get3A_137 : vector<16xf32>
      %mul3A_140 = arith.mulf %get3A_131, %sub3A_139 : vector<16xf32>
      %add3A_141 = arith.addf %add3A_126, %mul3A_140 : vector<16xf32>
      %add3A_142 = arith.constant 96 : i32
      %add3A_143 = arith.addi %mul3A_52, %add3A_142 : i32
      %get3A_144 = arith.index_cast %add3A_143 : i32 to index
      %get3A_145 = tpu.vector_load %arg8[%get3A_144] {strides = array<i32>} : memref<32768xf32, #tpu.memory_space<vmem>>, vector<16xf32>,
      %get3A_146 = vector.shape_cast %get3A_145 : vector<16xf32> to vector<16xf32>
      %get3A_147 = arith.constant 96 : index
      %get3A_148 = tpu.vector_load %arg9[%get3A_147] {strides = array<i32>} : memref<1024xf32, #tpu.memory_space<vmem>>, vector<16xf32>,
      %get3A_149 = vector.shape_cast %get3A_148 : vector<16xf32> to vector<16xf32>
      %get3A_150 = arith.constant 96 : index
      %get3A_151 = tpu.vector_load %arg10[%get3A_150] {strides = array<i32>} : memref<1024xf32, #tpu.memory_space<vmem>>, vector<16xf32>,
      %get3A_152 = vector.shape_cast %get3A_151 : vector<16xf32> to vector<16xf32>
      %mul3A_153 = arith.mulf %get3A_146, %get3A_149 : vector<16xf32>
      %sub3A_154 = arith.subf %mul3A_153, %get3A_152 : vector<16xf32>
      %mul3A_155 = arith.mulf %get3A_146, %sub3A_154 : vector<16xf32>
      %add3A_156 = arith.addf %add3A_141, %mul3A_155 : vector<16xf32>
      %add3A_157 = arith.constant 112 : i32
      %add3A_158 = arith.addi %mul3A_52, %add3A_157 : i32
      %get3A_159 = arith.index_cast %add3A_158 : i32 to index
      %get3A_160 = tpu.vector_load %arg8[%get3A_159] {strides = array<i32>} : memref<32768xf32, #tpu.memory_space<vmem>>, vector<16xf32>,
      %get3A_161 = vector.shape_cast %get3A_160 : vector<16xf32> to vector<16xf32>
      %get3A_162 = arith.constant 112 : index
      %get3A_163 = tpu.vector_load %arg9[%get3A_162] {strides = array<i32>} : memref<1024xf32, #tpu.memory_space<vmem>>, vector<16xf32>,
      %get3A_164 = vector.shape_cast %get3A_163 : vector<16xf32> to vector<16xf32>
      %get3A_165 = arith.constant 112 : index
      %get3A_166 = tpu.vector_load %arg10[%get3A_165] {strides = array<i32>} : memref<1024xf32, #tpu.memory_space<vmem>>, vector<16xf32>,
      %get3A_167 = vector.shape_cast %get3A_166 : vector<16xf32> to vector<16xf32>
      %mul3A_168 = arith.mulf %get3A_161, %get3A_164 : vector<16xf32>
      %sub3A_169 = arith.subf %mul3A_168, %get3A_167 : vector<16xf32>
      %mul3A_170 = arith.mulf %get3A_161, %sub3A_169 : vector<16xf32>
      %add3A_171 = arith.addf %add3A_156, %mul3A_170 : vector<16xf32>
      %add3A_172 = arith.constant 128 : i32
      %add3A_173 = arith.addi %mul3A_52, %add3A_172 : i32
      %get3A_174 = arith.index_cast %add3A_173 : i32 to index
      %get3A_175 = tpu.vector_load %arg8[%get3A_174] {strides = array<i32>} : memref<32768xf32, #tpu.memory_space<vmem>>, vector<16xf32>,
      %get3A_176 = vector.shape_cast %get3A_175 : vector<16xf32> to vector<16xf32>
      %get3A_177 = arith.constant 128 : index
      %get3A_178 = tpu.vector_load %arg9[%get3A_177] {strides = array<i32>} : memref<1024xf32, #tpu.memory_space<vmem>>, vector<16xf32>,
      %get3A_179 = vector.shape_cast %get3A_178 : vector<16xf32> to vector<16xf32>
      %get3A_180 = arith.constant 128 : index
      %get3A_181 = tpu.vector_load %arg10[%get3A_180] {strides = array<i32>} : memref<1024xf32, #tpu.memory_space<vmem>>, vector<16xf32>,
      %get3A_182 = vector.shape_cast %get3A_181 : vector<16xf32> to vector<16xf32>
      %mul3A_183 = arith.mulf %get3A_176, %get3A_179 : vector<16xf32>
      %sub3A_184 = arith.subf %mul3A_183, %get3A_182 : vector<16xf32>
      %mul3A_185 = arith.mulf %get3A_176, %sub3A_184 : vector<16xf32>
      %add3A_186 = arith.addf %add3A_171, %mul3A_185 : vector<16xf32>
      %add3A_187 = arith.constant 144 : i32
      %add3A_188 = arith.addi %mul3A_52, %add3A_187 : i32
      %get3A_189 = arith.index_cast %add3A_188 : i32 to index
      %get3A_190 = tpu.vector_load %arg8[%get3A_189] {strides = array<i32>} : memref<32768xf32, #tpu.memory_space<vmem>>, vector<16xf32>,
      %get3A_191 = vector.shape_cast %get3A_190 : vector<16xf32> to vector<16xf32>
      %get3A_192 = arith.constant 144 : index
      %get3A_193 = tpu.vector_load %arg9[%get3A_192] {strides = array<i32>} : memref<1024xf32, #tpu.memory_space<vmem>>, vector<16xf32>,
      %get3A_194 = vector.shape_cast %get3A_193 : vector<16xf32> to vector<16xf32>
      %get3A_195 = arith.constant 144 : index
      %get3A_196 = tpu.vector_load %arg10[%get3A_195] {strides = array<i32>} : memref<1024xf32, #tpu.memory_space<vmem>>, vector<16xf32>,
      %get3A_197 = vector.shape_cast %get3A_196 : vector<16xf32> to vector<16xf32>
      %mul3A_198 = arith.mulf %get3A_191, %get3A_194 : vector<16xf32>
      %sub3A_199 = arith.subf %mul3A_198, %get3A_197 : vector<16xf32>
      %mul3A_200 = arith.mulf %get3A_191, %sub3A_199 : vector<16xf32>
      %add3A_201 = arith.addf %add3A_186, %mul3A_200 : vector<16xf32>
      %add3A_202 = arith.constant 160 : i32
      %add3A_203 = arith.addi %mul3A_52, %add3A_202 : i32
      %get3A_204 = arith.index_cast %add3A_203 : i32 to index
      %get3A_205 = tpu.vector_load %arg8[%get3A_204] {strides = array<i32>} : memref<32768xf32, #tpu.memory_space<vmem>>, vector<16xf32>,
      %get3A_206 = vector.shape_cast %get3A_205 : vector<16xf32> to vector<16xf32>
      %get3A_207 = arith.constant 160 : index
      %get3A_208 = tpu.vector_load %arg9[%get3A_207] {strides = array<i32>} : memref<1024xf32, #tpu.memory_space<vmem>>, vector<16xf32>,
      %get3A_209 = vector.shape_cast %get3A_208 : vector<16xf32> to vector<16xf32>
      %get3A_210 = arith.constant 160 : index
      %get3A_211 = tpu.vector_load %arg10[%get3A_210] {strides = array<i32>} : memref<1024xf32, #tpu.memory_space<vmem>>, vector<16xf32>,
      %get3A_212 = vector.shape_cast %get3A_211 : vector<16xf32> to vector<16xf32>
      %mul3A_213 = arith.mulf %get3A_206, %get3A_209 : vector<16xf32>
      %sub3A_214 = arith.subf %mul3A_213, %get3A_212 : vector<16xf32>
      %mul3A_215 = arith.mulf %get3A_206, %sub3A_214 : vector<16xf32>
      %add3A_216 = arith.addf %add3A_201, %mul3A_215 : vector<16xf32>
      %add3A_217 = arith.constant 176 : i32
      %add3A_218 = arith.addi %mul3A_52, %add3A_217 : i32
      %get3A_219 = arith.index_cast %add3A_218 : i32 to index
      %get3A_220 = tpu.vector_load %arg8[%get3A_219] {strides = array<i32>} : memref<32768xf32, #tpu.memory_space<vmem>>, vector<16xf32>,
      %get3A_221 = vector.shape_cast %get3A_220 : vector<16xf32> to vector<16xf32>
      %get3A_222 = arith.constant 176 : index
      %get3A_223 = tpu.vector_load %arg9[%get3A_222] {strides = array<i32>} : memref<1024xf32, #tpu.memory_space<vmem>>, vector<16xf32>,
      %get3A_224 = vector.shape_cast %get3A_223 : vector<16xf32> to vector<16xf32>
      %get3A_225 = arith.constant 176 : index
      %get3A_226 = tpu.vector_load %arg10[%get3A_225] {strides = array<i32>} : memref<1024xf32, #tpu.memory_space<vmem>>, vector<16xf32>,
      %get3A_227 = vector.shape_cast %get3A_226 : vector<16xf32> to vector<16xf32>
      %mul3A_228 = arith.mulf %get3A_221, %get3A_224 : vector<16xf32>
      %sub3A_229 = arith.subf %mul3A_228, %get3A_227 : vector<16xf32>
      %mul3A_230 = arith.mulf %get3A_221, %sub3A_229 : vector<16xf32>
      %add3A_231 = arith.addf %add3A_216, %mul3A_230 : vector<16xf32>
      %add3A_232 = arith.constant 192 : i32
      %add3A_233 = arith.addi %mul3A_52, %add3A_232 : i32
      %get3A_234 = arith.index_cast %add3A_233 : i32 to index
      %get3A_235 = tpu.vector_load %arg8[%get3A_234] {strides = array<i32>} : memref<32768xf32, #tpu.memory_space<vmem>>, vector<16xf32>,
      %get3A_236 = vector.shape_cast %get3A_235 : vector<16xf32> to vector<16xf32>
      %get3A_237 = arith.constant 192 : index
      %get3A_238 = tpu.vector_load %arg9[%get3A_237] {strides = array<i32>} : memref<1024xf32, #tpu.memory_space<vmem>>, vector<16xf32>,
      %get3A_239 = vector.shape_cast %get3A_238 : vector<16xf32> to vector<16xf32>
      %get3A_240 = arith.constant 192 : index
      %get3A_241 = tpu.vector_load %arg10[%get3A_240] {strides = array<i32>} : memref<1024xf32, #tpu.memory_space<vmem>>, vector<16xf32>,
      %get3A_242 = vector.shape_cast %get3A_241 : vector<16xf32> to vector<16xf32>
      %mul3A_243 = arith.mulf %get3A_236, %get3A_239 : vector<16xf32>
      %sub3A_244 = arith.subf %mul3A_243, %get3A_242 : vector<16xf32>
      %mul3A_245 = arith.mulf %get3A_236, %sub3A_244 : vector<16xf32>
      %add3A_246 = arith.addf %add3A_231, %mul3A_245 : vector<16xf32>
      %add3A_247 = arith.constant 208 : i32
      %add3A_248 = arith.addi %mul3A_52, %add3A_247 : i32
      %get3A_249 = arith.index_cast %add3A_248 : i32 to index
      %get3A_250 = tpu.vector_load %arg8[%get3A_249] {strides = array<i32>} : memref<32768xf32, #tpu.memory_space<vmem>>, vector<16xf32>,
      %get3A_251 = vector.shape_cast %get3A_250 : vector<16xf32> to vector<16xf32>
      %get3A_252 = arith.constant 208 : index
      %get3A_253 = tpu.vector_load %arg9[%get3A_252] {strides = array<i32>} : memref<1024xf32, #tpu.memory_space<vmem>>, vector<16xf32>,
      %get3A_254 = vector.shape_cast %get3A_253 : vector<16xf32> to vector<16xf32>
      %get3A_255 = arith.constant 208 : index
      %get3A_256 = tpu.vector_load %arg10[%get3A_255] {strides = array<i32>} : memref<1024xf32, #tpu.memory_space<vmem>>, vector<16xf32>,
      %get3A_257 = vector.shape_cast %get3A_256 : vector<16xf32> to vector<16xf32>
      %mul3A_258 = arith.mulf %get3A_251, %get3A_254 : vector<16xf32>
      %sub3A_259 = arith.subf %mul3A_258, %get3A_257 : vector<16xf32>
      %mul3A_260 = arith.mulf %get3A_251, %sub3A_259 : vector<16xf32>
      %add3A_261 = arith.addf %add3A_246, %mul3A_260 : vector<16xf32>
      %add3A_262 = arith.constant 224 : i32
      %add3A_263 = arith.addi %mul3A_52, %add3A_262 : i32
      %get3A_264 = arith.index_cast %add3A_263 : i32 to index
      %get3A_265 = tpu.vector_load %arg8[%get3A_264] {strides = array<i32>} : memref<32768xf32, #tpu.memory_space<vmem>>, vector<16xf32>,
      %get3A_266 = vector.shape_cast %get3A_265 : vector<16xf32> to vector<16xf32>
      %get3A_267 = arith.constant 224 : index
      %get3A_268 = tpu.vector_load %arg9[%get3A_267] {strides = array<i32>} : memref<1024xf32, #tpu.memory_space<vmem>>, vector<16xf32>,
      %get3A_269 = vector.shape_cast %get3A_268 : vector<16xf32> to vector<16xf32>
      %get3A_270 = arith.constant 224 : index
      %get3A_271 = tpu.vector_load %arg10[%get3A_270] {strides = array<i32>} : memref<1024xf32, #tpu.memory_space<vmem>>, vector<16xf32>,
      %get3A_272 = vector.shape_cast %get3A_271 : vector<16xf32> to vector<16xf32>
      %mul3A_273 = arith.mulf %get3A_266, %get3A_269 : vector<16xf32>
      %sub3A_274 = arith.subf %mul3A_273, %get3A_272 : vector<16xf32>
      %mul3A_275 = arith.mulf %get3A_266, %sub3A_274 : vector<16xf32>
      %add3A_276 = arith.addf %add3A_261, %mul3A_275 : vector<16xf32>
      %add3A_277 = arith.constant 240 : i32
      %add3A_278 = arith.addi %mul3A_52, %add3A_277 : i32
      %get3A_279 = arith.index_cast %add3A_278 : i32 to index
      %get3A_280 = tpu.vector_load %arg8[%get3A_279] {strides = array<i32>} : memref<32768xf32, #tpu.memory_space<vmem>>, vector<16xf32>,
      %get3A_281 = vector.shape_cast %get3A_280 : vector<16xf32> to vector<16xf32>
      %get3A_282 = arith.constant 240 : index
      %get3A_283 = tpu.vector_load %arg9[%get3A_282] {strides = array<i32>} : memref<1024xf32, #tpu.memory_space<vmem>>, vector<16xf32>,
      %get3A_284 = vector.shape_cast %get3A_283 : vector<16xf32> to vector<16xf32>
      %get3A_285 = arith.constant 240 : index
      %get3A_286 = tpu.vector_load %arg10[%get3A_285] {strides = array<i32>} : memref<1024xf32, #tpu.memory_space<vmem>>, vector<16xf32>,
      %get3A_287 = vector.shape_cast %get3A_286 : vector<16xf32> to vector<16xf32>
      %mul3A_288 = arith.mulf %get3A_281, %get3A_284 : vector<16xf32>
      %sub3A_289 = arith.subf %mul3A_288, %get3A_287 : vector<16xf32>
      %mul3A_290 = arith.mulf %get3A_281, %sub3A_289 : vector<16xf32>
      %add3A_291 = arith.addf %add3A_276, %mul3A_290 : vector<16xf32>
      %add3A_292 = arith.constant 256 : i32
      %add3A_293 = arith.addi %mul3A_52, %add3A_292 : i32
      %get3A_294 = arith.index_cast %add3A_293 : i32 to index
      %get3A_295 = tpu.vector_load %arg8[%get3A_294] {strides = array<i32>} : memref<32768xf32, #tpu.memory_space<vmem>>, vector<16xf32>,
      %get3A_296 = vector.shape_cast %get3A_295 : vector<16xf32> to vector<16xf32>
      %get3A_297 = arith.constant 256 : index
      %get3A_298 = tpu.vector_load %arg9[%get3A_297] {strides = array<i32>} : memref<1024xf32, #tpu.memory_space<vmem>>, vector<16xf32>,
      %get3A_299 = vector.shape_cast %get3A_298 : vector<16xf32> to vector<16xf32>
      %get3A_300 = arith.constant 256 : index
      %get3A_301 = tpu.vector_load %arg10[%get3A_300] {strides = array<i32>} : memref<1024xf32, #tpu.memory_space<vmem>>, vector<16xf32>,
      %get3A_302 = vector.shape_cast %get3A_301 : vector<16xf32> to vector<16xf32>
      %mul3A_303 = arith.mulf %get3A_296, %get3A_299 : vector<16xf32>
      %sub3A_304 = arith.subf %mul3A_303, %get3A_302 : vector<16xf32>
      %mul3A_305 = arith.mulf %get3A_296, %sub3A_304 : vector<16xf32>
      %add3A_306 = arith.addf %add3A_291, %mul3A_305 : vector<16xf32>
      %add3A_307 = arith.constant 272 : i32
      %add3A_308 = arith.addi %mul3A_52, %add3A_307 : i32
      %get3A_309 = arith.index_cast %add3A_308 : i32 to index
      %get3A_310 = tpu.vector_load %arg8[%get3A_309] {strides = array<i32>} : memref<32768xf32, #tpu.memory_space<vmem>>, vector<16xf32>,
      %get3A_311 = vector.shape_cast %get3A_310 : vector<16xf32> to vector<16xf32>
      %get3A_312 = arith.constant 272 : index
      %get3A_313 = tpu.vector_load %arg9[%get3A_312] {strides = array<i32>} : memref<1024xf32, #tpu.memory_space<vmem>>, vector<16xf32>,
      %get3A_314 = vector.shape_cast %get3A_313 : vector<16xf32> to vector<16xf32>
      %get3A_315 = arith.constant 272 : index
      %get3A_316 = tpu.vector_load %arg10[%get3A_315] {strides = array<i32>} : memref<1024xf32, #tpu.memory_space<vmem>>, vector<16xf32>,
      %get3A_317 = vector.shape_cast %get3A_316 : vector<16xf32> to vector<16xf32>
      %mul3A_318 = arith.mulf %get3A_311, %get3A_314 : vector<16xf32>
      %sub3A_319 = arith.subf %mul3A_318, %get3A_317 : vector<16xf32>
      %mul3A_320 = arith.mulf %get3A_311, %sub3A_319 : vector<16xf32>
      %add3A_321 = arith.addf %add3A_306, %mul3A_320 : vector<16xf32>
      %add3A_322 = arith.constant 288 : i32
      %add3A_323 = arith.addi %mul3A_52, %add3A_322 : i32
      %get3A_324 = arith.index_cast %add3A_323 : i32 to index
      %get3A_325 = tpu.vector_load %arg8[%get3A_324] {strides = array<i32>} : memref<32768xf32, #tpu.memory_space<vmem>>, vector<16xf32>,
      %get3A_326 = vector.shape_cast %get3A_325 : vector<16xf32> to vector<16xf32>
      %get3A_327 = arith.constant 288 : index
      %get3A_328 = tpu.vector_load %arg9[%get3A_327] {strides = array<i32>} : memref<1024xf32, #tpu.memory_space<vmem>>, vector<16xf32>,
      %get3A_329 = vector.shape_cast %get3A_328 : vector<16xf32> to vector<16xf32>
      %get3A_330 = arith.constant 288 : index
      %get3A_331 = tpu.vector_load %arg10[%get3A_330] {strides = array<i32>} : memref<1024xf32, #tpu.memory_space<vmem>>, vector<16xf32>,
      %get3A_332 = vector.shape_cast %get3A_331 : vector<16xf32> to vector<16xf32>
      %mul3A_333 = arith.mulf %get3A_326, %get3A_329 : vector<16xf32>
      %sub3A_334 = arith.subf %mul3A_333, %get3A_332 : vector<16xf32>
      %mul3A_335 = arith.mulf %get3A_326, %sub3A_334 : vector<16xf32>
      %add3A_336 = arith.addf %add3A_321, %mul3A_335 : vector<16xf32>
      %add3A_337 = arith.constant 304 : i32
      %add3A_338 = arith.addi %mul3A_52, %add3A_337 : i32
      %get3A_339 = arith.index_cast %add3A_338 : i32 to index
      %get3A_340 = tpu.vector_load %arg8[%get3A_339] {strides = array<i32>} : memref<32768xf32, #tpu.memory_space<vmem>>, vector<16xf32>,
      %get3A_341 = vector.shape_cast %get3A_340 : vector<16xf32> to vector<16xf32>
      %get3A_342 = arith.constant 304 : index
      %get3A_343 = tpu.vector_load %arg9[%get3A_342] {strides = array<i32>} : memref<1024xf32, #tpu.memory_space<vmem>>, vector<16xf32>,
      %get3A_344 = vector.shape_cast %get3A_343 : vector<16xf32> to vector<16xf32>
      %get3A_345 = arith.constant 304 : index
      %get3A_346 = tpu.vector_load %arg10[%get3A_345] {strides = array<i32>} : memref<1024xf32, #tpu.memory_space<vmem>>, vector<16xf32>,
      %get3A_347 = vector.shape_cast %get3A_346 : vector<16xf32> to vector<16xf32>
      %mul3A_348 = arith.mulf %get3A_341, %get3A_344 : vector<16xf32>
      %sub3A_349 = arith.subf %mul3A_348, %get3A_347 : vector<16xf32>
      %mul3A_350 = arith.mulf %get3A_341, %sub3A_349 : vector<16xf32>
      %add3A_351 = arith.addf %add3A_336, %mul3A_350 : vector<16xf32>
      %add3A_352 = arith.constant 320 : i32
      %add3A_353 = arith.addi %mul3A_52, %add3A_352 : i32
      %get3A_354 = arith.index_cast %add3A_353 : i32 to index
      %get3A_355 = tpu.vector_load %arg8[%get3A_354] {strides = array<i32>} : memref<32768xf32, #tpu.memory_space<vmem>>, vector<16xf32>,
      %get3A_356 = vector.shape_cast %get3A_355 : vector<16xf32> to vector<16xf32>
      %get3A_357 = arith.constant 320 : index
      %get3A_358 = tpu.vector_load %arg9[%get3A_357] {strides = array<i32>} : memref<1024xf32, #tpu.memory_space<vmem>>, vector<16xf32>,
      %get3A_359 = vector.shape_cast %get3A_358 : vector<16xf32> to vector<16xf32>
      %get3A_360 = arith.constant 320 : index
      %get3A_361 = tpu.vector_load %arg10[%get3A_360] {strides = array<i32>} : memref<1024xf32, #tpu.memory_space<vmem>>, vector<16xf32>,
      %get3A_362 = vector.shape_cast %get3A_361 : vector<16xf32> to vector<16xf32>
      %mul3A_363 = arith.mulf %get3A_356, %get3A_359 : vector<16xf32>
      %sub3A_364 = arith.subf %mul3A_363, %get3A_362 : vector<16xf32>
      %mul3A_365 = arith.mulf %get3A_356, %sub3A_364 : vector<16xf32>
      %add3A_366 = arith.addf %add3A_351, %mul3A_365 : vector<16xf32>
      %add3A_367 = arith.constant 336 : i32
      %add3A_368 = arith.addi %mul3A_52, %add3A_367 : i32
      %get3A_369 = arith.index_cast %add3A_368 : i32 to index
      %get3A_370 = tpu.vector_load %arg8[%get3A_369] {strides = array<i32>} : memref<32768xf32, #tpu.memory_space<vmem>>, vector<16xf32>,
      %get3A_371 = vector.shape_cast %get3A_370 : vector<16xf32> to vector<16xf32>
      %get3A_372 = arith.constant 336 : index
      %get3A_373 = tpu.vector_load %arg9[%get3A_372] {strides = array<i32>} : memref<1024xf32, #tpu.memory_space<vmem>>, vector<16xf32>,
      %get3A_374 = vector.shape_cast %get3A_373 : vector<16xf32> to vector<16xf32>
      %get3A_375 = arith.constant 336 : index
      %get3A_376 = tpu.vector_load %arg10[%get3A_375] {strides = array<i32>} : memref<1024xf32, #tpu.memory_space<vmem>>, vector<16xf32>,
      %get3A_377 = vector.shape_cast %get3A_376 : vector<16xf32> to vector<16xf32>
      %mul3A_378 = arith.mulf %get3A_371, %get3A_374 : vector<16xf32>
      %sub3A_379 = arith.subf %mul3A_378, %get3A_377 : vector<16xf32>
      %mul3A_380 = arith.mulf %get3A_371, %sub3A_379 : vector<16xf32>
      %add3A_381 = arith.addf %add3A_366, %mul3A_380 : vector<16xf32>
      %add3A_382 = arith.constant 352 : i32
      %add3A_383 = arith.addi %mul3A_52, %add3A_382 : i32
      %get3A_384 = arith.index_cast %add3A_383 : i32 to index
      %get3A_385 = tpu.vector_load %arg8[%get3A_384] {strides = array<i32>} : memref<32768xf32, #tpu.memory_space<vmem>>, vector<16xf32>,
      %get3A_386 = vector.shape_cast %get3A_385 : vector<16xf32> to vector<16xf32>
      %get3A_387 = arith.constant 352 : index
      %get3A_388 = tpu.vector_load %arg9[%get3A_387] {strides = array<i32>} : memref<1024xf32, #tpu.memory_space<vmem>>, vector<16xf32>,
      %get3A_389 = vector.shape_cast %get3A_388 : vector<16xf32> to vector<16xf32>
      %get3A_390 = arith.constant 352 : index
      %get3A_391 = tpu.vector_load %arg10[%get3A_390] {strides = array<i32>} : memref<1024xf32, #tpu.memory_space<vmem>>, vector<16xf32>,
      %get3A_392 = vector.shape_cast %get3A_391 : vector<16xf32> to vector<16xf32>
      %mul3A_393 = arith.mulf %get3A_386, %get3A_389 : vector<16xf32>
      %sub3A_394 = arith.subf %mul3A_393, %get3A_392 : vector<16xf32>
      %mul3A_395 = arith.mulf %get3A_386, %sub3A_394 : vector<16xf32>
      %add3A_396 = arith.addf %add3A_381, %mul3A_395 : vector<16xf32>
      %add3A_397 = arith.constant 368 : i32
      %add3A_398 = arith.addi %mul3A_52, %add3A_397 : i32
      %get3A_399 = arith.index_cast %add3A_398 : i32 to index
      %get3A_400 = tpu.vector_load %arg8[%get3A_399] {strides = array<i32>} : memref<32768xf32, #tpu.memory_space<vmem>>, vector<16xf32>,
      %get3A_401 = vector.shape_cast %get3A_400 : vector<16xf32> to vector<16xf32>
      %get3A_402 = arith.constant 368 : index
      %get3A_403 = tpu.vector_load %arg9[%get3A_402] {strides = array<i32>} : memref<1024xf32, #tpu.memory_space<vmem>>, vector<16xf32>,
      %get3A_404 = vector.shape_cast %get3A_403 : vector<16xf32> to vector<16xf32>
      %get3A_405 = arith.constant 368 : index
      %get3A_406 = tpu.vector_load %arg10[%get3A_405] {strides = array<i32>} : memref<1024xf32, #tpu.memory_space<vmem>>, vector<16xf32>,
      %get3A_407 = vector.shape_cast %get3A_406 : vector<16xf32> to vector<16xf32>
      %mul3A_408 = arith.mulf %get3A_401, %get3A_404 : vector<16xf32>
      %sub3A_409 = arith.subf %mul3A_408, %get3A_407 : vector<16xf32>
      %mul3A_410 = arith.mulf %get3A_401, %sub3A_409 : vector<16xf32>
      %add3A_411 = arith.addf %add3A_396, %mul3A_410 : vector<16xf32>
      %add3A_412 = arith.constant 384 : i32
      %add3A_413 = arith.addi %mul3A_52, %add3A_412 : i32
      %get3A_414 = arith.index_cast %add3A_413 : i32 to index
      %get3A_415 = tpu.vector_load %arg8[%get3A_414] {strides = array<i32>} : memref<32768xf32, #tpu.memory_space<vmem>>, vector<16xf32>,
      %get3A_416 = vector.shape_cast %get3A_415 : vector<16xf32> to vector<16xf32>
      %get3A_417 = arith.constant 384 : index
      %get3A_418 = tpu.vector_load %arg9[%get3A_417] {strides = array<i32>} : memref<1024xf32, #tpu.memory_space<vmem>>, vector<16xf32>,
      %get3A_419 = vector.shape_cast %get3A_418 : vector<16xf32> to vector<16xf32>
      %get3A_420 = arith.constant 384 : index
      %get3A_421 = tpu.vector_load %arg10[%get3A_420] {strides = array<i32>} : memref<1024xf32, #tpu.memory_space<vmem>>, vector<16xf32>,
      %get3A_422 = vector.shape_cast %get3A_421 : vector<16xf32> to vector<16xf32>
      %mul3A_423 = arith.mulf %get3A_416, %get3A_419 : vector<16xf32>
      %sub3A_424 = arith.subf %mul3A_423, %get3A_422 : vector<16xf32>
      %mul3A_425 = arith.mulf %get3A_416, %sub3A_424 : vector<16xf32>
      %add3A_426 = arith.addf %add3A_411, %mul3A_425 : vector<16xf32>
      %add3A_427 = arith.constant 400 : i32
      %add3A_428 = arith.addi %mul3A_52, %add3A_427 : i32
      %get3A_429 = arith.index_cast %add3A_428 : i32 to index
      %get3A_430 = tpu.vector_load %arg8[%get3A_429] {strides = array<i32>} : memref<32768xf32, #tpu.memory_space<vmem>>, vector<16xf32>,
      %get3A_431 = vector.shape_cast %get3A_430 : vector<16xf32> to vector<16xf32>
      %get3A_432 = arith.constant 400 : index
      %get3A_433 = tpu.vector_load %arg9[%get3A_432] {strides = array<i32>} : memref<1024xf32, #tpu.memory_space<vmem>>, vector<16xf32>,
      %get3A_434 = vector.shape_cast %get3A_433 : vector<16xf32> to vector<16xf32>
      %get3A_435 = arith.constant 400 : index
      %get3A_436 = tpu.vector_load %arg10[%get3A_435] {strides = array<i32>} : memref<1024xf32, #tpu.memory_space<vmem>>, vector<16xf32>,
      %get3A_437 = vector.shape_cast %get3A_436 : vector<16xf32> to vector<16xf32>
      %mul3A_438 = arith.mulf %get3A_431, %get3A_434 : vector<16xf32>
      %sub3A_439 = arith.subf %mul3A_438, %get3A_437 : vector<16xf32>
      %mul3A_440 = arith.mulf %get3A_431, %sub3A_439 : vector<16xf32>
      %add3A_441 = arith.addf %add3A_426, %mul3A_440 : vector<16xf32>
      %add3A_442 = arith.constant 416 : i32
      %add3A_443 = arith.addi %mul3A_52, %add3A_442 : i32
      %get3A_444 = arith.index_cast %add3A_443 : i32 to index
      %get3A_445 = tpu.vector_load %arg8[%get3A_444] {strides = array<i32>} : memref<32768xf32, #tpu.memory_space<vmem>>, vector<16xf32>,
      %get3A_446 = vector.shape_cast %get3A_445 : vector<16xf32> to vector<16xf32>
      %get3A_447 = arith.constant 416 : index
      %get3A_448 = tpu.vector_load %arg9[%get3A_447] {strides = array<i32>} : memref<1024xf32, #tpu.memory_space<vmem>>, vector<16xf32>,
      %get3A_449 = vector.shape_cast %get3A_448 : vector<16xf32> to vector<16xf32>
      %get3A_450 = arith.constant 416 : index
      %get3A_451 = tpu.vector_load %arg10[%get3A_450] {strides = array<i32>} : memref<1024xf32, #tpu.memory_space<vmem>>, vector<16xf32>,
      %get3A_452 = vector.shape_cast %get3A_451 : vector<16xf32> to vector<16xf32>
      %mul3A_453 = arith.mulf %get3A_446, %get3A_449 : vector<16xf32>
      %sub3A_454 = arith.subf %mul3A_453, %get3A_452 : vector<16xf32>
      %mul3A_455 = arith.mulf %get3A_446, %sub3A_454 : vector<16xf32>
      %add3A_456 = arith.addf %add3A_441, %mul3A_455 : vector<16xf32>
      %add3A_457 = arith.constant 432 : i32
      %add3A_458 = arith.addi %mul3A_52, %add3A_457 : i32
      %get3A_459 = arith.index_cast %add3A_458 : i32 to index
      %get3A_460 = tpu.vector_load %arg8[%get3A_459] {strides = array<i32>} : memref<32768xf32, #tpu.memory_space<vmem>>, vector<16xf32>,
      %get3A_461 = vector.shape_cast %get3A_460 : vector<16xf32> to vector<16xf32>
      %get3A_462 = arith.constant 432 : index
      %get3A_463 = tpu.vector_load %arg9[%get3A_462] {strides = array<i32>} : memref<1024xf32, #tpu.memory_space<vmem>>, vector<16xf32>,
      %get3A_464 = vector.shape_cast %get3A_463 : vector<16xf32> to vector<16xf32>
      %get3A_465 = arith.constant 432 : index
      %get3A_466 = tpu.vector_load %arg10[%get3A_465] {strides = array<i32>} : memref<1024xf32, #tpu.memory_space<vmem>>, vector<16xf32>,
      %get3A_467 = vector.shape_cast %get3A_466 : vector<16xf32> to vector<16xf32>
      %mul3A_468 = arith.mulf %get3A_461, %get3A_464 : vector<16xf32>
      %sub3A_469 = arith.subf %mul3A_468, %get3A_467 : vector<16xf32>
      %mul3A_470 = arith.mulf %get3A_461, %sub3A_469 : vector<16xf32>
      %add3A_471 = arith.addf %add3A_456, %mul3A_470 : vector<16xf32>
      %add3A_472 = arith.constant 448 : i32
      %add3A_473 = arith.addi %mul3A_52, %add3A_472 : i32
      %get3A_474 = arith.index_cast %add3A_473 : i32 to index
      %get3A_475 = tpu.vector_load %arg8[%get3A_474] {strides = array<i32>} : memref<32768xf32, #tpu.memory_space<vmem>>, vector<16xf32>,
      %get3A_476 = vector.shape_cast %get3A_475 : vector<16xf32> to vector<16xf32>
      %get3A_477 = arith.constant 448 : index
      %get3A_478 = tpu.vector_load %arg9[%get3A_477] {strides = array<i32>} : memref<1024xf32, #tpu.memory_space<vmem>>, vector<16xf32>,
      %get3A_479 = vector.shape_cast %get3A_478 : vector<16xf32> to vector<16xf32>
      %get3A_480 = arith.constant 448 : index
      %get3A_481 = tpu.vector_load %arg10[%get3A_480] {strides = array<i32>} : memref<1024xf32, #tpu.memory_space<vmem>>, vector<16xf32>,
      %get3A_482 = vector.shape_cast %get3A_481 : vector<16xf32> to vector<16xf32>
      %mul3A_483 = arith.mulf %get3A_476, %get3A_479 : vector<16xf32>
      %sub3A_484 = arith.subf %mul3A_483, %get3A_482 : vector<16xf32>
      %mul3A_485 = arith.mulf %get3A_476, %sub3A_484 : vector<16xf32>
      %add3A_486 = arith.addf %add3A_471, %mul3A_485 : vector<16xf32>
      %add3A_487 = arith.constant 464 : i32
      %add3A_488 = arith.addi %mul3A_52, %add3A_487 : i32
      %get3A_489 = arith.index_cast %add3A_488 : i32 to index
      %get3A_490 = tpu.vector_load %arg8[%get3A_489] {strides = array<i32>} : memref<32768xf32, #tpu.memory_space<vmem>>, vector<16xf32>,
      %get3A_491 = vector.shape_cast %get3A_490 : vector<16xf32> to vector<16xf32>
      %get3A_492 = arith.constant 464 : index
      %get3A_493 = tpu.vector_load %arg9[%get3A_492] {strides = array<i32>} : memref<1024xf32, #tpu.memory_space<vmem>>, vector<16xf32>,
      %get3A_494 = vector.shape_cast %get3A_493 : vector<16xf32> to vector<16xf32>
      %get3A_495 = arith.constant 464 : index
      %get3A_496 = tpu.vector_load %arg10[%get3A_495] {strides = array<i32>} : memref<1024xf32, #tpu.memory_space<vmem>>, vector<16xf32>,
      %get3A_497 = vector.shape_cast %get3A_496 : vector<16xf32> to vector<16xf32>
      %mul3A_498 = arith.mulf %get3A_491, %get3A_494 : vector<16xf32>
      %sub3A_499 = arith.subf %mul3A_498, %get3A_497 : vector<16xf32>
      %mul3A_500 = arith.mulf %get3A_491, %sub3A_499 : vector<16xf32>
      %add3A_501 = arith.addf %add3A_486, %mul3A_500 : vector<16xf32>
      %add3A_502 = arith.constant 480 : i32
      %add3A_503 = arith.addi %mul3A_52, %add3A_502 : i32
      %get3A_504 = arith.index_cast %add3A_503 : i32 to index
      %get3A_505 = tpu.vector_load %arg8[%get3A_504] {strides = array<i32>} : memref<32768xf32, #tpu.memory_space<vmem>>, vector<16xf32>,
      %get3A_506 = vector.shape_cast %get3A_505 : vector<16xf32> to vector<16xf32>
      %get3A_507 = arith.constant 480 : index
      %get3A_508 = tpu.vector_load %arg9[%get3A_507] {strides = array<i32>} : memref<1024xf32, #tpu.memory_space<vmem>>, vector<16xf32>,
      %get3A_509 = vector.shape_cast %get3A_508 : vector<16xf32> to vector<16xf32>
      %get3A_510 = arith.constant 480 : index
      %get3A_511 = tpu.vector_load %arg10[%get3A_510] {strides = array<i32>} : memref<1024xf32, #tpu.memory_space<vmem>>, vector<16xf32>,
      %get3A_512 = vector.shape_cast %get3A_511 : vector<16xf32> to vector<16xf32>
      %mul3A_513 = arith.mulf %get3A_506, %get3A_509 : vector<16xf32>
      %sub3A_514 = arith.subf %mul3A_513, %get3A_512 : vector<16xf32>
      %mul3A_515 = arith.mulf %get3A_506, %sub3A_514 : vector<16xf32>
      %add3A_516 = arith.addf %add3A_501, %mul3A_515 : vector<16xf32>
      %add3A_517 = arith.constant 496 : i32
      %add3A_518 = arith.addi %mul3A_52, %add3A_517 : i32
      %get3A_519 = arith.index_cast %add3A_518 : i32 to index
      %get3A_520 = tpu.vector_load %arg8[%get3A_519] {strides = array<i32>} : memref<32768xf32, #tpu.memory_space<vmem>>, vector<16xf32>,
      %get3A_521 = vector.shape_cast %get3A_520 : vector<16xf32> to vector<16xf32>
      %get3A_522 = arith.constant 496 : index
      %get3A_523 = tpu.vector_load %arg9[%get3A_522] {strides = array<i32>} : memref<1024xf32, #tpu.memory_space<vmem>>, vector<16xf32>,
      %get3A_524 = vector.shape_cast %get3A_523 : vector<16xf32> to vector<16xf32>
      %get3A_525 = arith.constant 496 : index
      %get3A_526 = tpu.vector_load %arg10[%get3A_525] {strides = array<i32>} : memref<1024xf32, #tpu.memory_space<vmem>>, vector<16xf32>,
      %get3A_527 = vector.shape_cast %get3A_526 : vector<16xf32> to vector<16xf32>
      %mul3A_528 = arith.mulf %get3A_521, %get3A_524 : vector<16xf32>
      %sub3A_529 = arith.subf %mul3A_528, %get3A_527 : vector<16xf32>
      %mul3A_530 = arith.mulf %get3A_521, %sub3A_529 : vector<16xf32>
      %add3A_531 = arith.addf %add3A_516, %mul3A_530 : vector<16xf32>
      %add3A_532 = arith.constant 512 : i32
      %add3A_533 = arith.addi %mul3A_52, %add3A_532 : i32
      %get3A_534 = arith.index_cast %add3A_533 : i32 to index
      %get3A_535 = tpu.vector_load %arg8[%get3A_534] {strides = array<i32>} : memref<32768xf32, #tpu.memory_space<vmem>>, vector<16xf32>,
      %get3A_536 = vector.shape_cast %get3A_535 : vector<16xf32> to vector<16xf32>
      %get3A_537 = arith.constant 512 : index
      %get3A_538 = tpu.vector_load %arg9[%get3A_537] {strides = array<i32>} : memref<1024xf32, #tpu.memory_space<vmem>>, vector<16xf32>,
      %get3A_539 = vector.shape_cast %get3A_538 : vector<16xf32> to vector<16xf32>
      %get3A_540 = arith.constant 512 : index
      %get3A_541 = tpu.vector_load %arg10[%get3A_540] {strides = array<i32>} : memref<1024xf32, #tpu.memory_space<vmem>>, vector<16xf32>,
      %get3A_542 = vector.shape_cast %get3A_541 : vector<16xf32> to vector<16xf32>
      %mul3A_543 = arith.mulf %get3A_536, %get3A_539 : vector<16xf32>
      %sub3A_544 = arith.subf %mul3A_543, %get3A_542 : vector<16xf32>
      %mul3A_545 = arith.mulf %get3A_536, %sub3A_544 : vector<16xf32>
      %add3A_546 = arith.addf %add3A_531, %mul3A_545 : vector<16xf32>
      %add3A_547 = arith.constant 528 : i32
      %add3A_548 = arith.addi %mul3A_52, %add3A_547 : i32
      %get3A_549 = arith.index_cast %add3A_548 : i32 to index
      %get3A_550 = tpu.vector_load %arg8[%get3A_549] {strides = array<i32>} : memref<32768xf32, #tpu.memory_space<vmem>>, vector<16xf32>,
      %get3A_551 = vector.shape_cast %get3A_550 : vector<16xf32> to vector<16xf32>
      %get3A_552 = arith.constant 528 : index
      %get3A_553 = tpu.vector_load %arg9[%get3A_552] {strides = array<i32>} : memref<1024xf32, #tpu.memory_space<vmem>>, vector<16xf32>,
      %get3A_554 = vector.shape_cast %get3A_553 : vector<16xf32> to vector<16xf32>
      %get3A_555 = arith.constant 528 : index
      %get3A_556 = tpu.vector_load %arg10[%get3A_555] {strides = array<i32>} : memref<1024xf32, #tpu.memory_space<vmem>>, vector<16xf32>,
      %get3A_557 = vector.shape_cast %get3A_556 : vector<16xf32> to vector<16xf32>
      %mul3A_558 = arith.mulf %get3A_551, %get3A_554 : vector<16xf32>
      %sub3A_559 = arith.subf %mul3A_558, %get3A_557 : vector<16xf32>
      %mul3A_560 = arith.mulf %get3A_551, %sub3A_559 : vector<16xf32>
      %add3A_561 = arith.addf %add3A_546, %mul3A_560 : vector<16xf32>
      %add3A_562 = arith.constant 544 : i32
      %add3A_563 = arith.addi %mul3A_52, %add3A_562 : i32
      %get3A_564 = arith.index_cast %add3A_563 : i32 to index
      %get3A_565 = tpu.vector_load %arg8[%get3A_564] {strides = array<i32>} : memref<32768xf32, #tpu.memory_space<vmem>>, vector<16xf32>,
      %get3A_566 = vector.shape_cast %get3A_565 : vector<16xf32> to vector<16xf32>
      %get3A_567 = arith.constant 544 : index
      %get3A_568 = tpu.vector_load %arg9[%get3A_567] {strides = array<i32>} : memref<1024xf32, #tpu.memory_space<vmem>>, vector<16xf32>,
      %get3A_569 = vector.shape_cast %get3A_568 : vector<16xf32> to vector<16xf32>
      %get3A_570 = arith.constant 544 : index
      %get3A_571 = tpu.vector_load %arg10[%get3A_570] {strides = array<i32>} : memref<1024xf32, #tpu.memory_space<vmem>>, vector<16xf32>,
      %get3A_572 = vector.shape_cast %get3A_571 : vector<16xf32> to vector<16xf32>
      %mul3A_573 = arith.mulf %get3A_566, %get3A_569 : vector<16xf32>
      %sub3A_574 = arith.subf %mul3A_573, %get3A_572 : vector<16xf32>
      %mul3A_575 = arith.mulf %get3A_566, %sub3A_574 : vector<16xf32>
      %add3A_576 = arith.addf %add3A_561, %mul3A_575 : vector<16xf32>
      %add3A_577 = arith.constant 560 : i32
      %add3A_578 = arith.addi %mul3A_52, %add3A_577 : i32
      %get3A_579 = arith.index_cast %add3A_578 : i32 to index
      %get3A_580 = tpu.vector_load %arg8[%get3A_579] {strides = array<i32>} : memref<32768xf32, #tpu.memory_space<vmem>>, vector<16xf32>,
      %get3A_581 = vector.shape_cast %get3A_580 : vector<16xf32> to vector<16xf32>
      %get3A_582 = arith.constant 560 : index
      %get3A_583 = tpu.vector_load %arg9[%get3A_582] {strides = array<i32>} : memref<1024xf32, #tpu.memory_space<vmem>>, vector<16xf32>,
      %get3A_584 = vector.shape_cast %get3A_583 : vector<16xf32> to vector<16xf32>
      %get3A_585 = arith.constant 560 : index
      %get3A_586 = tpu.vector_load %arg10[%get3A_585] {strides = array<i32>} : memref<1024xf32, #tpu.memory_space<vmem>>, vector<16xf32>,
      %get3A_587 = vector.shape_cast %get3A_586 : vector<16xf32> to vector<16xf32>
      %mul3A_588 = arith.mulf %get3A_581, %get3A_584 : vector<16xf32>
      %sub3A_589 = arith.subf %mul3A_588, %get3A_587 : vector<16xf32>
      %mul3A_590 = arith.mulf %get3A_581, %sub3A_589 : vector<16xf32>
      %add3A_591 = arith.addf %add3A_576, %mul3A_590 : vector<16xf32>
      %add3A_592 = arith.constant 576 : i32
      %add3A_593 = arith.addi %mul3A_52, %add3A_592 : i32
      %get3A_594 = arith.index_cast %add3A_593 : i32 to index
      %get3A_595 = tpu.vector_load %arg8[%get3A_594] {strides = array<i32>} : memref<32768xf32, #tpu.memory_space<vmem>>, vector<16xf32>,
      %get3A_596 = vector.shape_cast %get3A_595 : vector<16xf32> to vector<16xf32>
      %get3A_597 = arith.constant 576 : index
      %get3A_598 = tpu.vector_load %arg9[%get3A_597] {strides = array<i32>} : memref<1024xf32, #tpu.memory_space<vmem>>, vector<16xf32>,
      %get3A_599 = vector.shape_cast %get3A_598 : vector<16xf32> to vector<16xf32>
      %get3A_600 = arith.constant 576 : index
      %get3A_601 = tpu.vector_load %arg10[%get3A_600] {strides = array<i32>} : memref<1024xf32, #tpu.memory_space<vmem>>, vector<16xf32>,
      %get3A_602 = vector.shape_cast %get3A_601 : vector<16xf32> to vector<16xf32>
      %mul3A_603 = arith.mulf %get3A_596, %get3A_599 : vector<16xf32>
      %sub3A_604 = arith.subf %mul3A_603, %get3A_602 : vector<16xf32>
      %mul3A_605 = arith.mulf %get3A_596, %sub3A_604 : vector<16xf32>
      %add3A_606 = arith.addf %add3A_591, %mul3A_605 : vector<16xf32>
      %add3A_607 = arith.constant 592 : i32
      %add3A_608 = arith.addi %mul3A_52, %add3A_607 : i32
      %get3A_609 = arith.index_cast %add3A_608 : i32 to index
      %get3A_610 = tpu.vector_load %arg8[%get3A_609] {strides = array<i32>} : memref<32768xf32, #tpu.memory_space<vmem>>, vector<16xf32>,
      %get3A_611 = vector.shape_cast %get3A_610 : vector<16xf32> to vector<16xf32>
      %get3A_612 = arith.constant 592 : index
      %get3A_613 = tpu.vector_load %arg9[%get3A_612] {strides = array<i32>} : memref<1024xf32, #tpu.memory_space<vmem>>, vector<16xf32>,
      %get3A_614 = vector.shape_cast %get3A_613 : vector<16xf32> to vector<16xf32>
      %get3A_615 = arith.constant 592 : index
      %get3A_616 = tpu.vector_load %arg10[%get3A_615] {strides = array<i32>} : memref<1024xf32, #tpu.memory_space<vmem>>, vector<16xf32>,
      %get3A_617 = vector.shape_cast %get3A_616 : vector<16xf32> to vector<16xf32>
      %mul3A_618 = arith.mulf %get3A_611, %get3A_614 : vector<16xf32>
      %sub3A_619 = arith.subf %mul3A_618, %get3A_617 : vector<16xf32>
      %mul3A_620 = arith.mulf %get3A_611, %sub3A_619 : vector<16xf32>
      %add3A_621 = arith.addf %add3A_606, %mul3A_620 : vector<16xf32>
      %add3A_622 = arith.constant 608 : i32
      %add3A_623 = arith.addi %mul3A_52, %add3A_622 : i32
      %get3A_624 = arith.index_cast %add3A_623 : i32 to index
      %get3A_625 = tpu.vector_load %arg8[%get3A_624] {strides = array<i32>} : memref<32768xf32, #tpu.memory_space<vmem>>, vector<16xf32>,
      %get3A_626 = vector.shape_cast %get3A_625 : vector<16xf32> to vector<16xf32>
      %get3A_627 = arith.constant 608 : index
      %get3A_628 = tpu.vector_load %arg9[%get3A_627] {strides = array<i32>} : memref<1024xf32, #tpu.memory_space<vmem>>, vector<16xf32>,
      %get3A_629 = vector.shape_cast %get3A_628 : vector<16xf32> to vector<16xf32>
      %get3A_630 = arith.constant 608 : index
      %get3A_631 = tpu.vector_load %arg10[%get3A_630] {strides = array<i32>} : memref<1024xf32, #tpu.memory_space<vmem>>, vector<16xf32>,
      %get3A_632 = vector.shape_cast %get3A_631 : vector<16xf32> to vector<16xf32>
      %mul3A_633 = arith.mulf %get3A_626, %get3A_629 : vector<16xf32>
      %sub3A_634 = arith.subf %mul3A_633, %get3A_632 : vector<16xf32>
      %mul3A_635 = arith.mulf %get3A_626, %sub3A_634 : vector<16xf32>
      %add3A_636 = arith.addf %add3A_621, %mul3A_635 : vector<16xf32>
      %add3A_637 = arith.constant 624 : i32
      %add3A_638 = arith.addi %mul3A_52, %add3A_637 : i32
      %get3A_639 = arith.index_cast %add3A_638 : i32 to index
      %get3A_640 = tpu.vector_load %arg8[%get3A_639] {strides = array<i32>} : memref<32768xf32, #tpu.memory_space<vmem>>, vector<16xf32>,
      %get3A_641 = vector.shape_cast %get3A_640 : vector<16xf32> to vector<16xf32>
      %get3A_642 = arith.constant 624 : index
      %get3A_643 = tpu.vector_load %arg9[%get3A_642] {strides = array<i32>} : memref<1024xf32, #tpu.memory_space<vmem>>, vector<16xf32>,
      %get3A_644 = vector.shape_cast %get3A_643 : vector<16xf32> to vector<16xf32>
      %get3A_645 = arith.constant 624 : index
      %get3A_646 = tpu.vector_load %arg10[%get3A_645] {strides = array<i32>} : memref<1024xf32, #tpu.memory_space<vmem>>, vector<16xf32>,
      %get3A_647 = vector.shape_cast %get3A_646 : vector<16xf32> to vector<16xf32>
      %mul3A_648 = arith.mulf %get3A_641, %get3A_644 : vector<16xf32>
      %sub3A_649 = arith.subf %mul3A_648, %get3A_647 : vector<16xf32>
      %mul3A_650 = arith.mulf %get3A_641, %sub3A_649 : vector<16xf32>
      %add3A_651 = arith.addf %add3A_636, %mul3A_650 : vector<16xf32>
      %add3A_652 = arith.constant 640 : i32
      %add3A_653 = arith.addi %mul3A_52, %add3A_652 : i32
      %get3A_654 = arith.index_cast %add3A_653 : i32 to index
      %get3A_655 = tpu.vector_load %arg8[%get3A_654] {strides = array<i32>} : memref<32768xf32, #tpu.memory_space<vmem>>, vector<16xf32>,
      %get3A_656 = vector.shape_cast %get3A_655 : vector<16xf32> to vector<16xf32>
      %get3A_657 = arith.constant 640 : index
      %get3A_658 = tpu.vector_load %arg9[%get3A_657] {strides = array<i32>} : memref<1024xf32, #tpu.memory_space<vmem>>, vector<16xf32>,
      %get3A_659 = vector.shape_cast %get3A_658 : vector<16xf32> to vector<16xf32>
      %get3A_660 = arith.constant 640 : index
      %get3A_661 = tpu.vector_load %arg10[%get3A_660] {strides = array<i32>} : memref<1024xf32, #tpu.memory_space<vmem>>, vector<16xf32>,
      %get3A_662 = vector.shape_cast %get3A_661 : vector<16xf32> to vector<16xf32>
      %mul3A_663 = arith.mulf %get3A_656, %get3A_659 : vector<16xf32>
      %sub3A_664 = arith.subf %mul3A_663, %get3A_662 : vector<16xf32>
      %mul3A_665 = arith.mulf %get3A_656, %sub3A_664 : vector<16xf32>
      %add3A_666 = arith.addf %add3A_651, %mul3A_665 : vector<16xf32>
      %add3A_667 = arith.constant 656 : i32
      %add3A_668 = arith.addi %mul3A_52, %add3A_667 : i32
      %get3A_669 = arith.index_cast %add3A_668 : i32 to index
      %get3A_670 = tpu.vector_load %arg8[%get3A_669] {strides = array<i32>} : memref<32768xf32, #tpu.memory_space<vmem>>, vector<16xf32>,
      %get3A_671 = vector.shape_cast %get3A_670 : vector<16xf32> to vector<16xf32>
      %get3A_672 = arith.constant 656 : index
      %get3A_673 = tpu.vector_load %arg9[%get3A_672] {strides = array<i32>} : memref<1024xf32, #tpu.memory_space<vmem>>, vector<16xf32>,
      %get3A_674 = vector.shape_cast %get3A_673 : vector<16xf32> to vector<16xf32>
      %get3A_675 = arith.constant 656 : index
      %get3A_676 = tpu.vector_load %arg10[%get3A_675] {strides = array<i32>} : memref<1024xf32, #tpu.memory_space<vmem>>, vector<16xf32>,
      %get3A_677 = vector.shape_cast %get3A_676 : vector<16xf32> to vector<16xf32>
      %mul3A_678 = arith.mulf %get3A_671, %get3A_674 : vector<16xf32>
      %sub3A_679 = arith.subf %mul3A_678, %get3A_677 : vector<16xf32>
      %mul3A_680 = arith.mulf %get3A_671, %sub3A_679 : vector<16xf32>
      %add3A_681 = arith.addf %add3A_666, %mul3A_680 : vector<16xf32>
      %add3A_682 = arith.constant 672 : i32
      %add3A_683 = arith.addi %mul3A_52, %add3A_682 : i32
      %get3A_684 = arith.index_cast %add3A_683 : i32 to index
      %get3A_685 = tpu.vector_load %arg8[%get3A_684] {strides = array<i32>} : memref<32768xf32, #tpu.memory_space<vmem>>, vector<16xf32>,
      %get3A_686 = vector.shape_cast %get3A_685 : vector<16xf32> to vector<16xf32>
      %get3A_687 = arith.constant 672 : index
      %get3A_688 = tpu.vector_load %arg9[%get3A_687] {strides = array<i32>} : memref<1024xf32, #tpu.memory_space<vmem>>, vector<16xf32>,
      %get3A_689 = vector.shape_cast %get3A_688 : vector<16xf32> to vector<16xf32>
      %get3A_690 = arith.constant 672 : index
      %get3A_691 = tpu.vector_load %arg10[%get3A_690] {strides = array<i32>} : memref<1024xf32, #tpu.memory_space<vmem>>, vector<16xf32>,
      %get3A_692 = vector.shape_cast %get3A_691 : vector<16xf32> to vector<16xf32>
      %mul3A_693 = arith.mulf %get3A_686, %get3A_689 : vector<16xf32>
      %sub3A_694 = arith.subf %mul3A_693, %get3A_692 : vector<16xf32>
      %mul3A_695 = arith.mulf %get3A_686, %sub3A_694 : vector<16xf32>
      %add3A_696 = arith.addf %add3A_681, %mul3A_695 : vector<16xf32>
      %add3A_697 = arith.constant 688 : i32
      %add3A_698 = arith.addi %mul3A_52, %add3A_697 : i32
      %get3A_699 = arith.index_cast %add3A_698 : i32 to index
      %get3A_700 = tpu.vector_load %arg8[%get3A_699] {strides = array<i32>} : memref<32768xf32, #tpu.memory_space<vmem>>, vector<16xf32>,
      %get3A_701 = vector.shape_cast %get3A_700 : vector<16xf32> to vector<16xf32>
      %get3A_702 = arith.constant 688 : index
      %get3A_703 = tpu.vector_load %arg9[%get3A_702] {strides = array<i32>} : memref<1024xf32, #tpu.memory_space<vmem>>, vector<16xf32>,
      %get3A_704 = vector.shape_cast %get3A_703 : vector<16xf32> to vector<16xf32>
      %get3A_705 = arith.constant 688 : index
      %get3A_706 = tpu.vector_load %arg10[%get3A_705] {strides = array<i32>} : memref<1024xf32, #tpu.memory_space<vmem>>, vector<16xf32>,
      %get3A_707 = vector.shape_cast %get3A_706 : vector<16xf32> to vector<16xf32>
      %mul3A_708 = arith.mulf %get3A_701, %get3A_704 : vector<16xf32>
      %sub3A_709 = arith.subf %mul3A_708, %get3A_707 : vector<16xf32>
      %mul3A_710 = arith.mulf %get3A_701, %sub3A_709 : vector<16xf32>
      %add3A_711 = arith.addf %add3A_696, %mul3A_710 : vector<16xf32>
      %add3A_712 = arith.constant 704 : i32
      %add3A_713 = arith.addi %mul3A_52, %add3A_712 : i32
      %get3A_714 = arith.index_cast %add3A_713 : i32 to index
      %get3A_715 = tpu.vector_load %arg8[%get3A_714] {strides = array<i32>} : memref<32768xf32, #tpu.memory_space<vmem>>, vector<16xf32>,
      %get3A_716 = vector.shape_cast %get3A_715 : vector<16xf32> to vector<16xf32>
      %get3A_717 = arith.constant 704 : index
      %get3A_718 = tpu.vector_load %arg9[%get3A_717] {strides = array<i32>} : memref<1024xf32, #tpu.memory_space<vmem>>, vector<16xf32>,
      %get3A_719 = vector.shape_cast %get3A_718 : vector<16xf32> to vector<16xf32>
      %get3A_720 = arith.constant 704 : index
      %get3A_721 = tpu.vector_load %arg10[%get3A_720] {strides = array<i32>} : memref<1024xf32, #tpu.memory_space<vmem>>, vector<16xf32>,
      %get3A_722 = vector.shape_cast %get3A_721 : vector<16xf32> to vector<16xf32>
      %mul3A_723 = arith.mulf %get3A_716, %get3A_719 : vector<16xf32>
      %sub3A_724 = arith.subf %mul3A_723, %get3A_722 : vector<16xf32>
      %mul3A_725 = arith.mulf %get3A_716, %sub3A_724 : vector<16xf32>
      %add3A_726 = arith.addf %add3A_711, %mul3A_725 : vector<16xf32>
      %add3A_727 = arith.constant 720 : i32
      %add3A_728 = arith.addi %mul3A_52, %add3A_727 : i32
      %get3A_729 = arith.index_cast %add3A_728 : i32 to index
      %get3A_730 = tpu.vector_load %arg8[%get3A_729] {strides = array<i32>} : memref<32768xf32, #tpu.memory_space<vmem>>, vector<16xf32>,
      %get3A_731 = vector.shape_cast %get3A_730 : vector<16xf32> to vector<16xf32>
      %get3A_732 = arith.constant 720 : index
      %get3A_733 = tpu.vector_load %arg9[%get3A_732] {strides = array<i32>} : memref<1024xf32, #tpu.memory_space<vmem>>, vector<16xf32>,
      %get3A_734 = vector.shape_cast %get3A_733 : vector<16xf32> to vector<16xf32>
      %get3A_735 = arith.constant 720 : index
      %get3A_736 = tpu.vector_load %arg10[%get3A_735] {strides = array<i32>} : memref<1024xf32, #tpu.memory_space<vmem>>, vector<16xf32>,
      %get3A_737 = vector.shape_cast %get3A_736 : vector<16xf32> to vector<16xf32>
      %mul3A_738 = arith.mulf %get3A_731, %get3A_734 : vector<16xf32>
      %sub3A_739 = arith.subf %mul3A_738, %get3A_737 : vector<16xf32>
      %mul3A_740 = arith.mulf %get3A_731, %sub3A_739 : vector<16xf32>
      %add3A_741 = arith.addf %add3A_726, %mul3A_740 : vector<16xf32>
      %add3A_742 = arith.constant 736 : i32
      %add3A_743 = arith.addi %mul3A_52, %add3A_742 : i32
      %get3A_744 = arith.index_cast %add3A_743 : i32 to index
      %get3A_745 = tpu.vector_load %arg8[%get3A_744] {strides = array<i32>} : memref<32768xf32, #tpu.memory_space<vmem>>, vector<16xf32>,
      %get3A_746 = vector.shape_cast %get3A_745 : vector<16xf32> to vector<16xf32>
      %get3A_747 = arith.constant 736 : index
      %get3A_748 = tpu.vector_load %arg9[%get3A_747] {strides = array<i32>} : memref<1024xf32, #tpu.memory_space<vmem>>, vector<16xf32>,
      %get3A_749 = vector.shape_cast %get3A_748 : vector<16xf32> to vector<16xf32>
      %get3A_750 = arith.constant 736 : index
      %get3A_751 = tpu.vector_load %arg10[%get3A_750] {strides = array<i32>} : memref<1024xf32, #tpu.memory_space<vmem>>, vector<16xf32>,
      %get3A_752 = vector.shape_cast %get3A_751 : vector<16xf32> to vector<16xf32>
      %mul3A_753 = arith.mulf %get3A_746, %get3A_749 : vector<16xf32>
      %sub3A_754 = arith.subf %mul3A_753, %get3A_752 : vector<16xf32>
      %mul3A_755 = arith.mulf %get3A_746, %sub3A_754 : vector<16xf32>
      %add3A_756 = arith.addf %add3A_741, %mul3A_755 : vector<16xf32>
      %add3A_757 = arith.constant 752 : i32
      %add3A_758 = arith.addi %mul3A_52, %add3A_757 : i32
      %get3A_759 = arith.index_cast %add3A_758 : i32 to index
      %get3A_760 = tpu.vector_load %arg8[%get3A_759] {strides = array<i32>} : memref<32768xf32, #tpu.memory_space<vmem>>, vector<16xf32>,
      %get3A_761 = vector.shape_cast %get3A_760 : vector<16xf32> to vector<16xf32>
      %get3A_762 = arith.constant 752 : index
      %get3A_763 = tpu.vector_load %arg9[%get3A_762] {strides = array<i32>} : memref<1024xf32, #tpu.memory_space<vmem>>, vector<16xf32>,
      %get3A_764 = vector.shape_cast %get3A_763 : vector<16xf32> to vector<16xf32>
      %get3A_765 = arith.constant 752 : index
      %get3A_766 = tpu.vector_load %arg10[%get3A_765] {strides = array<i32>} : memref<1024xf32, #tpu.memory_space<vmem>>, vector<16xf32>,
      %get3A_767 = vector.shape_cast %get3A_766 : vector<16xf32> to vector<16xf32>
      %mul3A_768 = arith.mulf %get3A_761, %get3A_764 : vector<16xf32>
      %sub3A_769 = arith.subf %mul3A_768, %get3A_767 : vector<16xf32>
      %mul3A_770 = arith.mulf %get3A_761, %sub3A_769 : vector<16xf32>
      %add3A_771 = arith.addf %add3A_756, %mul3A_770 : vector<16xf32>
      %add3A_772 = arith.constant 768 : i32
      %add3A_773 = arith.addi %mul3A_52, %add3A_772 : i32
      %get3A_774 = arith.index_cast %add3A_773 : i32 to index
      %get3A_775 = tpu.vector_load %arg8[%get3A_774] {strides = array<i32>} : memref<32768xf32, #tpu.memory_space<vmem>>, vector<16xf32>,
      %get3A_776 = vector.shape_cast %get3A_775 : vector<16xf32> to vector<16xf32>
      %get3A_777 = arith.constant 768 : index
      %get3A_778 = tpu.vector_load %arg9[%get3A_777] {strides = array<i32>} : memref<1024xf32, #tpu.memory_space<vmem>>, vector<16xf32>,
      %get3A_779 = vector.shape_cast %get3A_778 : vector<16xf32> to vector<16xf32>
      %get3A_780 = arith.constant 768 : index
      %get3A_781 = tpu.vector_load %arg10[%get3A_780] {strides = array<i32>} : memref<1024xf32, #tpu.memory_space<vmem>>, vector<16xf32>,
      %get3A_782 = vector.shape_cast %get3A_781 : vector<16xf32> to vector<16xf32>
      %mul3A_783 = arith.mulf %get3A_776, %get3A_779 : vector<16xf32>
      %sub3A_784 = arith.subf %mul3A_783, %get3A_782 : vector<16xf32>
      %mul3A_785 = arith.mulf %get3A_776, %sub3A_784 : vector<16xf32>
      %add3A_786 = arith.addf %add3A_771, %mul3A_785 : vector<16xf32>
      %add3A_787 = arith.constant 784 : i32
      %add3A_788 = arith.addi %mul3A_52, %add3A_787 : i32
      %get3A_789 = arith.index_cast %add3A_788 : i32 to index
      %get3A_790 = tpu.vector_load %arg8[%get3A_789] {strides = array<i32>} : memref<32768xf32, #tpu.memory_space<vmem>>, vector<16xf32>,
      %get3A_791 = vector.shape_cast %get3A_790 : vector<16xf32> to vector<16xf32>
      %get3A_792 = arith.constant 784 : index
      %get3A_793 = tpu.vector_load %arg9[%get3A_792] {strides = array<i32>} : memref<1024xf32, #tpu.memory_space<vmem>>, vector<16xf32>,
      %get3A_794 = vector.shape_cast %get3A_793 : vector<16xf32> to vector<16xf32>
      %get3A_795 = arith.constant 784 : index
      %get3A_796 = tpu.vector_load %arg10[%get3A_795] {strides = array<i32>} : memref<1024xf32, #tpu.memory_space<vmem>>, vector<16xf32>,
      %get3A_797 = vector.shape_cast %get3A_796 : vector<16xf32> to vector<16xf32>
      %mul3A_798 = arith.mulf %get3A_791, %get3A_794 : vector<16xf32>
      %sub3A_799 = arith.subf %mul3A_798, %get3A_797 : vector<16xf32>
      %mul3A_800 = arith.mulf %get3A_791, %sub3A_799 : vector<16xf32>
      %add3A_801 = arith.addf %add3A_786, %mul3A_800 : vector<16xf32>
      %add3A_802 = arith.constant 800 : i32
      %add3A_803 = arith.addi %mul3A_52, %add3A_802 : i32
      %get3A_804 = arith.index_cast %add3A_803 : i32 to index
      %get3A_805 = tpu.vector_load %arg8[%get3A_804] {strides = array<i32>} : memref<32768xf32, #tpu.memory_space<vmem>>, vector<16xf32>,
      %get3A_806 = vector.shape_cast %get3A_805 : vector<16xf32> to vector<16xf32>
      %get3A_807 = arith.constant 800 : index
      %get3A_808 = tpu.vector_load %arg9[%get3A_807] {strides = array<i32>} : memref<1024xf32, #tpu.memory_space<vmem>>, vector<16xf32>,
      %get3A_809 = vector.shape_cast %get3A_808 : vector<16xf32> to vector<16xf32>
      %get3A_810 = arith.constant 800 : index
      %get3A_811 = tpu.vector_load %arg10[%get3A_810] {strides = array<i32>} : memref<1024xf32, #tpu.memory_space<vmem>>, vector<16xf32>,
      %get3A_812 = vector.shape_cast %get3A_811 : vector<16xf32> to vector<16xf32>
      %mul3A_813 = arith.mulf %get3A_806, %get3A_809 : vector<16xf32>
      %sub3A_814 = arith.subf %mul3A_813, %get3A_812 : vector<16xf32>
      %mul3A_815 = arith.mulf %get3A_806, %sub3A_814 : vector<16xf32>
      %add3A_816 = arith.addf %add3A_801, %mul3A_815 : vector<16xf32>
      %add3A_817 = arith.constant 816 : i32
      %add3A_818 = arith.addi %mul3A_52, %add3A_817 : i32
      %get3A_819 = arith.index_cast %add3A_818 : i32 to index
      %get3A_820 = tpu.vector_load %arg8[%get3A_819] {strides = array<i32>} : memref<32768xf32, #tpu.memory_space<vmem>>, vector<16xf32>,
      %get3A_821 = vector.shape_cast %get3A_820 : vector<16xf32> to vector<16xf32>
      %get3A_822 = arith.constant 816 : index
      %get3A_823 = tpu.vector_load %arg9[%get3A_822] {strides = array<i32>} : memref<1024xf32, #tpu.memory_space<vmem>>, vector<16xf32>,
      %get3A_824 = vector.shape_cast %get3A_823 : vector<16xf32> to vector<16xf32>
      %get3A_825 = arith.constant 816 : index
      %get3A_826 = tpu.vector_load %arg10[%get3A_825] {strides = array<i32>} : memref<1024xf32, #tpu.memory_space<vmem>>, vector<16xf32>,
      %get3A_827 = vector.shape_cast %get3A_826 : vector<16xf32> to vector<16xf32>
      %mul3A_828 = arith.mulf %get3A_821, %get3A_824 : vector<16xf32>
      %sub3A_829 = arith.subf %mul3A_828, %get3A_827 : vector<16xf32>
      %mul3A_830 = arith.mulf %get3A_821, %sub3A_829 : vector<16xf32>
      %add3A_831 = arith.addf %add3A_816, %mul3A_830 : vector<16xf32>
      %add3A_832 = arith.constant 832 : i32
      %add3A_833 = arith.addi %mul3A_52, %add3A_832 : i32
      %get3A_834 = arith.index_cast %add3A_833 : i32 to index
      %get3A_835 = tpu.vector_load %arg8[%get3A_834] {strides = array<i32>} : memref<32768xf32, #tpu.memory_space<vmem>>, vector<16xf32>,
      %get3A_836 = vector.shape_cast %get3A_835 : vector<16xf32> to vector<16xf32>
      %get3A_837 = arith.constant 832 : index
      %get3A_838 = tpu.vector_load %arg9[%get3A_837] {strides = array<i32>} : memref<1024xf32, #tpu.memory_space<vmem>>, vector<16xf32>,
      %get3A_839 = vector.shape_cast %get3A_838 : vector<16xf32> to vector<16xf32>
      %get3A_840 = arith.constant 832 : index
      %get3A_841 = tpu.vector_load %arg10[%get3A_840] {strides = array<i32>} : memref<1024xf32, #tpu.memory_space<vmem>>, vector<16xf32>,
      %get3A_842 = vector.shape_cast %get3A_841 : vector<16xf32> to vector<16xf32>
      %mul3A_843 = arith.mulf %get3A_836, %get3A_839 : vector<16xf32>
      %sub3A_844 = arith.subf %mul3A_843, %get3A_842 : vector<16xf32>
      %mul3A_845 = arith.mulf %get3A_836, %sub3A_844 : vector<16xf32>
      %add3A_846 = arith.addf %add3A_831, %mul3A_845 : vector<16xf32>
      %add3A_847 = arith.constant 848 : i32
      %add3A_848 = arith.addi %mul3A_52, %add3A_847 : i32
      %get3A_849 = arith.index_cast %add3A_848 : i32 to index
      %get3A_850 = tpu.vector_load %arg8[%get3A_849] {strides = array<i32>} : memref<32768xf32, #tpu.memory_space<vmem>>, vector<16xf32>,
      %get3A_851 = vector.shape_cast %get3A_850 : vector<16xf32> to vector<16xf32>
      %get3A_852 = arith.constant 848 : index
      %get3A_853 = tpu.vector_load %arg9[%get3A_852] {strides = array<i32>} : memref<1024xf32, #tpu.memory_space<vmem>>, vector<16xf32>,
      %get3A_854 = vector.shape_cast %get3A_853 : vector<16xf32> to vector<16xf32>
      %get3A_855 = arith.constant 848 : index
      %get3A_856 = tpu.vector_load %arg10[%get3A_855] {strides = array<i32>} : memref<1024xf32, #tpu.memory_space<vmem>>, vector<16xf32>,
      %get3A_857 = vector.shape_cast %get3A_856 : vector<16xf32> to vector<16xf32>
      %mul3A_858 = arith.mulf %get3A_851, %get3A_854 : vector<16xf32>
      %sub3A_859 = arith.subf %mul3A_858, %get3A_857 : vector<16xf32>
      %mul3A_860 = arith.mulf %get3A_851, %sub3A_859 : vector<16xf32>
      %add3A_861 = arith.addf %add3A_846, %mul3A_860 : vector<16xf32>
      %add3A_862 = arith.constant 864 : i32
      %add3A_863 = arith.addi %mul3A_52, %add3A_862 : i32
      %get3A_864 = arith.index_cast %add3A_863 : i32 to index
      %get3A_865 = tpu.vector_load %arg8[%get3A_864] {strides = array<i32>} : memref<32768xf32, #tpu.memory_space<vmem>>, vector<16xf32>,
      %get3A_866 = vector.shape_cast %get3A_865 : vector<16xf32> to vector<16xf32>
      %get3A_867 = arith.constant 864 : index
      %get3A_868 = tpu.vector_load %arg9[%get3A_867] {strides = array<i32>} : memref<1024xf32, #tpu.memory_space<vmem>>, vector<16xf32>,
      %get3A_869 = vector.shape_cast %get3A_868 : vector<16xf32> to vector<16xf32>
      %get3A_870 = arith.constant 864 : index
      %get3A_871 = tpu.vector_load %arg10[%get3A_870] {strides = array<i32>} : memref<1024xf32, #tpu.memory_space<vmem>>, vector<16xf32>,
      %get3A_872 = vector.shape_cast %get3A_871 : vector<16xf32> to vector<16xf32>
      %mul3A_873 = arith.mulf %get3A_866, %get3A_869 : vector<16xf32>
      %sub3A_874 = arith.subf %mul3A_873, %get3A_872 : vector<16xf32>
      %mul3A_875 = arith.mulf %get3A_866, %sub3A_874 : vector<16xf32>
      %add3A_876 = arith.addf %add3A_861, %mul3A_875 : vector<16xf32>
      %add3A_877 = arith.constant 880 : i32
      %add3A_878 = arith.addi %mul3A_52, %add3A_877 : i32
      %get3A_879 = arith.index_cast %add3A_878 : i32 to index
      %get3A_880 = tpu.vector_load %arg8[%get3A_879] {strides = array<i32>} : memref<32768xf32, #tpu.memory_space<vmem>>, vector<16xf32>,
      %get3A_881 = vector.shape_cast %get3A_880 : vector<16xf32> to vector<16xf32>
      %get3A_882 = arith.constant 880 : index
      %get3A_883 = tpu.vector_load %arg9[%get3A_882] {strides = array<i32>} : memref<1024xf32, #tpu.memory_space<vmem>>, vector<16xf32>,
      %get3A_884 = vector.shape_cast %get3A_883 : vector<16xf32> to vector<16xf32>
      %get3A_885 = arith.constant 880 : index
      %get3A_886 = tpu.vector_load %arg10[%get3A_885] {strides = array<i32>} : memref<1024xf32, #tpu.memory_space<vmem>>, vector<16xf32>,
      %get3A_887 = vector.shape_cast %get3A_886 : vector<16xf32> to vector<16xf32>
      %mul3A_888 = arith.mulf %get3A_881, %get3A_884 : vector<16xf32>
      %sub3A_889 = arith.subf %mul3A_888, %get3A_887 : vector<16xf32>
      %mul3A_890 = arith.mulf %get3A_881, %sub3A_889 : vector<16xf32>
      %add3A_891 = arith.addf %add3A_876, %mul3A_890 : vector<16xf32>
      %add3A_892 = arith.constant 896 : i32
      %add3A_893 = arith.addi %mul3A_52, %add3A_892 : i32
      %get3A_894 = arith.index_cast %add3A_893 : i32 to index
      %get3A_895 = tpu.vector_load %arg8[%get3A_894] {strides = array<i32>} : memref<32768xf32, #tpu.memory_space<vmem>>, vector<16xf32>,
      %get3A_896 = vector.shape_cast %get3A_895 : vector<16xf32> to vector<16xf32>
      %get3A_897 = arith.constant 896 : index
      %get3A_898 = tpu.vector_load %arg9[%get3A_897] {strides = array<i32>} : memref<1024xf32, #tpu.memory_space<vmem>>, vector<16xf32>,
      %get3A_899 = vector.shape_cast %get3A_898 : vector<16xf32> to vector<16xf32>
      %get3A_900 = arith.constant 896 : index
      %get3A_901 = tpu.vector_load %arg10[%get3A_900] {strides = array<i32>} : memref<1024xf32, #tpu.memory_space<vmem>>, vector<16xf32>,
      %get3A_902 = vector.shape_cast %get3A_901 : vector<16xf32> to vector<16xf32>
      %mul3A_903 = arith.mulf %get3A_896, %get3A_899 : vector<16xf32>
      %sub3A_904 = arith.subf %mul3A_903, %get3A_902 : vector<16xf32>
      %mul3A_905 = arith.mulf %get3A_896, %sub3A_904 : vector<16xf32>
      %add3A_906 = arith.addf %add3A_891, %mul3A_905 : vector<16xf32>
      %add3A_907 = arith.constant 912 : i32
      %add3A_908 = arith.addi %mul3A_52, %add3A_907 : i32
      %get3A_909 = arith.index_cast %add3A_908 : i32 to index
      %get3A_910 = tpu.vector_load %arg8[%get3A_909] {strides = array<i32>} : memref<32768xf32, #tpu.memory_space<vmem>>, vector<16xf32>,
      %get3A_911 = vector.shape_cast %get3A_910 : vector<16xf32> to vector<16xf32>
      %get3A_912 = arith.constant 912 : index
      %get3A_913 = tpu.vector_load %arg9[%get3A_912] {strides = array<i32>} : memref<1024xf32, #tpu.memory_space<vmem>>, vector<16xf32>,
      %get3A_914 = vector.shape_cast %get3A_913 : vector<16xf32> to vector<16xf32>
      %get3A_915 = arith.constant 912 : index
      %get3A_916 = tpu.vector_load %arg10[%get3A_915] {strides = array<i32>} : memref<1024xf32, #tpu.memory_space<vmem>>, vector<16xf32>,
      %get3A_917 = vector.shape_cast %get3A_916 : vector<16xf32> to vector<16xf32>
      %mul3A_918 = arith.mulf %get3A_911, %get3A_914 : vector<16xf32>
      %sub3A_919 = arith.subf %mul3A_918, %get3A_917 : vector<16xf32>
      %mul3A_920 = arith.mulf %get3A_911, %sub3A_919 : vector<16xf32>
      %add3A_921 = arith.addf %add3A_906, %mul3A_920 : vector<16xf32>
      %add3A_922 = arith.constant 928 : i32
      %add3A_923 = arith.addi %mul3A_52, %add3A_922 : i32
      %get3A_924 = arith.index_cast %add3A_923 : i32 to index
      %get3A_925 = tpu.vector_load %arg8[%get3A_924] {strides = array<i32>} : memref<32768xf32, #tpu.memory_space<vmem>>, vector<16xf32>,
      %get3A_926 = vector.shape_cast %get3A_925 : vector<16xf32> to vector<16xf32>
      %get3A_927 = arith.constant 928 : index
      %get3A_928 = tpu.vector_load %arg9[%get3A_927] {strides = array<i32>} : memref<1024xf32, #tpu.memory_space<vmem>>, vector<16xf32>,
      %get3A_929 = vector.shape_cast %get3A_928 : vector<16xf32> to vector<16xf32>
      %get3A_930 = arith.constant 928 : index
      %get3A_931 = tpu.vector_load %arg10[%get3A_930] {strides = array<i32>} : memref<1024xf32, #tpu.memory_space<vmem>>, vector<16xf32>,
      %get3A_932 = vector.shape_cast %get3A_931 : vector<16xf32> to vector<16xf32>
      %mul3A_933 = arith.mulf %get3A_926, %get3A_929 : vector<16xf32>
      %sub3A_934 = arith.subf %mul3A_933, %get3A_932 : vector<16xf32>
      %mul3A_935 = arith.mulf %get3A_926, %sub3A_934 : vector<16xf32>
      %add3A_936 = arith.addf %add3A_921, %mul3A_935 : vector<16xf32>
      %add3A_937 = arith.constant 944 : i32
      %add3A_938 = arith.addi %mul3A_52, %add3A_937 : i32
      %get3A_939 = arith.index_cast %add3A_938 : i32 to index
      %get3A_940 = tpu.vector_load %arg8[%get3A_939] {strides = array<i32>} : memref<32768xf32, #tpu.memory_space<vmem>>, vector<16xf32>,
      %get3A_941 = vector.shape_cast %get3A_940 : vector<16xf32> to vector<16xf32>
      %get3A_942 = arith.constant 944 : index
      %get3A_943 = tpu.vector_load %arg9[%get3A_942] {strides = array<i32>} : memref<1024xf32, #tpu.memory_space<vmem>>, vector<16xf32>,
      %get3A_944 = vector.shape_cast %get3A_943 : vector<16xf32> to vector<16xf32>
      %get3A_945 = arith.constant 944 : index
      %get3A_946 = tpu.vector_load %arg10[%get3A_945] {strides = array<i32>} : memref<1024xf32, #tpu.memory_space<vmem>>, vector<16xf32>,
      %get3A_947 = vector.shape_cast %get3A_946 : vector<16xf32> to vector<16xf32>
      %mul3A_948 = arith.mulf %get3A_941, %get3A_944 : vector<16xf32>
      %sub3A_949 = arith.subf %mul3A_948, %get3A_947 : vector<16xf32>
      %mul3A_950 = arith.mulf %get3A_941, %sub3A_949 : vector<16xf32>
      %add3A_951 = arith.addf %add3A_936, %mul3A_950 : vector<16xf32>
      %add3A_952 = arith.constant 960 : i32
      %add3A_953 = arith.addi %mul3A_52, %add3A_952 : i32
      %get3A_954 = arith.index_cast %add3A_953 : i32 to index
      %get3A_955 = tpu.vector_load %arg8[%get3A_954] {strides = array<i32>} : memref<32768xf32, #tpu.memory_space<vmem>>, vector<16xf32>,
      %get3A_956 = vector.shape_cast %get3A_955 : vector<16xf32> to vector<16xf32>
      %get3A_957 = arith.constant 960 : index
      %get3A_958 = tpu.vector_load %arg9[%get3A_957] {strides = array<i32>} : memref<1024xf32, #tpu.memory_space<vmem>>, vector<16xf32>,
      %get3A_959 = vector.shape_cast %get3A_958 : vector<16xf32> to vector<16xf32>
      %get3A_960 = arith.constant 960 : index
      %get3A_961 = tpu.vector_load %arg10[%get3A_960] {strides = array<i32>} : memref<1024xf32, #tpu.memory_space<vmem>>, vector<16xf32>,
      %get3A_962 = vector.shape_cast %get3A_961 : vector<16xf32> to vector<16xf32>
      %mul3A_963 = arith.mulf %get3A_956, %get3A_959 : vector<16xf32>
      %sub3A_964 = arith.subf %mul3A_963, %get3A_962 : vector<16xf32>
      %mul3A_965 = arith.mulf %get3A_956, %sub3A_964 : vector<16xf32>
      %add3A_966 = arith.addf %add3A_951, %mul3A_965 : vector<16xf32>
      %add3A_967 = arith.constant 976 : i32
      %add3A_968 = arith.addi %mul3A_52, %add3A_967 : i32
      %get3A_969 = arith.index_cast %add3A_968 : i32 to index
      %get3A_970 = tpu.vector_load %arg8[%get3A_969] {strides = array<i32>} : memref<32768xf32, #tpu.memory_space<vmem>>, vector<16xf32>,
      %get3A_971 = vector.shape_cast %get3A_970 : vector<16xf32> to vector<16xf32>
      %get3A_972 = arith.constant 976 : index
      %get3A_973 = tpu.vector_load %arg9[%get3A_972] {strides = array<i32>} : memref<1024xf32, #tpu.memory_space<vmem>>, vector<16xf32>,
      %get3A_974 = vector.shape_cast %get3A_973 : vector<16xf32> to vector<16xf32>
      %get3A_975 = arith.constant 976 : index
      %get3A_976 = tpu.vector_load %arg10[%get3A_975] {strides = array<i32>} : memref<1024xf32, #tpu.memory_space<vmem>>, vector<16xf32>,
      %get3A_977 = vector.shape_cast %get3A_976 : vector<16xf32> to vector<16xf32>
      %mul3A_978 = arith.mulf %get3A_971, %get3A_974 : vector<16xf32>
      %sub3A_979 = arith.subf %mul3A_978, %get3A_977 : vector<16xf32>
      %mul3A_980 = arith.mulf %get3A_971, %sub3A_979 : vector<16xf32>
      %add3A_981 = arith.addf %add3A_966, %mul3A_980 : vector<16xf32>
      %add3A_982 = arith.constant 992 : i32
      %add3A_983 = arith.addi %mul3A_52, %add3A_982 : i32
      %get3A_984 = arith.index_cast %add3A_983 : i32 to index
      %get3A_985 = tpu.vector_load %arg8[%get3A_984] {strides = array<i32>} : memref<32768xf32, #tpu.memory_space<vmem>>, vector<16xf32>,
      %get3A_986 = vector.shape_cast %get3A_985 : vector<16xf32> to vector<16xf32>
      %get3A_987 = arith.constant 992 : index
      %get3A_988 = tpu.vector_load %arg9[%get3A_987] {strides = array<i32>} : memref<1024xf32, #tpu.memory_space<vmem>>, vector<16xf32>,
      %get3A_989 = vector.shape_cast %get3A_988 : vector<16xf32> to vector<16xf32>
      %get3A_990 = arith.constant 992 : index
      %get3A_991 = tpu.vector_load %arg10[%get3A_990] {strides = array<i32>} : memref<1024xf32, #tpu.memory_space<vmem>>, vector<16xf32>,
      %get3A_992 = vector.shape_cast %get3A_991 : vector<16xf32> to vector<16xf32>
      %mul3A_993 = arith.mulf %get3A_986, %get3A_989 : vector<16xf32>
      %sub3A_994 = arith.subf %mul3A_993, %get3A_992 : vector<16xf32>
      %mul3A_995 = arith.mulf %get3A_986, %sub3A_994 : vector<16xf32>
      %add3A_996 = arith.addf %add3A_981, %mul3A_995 : vector<16xf32>
      %add3A_997 = arith.constant 1008 : i32
      %add3A_998 = arith.addi %mul3A_52, %add3A_997 : i32
      %get3A_999 = arith.index_cast %add3A_998 : i32 to index
      %get3A_1000 = tpu.vector_load %arg8[%get3A_999] {strides = array<i32>} : memref<32768xf32, #tpu.memory_space<vmem>>, vector<16xf32>,
      %get3A_1001 = vector.shape_cast %get3A_1000 : vector<16xf32> to vector<16xf32>
      %get3A_1002 = arith.constant 1008 : index
      %get3A_1003 = tpu.vector_load %arg9[%get3A_1002] {strides = array<i32>} : memref<1024xf32, #tpu.memory_space<vmem>>, vector<16xf32>,
      %get3A_1004 = vector.shape_cast %get3A_1003 : vector<16xf32> to vector<16xf32>
      %get3A_1005 = arith.constant 1008 : index
      %get3A_1006 = tpu.vector_load %arg10[%get3A_1005] {strides = array<i32>} : memref<1024xf32, #tpu.memory_space<vmem>>, vector<16xf32>,
      %get3A_1007 = vector.shape_cast %get3A_1006 : vector<16xf32> to vector<16xf32>
      %mul3A_1008 = arith.mulf %get3A_1001, %get3A_1004 : vector<16xf32>
      %sub3A_1009 = arith.subf %mul3A_1008, %get3A_1007 : vector<16xf32>
      %mul3A_1010 = arith.mulf %get3A_1001, %sub3A_1009 : vector<16xf32>
      %add3A_1011 = arith.addf %add3A_996, %mul3A_1010 : vector<16xf32>
      %xor3A = arith.constant 8 : i32
      %xor3A_1012 = vector.broadcast %xor3A : i32 to vector<16xi32>
      %xor3A_1013 = arith.xori %iota3A, %xor3A_1012 : vector<16xi32>
      %broadcast_in_dim3A_1014 = vector.shape_cast %xor3A_1013 : vector<16xi32> to vector<16x1xi32>
      %gather3A = vector.shape_cast %broadcast_in_dim3A_1014 : vector<16x1xi32> to vector<16xi32>
      %gather3A_1015 = tpu.dynamic_gather %add3A_1011[%gather3A] in [0] : vector<16xf32>, vector<16xi32> -> vector<16xf32>
      %add3A_1016 = arith.addf %add3A_1011, %gather3A_1015 : vector<16xf32>
      %xor3A_1017 = arith.constant 4 : i32
      %xor3A_1018 = vector.broadcast %xor3A_1017 : i32 to vector<16xi32>
      %xor3A_1019 = arith.xori %iota3A, %xor3A_1018 : vector<16xi32>
      %broadcast_in_dim3A_1020 = vector.shape_cast %xor3A_1019 : vector<16xi32> to vector<16x1xi32>
      %gather3A_1021 = vector.shape_cast %broadcast_in_dim3A_1020 : vector<16x1xi32> to vector<16xi32>
      %gather3A_1022 = tpu.dynamic_gather %add3A_1016[%gather3A_1021] in [0] : vector<16xf32>, vector<16xi32> -> vector<16xf32>
      %add3A_1023 = arith.addf %add3A_1016, %gather3A_1022 : vector<16xf32>
      %xor3A_1024 = arith.constant 2 : i32
      %xor3A_1025 = vector.broadcast %xor3A_1024 : i32 to vector<16xi32>
      %xor3A_1026 = arith.xori %iota3A, %xor3A_1025 : vector<16xi32>
      %broadcast_in_dim3A_1027 = vector.shape_cast %xor3A_1026 : vector<16xi32> to vector<16x1xi32>
      %gather3A_1028 = vector.shape_cast %broadcast_in_dim3A_1027 : vector<16x1xi32> to vector<16xi32>
      %gather3A_1029 = tpu.dynamic_gather %add3A_1023[%gather3A_1028] in [0] : vector<16xf32>, vector<16xi32> -> vector<16xf32>
      %add3A_1030 = arith.addf %add3A_1023, %gather3A_1029 : vector<16xf32>
      %xor3A_1031 = arith.constant 1 : i32
      %xor3A_1032 = vector.broadcast %xor3A_1031 : i32 to vector<16xi32>
      %xor3A_1033 = arith.xori %iota3A, %xor3A_1032 : vector<16xi32>
      %broadcast_in_dim3A_1034 = vector.shape_cast %xor3A_1033 : vector<16xi32> to vector<16x1xi32>
      %gather3A_1035 = vector.shape_cast %broadcast_in_dim3A_1034 : vector<16x1xi32> to vector<16xi32>
      %gather3A_1036 = tpu.dynamic_gather %add3A_1030[%gather3A_1035] in [0] : vector<16xf32>, vector<16xi32> -> vector<16xf32>
      %add3A_1037 = arith.addf %add3A_1030, %gather3A_1036 : vector<16xf32>
      %eq3A = vector.broadcast %scan3A_46 : i32 to vector<16xi32>
      %eq3A_1038 = arith.cmpi eq, %iota3A, %eq3A : vector<16xi32>
      %select_n3A = arith.select %eq3A_1038, %add3A_1037, %scan3A_47 : vector<16xi1>, vector<16xf32>
      %add3A_1039 = arith.addf %scan3A_48, %add3A_1011 : vector<16xf32>
      scf.yield %select_n3A, %add3A_1039 : vector<16xf32>, vector<16xf32>
    }
    %scan3A_28 = arith.constant 16 : i32
    %add3A_29 = vector.broadcast %squeeze3A : f32 to vector<16xf32>
    %add3A_30 = arith.addf %scan3A_27#0, %add3A_29 : vector<16xf32>
    %mul3A_31 = arith.constant -5.000000e-01 : f32
    %mul3A_32 = vector.broadcast %mul3A_31 : f32 to vector<16xf32>
    %mul3A_33 = arith.mulf %mul3A_32, %add3A_30 : vector<16xf32>
    %swap3A_34 = arith.constant 16 : index
    %swap3A_35 = tpu.vector_load %arg12[%swap3A_34] {strides = array<i32>} : memref<32xf32, #tpu.memory_space<vmem>>, vector<16xf32>,
    %swap3A_36 = vector.shape_cast %swap3A_35 : vector<16xf32> to vector<16xf32>
    %swap3A_37 = vector.shape_cast %mul3A_33 : vector<16xf32> to vector<16xf32>
    tpu.vector_store %arg12[%swap3A_34], %swap3A_37 {strides = array<i32>} : memref<32xf32, #tpu.memory_space<vmem>>, vector<16xf32>,
    %swap3A_38 = arith.constant 0 : index
    %swap3A_39 = tpu.vector_load %arg13[%swap3A_38] {strides = array<i32>} : memref<16xf32, #tpu.memory_space<vmem>>, vector<16xf32>,
    %swap3A_40 = vector.shape_cast %swap3A_39 : vector<16xf32> to vector<16xf32>
    %swap3A_41 = vector.shape_cast %scan3A_27#1 : vector<16xf32> to vector<16xf32>
    tpu.vector_store %arg13[%swap3A_38], %swap3A_41 {strides = array<i32>} : memref<16xf32, #tpu.memory_space<vmem>>, vector<16xf32>,
    %mul3A_42 = arith.constant 32 : i32
    %mul3A_43 = arith.muli %add3A, %mul3A_42 : i32
    "tpu.region"() ({
      %run_scoped3A = tpu.sem_alloc : memref<!tpu.dma_semaphore, #tpu.memory_space<semaphore_mem>>
      %dma_start3A = tpu.memref_slice %arg6[%mul3A_43] : memref<1024xf32, #tpu.memory_space<hbm>> -> memref<32xf32, #tpu.memory_space<hbm>>
      %dma_start3A_46 = tpu.memref_slice %arg6[%mul3A_43] : memref<1024xf32, #tpu.memory_space<hbm>> -> memref<32xf32, #tpu.memory_space<hbm>>
      tpu.enqueue_dma source(%arg12 : memref<32xf32, #tpu.memory_space<vmem>>) target(%dma_start3A_46 : memref<32xf32, #tpu.memory_space<hbm>>) target_semaphore(%run_scoped3A : memref<!tpu.dma_semaphore, #tpu.memory_space<semaphore_mem>>)
      %dma_wait3A = tpu.memref_slice %arg6[%mul3A_43] : memref<1024xf32, #tpu.memory_space<hbm>> -> memref<32xf32, #tpu.memory_space<hbm>>
      %dma_wait3A_47 = tpu.memref_slice %arg6[%mul3A_43] : memref<1024xf32, #tpu.memory_space<hbm>> -> memref<32xf32, #tpu.memory_space<hbm>>
      tpu.wait_dma2 semaphore(%run_scoped3A : memref<!tpu.dma_semaphore, #tpu.memory_space<semaphore_mem>>) src(%arg12 : memref<32xf32, #tpu.memory_space<vmem>>) dst(%dma_wait3A_47 : memref<32xf32, #tpu.memory_space<hbm>>)
      tpu.yield
    }) : () -> ()
    %mul3A_44 = arith.constant 16 : i32
    %mul3A_45 = arith.muli %add3A, %mul3A_44 : i32
    "tpu.region"() ({
      %run_scoped3A = tpu.sem_alloc : memref<!tpu.dma_semaphore, #tpu.memory_space<semaphore_mem>>
      %dma_start3A = tpu.memref_slice %arg7[%mul3A_45] : memref<512xf32, #tpu.memory_space<hbm>> -> memref<16xf32, #tpu.memory_space<hbm>>
      %dma_start3A_46 = tpu.memref_slice %arg7[%mul3A_45] : memref<512xf32, #tpu.memory_space<hbm>> -> memref<16xf32, #tpu.memory_space<hbm>>
      tpu.enqueue_dma source(%arg13 : memref<16xf32, #tpu.memory_space<vmem>>) target(%dma_start3A_46 : memref<16xf32, #tpu.memory_space<hbm>>) target_semaphore(%run_scoped3A : memref<!tpu.dma_semaphore, #tpu.memory_space<semaphore_mem>>)
      %dma_wait3A = tpu.memref_slice %arg7[%mul3A_45] : memref<512xf32, #tpu.memory_space<hbm>> -> memref<16xf32, #tpu.memory_space<hbm>>
      %dma_wait3A_47 = tpu.memref_slice %arg7[%mul3A_45] : memref<512xf32, #tpu.memory_space<hbm>> -> memref<16xf32, #tpu.memory_space<hbm>>
      tpu.wait_dma2 semaphore(%run_scoped3A : memref<!tpu.dma_semaphore, #tpu.memory_space<semaphore_mem>>) src(%arg13 : memref<16xf32, #tpu.memory_space<vmem>>) dst(%dma_wait3A_47 : memref<16xf32, #tpu.memory_space<hbm>>)
      tpu.yield
    }) : () -> ()
    return
  }
}

module attributes {stable_mosaic.version = 14 : i64} {
  func.func @_prologue_kernel(%arg0: memref<1000x64xf32, #tpu.memory_space<vmem>>, %arg1: memref<1x64xf32, #tpu.memory_space<vmem>>, %arg2: memref<64x1024xf32, #tpu.memory_space<vmem>>, %arg3: memref<64x1024xf32, #tpu.memory_space<vmem>>, %arg4: memref<1x1024xf32, #tpu.memory_space<vmem>>, %arg5: memref<1x1024xf32, #tpu.memory_space<vmem>>, %arg6: memref<1x16xf32, #tpu.memory_space<vmem>>) attributes {dimension_semantics = [], scalar_prefetch = 0 : i64, scratch_operands = 0 : i64, tpu.core_type = #tpu.core_type<tc>} {
    %get3A = arith.constant 0 : index
    %get3A_0 = arith.constant 0 : index
    %get3A_1 = vector.load %arg0[%get3A, %get3A_0] : memref<1000x64xf32, #tpu.memory_space<vmem>>, vector<1000x64xf32>
    %log3A = math.log %get3A_1 : vector<1000x64xf32>
    %neg3A = arith.constant 0.000000e+00 : f32
    %neg3A_2 = vector.broadcast %neg3A : f32 to vector<1000x64xf32>
    %neg3A_3 = arith.subf %neg3A_2, %log3A : vector<1000x64xf32>
    %log3A_4 = math.log %neg3A_3 : vector<1000x64xf32>
    %neg3A_5 = arith.constant 0.000000e+00 : f32
    %neg3A_6 = vector.broadcast %neg3A_5 : f32 to vector<1000x64xf32>
    %neg3A_7 = arith.subf %neg3A_6, %log3A_4 : vector<1000x64xf32>
    %get3A_8 = arith.constant 0 : index
    %get3A_9 = arith.constant 0 : index
    %get3A_10 = vector.load %arg1[%get3A_8, %get3A_9] : memref<1x64xf32, #tpu.memory_space<vmem>>, vector<1x64xf32>
    %add3A = vector.broadcast %get3A_10 : vector<1x64xf32> to vector<1000x64xf32>
    %add3A_11 = arith.addf %neg3A_7, %add3A : vector<1000x64xf32>
    %reduce_max3A = arith.constant dense<0xFF800000> : vector<1000xf32>
    %reduce_max3A_12 = vector.multi_reduction <maximumf>, %add3A_11, %reduce_max3A [1] : vector<1000x64xf32> to vector<1000xf32>
    %broadcast_in_dim3A = vector.shape_cast %reduce_max3A_12 : vector<1000xf32> to vector<1000x1xf32>
    %iota3A = tpu.iota {dimensions = array<i32: 1>} : vector<1000x64xi32>
    %eq3A = vector.broadcast %broadcast_in_dim3A : vector<1000x1xf32> to vector<1000x64xf32>
    %eq3A_13 = arith.cmpf oeq, %add3A_11, %eq3A : vector<1000x64xf32>
    %jit3A = arith.constant 64 : i32
    %broadcast_in_dim3A_14 = vector.broadcast %jit3A : i32 to vector<1000x64xi32>
    %select_n3A = arith.select %eq3A_13, %iota3A, %broadcast_in_dim3A_14 : vector<1000x64xi1>, vector<1000x64xi32>
    %reduce_min3A = arith.constant dense<2147483647> : vector<1000xi32>
    %reduce_min3A_15 = vector.multi_reduction <minsi>, %select_n3A, %reduce_min3A [1] : vector<1000x64xi32> to vector<1000xi32>
    %broadcast_in_dim3A_16 = vector.shape_cast %reduce_min3A_15 : vector<1000xi32> to vector<1000x1xi32>
    %eq3A_17 = vector.broadcast %broadcast_in_dim3A_16 : vector<1000x1xi32> to vector<1000x64xi32>
    %eq3A_18 = arith.cmpi eq, %iota3A, %eq3A_17 : vector<1000x64xi32>
    %convert_element_type3A = arith.extui %eq3A_18 : vector<1000x64xi1> to vector<1000x64xi32>
    %convert_element_type3A_19 = arith.sitofp %convert_element_type3A : vector<1000x64xi32> to vector<1000x64xf32>
    %reduce_sum3A = arith.constant dense<0.000000e+00> : vector<64xf32>
    %reduce_sum3A_20 = vector.multi_reduction <add>, %convert_element_type3A_19, %reduce_sum3A [0] : vector<1000x64xf32> to vector<64xf32>
    %broadcast_in_dim3A_21 = vector.shape_cast %reduce_sum3A_20 : vector<64xf32> to vector<1x64xf32>
    %div3A = arith.constant 1.000000e+03 : f32
    %div3A_22 = vector.broadcast %div3A : f32 to vector<1x64xf32>
    %div3A_23 = arith.divf %broadcast_in_dim3A_21, %div3A_22 : vector<1x64xf32>
    %get3A_24 = arith.constant 0 : index
    %get3A_25 = arith.constant 0 : index
    %get3A_26 = vector.load %arg3[%get3A_24, %get3A_25] : memref<64x1024xf32, #tpu.memory_space<vmem>>, vector<64x1024xf32>
    %neg3A_27 = arith.constant 0.000000e+00 : f32
    %neg3A_28 = vector.broadcast %neg3A_27 : f32 to vector<64x1024xf32>
    %neg3A_29 = arith.subf %neg3A_28, %get3A_26 : vector<64x1024xf32>
    %exp3A = math.exp %neg3A_29 : vector<64x1024xf32>
    %get3A_30 = arith.constant 0 : index
    %get3A_31 = arith.constant 0 : index
    %get3A_32 = vector.load %arg2[%get3A_30, %get3A_31] : memref<64x1024xf32, #tpu.memory_space<vmem>>, vector<64x1024xf32>
    %dot_general3A = arith.constant dense<0.000000e+00> : vector<1x1024xf32>
    %dot_general3A_33 = tpu.matmul %div3A_23, %exp3A, %dot_general3A {dimension_numbers = #tpu.dot_dimension_numbers<[1], [0], [0], [1], [0, 0, 1, 1], [], []>, precision = #tpu.contract_precision<fp32>, transpose_lhs_hint = false} : vector<1x64xf32>, vector<64x1024xf32>, vector<1x1024xf32> -> vector<1x1024xf32>
    %swap3A = arith.constant 0 : index
    %swap3A_34 = arith.constant 0 : index
    %swap3A_35 = vector.load %arg4[%swap3A, %swap3A_34] : memref<1x1024xf32, #tpu.memory_space<vmem>>, vector<1x1024xf32>
    tpu.vector_store %arg4[%swap3A, %swap3A_34], %dot_general3A_33 {strides = array<i32>} : memref<1x1024xf32, #tpu.memory_space<vmem>>, vector<1x1024xf32>,
    %mul3A = arith.mulf %get3A_32, %exp3A : vector<64x1024xf32>
    %dot_general3A_36 = arith.constant dense<0.000000e+00> : vector<1x1024xf32>
    %dot_general3A_37 = tpu.matmul %div3A_23, %mul3A, %dot_general3A_36 {dimension_numbers = #tpu.dot_dimension_numbers<[1], [0], [0], [1], [0, 0, 1, 1], [], []>, precision = #tpu.contract_precision<fp32>, transpose_lhs_hint = false} : vector<1x64xf32>, vector<64x1024xf32>, vector<1x1024xf32> -> vector<1x1024xf32>
    %mul3A_38 = arith.constant 2.000000e+00 : f32
    %mul3A_39 = vector.broadcast %mul3A_38 : f32 to vector<1x1024xf32>
    %mul3A_40 = arith.mulf %mul3A_39, %dot_general3A_37 : vector<1x1024xf32>
    %swap3A_41 = arith.constant 0 : index
    %swap3A_42 = arith.constant 0 : index
    %swap3A_43 = vector.load %arg5[%swap3A_41, %swap3A_42] : memref<1x1024xf32, #tpu.memory_space<vmem>>, vector<1x1024xf32>
    tpu.vector_store %arg5[%swap3A_41, %swap3A_42], %mul3A_40 {strides = array<i32>} : memref<1x1024xf32, #tpu.memory_space<vmem>>, vector<1x1024xf32>,
    %mul3A_44 = arith.mulf %get3A_32, %get3A_32 : vector<64x1024xf32>
    %mul3A_45 = arith.mulf %mul3A_44, %exp3A : vector<64x1024xf32>
    %add3A_46 = arith.addf %mul3A_45, %get3A_26 : vector<64x1024xf32>
    %reduce_sum3A_47 = arith.constant dense<0.000000e+00> : vector<64xf32>
    %reduce_sum3A_48 = vector.multi_reduction <add>, %add3A_46, %reduce_sum3A_47 [1] : vector<64x1024xf32> to vector<64xf32>
    %broadcast_in_dim3A_49 = vector.shape_cast %reduce_sum3A_48 : vector<64xf32> to vector<64x1xf32>
    %dot_general3A_50 = arith.constant dense<0.000000e+00> : vector<1x1xf32>
    %dot_general3A_51 = tpu.matmul %div3A_23, %broadcast_in_dim3A_49, %dot_general3A_50 {dimension_numbers = #tpu.dot_dimension_numbers<[1], [0], [0], [1], [0, 0, 1, 1], [], []>, precision = #tpu.contract_precision<fp32>, transpose_lhs_hint = false} : vector<1x64xf32>, vector<64x1xf32>, vector<1x1xf32> -> vector<1x1xf32>
    %squeeze3A = vector.extract %dot_general3A_51[0, 0] : f32 from vector<1x1xf32>
    %log3A_52 = arith.constant 6.28318548 : f32
    %log3A_53 = math.log %log3A_52 : f32
    %mul3A_54 = arith.constant 1.024000e+03 : f32
    %mul3A_55 = arith.mulf %mul3A_54, %log3A_53 : f32
    %add3A_56 = arith.addf %squeeze3A, %mul3A_55 : f32
    %broadcast_in_dim3A_57 = vector.broadcast %add3A_56 : f32 to vector<1x16xf32>
    %swap3A_58 = arith.constant 0 : index
    %swap3A_59 = arith.constant 0 : index
    %swap3A_60 = vector.load %arg6[%swap3A_58, %swap3A_59] : memref<1x16xf32, #tpu.memory_space<vmem>>, vector<1x16xf32>
    tpu.vector_store %arg6[%swap3A_58, %swap3A_59], %broadcast_in_dim3A_57 {strides = array<i32>} : memref<1x16xf32, #tpu.memory_space<vmem>>, vector<1x16xf32>,
    return
  }
}

module attributes {stable_mosaic.version = 14 : i64} {
  func.func @_tc_kernel(%arg0: i32, %arg1: memref<1x1024xf32, #tpu.memory_space<vmem>>, %arg2: memref<1x1024xf32, #tpu.memory_space<vmem>>, %arg3: memref<1x16xf32, #tpu.memory_space<vmem>>, %arg4: memref<1536x1024xf32, #tpu.memory_space<vmem>>, %arg5: memref<1536x1xf32, #tpu.memory_space<vmem>>, %arg6: memref<1x1xf32, #tpu.memory_space<vmem>>, %arg7: memref<1x1xf32, #tpu.memory_space<smem>>) attributes {dimension_semantics = [#tpu.dimension_semantics<arbitrary>], iteration_bounds = array<i64: 2>, scalar_prefetch = 0 : i64, scratch_operands = 1 : i64, tpu.core_type = #tpu.core_type<tc>, window_params = [{pipeline_mode = #tpu.pipeline_mode<synchronous>, transform_indices = @transform_0, window_bounds = array<i64: 1, 1024>}, {pipeline_mode = #tpu.pipeline_mode<synchronous>, transform_indices = @transform_1, window_bounds = array<i64: 1, 1024>}, {pipeline_mode = #tpu.pipeline_mode<synchronous>, transform_indices = @transform_2, window_bounds = array<i64: 1, 16>}, {transform_indices = @transform_3, window_bounds = array<i64: 1536, 1024>}, {transform_indices = @transform_4, window_bounds = array<i64: 1536, 1>}, {pipeline_mode = #tpu.pipeline_mode<synchronous>, transform_indices = @transform_5, window_bounds = array<i64: 1, 1>}]} {
    %eq3A = arith.constant 0 : i32
    %eq3A_0 = arith.cmpi eq, %arg0, %eq3A : i32
    %convert_element_type3A = arith.extui %eq3A_0 : i1 to i32
    %cond3A = arith.constant 0 : i32
    %cond3A_1 = arith.cmpi ne, %convert_element_type3A, %cond3A : i32
    scf.if %cond3A_1 {
      %swap3A_41 = arith.constant 0.000000e+00 : f32
      %swap3A_42 = arith.constant 0 : index
      %swap3A_43 = arith.constant 0 : index
      %swap3A_44 = memref.load %arg7[%swap3A_42, %swap3A_43] : memref<1x1xf32, #tpu.memory_space<smem>>
      memref.store %swap3A_41, %arg7[%swap3A_42, %swap3A_43] : memref<1x1xf32, #tpu.memory_space<smem>>
    } else {
    }
    %get3A = arith.constant 0 : index
    %get3A_2 = arith.constant 0 : index
    %get3A_3 = vector.load %arg4[%get3A, %get3A_2] : memref<1536x1024xf32, #tpu.memory_space<vmem>>, vector<1536x1024xf32>
    %get3A_4 = arith.constant 0 : index
    %get3A_5 = arith.constant 0 : index
    %get3A_6 = vector.load %arg1[%get3A_4, %get3A_5] : memref<1x1024xf32, #tpu.memory_space<vmem>>, vector<1x1024xf32>
    %mul3A = vector.broadcast %get3A_6 : vector<1x1024xf32> to vector<1536x1024xf32>
    %mul3A_7 = arith.mulf %get3A_3, %mul3A : vector<1536x1024xf32>
    %get3A_8 = arith.constant 0 : index
    %get3A_9 = arith.constant 0 : index
    %get3A_10 = vector.load %arg2[%get3A_8, %get3A_9] : memref<1x1024xf32, #tpu.memory_space<vmem>>, vector<1x1024xf32>
    %sub3A = vector.broadcast %get3A_10 : vector<1x1024xf32> to vector<1536x1024xf32>
    %sub3A_11 = arith.subf %mul3A_7, %sub3A : vector<1536x1024xf32>
    %mul3A_12 = arith.mulf %get3A_3, %sub3A_11 : vector<1536x1024xf32>
    %reduce_sum3A = arith.constant dense<0.000000e+00> : vector<1536xf32>
    %reduce_sum3A_13 = vector.multi_reduction <add>, %mul3A_12, %reduce_sum3A [1] : vector<1536x1024xf32> to vector<1536xf32>
    %get3A_14 = arith.constant 0 : index
    %get3A_15 = arith.constant 0 : index
    %get3A_16 = vector.load %arg3[%get3A_14, %get3A_15] : memref<1x16xf32, #tpu.memory_space<vmem>>, vector<1x1xf32>
    %get3A_17 = vector.extract %get3A_16[0, 0] : f32 from vector<1x1xf32>
    %add3A = vector.broadcast %get3A_17 : f32 to vector<1536xf32>
    %add3A_18 = arith.addf %reduce_sum3A_13, %add3A : vector<1536xf32>
    %mul3A_19 = arith.constant -5.000000e-01 : f32
    %mul3A_20 = vector.broadcast %mul3A_19 : f32 to vector<1536xf32>
    %mul3A_21 = arith.mulf %mul3A_20, %add3A_18 : vector<1536xf32>
    %reshape3A = vector.shape_cast %mul3A_21 : vector<1536xf32> to vector<1536x1xf32>
    %swap3A = arith.constant 0 : index
    %swap3A_22 = arith.constant 0 : index
    %swap3A_23 = vector.load %arg5[%swap3A, %swap3A_22] : memref<1536x1xf32, #tpu.memory_space<vmem>>, vector<1536x1xf32>
    tpu.vector_store %arg5[%swap3A, %swap3A_22], %reshape3A {strides = array<i32>} : memref<1536x1xf32, #tpu.memory_space<vmem>>, vector<1536x1xf32>,
    %get3A_24 = arith.constant 0 : index
    %get3A_25 = arith.constant 0 : index
    %get3A_26 = memref.load %arg7[%get3A_24, %get3A_25] : memref<1x1xf32, #tpu.memory_space<smem>>
    %reduce_sum3A_27 = vector.shape_cast %reduce_sum3A_13 : vector<1536xf32> to vector<1x1536xf32>
    %reduce_sum3A_28 = arith.constant dense<0.000000e+00> : vector<1xf32>
    %reduce_sum3A_29 = vector.multi_reduction <add>, %reduce_sum3A_27, %reduce_sum3A_28 [1] : vector<1x1536xf32> to vector<1xf32>
    %reduce_sum3A_30 = vector.shape_cast %reduce_sum3A_29 : vector<1xf32> to vector<1x1xf32>
    %reduce_sum3A_31 = vector.extract %reduce_sum3A_30[0, 0] : f32 from vector<1x1xf32>
    %add3A_32 = arith.addf %get3A_26, %reduce_sum3A_31 : f32
    %swap3A_33 = arith.constant 0 : index
    %swap3A_34 = arith.constant 0 : index
    %swap3A_35 = memref.load %arg7[%swap3A_33, %swap3A_34] : memref<1x1xf32, #tpu.memory_space<smem>>
    memref.store %add3A_32, %arg7[%swap3A_33, %swap3A_34] : memref<1x1xf32, #tpu.memory_space<smem>>
    %eq3A_36 = arith.constant 1 : i32
    %eq3A_37 = arith.cmpi eq, %arg0, %eq3A_36 : i32
    %convert_element_type3A_38 = arith.extui %eq3A_37 : i1 to i32
    %cond3A_39 = arith.constant 0 : i32
    %cond3A_40 = arith.cmpi ne, %convert_element_type3A_38, %cond3A_39 : i32
    scf.if %cond3A_40 {
      %get3A_41 = arith.constant 0 : index
      %get3A_42 = arith.constant 0 : index
      %get3A_43 = memref.load %arg7[%get3A_41, %get3A_42] : memref<1x1xf32, #tpu.memory_space<smem>>
      %broadcast_in_dim3A = vector.broadcast %get3A_43 : f32 to vector<1x1xf32>
      %swap3A_44 = arith.constant 0 : index
      %swap3A_45 = arith.constant 0 : index
      %swap3A_46 = vector.load %arg6[%swap3A_44, %swap3A_45] : memref<1x1xf32, #tpu.memory_space<vmem>>, vector<1x1xf32>
      tpu.vector_store %arg6[%swap3A_44, %swap3A_45], %broadcast_in_dim3A {strides = array<i32>} : memref<1x1xf32, #tpu.memory_space<vmem>>, vector<1x1xf32>,
    } else {
    }
    return
  }
  func.func @transform_0(%arg0: i32) -> (i32, i32) {
    %c0_i32 = arith.constant 0 : i32
    %c0_i32_0 = arith.constant 0 : i32
    %c0_i32_1 = arith.constant 0 : i32
    return %c0_i32, %c0_i32_0 : i32, i32
  }
  func.func @transform_1(%arg0: i32) -> (i32, i32) {
    %c0_i32 = arith.constant 0 : i32
    %c0_i32_0 = arith.constant 0 : i32
    %c0_i32_1 = arith.constant 0 : i32
    return %c0_i32, %c0_i32_0 : i32, i32
  }
  func.func @transform_2(%arg0: i32) -> (i32, i32) {
    %c0_i32 = arith.constant 0 : i32
    %c0_i32_0 = arith.constant 0 : i32
    %c0_i32_1 = arith.constant 0 : i32
    return %c0_i32, %c0_i32_0 : i32, i32
  }
  func.func @transform_3(%arg0: i32) -> (i32, i32) {
    %c0_i32 = arith.constant 0 : i32
    %c0_i32_0 = arith.constant 0 : i32
    return %arg0, %c0_i32 : i32, i32
  }
  func.func @transform_4(%arg0: i32) -> (i32, i32) {
    %c0_i32 = arith.constant 0 : i32
    %c0_i32_0 = arith.constant 0 : i32
    return %arg0, %c0_i32 : i32, i32
  }
  func.func @transform_5(%arg0: i32) -> (i32, i32) {
    %c0_i32 = arith.constant 0 : i32
    %c0_i32_0 = arith.constant 0 : i32
    %c0_i32_1 = arith.constant 0 : i32
    return %c0_i32, %c0_i32_0 : i32, i32
  }
}

</mosaic_0001>

<sc_bundles>
// kernel: kernel.5.cloned.1.call-start
scs
__scs_entry_jumppad:
0x0: {  	(pc) =	sbr.rel $0x88, $3  }
0x1: {  	(tag) =	ssettag $0x0;
	lr =	simm.s32 $0x1  }
0x2: {  	[smem:$0x3F9D] =	sst lr;
	_ =	strace $0xD0000000  }
0x3: {  	_ = 	snop  }
0x4: {  	_ = 	snop  }
0x5: {  	_ = 	snop  }
0x6: {  	_ = 	snop  }
0x7: {  	_ = 	snop  }
__scs_overlays_trampoline_lowered:
0x8: {  	[smem:$0x3FAC] =	sst s0  }
0x9: {  	[smem:$0x3FAD] =	sst s1  }
0xa: {  	[smem:$0x3FAE] =	sst s2  }
0xb: {  	[smem:$0x3FAF] =	sst s3  }
0xc: {  	[smem:$0x3FB0] =	sst s4  }
0xd: {  	[smem:$0x3FB1] =	sst s5  }
0xe: {  	[smem:$0x3FB2] =	sst s6  }
0xf: {  	[smem:$0x3FB3] =	sst s7  }
0x10: {  	[smem:$0x3FB4] =	sst s8  }
0x11: {  	[smem:$0x3FB5] =	sst s9;
	s0 =	simm.s32 @!p0 $0x0  }
0x12: {  	s1 =	sld [smem:$0x3F9B];
	s0 =	simm.s32 @p0 $0x1  }
0x13: {  	[smem:$0x3FB6] =	sst s0;
	s0 =	simm.s32 @!p1 $0x0  }
0x14: {  	s2 =	sld [smem:$0x3F9A];
	s0 =	simm.s32 @p1 $0x1  }
0x15: {  	[smem:$0x3FB7] =	sst s0;
	s0 =	simm.s32 @!p2 $0x0  }
0x16: {  	s3 =	sld [smem:$0x3FDB];
	s0 =	simm.s32 @p2 $0x1  }
0x17: {  	s4 =	simm.s32 $0x1BF5;
	[smem:$0x3FB9] =	sst s0  }
0x18: {  	s0 =	sld [smem:$0x3F9C];
	_ =	swait.ge [sflag:s4], $0x0  }
0x19: {  	s7 =	sld [smem:$0x3F9D]  }
0x1a: {  	s8 =	sadd.s32 $0xFFFFE003, lr  }
0x1b: {  	s9 =	sadd.s32 $0xFFFFFEF7, lr;
	s5 =	simm.s32 $0xFFFFFFFF;
	p2 =	slt.u32 s8, $0xFFFFF086  }
0x1c: {  	p1 =	slt.u32 s9, $0xF7A;
	s5 =	simm.s32 @!p2 $0x0  }
0x1d: {  	s5 =	simm.s32 @p1 $0x1;
	p0 =	seq.s32 s7, s2  }
0x1e: {  	s7 =	smul.u32 @!p0 $0xF7A, s2;
	p2 =	seq.s32 @!p0 s5, $0x0  }
0x1f: {  	s9 =	smul.u32 $0xF7A, s1;
	s8 =	simm.s32 @!p0 $0x1BF5;
	p2 =	por !p2, p0  }
0x20: {  	[sflag:s8] =	ssyncset.s32 @!p0 $0xFFFFF086;
	s6 =	sadd.s32 @!p0 s3, s7;
	s7 =	simm.s32 @!p0 $0x108  }
0x21: {  	s3 =	sadd.s32 s3, s9;
	s6 =	sadd.s32 @!p0 $0x88, s6;
	s7 =	simm.s32 @p2 $0x1082  }
0x22: {  	[simem:s7], [sflag:s8] =	dma.local @!p0 [hbm:s6], $0xF7A  }
0x23: {  	s9 =	sor.u32 $0xD0000000, s2;
	s6 =	simm.s32 $0x108;
	_ =	swait.ge @!p0 [sflag:s8], $0x0  }
0x24: {  	s3 =	sadd.s32 $0x88, s3;
	s6 =	simm.s32 @!p1 $0x1082;
	[sflag:s4] =	ssyncset.s32 $0xFFFFF086  }
0x25: {  	[simem:s6], [sflag:s4] =	dma.local [hbm:s3], $0xF7A  }
0x26: {  	[smem:$0x3F9D] =	sst s1;
	(tag) =	ssettag s2;
	_ =	strace s9  }
0x27: {  	s1 =	sld [smem:$0x3FAD]  }
0x28: {  	s2 =	sld [smem:$0x3FAE]  }
0x29: {  	s4 =	sld [smem:$0x3FB0]  }
0x2a: {  	p0 =	seq.s32 s5, $0x0;
	s5 =	sld [smem:$0x3FB1]  }
0x2b: {  	s6 =	sld [smem:$0x3FB2]  }
0x2c: {  	s7 =	sld [smem:$0x3FB3]  }
0x2d: {  	s3 =	simm.s32 $0x108;
	s8 =	sld [smem:$0x3FB4]  }
0x2e: {  	s3 =	simm.s32 @!p0 $0x1082;
	s9 =	sld [smem:$0x3FB5]  }
0x2f: {  	lr =	sadd.s32 s0, s3;
	s0 =	sld [smem:$0x3FAC]  }
0x30: {  	s3 =	sld [smem:$0x3FAF]  }
0x31: {  	[smem:$0x3FB8] =	sst s10  }
0x32: {  	s10 =	sld [smem:$0x3FB6];
	_ =	sdelay $0x3  }
0x33: {  	p0 =	seq.s32 s10, $0x1;
	s10 =	sld [smem:$0x3FB8];
	_ =	sdelay $0x3  }
0x34: {  	[smem:$0x3FB8] =	sst s10  }
0x35: {  	s10 =	sld [smem:$0x3FB7];
	_ =	sdelay $0x3  }
0x36: {  	p1 =	seq.s32 s10, $0x1;
	s10 =	sld [smem:$0x3FB8];
	_ =	sdelay $0x3  }
0x37: {  	[smem:$0x3FB8] =	sst s10  }
0x38: {  	s10 =	sld [smem:$0x3FB9]  }
0x39: {  	_ = 	snop;
	(pc) =	sbr.ind lr, $3  }
0x3a: {  	_ = 	snop  }
0x3b: {  	_ = 	snop  }
0x3c: {  	p2 =	seq.s32 s10, $0x1;
	s10 =	sld [smem:$0x3FB8]  }
0x3d: {  	_ =	shalt  }
0x3e: {  	_ =	shalt  }
0x3f: {  	_ =	shalt  }
0x40: {  	_ =	shalt  }
0x41: {  	_ =	shalt  }
0x42: {  	_ =	shalt  }
0x43: {  	_ =	shalt  }
0x44: {  	_ =	shalt  }
0x45: {  	_ =	shalt  }
0x46: {  	_ =	shalt  }
0x47: {  	_ =	shalt  }
0x48: {  	_ =	shalt  }
0x49: {  	_ =	shalt  }
0x4a: {  	_ =	shalt  }
0x4b: {  	_ =	shalt  }
0x4c: {  	_ =	shalt  }
0x4d: {  	_ =	shalt  }
0x4e: {  	_ =	shalt  }
0x4f: {  	_ =	shalt  }
0x50: {  	_ =	shalt  }
0x51: {  	_ =	shalt  }
0x52: {  	_ =	shalt  }
0x53: {  	_ =	shalt  }
0x54: {  	_ =	shalt  }
0x55: {  	_ =	shalt  }
0x56: {  	_ =	shalt  }
0x57: {  	_ =	shalt  }
0x58: {  	_ =	shalt  }
0x59: {  	_ =	shalt  }
0x5a: {  	_ =	shalt  }
0x5b: {  	_ =	shalt  }
0x5c: {  	_ =	shalt  }
0x5d: {  	_ =	shalt  }
0x5e: {  	_ =	shalt  }
0x5f: {  	_ =	shalt  }
0x60: {  	_ =	shalt  }
0x61: {  	_ =	shalt  }
0x62: {  	_ =	shalt  }
0x63: {  	_ =	shalt  }
0x64: {  	_ =	shalt  }
0x65: {  	_ =	shalt  }
0x66: {  	_ =	shalt  }
0x67: {  	_ =	shalt  }
0x68: {  	_ =	shalt  }
0x69: {  	_ =	shalt  }
0x6a: {  	_ =	shalt  }
0x6b: {  	_ =	shalt  }
0x6c: {  	_ =	shalt  }
0x6d: {  	_ =	shalt  }
0x6e: {  	_ =	shalt  }
0x6f: {  	_ =	shalt  }
0x70: {  	_ =	shalt  }
0x71: {  	_ =	shalt  }
0x72: {  	_ =	shalt  }
0x73: {  	_ =	shalt  }
0x74: {  	_ =	shalt  }
0x75: {  	_ =	shalt  }
0x76: {  	_ =	shalt  }
0x77: {  	_ =	shalt  }
0x78: {  	_ =	shalt  }
0x79: {  	_ =	shalt  }
0x7a: {  	_ =	shalt  }
0x7b: {  	_ =	shalt  }
0x7c: {  	_ =	shalt  }
0x7d: {  	_ =	shalt  }
0x7e: {  	_ =	shalt  }
0x7f: {  	_ =	shalt  }
0x80: {  	_ =	shalt  }
0x81: {  	_ =	shalt  }
0x82: {  	_ =	shalt  }
0x83: {  	_ =	shalt  }
0x84: {  	_ =	shalt  }
0x85: {  	_ =	shalt  }
0x86: {  	_ =	shalt  }
0x87: {  	_ =	shalt  }
.Lfunc_end0:
.L_simem_size_0:
called_computation_lowered:
.L_overlay_start_0:
0x88: {  	s2 =	sld [smem:$0x3FD9]  }
0x89: {  	s3 =	sld [smem:$0x3FFE];
	_ =	sdelay $0x1  }
0x8a: {  	s1 =	srdreg.scid  }
0x8b: {  	s0 =	sand.u32 $0x1, s1  }
0x8c: {  	s14 =	sshll.u32 s0, $0xA;
	s2 =	sadd.s32 s3, s2  }
0x8d: {  	s2 =	sadd.s32 s2, s14  }
0x8e: {  	[smem:$0x3FC4] =	sst s2  }
0x8f: {  	_ = 	snop  }
0x90: {  	s2 =	sld [smem:$0x3FD0];
	_ =	sdelay $0x2  }
0x91: {  	s15 =	simm.s32 $0xA;
	s4 =	simm.s32 $0x10  }
0x92: {  	[smem:s4], [sflag:s15] =	dma.local [hbm:s2], $0x1  }
0x93: {  	_ =	swait.eq [sflag:s15], $0x1  }
0x94: {  	[sflag:s15] =	ssyncset.done $0x0  }
0x95: {  	s16 =	sld [smem:$0x10];
	[sflag:s15] =	ssyncadd.s32 $0xFFFFFFFF  }
0x96: {  	s17 =	sld [smem:$0x11];
	(tm) =	ssettm $0x1  }
0x97: {  	s18 =	sld [smem:$0x3FFB];
	_ =	sdelay $0x3  }
0x98: {  	_ =	strace s18  }
0x99: {  	s4 =	sld [smem:$0x3FFC];
	_ =	sdelay $0x3  }
0x9a: {  	_ =	strace s4  }
0x9b: {  	s4 =	sld [smem:$0x3FFD];
	_ =	sdelay $0x3  }
0x9c: {  	_ =	strace s4  }
0x9d: {  	_ =	strace $0x8FFFFFFF  }
0x9e: {  	s19 =	sld [smem:$0x3FDB];
	_ =	sdelay $0x1  }
0x9f: {  	s5 =	simm.s32 $_scs_section_size  }
0xa0: {  	s6 =	simm.s32 $_size__tile_overlayer_lowered;
	s7 =	simm.s32 $_tile_overlayer_lowered  }
0xa1: {  	s22 =	simm.s32 $0x1BFF;
	s21 =	sshll.u32 s7, $0x1;
	s4 =	sadd.s32 s5, s19  }
0xa2: {  	s8 =	simm.s32 $0x0;
	s20 =	sshll.u32 s6, $0x1;
	s6 =	sadd.s32 s21, s4  }
0xa3: {  	[timem:s8], [sflag:s22] =	dma.local [hbm:s6], s20  }
0xa4: {  	_ =	swait.ge [sflag:s22], s20  }
0xa5: {  	s5 =	ssub.s32 $0x0, s20;
	[sflag:s22] =	ssyncset.done $0x0  }
0xa6: {  	[sflag:s22] =	ssyncadd.s32 s5;
	_ =	sdelay $0x1  }
0xa7: {  	s23 =	simm.s32 $0x1B8B  }
0xa8: {  	_ =	swait.ge [sflag:s23], $0x1  }
0xa9: {  	[sflag:s23] =	ssyncset.done $0x0  }
0xaa: {  	s25 =	simm.s32 $0x1B8E;
	s24 =	sld [smem:$0x3FFE];
	[sflag:s23] =	ssyncadd.s32 $0xFFFFFFFF  }
0xab: {  	s26 =	simm.s32 $execute0_lowered;
	[smem:$0x3FD2] =	sst s25  }
0xac: {  	s6 =	sshll.u32 s26, $0x1;
	_ =	strace $0x80000046;
	[dreg:$0x1] =	wrdreg $0xFFFFFFFF  }
0xad: {  	s28 =	simm.s32 $_size_execute0_lowered;
	s4 =	sadd.s32 s4, s6;
	[dreg:$0x0] =	wrdreg $0x0  }
0xae: {  	s6 =	sshll.u32 s28, $0x1;
	[dreg:$0x2] =	wrdreg s4  }
0xaf: {  	[dreg:$0x3] =	wrdreg s6  }
0xb0: {  	[dreg:$0x4] =	wrdreg $0xC0  }
0xb1: {  	_ =	task [dreg:s8], $0x5FFFF  }
0xb2: {  	[dreg:$0x1] =	wrdreg $0xFFFFFFFF  }
0xb3: {  	[dreg:$0x0] =	wrdreg $0x60  }
0xb4: {  	[dreg:$0x2] =	wrdreg s24  }
0xb5: {  	[dreg:$0x3] =	wrdreg s17  }
0xb6: {  	[dreg:$0x4] =	wrdreg s16  }
0xb7: {  	[dreg:$0x5] =	wrdreg $0x9  }
0xb8: {  	_ =	task.clear_ibuf [dreg:s8], $0x6FFFF;
	_ =	strace $0x90000046  }
0xb9: {  	s29 =	simm.s32 $0x9;
	_ =	strace $0x80000048  }
0xba: {  	_ =	swait.ge [sflag:s29], $0x1  }
0xbb: {  	[sflag:s29] =	ssyncadd.s32 $0xFFFFFFFF  }
0xbc: {  	_ =	strace $0x90000048  }
0xbd: {  	_ =	sfence  }
0xbe: {  	s30 =	sld [smem:$0x0];
	_ =	sdelay $0x2  }
0xbf: {  	s31 =	sshll.u32 s1, $0xD;
	s1 =	sshrl.u32 s1, $0x2  }
0xc0: {  	s3 =	sand.u32 $0x4000, s31;
	s1 =	sadd.s32 s1, s30  }
0xc1: {  	s0 =	sor.u32 s3, s0;
	s1 =	sshll.u32 s1, $0x11  }
0xc2: {  	s0 =	sor.u32 s1, s0  }
0xc3: {  	s0 =	sadd.s32 $0x8F2B, s0  }
0xc4: {  	[sflag:s0] =	ssyncadd.remote.s32 $0x1  }
0xc5: {  	_ =	sfence.sel $0xFFFF  }
0xc6: {  	[dreg:$0x0] =	wrdreg $0xFFFFFFFF;
	(pc) =	sbr.abs _section_cstart, $3  }
0xc7: {  	[dreg:$0x1] =	wrdreg $0xFFFFFFFF  }
0xc8: {  	_ =	task.clear_ibuf [dreg:s8], $0x2FFFF;
	_ =	strace $0x9FFFFFFF  }
0xc9: {  	(tm) =	ssettm $0x7FFFFFFF  }
tec
execute0_lowered:
.L_overlay_start_1:
0x0: {  	(tag) =	ssettag $0x1  }
0x1: {  	v0 =	vimm.s32 $0xFEDCBA98;
	v1 =	vimm.s32 $0x76543210;
	v2 =	vimm.s32 $0xBA98FEDC  }
0x2: {  	s6 =	rddreg [dreg:$0x0];
	v3 =	vimm.s32 $0x32107654;
	v4 =	vimm.s32 $0xDCFE98BA;
	v5 =	vimm.s32 $0x54761032  }
0x3: {  	s2 =	srdreg.scid;
	s0 =	stileid.u32;
	v6 =	vimm.s32 $0xEFCDAB89;
	v7 =	vimm.s32 $0x67452301;
	v0 =	vunpack.c.l.s4.s8 v0  }
0x4: {  	s1 =	rddreg [dreg:$0x1];
	s4 =	simm.s32 $0x0;
	s12 =	simm.s32 $0x8400;
	v1 =	vunpack.c.l.s4.s8 v1;
	v6 =	vunpack.c.l.s4.s8 v6;
	v7 =	vunpack.c.l.s4.s8 v7  }
0x5: {  	s13 =	simm.s32 $0x8800;
	s14 =	simm.s32 $0x8880;
	s15 =	simm.s32 $0x8900;
	v2 =	vunpack.c.l.s4.s8 v2;
	v3 =	vunpack.c.l.s4.s8 v3;
	v4 =	vunpack.c.l.s4.s8 v4  }
0x6: {  	s7 =	sand.u32 $0x1, s2;
	s3 =	sshll.u32 s0, $0x1;
	s2 =	rddreg [dreg:$0x2];
	v5 =	vunpack.c.l.s4.s8 v5;
	v6 =	vunpack.c.0.s8.s32 v6;
	v7 =	vunpack.c.0.s8.s32 v7  }
0x7: {  	s16 =	simm.s32 $0x0;
	[smem:$0x7FF] =	sst s4;
	s8 =	sor.u32 s7, s3;
	v0 =	vunpack.c.0.s8.s32 v0;
	v2 =	vunpack.c.0.s8.s32 v2;
	v3 =	vunpack.c.0.s8.s32 v3  }
0x8: {  	s3 =	rddreg [dreg:$0x3];
	_ =	strace $0x80000047;
	s7 =	ssub.s32 $0x2, s7;
	v4 =	vunpack.c.0.s8.s32 v4;
	v5 =	vunpack.c.0.s8.s32 v5;
	v63 =	vcombine.low v7, v6  }
0x9: {  	s5 =	sshll.u32 s8, $0xC;
	v1 =	vunpack.c.0.s8.s32 v1;
	s10 =	sshll.u32 s8, $0x2;
	s8 =	sshll.u32 s8, $0x1;
	v61 =	vcombine.low v3, v2  }
0xa: {  	s31 =	sshrl.u32 s7, $0x1;
	s9 =	sadd.s32 s5, s6;
	s5 =	sadd.s32 $0x82600, s6;
	v0 =	vand.u32 $0xF, v0;
	v62 =	vcombine.low v5, v4;
	[tilespmem:$0x1FFC0] =	vst v63  }
0xb: {  	s10 =	sadd.s32 s10, s6;
	s8 =	sadd.s32 s8, s6;
	s11 =	ssub.s32 s7, s31;
	v8 =	vcombine.low v0, v1;
	[tilespmem:$0x1FFD0] =	vst v61  }
0xc: {  	s6 =	sadd.s32 $0x62600, s9;
	s7 =	sadd.s32 $0x82A00, s10;
	s8 =	sadd.s32 $0x82800, s8;
	[tilespmem:$0x1FFF0] =	vst v62  }
0xd: {  	s9 =	smax.u32 s11, $0x1;
	s10 =	simm.s32 $0x1;
	s11 =	simm.s32 $0x8000;
	[tilespmem:$0x1FFE0] =	vst v8  }
.LBB2_1:
0xe: {  	[tilespmem:s4], [sflag:$0x1] =	stream.linear.gather [hbm4b:s6+s4], $0x8000, $0x38;
	[tilespmem:$0x8980] =	vst v63  }
0xf: {  	_ =	swait.ge [sflag:s10], $0x8000  }
0x10: {  	[sflag:s10] =	ssyncset.done $0x0  }
0x11: {  	[sflag:s10] =	ssyncadd.s32 $0xFFFF8000  }
0x12: {  	[tilespmem:s11], [sflag:$0x1] =	stream.linear.gather [hbm4b:s1+s4], $0x400, $0x38;
	[tilespmem:$0x8980] =	vst v63  }
0x13: {  	_ =	swait.ge [sflag:s10], $0x400  }
0x14: {  	[sflag:s10] =	ssyncset.done $0x0  }
0x15: {  	[sflag:s10] =	ssyncadd.s32 $0xFFFFFC00  }
0x16: {  	[tilespmem:s12], [sflag:$0x1] =	stream.linear.gather [hbm4b:s5+s4], $0x400, $0x38;
	[tilespmem:$0x8980] =	vst v63  }
0x17: {  	_ =	swait.ge [sflag:s10], $0x400  }
0x18: {  	[sflag:s10] =	ssyncset.done $0x0  }
0x19: {  	[sflag:s10] =	ssyncadd.s32 $0xFFFFFC00  }
0x1a: {  	[tilespmem:s13], [sflag:$0x1] =	stream.linear.gather [hbm4b:s2+s4], $0x80, $0x38;
	[tilespmem:$0x8980] =	vst v63  }
0x1b: {  	_ =	swait.ge [sflag:s10], $0x80  }
0x1c: {  	[sflag:s10] =	ssyncset.done $0x0  }
0x1d: {  	[sflag:s10] =	ssyncadd.s32 $0xFFFFFF80  }
0x1e: {  	v0 =	vld [tilespmem:$0x8800];
	_ =	sdelay $0x4  }
0x1f: {  	[tilespmem:$0x1F730] =	vst v0;
	v0 =	vld [tilespmem:$0x81E0];
	_ =	sdelay $0x4  }
0x20: {  	[tilespmem:$0x1FB90] =	vst v0;
	v0 =	vld [tilespmem:$0x85E0];
	_ =	sdelay $0x4  }
0x21: {  	[tilespmem:$0x1FBA0] =	vst v0;
	v0 =	vld [tilespmem:$0x81F0];
	_ =	sdelay $0x4  }
0x22: {  	[tilespmem:$0x1FBB0] =	vst v0;
	v0 =	vld [tilespmem:$0x85F0];
	_ =	sdelay $0x4  }
0x23: {  	[tilespmem:$0x1FBC0] =	vst v0;
	v0 =	vld [tilespmem:$0x8200];
	_ =	sdelay $0x4  }
0x24: {  	[tilespmem:$0x1FBD0] =	vst v0;
	v0 =	vld [tilespmem:$0x8600];
	_ =	sdelay $0x4  }
0x25: {  	[tilespmem:$0x1FBE0] =	vst v0;
	v0 =	vld [tilespmem:$0x8210];
	_ =	sdelay $0x4  }
0x26: {  	[tilespmem:$0x1FBF0] =	vst v0;
	v0 =	vld [tilespmem:$0x8610];
	_ =	sdelay $0x4  }
0x27: {  	[tilespmem:$0x1FC00] =	vst v0;
	v0 =	vld [tilespmem:$0x8220];
	_ =	sdelay $0x4  }
0x28: {  	[tilespmem:$0x1FC10] =	vst v0;
	v0 =	vld [tilespmem:$0x8620];
	_ =	sdelay $0x4  }
0x29: {  	[tilespmem:$0x1FC20] =	vst v0;
	v0 =	vld [tilespmem:$0x8230];
	_ =	sdelay $0x4  }
0x2a: {  	[tilespmem:$0x1FC30] =	vst v0;
	v0 =	vld [tilespmem:$0x8630];
	_ =	sdelay $0x4  }
0x2b: {  	[tilespmem:$0x1FC50] =	vst v0;
	v0 =	vld [tilespmem:$0x8240];
	_ =	sdelay $0x4  }
0x2c: {  	[tilespmem:$0x1FC40] =	vst v0;
	v0 =	vld [tilespmem:$0x8640];
	_ =	sdelay $0x4  }
0x2d: {  	[tilespmem:$0x1FC70] =	vst v0;
	v0 =	vld [tilespmem:$0x8250];
	_ =	sdelay $0x4  }
0x2e: {  	[tilespmem:$0x1FC60] =	vst v0;
	v0 =	vld [tilespmem:$0x8650];
	_ =	sdelay $0x4  }
0x2f: {  	[tilespmem:$0x1FC80] =	vst v0;
	v0 =	vld [tilespmem:$0x8260];
	_ =	sdelay $0x4  }
0x30: {  	[tilespmem:$0x1FC90] =	vst v0;
	v0 =	vld [tilespmem:$0x8660];
	_ =	sdelay $0x4  }
0x31: {  	[tilespmem:$0x1FCB0] =	vst v0;
	v0 =	vld [tilespmem:$0x8270];
	_ =	sdelay $0x4  }
0x32: {  	[tilespmem:$0x1FCA0] =	vst v0;
	v0 =	vld [tilespmem:$0x8670];
	_ =	sdelay $0x4  }
0x33: {  	[tilespmem:$0x1FCE0] =	vst v0;
	v0 =	vld [tilespmem:$0x8280];
	_ =	sdelay $0x4  }
0x34: {  	[tilespmem:$0x1FCC0] =	vst v0;
	v0 =	vld [tilespmem:$0x8680];
	_ =	sdelay $0x4  }
0x35: {  	[tilespmem:$0x1FD10] =	vst v0;
	v0 =	vld [tilespmem:$0x8290];
	_ =	sdelay $0x4  }
0x36: {  	[tilespmem:$0x1FCD0] =	vst v0;
	v0 =	vld [tilespmem:$0x8690];
	_ =	sdelay $0x4  }
0x37: {  	[tilespmem:$0x1FD20] =	vst v0;
	v0 =	vld [tilespmem:$0x82A0];
	_ =	sdelay $0x4  }
0x38: {  	[tilespmem:$0x1FD00] =	vst v0;
	v0 =	vld [tilespmem:$0x86A0];
	_ =	sdelay $0x4  }
0x39: {  	[tilespmem:$0x1FD30] =	vst v0;
	v0 =	vld [tilespmem:$0x82B0];
	_ =	sdelay $0x4  }
0x3a: {  	[tilespmem:$0x1FCF0] =	vst v0;
	v0 =	vld [tilespmem:$0x86B0];
	_ =	sdelay $0x4  }
0x3b: {  	[tilespmem:$0x1FD40] =	vst v0;
	v0 =	vld [tilespmem:$0x82C0];
	_ =	sdelay $0x4  }
0x3c: {  	[tilespmem:$0x1FEF0] =	vst v0;
	v0 =	vld [tilespmem:$0x86C0];
	_ =	sdelay $0x4  }
0x3d: {  	[tilespmem:$0x1FF40] =	vst v0;
	v0 =	vld [tilespmem:$0x82D0];
	_ =	sdelay $0x1  }
0x3e: {  	v4 =	vld [tilespmem:$0x8000]  }
0x3f: {  	v6 =	vld [tilespmem:$0x8400]  }
0x40: {  	v5 =	vld [tilespmem:$0x8010]  }
0x41: {  	[tilespmem:$0x1FEE0] =	vst v0;
	v0 =	vld [tilespmem:$0x86D0]  }
0x42: {  	v7 =	vld [tilespmem:$0x8410]  }
0x43: {  	v8 =	vld [tilespmem:$0x8020]  }
0x44: {  	v9 =	vld [tilespmem:$0x8420]  }
0x45: {  	v10 =	vld [tilespmem:$0x8030]  }
0x46: {  	[tilespmem:$0x1F740] =	vst v0;
	v0 =	vld [tilespmem:$0x82E0]  }
0x47: {  	v11 =	vld [tilespmem:$0x8430]  }
0x48: {  	v12 =	vld [tilespmem:$0x8040]  }
0x49: {  	v13 =	vld [tilespmem:$0x8440]  }
0x4a: {  	s17 =	simm.s32 $0x200;
	v3 =	vld [tilespmem:$0x86F0]  }
0x4b: {  	[tilespmem:$0x1FED0] =	vst v0;
	v0 =	vld [tilespmem:s17+$0xFFFFFE00]  }
0x4c: {  	v2 =	vld [tilespmem:$0x86E0]  }
0x4d: {  	v14 =	vld [tilespmem:$0x8050]  }
0x4e: {  	v15 =	vld [tilespmem:$0x8450]  }
0x4f: {  	v1 =	vld [tilespmem:s17+$0xFFFFFE10]  }
0x50: {  	v50 =	vld [tilespmem:$0x8060];
	[tilespmem:$0x1F760] =	vst v3;
	v3 =	vmul.f32 v4, v0  }
0x51: {  	[tilespmem:$0x1F750] =	vst v2;
	v2 =	vld [tilespmem:$0x82F0]  }
0x52: {  	[tilespmem:$0x1F790] =	vst v6;
	v3 =	vsub.f32 v3, v6;
	v6 =	vld [tilespmem:$0x8300]  }
0x53: {  	v16 =	vld [tilespmem:$0x8460]  }
0x54: {  	v17 =	vld [tilespmem:$0x8070];
	[tilespmem:$0x1F780] =	vst v5;
	v5 =	vmul.f32 v5, v1  }
0x55: {  	v41 =	vld [tilespmem:$0x8470]  }
0x56: {  	v5 =	vsub.f32 v5, v7;
	[tilespmem:$0x1FEC0] =	vst v2;
	v2 =	vld [tilespmem:s17+$0xFFFFFE20]  }
0x57: {  	[tilespmem:$0x1FEB0] =	vst v6;
	v6 =	vld [tilespmem:$0x8700]  }
0x58: {  	v1 =	vmul.f32 v5, v1;
	v5 =	vld [tilespmem:$0x8310]  }
0x59: {  	[tilespmem:$0x1F770] =	vst v4;
	v4 =	vld [tilespmem:s17+$0xFFFFFE30]  }
0x5a: {  	v18 =	vld [tilespmem:$0x8080]  }
0x5b: {  	v19 =	vld [tilespmem:$0x8480]  }
0x5c: {  	v20 =	vld [tilespmem:$0x8090];
	v0 =	vmul.f32 v3, v0;
	[tilespmem:$0x1F7B0] =	vst v6;
	v6 =	vmul.f32 v8, v2  }
0x5d: {  	v32 =	vld [tilespmem:$0x8490];
	[tilespmem:$0x1F7A0] =	vst v7  }
0x5e: {  	v21 =	vld [tilespmem:$0x80A0];
	[tilespmem:$0x1FEA0] =	vst v5;
	v7 =	vmul.f32 v10, v4;
	v0 =	vadd.f32 $0.0e+00, v0;
	v5 =	vsub.f32 v6, v9  }
0x5f: {  	v3 =	vld [tilespmem:s17+$0xFFFFFE40]  }
0x60: {  	v0 =	vadd.f32 v1, v0;
	v1 =	vmul.f32 v5, v2;
	v2 =	vsub.f32 v7, v11;
	v7 =	vld [tilespmem:$0x8320]  }
0x61: {  	v6 =	vld [tilespmem:s17+$0xFFFFFE50]  }
0x62: {  	v0 =	vadd.f32 v1, v0;
	v1 =	vmul.f32 v2, v4;
	v2 =	vld [tilespmem:$0x8720]  }
0x63: {  	v5 =	vld [tilespmem:s17+$0xFFFFFE60]  }
0x64: {  	v0 =	vadd.f32 v1, v0;
	v1 =	vld [tilespmem:$0x8330]  }
0x65: {  	v27 =	vld [tilespmem:$0x84A0];
	[tilespmem:$0x1FE90] =	vst v7;
	v7 =	vmul.f32 v12, v3  }
0x66: {  	v22 =	vld [tilespmem:$0x80B0]  }
0x67: {  	v23 =	vld [tilespmem:$0x84B0];
	[tilespmem:$0x1F820] =	vst v2;
	v2 =	vsub.f32 v7, v13;
	v7 =	vmul.f32 v14, v6  }
0x68: {  	v24 =	vld [tilespmem:$0x80C0]  }
0x69: {  	v25 =	vld [tilespmem:$0x84C0];
	[tilespmem:$0x1FE80] =	vst v1;
	v1 =	vmul.f32 v2, v3;
	v2 =	vsub.f32 v7, v15;
	v7 =	vmul.f32 v50, v5  }
0x6a: {  	v26 =	vld [tilespmem:$0x80D0]  }
0x6b: {  	v4 =	vld [tilespmem:s17+$0xFFFFFE70];
	v0 =	vadd.f32 v1, v0;
	v1 =	vmul.f32 v2, v6;
	v2 =	vsub.f32 v7, v16  }
0x6c: {  	v3 =	vld [tilespmem:s17+$0xFFFFFE80]  }
0x6d: {  	v0 =	vadd.f32 v1, v0;
	v1 =	vmul.f32 v2, v5;
	v2 =	vld [tilespmem:$0x8740]  }
0x6e: {  	v28 =	vld [tilespmem:$0x84D0]  }
0x6f: {  	v6 =	vld [tilespmem:s17+$0xFFFFFE90]  }
0x70: {  	v29 =	vld [tilespmem:$0x80E0];
	v7 =	vmul.f32 v17, v4  }
0x71: {  	v30 =	vld [tilespmem:$0x84E0]  }
0x72: {  	v31 =	vld [tilespmem:$0x80F0];
	[tilespmem:$0x1F890] =	vst v2;
	v2 =	vsub.f32 v7, v41;
	v7 =	vmul.f32 v18, v3  }
0x73: {  	v33 =	vld [tilespmem:$0x84F0];
	v0 =	vadd.f32 v1, v0  }
0x74: {  	v34 =	vld [tilespmem:$0x8100];
	v1 =	vmul.f32 v2, v4;
	v2 =	vsub.f32 v7, v19;
	v7 =	vmul.f32 v20, v6  }
0x75: {  	v35 =	vld [tilespmem:$0x8500]  }
0x76: {  	v5 =	vld [tilespmem:s17+$0xFFFFFEA0];
	v0 =	vadd.f32 v1, v0;
	v1 =	vmul.f32 v2, v3;
	v2 =	vsub.f32 v7, v32  }
0x77: {  	v4 =	vld [tilespmem:s17+$0xFFFFFEB0]  }
0x78: {  	v0 =	vadd.f32 v1, v0;
	v1 =	vmul.f32 v2, v6;
	v2 =	vld [tilespmem:$0x8760]  }
0x79: {  	v36 =	vld [tilespmem:$0x8110]  }
0x7a: {  	v3 =	vld [tilespmem:s17+$0xFFFFFEC0]  }
0x7b: {  	v37 =	vld [tilespmem:$0x8510];
	v7 =	vmul.f32 v21, v5  }
0x7c: {  	v38 =	vld [tilespmem:$0x8120]  }
0x7d: {  	v43 =	vld [tilespmem:$0x8520];
	[tilespmem:$0x1F8E0] =	vst v2;
	v2 =	vsub.f32 v7, v27;
	v7 =	vmul.f32 v22, v4  }
0x7e: {  	v39 =	vld [tilespmem:$0x8130];
	v0 =	vadd.f32 v1, v0  }
0x7f: {  	v44 =	vld [tilespmem:$0x8530];
	v1 =	vmul.f32 v2, v5;
	v2 =	vsub.f32 v7, v23;
	v7 =	vmul.f32 v24, v3  }
0x80: {  	v40 =	vld [tilespmem:$0x8140]  }
0x81: {  	v6 =	vld [tilespmem:s17+$0xFFFFFED0];
	v0 =	vadd.f32 v1, v0;
	v1 =	vmul.f32 v2, v4;
	v2 =	vsub.f32 v7, v25  }
0x82: {  	v5 =	vld [tilespmem:s17+$0xFFFFFEE0]  }
0x83: {  	v0 =	vadd.f32 v1, v0;
	v1 =	vmul.f32 v2, v3;
	v2 =	vld [tilespmem:$0x8780]  }
0x84: {  	v42 =	vld [tilespmem:$0x8540]  }
0x85: {  	v4 =	vld [tilespmem:s17+$0xFFFFFEF0]  }
0x86: {  	v45 =	vld [tilespmem:$0x8150];
	v7 =	vmul.f32 v26, v6  }
0x87: {  	v47 =	vld [tilespmem:$0x8550]  }
0x88: {  	v46 =	vld [tilespmem:$0x8160];
	[tilespmem:$0x1F930] =	vst v2;
	v2 =	vsub.f32 v7, v28;
	v7 =	vmul.f32 v29, v5  }
0x89: {  	v48 =	vld [tilespmem:$0x8560];
	v0 =	vadd.f32 v1, v0  }
0x8a: {  	v49 =	vld [tilespmem:$0x8170];
	v1 =	vmul.f32 v2, v6;
	v2 =	vsub.f32 v7, v30;
	v6 =	vmul.f32 v31, v4  }
0x8b: {  	v51 =	vld [tilespmem:$0x8570]  }
0x8c: {  	v3 =	vld [tilespmem:s17+$0xFFFFFF00];
	v0 =	vadd.f32 v1, v0;
	v1 =	vmul.f32 v2, v5;
	v2 =	vsub.f32 v6, v33  }
0x8d: {  	v7 =	vld [tilespmem:s17+$0xFFFFFF10]  }
0x8e: {  	v0 =	vadd.f32 v1, v0;
	v1 =	vmul.f32 v2, v4;
	v2 =	vld [tilespmem:$0x87A0]  }
0x8f: {  	v52 =	vld [tilespmem:$0x8180]  }
0x90: {  	v5 =	vld [tilespmem:s17+$0xFFFFFF20]  }
0x91: {  	v53 =	vld [tilespmem:$0x8580];
	v6 =	vmul.f32 v34, v3  }
0x92: {  	v57 =	vld [tilespmem:$0x8190]  }
0x93: {  	v54 =	vld [tilespmem:$0x8590];
	[tilespmem:$0x1F980] =	vst v2;
	v2 =	vsub.f32 v6, v35;
	v6 =	vmul.f32 v36, v7  }
0x94: {  	v55 =	vld [tilespmem:$0x81A0];
	v0 =	vadd.f32 v1, v0  }
0x95: {  	v56 =	vld [tilespmem:$0x85A0];
	v1 =	vmul.f32 v2, v3;
	v2 =	vsub.f32 v6, v37;
	v6 =	vmul.f32 v38, v5  }
0x96: {  	v58 =	vld [tilespmem:$0x81B0]  }
0x97: {  	v4 =	vld [tilespmem:s17+$0xFFFFFF30];
	v0 =	vadd.f32 v1, v0;
	v1 =	vmul.f32 v2, v7;
	v2 =	vsub.f32 v6, v43  }
0x98: {  	v3 =	vld [tilespmem:s17+$0xFFFFFF40]  }
0x99: {  	v0 =	vadd.f32 v1, v0;
	v1 =	vmul.f32 v2, v5;
	v2 =	vld [tilespmem:$0x87C0]  }
0x9a: {  	v59 =	vld [tilespmem:$0x85B0]  }
0x9b: {  	v6 =	vld [tilespmem:s17+$0xFFFFFF50]  }
0x9c: {  	v60 =	vld [tilespmem:$0x81C0];
	v7 =	vmul.f32 v39, v4  }
0x9d: {  	v61 =	vld [tilespmem:$0x85C0]  }
0x9e: {  	v62 =	vld [tilespmem:$0x81D0];
	[tilespmem:$0x1FA00] =	vst v2;
	v2 =	vsub.f32 v7, v44;
	v7 =	vmul.f32 v40, v3  }
0x9f: {  	v63 =	vld [tilespmem:$0x85D0];
	v0 =	vadd.f32 v1, v0  }
0xa0: {  	[tilespmem:$0x1F7E0] =	vst v10;
	v10 =	vld [tilespmem:s17+$0x60];
	v1 =	vmul.f32 v2, v4;
	v2 =	vsub.f32 v7, v42;
	v7 =	vmul.f32 v45, v6  }
0xa1: {  	[tilespmem:$0x1F7C0] =	vst v8;
	v8 =	vld [tilespmem:$0x8710]  }
0xa2: {  	v5 =	vld [tilespmem:s17+$0xFFFFFF60];
	v0 =	vadd.f32 v1, v0;
	v1 =	vmul.f32 v2, v3;
	v2 =	vsub.f32 v7, v47  }
0xa3: {  	v4 =	vld [tilespmem:s17+$0xFFFFFF70]  }
0xa4: {  	v0 =	vadd.f32 v1, v0;
	v1 =	vmul.f32 v2, v6;
	v2 =	vld [tilespmem:$0x87E0]  }
0xa5: {  	[tilespmem:$0x1F7D0] =	vst v9;
	v9 =	vld [tilespmem:s17+$0x1D0]  }
0xa6: {  	[tilespmem:$0x1F7F0] =	vst v8;
	v8 =	vld [tilespmem:$0x8730]  }
0xa7: {  	v3 =	vld [tilespmem:s17+$0xFFFFFF80];
	v7 =	vmul.f32 v46, v5  }
0xa8: {  	[tilespmem:$0x1F800] =	vst v11;
	v11 =	vld [tilespmem:s17+$0xB0]  }
0xa9: {  	v6 =	vld [tilespmem:s17+$0xFFFFFF90];
	[tilespmem:$0x1FA80] =	vst v2;
	v2 =	vsub.f32 v7, v48;
	v7 =	vmul.f32 v49, v4  }
0xaa: {  	[tilespmem:$0x1F810] =	vst v12;
	v12 =	vld [tilespmem:s17+$0x80]  }
0xab: {  	v0 =	vadd.f32 v1, v0;
	v1 =	vmul.f32 v2, v5;
	v2 =	vsub.f32 v7, v51;
	v5 =	vld [tilespmem:s17+$0xFFFFFFA0]  }
0xac: {  	[tilespmem:$0x1F870] =	vst v8;
	v8 =	vld [tilespmem:$0x8750];
	v7 =	vmul.f32 v52, v3  }
0xad: {  	[tilespmem:$0x1F830] =	vst v13;
	v13 =	vld [tilespmem:s17+$0x1A0];
	v0 =	vadd.f32 v1, v0;
	v1 =	vmul.f32 v2, v4  }
0xae: {  	v2 =	vsub.f32 v7, v53;
	v4 =	vld [tilespmem:s17+$0xFFFFFFB0];
	v7 =	vmul.f32 v57, v6  }
0xaf: {  	[tilespmem:$0x1F840] =	vst v14;
	v14 =	vld [tilespmem:s17+$0x90];
	v0 =	vadd.f32 v1, v0  }
0xb0: {  	v1 =	vmul.f32 v2, v3;
	v2 =	vsub.f32 v7, v54;
	v3 =	vld [tilespmem:s17+$0xFFFFFFC0];
	v7 =	vmul.f32 v55, v5  }
0xb1: {  	[tilespmem:$0x1F8C0] =	vst v8;
	v8 =	vld [tilespmem:$0x8770]  }
0xb2: {  	v0 =	vadd.f32 v1, v0;
	v1 =	vmul.f32 v2, v6;
	v6 =	vld [tilespmem:s17+$0xFFFFFFD0];
	v2 =	vsub.f32 v7, v56  }
0xb3: {  	[tilespmem:$0x1F860] =	vst v50;
	v50 =	vld [tilespmem:$0x8340];
	v7 =	vmul.f32 v58, v4  }
0xb4: {  	[tilespmem:$0x1F850] =	vst v15;
	v15 =	vld [tilespmem:s17+$0x190];
	v0 =	vadd.f32 v1, v0;
	v1 =	vmul.f32 v2, v5  }
0xb5: {  	[tilespmem:$0x1FF90] =	vst v17;
	v17 =	vld [tilespmem:s17+$0x180];
	v2 =	vsub.f32 v7, v59;
	v7 =	vmul.f32 v60, v3  }
0xb6: {  	[tilespmem:$0x1F880] =	vst v16;
	v16 =	vld [tilespmem:$0x1FC70];
	v0 =	vadd.f32 v1, v0  }
0xb7: {  	[tilespmem:$0x1F910] =	vst v8;
	v8 =	vld [tilespmem:$0x8790];
	v1 =	vmul.f32 v2, v4;
	v2 =	vsub.f32 v7, v61;
	v7 =	vmul.f32 v62, v6  }
0xb8: {  	v5 =	vld [tilespmem:s17+$0xFFFFFFE0]  }
0xb9: {  	v0 =	vadd.f32 v1, v0;
	v1 =	vmul.f32 v2, v3;
	v2 =	vsub.f32 v7, v63;
	v7 =	vld [tilespmem:$0x1FB90]  }
0xba: {  	[tilespmem:$0x1F8A0] =	vst v41;
	v41 =	vld [tilespmem:$0x8350]  }
0xbb: {  	v0 =	vadd.f32 v1, v0;
	v1 =	vmul.f32 v2, v6;
	v2 =	vld [tilespmem:$0x1FBA0]  }
0xbc: {  	[tilespmem:$0x1FFA0] =	vst v18;
	v18 =	vld [tilespmem:$0x1FD00]  }
0xbd: {  	[tilespmem:$0x1FF70] =	vst v20;
	v20 =	vld [tilespmem:$0x8380]  }
0xbe: {  	[tilespmem:$0x1F960] =	vst v8;
	v8 =	vld [tilespmem:$0x87B0];
	v7 =	vmul.f32 v7, v5  }
0xbf: {  	v4 =	vld [tilespmem:s17+$0xFFFFFFF0]  }
0xc0: {  	v2 =	vsub.f32 v7, v2;
	v7 =	vld [tilespmem:$0x1FBB0]  }
0xc1: {  	[tilespmem:$0x1F8B0] =	vst v19;
	v19 =	vld [tilespmem:s17+$0x170]  }
0xc2: {  	v0 =	vadd.f32 v1, v0;
	v1 =	vmul.f32 v2, v5;
	v2 =	vld [tilespmem:$0x1FBC0]  }
0xc3: {  	[tilespmem:$0x1F8D0] =	vst v32;
	v32 =	vld [tilespmem:$0x8360]  }
0xc4: {  	[tilespmem:$0x1FF80] =	vst v21;
	v21 =	vld [tilespmem:$0x83B0]  }
0xc5: {  	[tilespmem:$0x1F9D0] =	vst v8;
	v8 =	vld [tilespmem:$0x87D0];
	v7 =	vmul.f32 v7, v4  }
0xc6: {  	v3 =	vld [tilespmem:s17+$0x0]  }
0xc7: {  	v2 =	vsub.f32 v7, v2;
	v7 =	vld [tilespmem:$0x1FBD0]  }
0xc8: {  	[tilespmem:$0x1F8F0] =	vst v27;
	v27 =	vld [tilespmem:$0x8370]  }
0xc9: {  	v0 =	vadd.f32 v1, v0;
	v1 =	vmul.f32 v2, v4;
	v2 =	vld [tilespmem:$0x1FBE0]  }
0xca: {  	[tilespmem:$0x1FF50] =	vst v22;
	v22 =	vld [tilespmem:$0x83A0]  }
0xcb: {  	[tilespmem:$0x1FF60] =	vst v24;
	v24 =	vld [tilespmem:$0x8390]  }
0xcc: {  	[tilespmem:$0x1FA50] =	vst v8;
	v8 =	vld [tilespmem:$0x87F0];
	v7 =	vmul.f32 v7, v3  }
0xcd: {  	v6 =	vld [tilespmem:s17+$0x10]  }
0xce: {  	v2 =	vsub.f32 v7, v2;
	v7 =	vld [tilespmem:$0x1FBF0]  }
0xcf: {  	[tilespmem:$0x1F900] =	vst v23;
	v23 =	vld [tilespmem:s17+$0x160]  }
0xd0: {  	v0 =	vadd.f32 v1, v0;
	v1 =	vmul.f32 v2, v3;
	v2 =	vld [tilespmem:$0x1FC00]  }
0xd1: {  	[tilespmem:$0x1F920] =	vst v25;
	v25 =	vld [tilespmem:s17+$0x150]  }
0xd2: {  	[tilespmem:$0x1FF20] =	vst v26;
	v26 =	vld [tilespmem:s17+$0x140]  }
0xd3: {  	[tilespmem:$0x1FAD0] =	vst v8;
	v8 =	vld [tilespmem:s17+$0x40];
	v7 =	vmul.f32 v7, v6  }
0xd4: {  	v5 =	vld [tilespmem:s17+$0x20]  }
0xd5: {  	v2 =	vsub.f32 v7, v2;
	v7 =	vld [tilespmem:$0x1FC10]  }
0xd6: {  	[tilespmem:$0x1F940] =	vst v28;
	v28 =	vld [tilespmem:s17+$0x130]  }
0xd7: {  	v0 =	vadd.f32 v1, v0;
	v1 =	vmul.f32 v2, v6;
	v6 =	vld [tilespmem:$0x1FC20]  }
0xd8: {  	[tilespmem:$0x1FF00] =	vst v31;
	v31 =	vld [tilespmem:s17+$0x1C0]  }
0xd9: {  	[tilespmem:$0x1F950] =	vst v30;
	v30 =	vld [tilespmem:s17+$0x120]  }
0xda: {  	[tilespmem:$0x1FF10] =	vst v34;
	v34 =	vld [tilespmem:s17+$0x1B0];
	v7 =	vmul.f32 v7, v5  }
0xdb: {  	v4 =	vld [tilespmem:s17+$0x30]  }
0xdc: {  	v6 =	vsub.f32 v7, v6;
	v7 =	vld [tilespmem:$0x1FC30]  }
0xdd: {  	[tilespmem:$0x1F990] =	vst v35;
	v35 =	vld [tilespmem:s17+$0x110]  }
0xde: {  	v5 =	vmul.f32 v6, v5;
	v6 =	vld [tilespmem:$0x1FC50]  }
0xdf: {  	v0 =	vadd.f32 v1, v0;
	v1 =	vld [tilespmem:$0x1FC40]  }
0xe0: {  	[tilespmem:$0x1F9C0] =	vst v38;
	v38 =	vld [tilespmem:s17+$0x100]  }
0xe1: {  	[tilespmem:$0x1FAA0] =	vst v49;
	v49 =	vld [tilespmem:$0x83F0];
	v7 =	vmul.f32 v7, v4  }
0xe2: {  	v3 =	vld [tilespmem:s17+$0x50]  }
0xe3: {  	v6 =	vsub.f32 v7, v6;
	v7 =	vld [tilespmem:$0x1FC60]  }
0xe4: {  	[tilespmem:$0x1FAC0] =	vst v52;
	v52 =	vld [tilespmem:s17+$0x1F0];
	v1 =	vmul.f32 v1, v8  }
0xe5: {  	v0 =	vadd.f32 v5, v0;
	v5 =	vld [tilespmem:$0x1FC80]  }
0xe6: {  	[tilespmem:$0x1FA60] =	vst v47;
	v47 =	vld [tilespmem:$0x83E0];
	v1 =	vsub.f32 v1, v16;
	v4 =	vmul.f32 v6, v4  }
0xe7: {  	[tilespmem:$0x1FAE0] =	vst v53;
	v53 =	vld [tilespmem:s17+$0x1E0]  }
0xe8: {  	[tilespmem:$0x1F9E0] =	vst v43;
	v43 =	vld [tilespmem:$0x83C0];
	v1 =	vmul.f32 v1, v8;
	v0 =	vadd.f32 v4, v0;
	v7 =	vmul.f32 v7, v3  }
0xe9: {  	[tilespmem:$0x1FA10] =	vst v44;
	v44 =	vld [tilespmem:$0x83D0]  }
0xea: {  	v6 =	vld [tilespmem:$0x1FC90];
	v0 =	vadd.f32 v1, v0;
	v1 =	vmul.f32 v49, v52;
	v5 =	vsub.f32 v7, v5  }
0xeb: {  	[tilespmem:$0x1F9F0] =	vst v39;
	v39 =	vld [tilespmem:s17+$0xF0]  }
0xec: {  	[tilespmem:$0x1FD70] =	vst v1;
	v1 =	vmul.f32 v47, v53;
	v3 =	vmul.f32 v5, v3;
	v5 =	vld [tilespmem:$0x1FCB0]  }
0xed: {  	[tilespmem:$0x1FA30] =	vst v42;
	v42 =	vld [tilespmem:s17+$0xE0]  }
0xee: {  	v2 =	vld [tilespmem:s17+$0x70];
	[tilespmem:$0x1FDA0] =	vst v1;
	v1 =	vmul.f32 v44, v9  }
0xef: {  	v8 =	vld [tilespmem:$0x1FCE0];
	v6 =	vmul.f32 v6, v10  }
0xf0: {  	v4 =	vld [tilespmem:$0x1FCA0];
	[tilespmem:$0x1FDD0] =	vst v1;
	v1 =	vmul.f32 v43, v31  }
0xf1: {  	v5 =	vsub.f32 v6, v5;
	v6 =	vld [tilespmem:$0x1FCC0]  }
0xf2: {  	[tilespmem:$0x1FDF0] =	vst v1;
	v1 =	vld [tilespmem:$0x1FE80]  }
0xf3: {  	v5 =	vmul.f32 v5, v10;
	v10 =	vld [tilespmem:$0x1FD10]  }
0xf4: {  	[tilespmem:$0x1FA40] =	vst v45;
	v45 =	vld [tilespmem:s17+$0xD0]  }
0xf5: {  	v16 =	vld [tilespmem:s17+$0xA0];
	v4 =	vmul.f32 v4, v2  }
0xf6: {  	[tilespmem:$0x1FF30] =	vst v29;
	v7 =	vld [tilespmem:$0x1FCD0];
	v6 =	vmul.f32 v6, v12  }
0xf7: {  	[tilespmem:$0x1FE50] =	vst v32;
	v29 =	vmul.f32 v32, v23;
	v4 =	vsub.f32 v4, v8;
	v32 =	vmul.f32 v1, v28;
	v1 =	vld [tilespmem:$0x1FE90]  }
0xf8: {  	s19 =	simm.s32 $0x600;
	v0 =	vadd.f32 v3, v0;
	v6 =	vsub.f32 v6, v10;
	v10 =	vld [tilespmem:$0x1FD20]  }
0xf9: {  	[tilespmem:$0x1FA70] =	vst v46;
	v46 =	vld [tilespmem:s19+$0xFFFFFF00]  }
0xfa: {  	v2 =	vmul.f32 v4, v2;
	v4 =	vld [tilespmem:$0x1FD30];
	v0 =	vadd.f32 v5, v0  }
0xfb: {  	[tilespmem:$0x1FA90] =	vst v48;
	v48 =	vld [tilespmem:s17+$0xC0];
	v7 =	vmul.f32 v7, v14  }
0xfc: {  	v18 =	vmul.f32 v18, v16;
	v0 =	vadd.f32 v2, v0;
	v2 =	vld [tilespmem:$0x1FEC0]  }
0xfd: {  	[tilespmem:$0x1FA20] =	vst v40;
	v6 =	vmul.f32 v6, v12;
	v40 =	vmul.f32 v1, v30;
	v1 =	vld [tilespmem:$0x1FEA0];
	v7 =	vsub.f32 v7, v10  }
0xfe: {  	[tilespmem:$0x1FAB0] =	vst v51;
	v51 =	vld [tilespmem:s19+$0xFFFFFEE0]  }
0xff: {  	[tilespmem:$0x1FB00] =	vst v54;
	v54 =	vld [tilespmem:s19+$0xFFFFFED0];
	v4 =	vsub.f32 v18, v4;
	v0 =	vadd.f32 v6, v0;
	v7 =	vmul.f32 v7, v14  }
0x100: {  	v8 =	vld [tilespmem:$0x1FCF0]  }
0x101: {  	[tilespmem:$0x1FD80] =	vst v47;
	v12 =	vmul.f32 v4, v16;
	v47 =	vmul.f32 v2, v39;
	v2 =	vld [tilespmem:$0x1FED0];
	v0 =	vadd.f32 v7, v0  }
0x102: {  	[tilespmem:$0x1FDE0] =	vst v43;
	v43 =	vmul.f32 v1, v35;
	v1 =	vld [tilespmem:$0x1FEB0]  }
0x103: {  	[tilespmem:$0x1FB80] =	vst v63;
	v63 =	vadd.f32 v12, v0;
	v0 =	vld [tilespmem:$0x1FF20]  }
0x104: {  	v6 =	vld [tilespmem:$0x1FF70]  }
0x105: {  	[tilespmem:$0x1F9B0] =	vst v37;
	v10 =	vld [tilespmem:$0x1FD40]  }
0x106: {  	[tilespmem:$0x1FE70] =	vst v50;
	v37 =	vmul.f32 v50, v26;
	v50 =	vmul.f32 v2, v42;
	v2 =	vld [tilespmem:$0x1FEE0]  }
0x107: {  	[tilespmem:$0x1FDB0] =	vst v44;
	v44 =	vmul.f32 v1, v38;
	v1 =	vld [tilespmem:s19+$0xFFFFFE90]  }
0x108: {  	[tilespmem:$0x1FB70] =	vst v62;
	v8 =	vmul.f32 v8, v11;
	v62 =	vmul.f32 v0, v54;
	v0 =	vld [tilespmem:$0x1FF30]  }
0x109: {  	[tilespmem:$0x1FB40] =	vst v59;
	v59 =	vld [tilespmem:s19+$0xFFFFFEB0]  }
0x10a: {  	[tilespmem:$0x1FB50] =	vst v60;
	v60 =	vld [tilespmem:s19+$0xFFFFFEA0];
	v8 =	vsub.f32 v8, v10  }
0x10b: {  	[tilespmem:$0x1FD90] =	vst v53;
	v53 =	vmul.f32 v2, v45;
	v2 =	vld [tilespmem:$0x1FEF0]  }
0x10c: {  	[tilespmem:$0x1FB30] =	vst v58;
	v58 =	vmul.f32 v8, v11;
	v11 =	vmul.f32 v6, v1;
	v6 =	vld [tilespmem:$0x1FF80]  }
0x10d: {  	[tilespmem:$0x1FB60] =	vst v61;
	v61 =	vmul.f32 v0, v51;
	v0 =	vld [tilespmem:$0x1FF40]  }
0x10e: {  	[tilespmem:$0x1FD60] =	vst v49;
	v49 =	vld [tilespmem:s19+$0xFFFFFEF0]  }
0x10f: {  	[tilespmem:$0x1F970] =	vst v33;
	v3 =	vld [tilespmem:$0x1FF00]  }
0x110: {  	[tilespmem:$0x1F9A0] =	vst v36;
	v7 =	vld [tilespmem:s19+$0xFFFFFE70];
	v2 =	vmul.f32 v2, v48  }
0x111: {  	[tilespmem:$0x1FAF0] =	vst v57;
	v8 =	vmul.f32 v6, v60;
	v6 =	vld [tilespmem:$0x1FF90]  }
0x112: {  	[tilespmem:$0x1FB10] =	vst v55;
	v0 =	vsub.f32 v2, v0;
	v2 =	vld [tilespmem:$0x1FF50]  }
0x113: {  	[tilespmem:$0x1FB20] =	vst v56;
	v55 =	vld [tilespmem:s19+$0xFFFFFEC0]  }
0x114: {  	[tilespmem:$0x1FDC0] =	vst v9;
	v57 =	vmul.f32 v3, v49;
	v3 =	vld [tilespmem:$0x1FF10]  }
0x115: {  	[tilespmem:$0x1FE60] =	vst v41;
	v4 =	vld [tilespmem:s19+$0xFFFFFE80]  }
0x116: {  	[tilespmem:$0x1FE30] =	vst v20;
	v14 =	vmul.f32 v6, v7;
	v6 =	vld [tilespmem:$0x1FFA0]  }
0x117: {  	[tilespmem:$0x1FE00] =	vst v21;
	v5 =	vmul.f32 v2, v59;
	v2 =	vld [tilespmem:$0x1FF60]  }
0x118: {  	[tilespmem:$0x1FE10] =	vst v22;
	v33 =	vmul.f32 v41, v25;
	v41 =	vld [tilespmem:s19+$0xFFFFFE30]  }
0x119: {  	v20 =	vmul.f32 v20, v17;
	[tilespmem:$0x1FE40] =	vst v27;
	v56 =	vmul.f32 v3, v46;
	v3 =	vld [tilespmem:s19+$0xFFFFFE40]  }
0x11a: {  	v22 =	vmul.f32 v22, v13;
	v27 =	vmul.f32 v27, v19;
	[tilespmem:$0x1FE20] =	vst v24;
	v16 =	vld [tilespmem:s19+$0xFFFFFE00]  }
0x11b: {  	v24 =	vmul.f32 v24, v15;
	v21 =	vmul.f32 v21, v34;
	[tilespmem:$0x1FD50] =	vst v52;
	v18 =	vimm.f32 $0.0e+00;
	v10 =	vld [tilespmem:s19+$0xFFFFFE60]  }
0x11c: {  	s20 =	simm.s32 $0x2;
	s18 =	simm.s32 $0x0;
	v36 =	vimm.f32 $0.0e+00;
	s17 =	simm.s32 $0x1;
	[tilespmem:$0x1FFB0] =	vst v18;
	v12 =	vld [tilespmem:s19+$0xFFFFFE50];
	v6 =	vmul.f32 v6, v4;
	v2 =	vmul.f32 v2, v55  }
.LBB2_2:
0x11d: {  	v9 =	vld [tilespmem:$0x1F740];
	_ =	sdelay $0x4  }
0x11e: {  	v0 =	vmul.f32 v0, v48;
	v48 =	vsub.f32 v53, v9;
	v9 =	vld [tilespmem:$0x1F840];
	_ =	sdelay $0x4  }
0x11f: {  	v53 =	vmul.f32 v9, v12;
	v9 =	vld [tilespmem:$0x1F860];
	_ =	sdelay $0x4  }
0x120: {  	v58 =	vadd.f32 v58, v63;
	v63 =	vmul.f32 v9, v10;
	v9 =	vld [tilespmem:$0x1F750];
	_ =	sdelay $0x4  }
0x121: {  	v45 =	vmul.f32 v48, v45;
	v48 =	vsub.f32 v50, v9;
	v9 =	vld [tilespmem:$0x1F770];
	_ =	sdelay $0x4  }
0x122: {  	v50 =	vmul.f32 v9, v16;
	v9 =	vld [tilespmem:$0x1F810];
	_ =	sdelay $0x2  }
0x123: {  	v52 =	vld [tilespmem:s19+$0xFFFFFE10]  }
0x124: {  	v42 =	vmul.f32 v48, v42;
	v48 =	vld [tilespmem:$0x1F760]  }
0x125: {  	v0 =	vadd.f32 v0, v58;
	v58 =	vmul.f32 v9, v3;
	v9 =	vld [tilespmem:$0x1F780];
	_ =	sdelay $0x4  }
0x126: {  	v0 =	vadd.f32 v45, v0;
	v45 =	vsub.f32 v47, v48;
	v47 =	vmul.f32 v9, v52;
	v9 =	vld [tilespmem:$0x1F7E0];
	_ =	sdelay $0x4  }
0x127: {  	v48 =	vmul.f32 v9, v41;
	v9 =	vld [tilespmem:$0x1F7B0];
	_ =	sdelay $0x4  }
0x128: {  	v44 =	vsub.f32 v44, v9;
	v9 =	vld [tilespmem:$0x1F790];
	_ =	sdelay $0x4  }
0x129: {  	v50 =	vsub.f32 v50, v9;
	v9 =	vld [tilespmem:$0x1F7A0];
	_ =	sdelay $0x3  }
0x12a: {  	v18 =	vld [tilespmem:s19+$0xFFFFFE20]  }
0x12b: {  	v0 =	vadd.f32 v42, v0;
	v42 =	vsub.f32 v47, v9;
	v9 =	vld [tilespmem:$0x1F7C0];
	_ =	sdelay $0x4  }
0x12c: {  	v39 =	vmul.f32 v45, v39;
	v45 =	vmul.f32 v9, v18;
	v9 =	vld [tilespmem:$0x1F7F0];
	_ =	sdelay $0x4  }
0x12d: {  	v43 =	vsub.f32 v43, v9;
	v9 =	vld [tilespmem:$0x1F7D0];
	_ =	sdelay $0x4  }
0x12e: {  	v47 =	vsub.f32 v45, v9;
	v9 =	vld [tilespmem:$0x1F820];
	_ =	sdelay $0x4  }
0x12f: {  	v40 =	vsub.f32 v40, v9;
	v9 =	vld [tilespmem:$0x1F800];
	_ =	sdelay $0x4  }
0x130: {  	v48 =	vsub.f32 v48, v9;
	v9 =	vld [tilespmem:$0x1F870];
	_ =	sdelay $0x4  }
0x131: {  	v32 =	vsub.f32 v32, v9;
	v9 =	vld [tilespmem:$0x1F830];
	_ =	sdelay $0x4  }
0x132: {  	v16 =	vmul.f32 v50, v16;
	v50 =	vsub.f32 v58, v9;
	v9 =	vld [tilespmem:$0x1F890];
	_ =	sdelay $0x3  }
0x133: {  	v0 =	vadd.f32 v39, v0;
	v38 =	vmul.f32 v44, v38  }
0x134: {  	v42 =	vmul.f32 v42, v52;
	v52 =	vsub.f32 v37, v9;
	v9 =	vld [tilespmem:$0x1F850]  }
0x135: {  	v0 =	vadd.f32 v38, v0;
	v35 =	vmul.f32 v43, v35;
	_ =	sdelay $0x1  }
0x136: {  	v0 =	vadd.f32 v35, v0;
	v30 =	vmul.f32 v40, v30;
	_ =	sdelay $0x1  }
0x137: {  	v0 =	vadd.f32 v30, v0;
	v30 =	vsub.f32 v53, v9;
	v9 =	vld [tilespmem:$0x1F8C0];
	_ =	sdelay $0x3  }
0x138: {  	v16 =	vadd.f32 $0.0e+00, v16  }
0x139: {  	v53 =	vsub.f32 v33, v9;
	v9 =	vld [tilespmem:$0x1F880]  }
0x13a: {  	v16 =	vadd.f32 v42, v16;
	v18 =	vmul.f32 v47, v18;
	_ =	sdelay $0x1  }
0x13b: {  	v16 =	vadd.f32 v18, v16;
	v18 =	vmul.f32 v48, v41;
	_ =	sdelay $0x1  }
0x13c: {  	v16 =	vadd.f32 v18, v16;
	v18 =	vsub.f32 v63, v9;
	v9 =	vld [tilespmem:$0x1F8E0];
	_ =	sdelay $0x2  }
0x13d: {  	v28 =	vmul.f32 v32, v28;
	_ =	sdelay $0x1  }
0x13e: {  	v0 =	vadd.f32 v28, v0;
	v28 =	vsub.f32 v29, v9;
	v9 =	vld [tilespmem:$0x1F8A0];
	_ =	sdelay $0x4  }
0x13f: {  	v14 =	vsub.f32 v14, v9;
	v9 =	vld [tilespmem:$0x1F910];
	_ =	sdelay $0x2  }
0x140: {  	v3 =	vmul.f32 v50, v3;
	_ =	sdelay $0x1  }
0x141: {  	v3 =	vadd.f32 v3, v16;
	v16 =	vmul.f32 v28, v23;
	v23 =	vsub.f32 v27, v9;
	v9 =	vld [tilespmem:$0x1F8B0];
	_ =	sdelay $0x4  }
0x142: {  	v6 =	vsub.f32 v6, v9  }
0x143: {  	v12 =	vmul.f32 v30, v12;
	v9 =	vld [tilespmem:$0x1F930]  }
0x144: {  	v4 =	vmul.f32 v6, v4;
	v6 =	vld [tilespmem:$0x1F8F0]  }
0x145: {  	v3 =	vadd.f32 v12, v3;
	v10 =	vmul.f32 v18, v10;
	_ =	sdelay $0x1  }
0x146: {  	v3 =	vadd.f32 v10, v3;
	v7 =	vmul.f32 v14, v7  }
0x147: {  	v18 =	vsub.f32 v20, v9;
	v9 =	vld [tilespmem:$0x1F8D0]  }
0x148: {  	v26 =	vmul.f32 v52, v26;
	v3 =	vadd.f32 v7, v3;
	v6 =	vsub.f32 v8, v6;
	v8 =	vld [tilespmem:$0x1F980];
	_ =	sdelay $0x1  }
0x149: {  	v0 =	vadd.f32 v26, v0;
	v25 =	vmul.f32 v53, v25;
	v3 =	vadd.f32 v4, v3;
	v4 =	vld [tilespmem:$0x1F900];
	_ =	sdelay $0x1  }
0x14a: {  	v0 =	vadd.f32 v25, v0;
	v10 =	vsub.f32 v11, v9;
	v9 =	vld [tilespmem:$0x1F960]  }
0x14b: {  	v8 =	vsub.f32 v22, v8  }
0x14c: {  	v0 =	vadd.f32 v16, v0;
	v12 =	vmul.f32 v23, v19  }
0x14d: {  	v4 =	vsub.f32 v5, v4;
	v1 =	vmul.f32 v10, v1;
	v5 =	vmul.f32 v8, v13;
	v8 =	vld [tilespmem:$0x1F9D0]  }
0x14e: {  	v0 =	vadd.f32 v12, v0;
	v11 =	vmul.f32 v18, v17  }
0x14f: {  	v1 =	vadd.f32 v1, v3;
	v3 =	vmul.f32 v6, v60;
	v6 =	vld [tilespmem:$0x1F920];
	v14 =	vsub.f32 v24, v9;
	_ =	sdelay $0x1  }
0x150: {  	v0 =	vadd.f32 v11, v0;
	v7 =	vmul.f32 v14, v15  }
0x151: {  	v8 =	vsub.f32 v21, v8  }
0x152: {  	v0 =	vadd.f32 v7, v0;
	v7 =	vld [tilespmem:$0x1FA00]  }
0x153: {  	v2 =	vsub.f32 v2, v6;
	v6 =	vmul.f32 v8, v34;
	v8 =	vld [tilespmem:$0x1FDF0];
	_ =	sdelay $0x4  }
0x154: {  	v7 =	vsub.f32 v8, v7  }
0x155: {  	v8 =	vld [tilespmem:$0x1FDD0]  }
0x156: {  	v0 =	vadd.f32 v5, v0;
	v5 =	vmul.f32 v7, v31;
	v7 =	vld [tilespmem:$0x1FA50];
	_ =	sdelay $0x4  }
0x157: {  	v7 =	vsub.f32 v8, v7;
	v8 =	vld [tilespmem:$0x1FDC0];
	_ =	sdelay $0x3  }
0x158: {  	v9 =	vld [tilespmem:$0x1FDA0]  }
0x159: {  	v7 =	vmul.f32 v7, v8;
	v8 =	vld [tilespmem:$0x1FA80];
	_ =	sdelay $0x4  }
0x15a: {  	v8 =	vsub.f32 v9, v8;
	v9 =	vld [tilespmem:$0x1FD90];
	_ =	sdelay $0x3  }
0x15b: {  	v10 =	vld [tilespmem:$0x1FD70]  }
0x15c: {  	v8 =	vmul.f32 v8, v9;
	v9 =	vld [tilespmem:$0x1FAD0]  }
0x15d: {  	v0 =	vadd.f32 v6, v0  }
0x15e: {  	v1 =	vadd.f32 v3, v1;
	v3 =	vmul.f32 v4, v59  }
0x15f: {  	v4 =	vld [tilespmem:$0x1F940];
	v0 =	vadd.f32 v5, v0  }
0x160: {  	v1 =	vadd.f32 v3, v1;
	v3 =	vld [tilespmem:s19+$0xFFFFFF10]  }
0x161: {  	v0 =	vadd.f32 v7, v0;
	v9 =	vsub.f32 v10, v9;
	v10 =	vld [tilespmem:$0x1F9A0]  }
0x162: {  	v11 =	vld [tilespmem:$0x1FD50]  }
0x163: {  	v0 =	vadd.f32 v8, v0;
	v8 =	vld [tilespmem:$0x1F9B0];
	_ =	sdelay $0x1  }
0x164: {  	v4 =	vsub.f32 v62, v4;
	v2 =	vmul.f32 v2, v55  }
0x165: {  	v6 =	vld [tilespmem:$0x1F950];
	v10 =	vmul.f32 v10, v3  }
0x166: {  	v1 =	vadd.f32 v2, v1;
	v2 =	vmul.f32 v4, v54;
	v4 =	vld [tilespmem:s19+$0xFFFFFF20]  }
0x167: {  	v9 =	vmul.f32 v9, v11;
	v8 =	vsub.f32 v10, v8;
	v10 =	vld [tilespmem:$0x1F9C0];
	_ =	sdelay $0x1  }
0x168: {  	v0 =	vadd.f32 v9, v0;
	v9 =	vld [tilespmem:$0x1F9E0];
	_ =	sdelay $0x1  }
0x169: {  	v6 =	vsub.f32 v61, v6  }
0x16a: {  	v10 =	vmul.f32 v10, v4  }
0x16b: {  	v1 =	vadd.f32 v2, v1;
	v2 =	vmul.f32 v6, v51;
	v6 =	vld [tilespmem:s19+$0xFFFFFF30]  }
0x16c: {  	v10 =	vsub.f32 v10, v9;
	v9 =	vld [tilespmem:$0x1F9F0];
	_ =	sdelay $0x1  }
0x16d: {  	v5 =	vld [tilespmem:$0x1F970];
	_ =	sdelay $0x2  }
0x16e: {  	v12 =	vmul.f32 v9, v6;
	v9 =	vld [tilespmem:$0x1FA10];
	_ =	sdelay $0x1  }
0x16f: {  	v5 =	vsub.f32 v57, v5  }
0x170: {  	v13 =	vlaneseq.u32  }
0x171: {  	v1 =	vadd.f32 v2, v1;
	v2 =	vmul.f32 v5, v49;
	v5 =	vld [tilespmem:s19+$0xFFFFFF40];
	v11 =	vmov s18  }
0x172: {  	vm0 =	veq.s32 v11, v13;
	v11 =	vsub.f32 v12, v9;
	v9 =	vld [tilespmem:$0x1FA20];
	_ =	sdelay $0x3  }
0x173: {  	v14 =	vld [tilespmem:s19+$0x1F0]  }
0x174: {  	v12 =	vmul.f32 v9, v5;
	v9 =	vld [tilespmem:$0x1FD60]  }
0x175: {  	v7 =	vld [tilespmem:$0x1F990];
	_ =	sdelay $0x3  }
0x176: {  	v9 =	vmul.f32 v9, v14  }
0x177: {  	v7 =	vsub.f32 v56, v7  }
0x178: {  	[tilespmem:$0x1FD70] =	vst v9;
	v9 =	vld [tilespmem:$0x1FA30]  }
0x179: {  	v1 =	vadd.f32 v2, v1;
	v2 =	vmul.f32 v7, v46;
	_ =	sdelay $0x1  }
0x17a: {  	v1 =	vadd.f32 v2, v1;
	v2 =	vmul.f32 v8, v3  }
0x17b: {  	v7 =	vld [tilespmem:s19+$0xFFFFFF50]  }
0x17c: {  	v1 =	vadd.f32 v2, v1;
	v2 =	vmul.f32 v10, v4;
	v10 =	vsub.f32 v12, v9;
	v9 =	vld [tilespmem:$0x1FA40];
	_ =	sdelay $0x3  }
0x17d: {  	v15 =	vld [tilespmem:s19+$0x1E0]  }
0x17e: {  	v12 =	vmul.f32 v9, v7;
	v9 =	vld [tilespmem:$0x1FD80];
	_ =	sdelay $0x4  }
0x17f: {  	v9 =	vmul.f32 v9, v15;
	_ =	sdelay $0x1  }
0x180: {  	[tilespmem:$0x1FDA0] =	vst v9;
	v9 =	vld [tilespmem:$0x1FA60];
	_ =	sdelay $0x3  }
0x181: {  	v3 =	vld [tilespmem:s19+$0xFFFFFF60]  }
0x182: {  	v12 =	vsub.f32 v12, v9;
	v9 =	vld [tilespmem:$0x1FA70];
	_ =	sdelay $0x3  }
0x183: {  	v16 =	vld [tilespmem:s19+$0x1D0]  }
0x184: {  	[tilespmem:$0x1FD50] =	vst v14;
	v14 =	vmul.f32 v9, v3;
	v9 =	vld [tilespmem:$0x1FDB0];
	_ =	sdelay $0x4  }
0x185: {  	v9 =	vmul.f32 v9, v16  }
0x186: {  	v8 =	vld [tilespmem:$0x1FFE0]  }
0x187: {  	[tilespmem:$0x1FDD0] =	vst v9;
	v9 =	vld [tilespmem:$0x1FA90];
	_ =	sdelay $0x2  }
0x188: {  	v1 =	vadd.f32 v2, v1;
	v2 =	vmul.f32 v11, v6;
	v11 =	vld [tilespmem:$0x1FFD0]  }
0x189: {  	v8 =	vperm.xlane v0, v8;
	v4 =	vld [tilespmem:s19+$0xFFFFFF70]  }
0x18a: {  	v1 =	vadd.f32 v2, v1;
	v2 =	vmul.f32 v10, v5;
	v10 =	vsub.f32 v14, v9;
	v9 =	vld [tilespmem:$0x1FAA0]  }
0x18b: {  	v8 =	vadd.f32 v0, v8;
	_ =	sdelay $0x1  }
0x18c: {  	v11 =	vperm.xlane v8, v11  }
0x18d: {  	v31 =	vld [tilespmem:s19+$0x1C0]  }
0x18e: {  	v8 =	vadd.f32 v8, v11;
	v11 =	vmul.f32 v9, v4;
	v9 =	vld [tilespmem:$0x1FDE0];
	_ =	sdelay $0x4  }
0x18f: {  	v9 =	vmul.f32 v9, v31;
	_ =	sdelay $0x1  }
0x190: {  	[tilespmem:$0x1FDF0] =	vst v9;
	v9 =	vld [tilespmem:$0x1FAB0];
	_ =	sdelay $0x3  }
0x191: {  	v6 =	vld [tilespmem:s19+$0xFFFFFF80]  }
0x192: {  	v11 =	vsub.f32 v11, v9;
	v9 =	vld [tilespmem:$0x1FAC0];
	_ =	sdelay $0x3  }
0x193: {  	v34 =	vld [tilespmem:s19+$0x1B0]  }
0x194: {  	v14 =	vmul.f32 v9, v6;
	v9 =	vld [tilespmem:$0x1FE00];
	_ =	sdelay $0x4  }
0x195: {  	v21 =	vmul.f32 v9, v34;
	v9 =	vld [tilespmem:$0x1FAE0];
	_ =	sdelay $0x2  }
0x196: {  	v1 =	vadd.f32 v2, v1;
	v2 =	vmul.f32 v12, v7;
	v12 =	vld [tilespmem:$0x1FFF0]  }
0x197: {  	v5 =	vld [tilespmem:s19+$0xFFFFFF90]  }
0x198: {  	v1 =	vadd.f32 v2, v1;
	v2 =	vmul.f32 v10, v3;
	v10 =	vsub.f32 v14, v9;
	v9 =	vld [tilespmem:$0x1FAF0];
	_ =	sdelay $0x2  }
0x199: {  	v12 =	vperm.xlane v8, v12  }
0x19a: {  	v13 =	vld [tilespmem:s19+$0x1A0]  }
0x19b: {  	v8 =	vadd.f32 v8, v12;
	v12 =	vmul.f32 v9, v5;
	v9 =	vld [tilespmem:$0x1FE10];
	_ =	sdelay $0x4  }
0x19c: {  	v22 =	vmul.f32 v9, v13;
	v9 =	vld [tilespmem:$0x1FB00];
	_ =	sdelay $0x3  }
0x19d: {  	v7 =	vld [tilespmem:s19+$0xFFFFFFA0]  }
0x19e: {  	v12 =	vsub.f32 v12, v9;
	v9 =	vld [tilespmem:$0x1FB10];
	_ =	sdelay $0x3  }
0x19f: {  	[tilespmem:$0x1FD90] =	vst v15;
	v15 =	vld [tilespmem:s19+$0x190]  }
0x1a0: {  	v14 =	vmul.f32 v9, v7;
	v9 =	vld [tilespmem:$0x1FE20];
	_ =	sdelay $0x2  }
0x1a1: {  	v1 =	vadd.f32 v2, v1;
	v2 =	vmul.f32 v11, v4;
	_ =	sdelay $0x1  }
0x1a2: {  	v1 =	vadd.f32 v2, v1;
	v2 =	vmul.f32 v10, v6;
	v24 =	vmul.f32 v9, v15;
	v9 =	vld [tilespmem:$0x1FB20];
	_ =	sdelay $0x1  }
0x1a3: {  	v1 =	vadd.f32 v2, v1;
	v2 =	vmul.f32 v12, v5;
	v12 =	vld [tilespmem:$0x1FFB0]  }
0x1a4: {  	v11 =	vld [tilespmem:$0x1FFC0]  }
0x1a5: {  	v3 =	vld [tilespmem:s19+$0xFFFFFFB0]  }
0x1a6: {  	v10 =	vsub.f32 v14, v9;
	v9 =	vld [tilespmem:$0x1FB30];
	_ =	sdelay $0x1  }
0x1a7: {  	v12 =	vadd.f32 v0, v12;
	v0 =	vadd.f32 v2, v1;
	v2 =	vld [tilespmem:$0x1FB40]  }
0x1a8: {  	v11 =	vperm.xlane v8, v11  }
0x1a9: {  	v17 =	vld [tilespmem:s19+$0x180]  }
0x1aa: {  	v8 =	vadd.f32 v8, v11;
	v11 =	vmul.f32 v9, v3;
	v9 =	vld [tilespmem:$0x1FE30]  }
0x1ab: {  	v19 =	vld [tilespmem:s19+$0x170]  }
0x1ac: {  	v4 =	vld [tilespmem:s19+$0xFFFFFFC0];
	v1 =	vmul.f32 v10, v7;
	v2 =	vsub.f32 v11, v2  }
0x1ad: {  	v36 =	vsel vm0, v8, v36;
	v8 =	vld [tilespmem:$0x1FB50]  }
0x1ae: {  	v0 =	vadd.f32 v1, v0;
	v1 =	vmul.f32 v2, v3;
	v2 =	vld [tilespmem:$0x1FB60]  }
0x1af: {  	v20 =	vmul.f32 v9, v17;
	v9 =	vld [tilespmem:$0x1FE40];
	_ =	sdelay $0x2  }
0x1b0: {  	v8 =	vmul.f32 v8, v4  }
0x1b1: {  	v6 =	vld [tilespmem:s19+$0xFFFFFFD0]  }
0x1b2: {  	v2 =	vsub.f32 v8, v2;
	v27 =	vmul.f32 v9, v19;
	v9 =	vld [tilespmem:$0x1FB70];
	_ =	sdelay $0x1  }
0x1b3: {  	v0 =	vadd.f32 v1, v0;
	v1 =	vmul.f32 v2, v4;
	v2 =	vld [tilespmem:$0x1FB80];
	_ =	sdelay $0x1  }
0x1b4: {  	v23 =	vld [tilespmem:s19+$0x160]  }
0x1b5: {  	v10 =	vmul.f32 v9, v6;
	v9 =	vld [tilespmem:$0x1FE50]  }
0x1b6: {  	v25 =	vld [tilespmem:s19+$0x150]  }
0x1b7: {  	v5 =	vld [tilespmem:s19+$0xFFFFFFE0];
	v2 =	vsub.f32 v10, v2  }
0x1b8: {  	v8 =	vld [tilespmem:$0x1FB90]  }
0x1b9: {  	v0 =	vadd.f32 v1, v0;
	v1 =	vmul.f32 v2, v6;
	v2 =	vld [tilespmem:$0x1FBA0]  }
0x1ba: {  	v29 =	vmul.f32 v9, v23;
	v9 =	vld [tilespmem:$0x1FE60];
	_ =	sdelay $0x2  }
0x1bb: {  	v8 =	vmul.f32 v8, v5  }
0x1bc: {  	v7 =	vld [tilespmem:s19+$0xFFFFFFF0]  }
0x1bd: {  	v2 =	vsub.f32 v8, v2;
	v33 =	vmul.f32 v9, v25;
	v9 =	vld [tilespmem:$0x1FBB0];
	_ =	sdelay $0x1  }
0x1be: {  	v0 =	vadd.f32 v1, v0;
	v1 =	vmul.f32 v2, v5;
	v2 =	vld [tilespmem:$0x1FBC0];
	_ =	sdelay $0x1  }
0x1bf: {  	v26 =	vld [tilespmem:s19+$0x140]  }
0x1c0: {  	v10 =	vmul.f32 v9, v7;
	v9 =	vld [tilespmem:$0x1FE70]  }
0x1c1: {  	v28 =	vld [tilespmem:s19+$0x130]  }
0x1c2: {  	v3 =	vld [tilespmem:s19+$0x0];
	v2 =	vsub.f32 v10, v2  }
0x1c3: {  	v8 =	vld [tilespmem:$0x1FBD0]  }
0x1c4: {  	v0 =	vadd.f32 v1, v0;
	v1 =	vmul.f32 v2, v7;
	v2 =	vld [tilespmem:$0x1FBE0]  }
0x1c5: {  	v37 =	vmul.f32 v9, v26;
	v9 =	vld [tilespmem:$0x1FE80];
	_ =	sdelay $0x2  }
0x1c6: {  	v8 =	vmul.f32 v8, v3  }
0x1c7: {  	v4 =	vld [tilespmem:s19+$0x10]  }
0x1c8: {  	v2 =	vsub.f32 v8, v2;
	v32 =	vmul.f32 v9, v28;
	v9 =	vld [tilespmem:$0x1FBF0];
	_ =	sdelay $0x1  }
0x1c9: {  	v0 =	vadd.f32 v1, v0;
	v1 =	vmul.f32 v2, v3;
	v2 =	vld [tilespmem:$0x1FC00];
	_ =	sdelay $0x1  }
0x1ca: {  	v30 =	vld [tilespmem:s19+$0x120]  }
0x1cb: {  	v10 =	vmul.f32 v9, v4;
	v9 =	vld [tilespmem:$0x1FE90]  }
0x1cc: {  	v35 =	vld [tilespmem:s19+$0x110]  }
0x1cd: {  	v6 =	vld [tilespmem:s19+$0x20];
	v2 =	vsub.f32 v10, v2  }
0x1ce: {  	v8 =	vld [tilespmem:$0x1FC10]  }
0x1cf: {  	v0 =	vadd.f32 v1, v0;
	v1 =	vmul.f32 v2, v4;
	v2 =	vld [tilespmem:$0x1FC20]  }
0x1d0: {  	v40 =	vmul.f32 v9, v30;
	v9 =	vld [tilespmem:$0x1FEA0];
	_ =	sdelay $0x2  }
0x1d1: {  	v8 =	vmul.f32 v8, v6  }
0x1d2: {  	v5 =	vld [tilespmem:s19+$0x30]  }
0x1d3: {  	v2 =	vsub.f32 v8, v2;
	v43 =	vmul.f32 v9, v35;
	v9 =	vld [tilespmem:$0x1FC30];
	_ =	sdelay $0x1  }
0x1d4: {  	v0 =	vadd.f32 v1, v0;
	v1 =	vmul.f32 v2, v6;
	v2 =	vld [tilespmem:$0x1FC50];
	_ =	sdelay $0x1  }
0x1d5: {  	v38 =	vld [tilespmem:s19+$0x100]  }
0x1d6: {  	v10 =	vmul.f32 v9, v5;
	v9 =	vld [tilespmem:$0x1FEB0]  }
0x1d7: {  	v39 =	vld [tilespmem:s19+$0xF0]  }
0x1d8: {  	v7 =	vld [tilespmem:s19+$0x40];
	v2 =	vsub.f32 v10, v2  }
0x1d9: {  	v8 =	vld [tilespmem:$0x1FC40]  }
0x1da: {  	v0 =	vadd.f32 v1, v0;
	v1 =	vmul.f32 v2, v5;
	v2 =	vld [tilespmem:$0x1FC70]  }
0x1db: {  	v44 =	vmul.f32 v9, v38;
	v9 =	vld [tilespmem:$0x1FEC0];
	_ =	sdelay $0x1  }
0x1dc: {  	v42 =	vld [tilespmem:s19+$0xE0]  }
0x1dd: {  	v45 =	vld [tilespmem:s19+$0xD0];
	v8 =	vmul.f32 v8, v7  }
0x1de: {  	v3 =	vld [tilespmem:s19+$0x50]  }
0x1df: {  	v2 =	vsub.f32 v8, v2;
	v47 =	vmul.f32 v9, v39;
	v9 =	vld [tilespmem:$0x1FC60]  }
0x1e0: {  	v48 =	vld [tilespmem:s19+$0xC0]  }
0x1e1: {  	v0 =	vadd.f32 v1, v0;
	v1 =	vmul.f32 v2, v7;
	v2 =	vld [tilespmem:$0x1FC80]  }
0x1e2: {  	v14 =	vld [tilespmem:s19+$0xB0]  }
0x1e3: {  	v11 =	vld [tilespmem:s19+$0xA0]  }
0x1e4: {  	v4 =	vld [tilespmem:s19+$0x60];
	v10 =	vmul.f32 v9, v3  }
0x1e5: {  	v6 =	vld [tilespmem:s19+$0x70]  }
0x1e6: {  	v8 =	vld [tilespmem:$0x1FC90];
	v2 =	vsub.f32 v10, v2  }
0x1e7: {  	v5 =	vld [tilespmem:s19+$0x80]  }
0x1e8: {  	v0 =	vadd.f32 v1, v0;
	v1 =	vmul.f32 v2, v3;
	v2 =	vld [tilespmem:$0x1FCB0]  }
0x1e9: {  	v7 =	vld [tilespmem:$0x1FCA0]  }
0x1ea: {  	v9 =	vld [tilespmem:$0x1FED0]  }
0x1eb: {  	v8 =	vmul.f32 v8, v4;
	v10 =	vld [tilespmem:s19+$0x90];
	s19 =	sadd.s32 $0x400, s19  }
0x1ec: {  	v46 =	vld [tilespmem:s19+$0xFFFFFF00]  }
0x1ed: {  	v49 =	vld [tilespmem:s19+$0xFFFFFEF0];
	v2 =	vsub.f32 v8, v2  }
0x1ee: {  	v3 =	vld [tilespmem:$0x1FCC0]  }
0x1ef: {  	v0 =	vadd.f32 v1, v0;
	v1 =	vmul.f32 v2, v4;
	v2 =	vld [tilespmem:$0x1FCE0]  }
0x1f0: {  	v51 =	vld [tilespmem:s19+$0xFFFFFEE0]  }
0x1f1: {  	v0 =	vadd.f32 v1, v0;
	v1 =	vld [tilespmem:$0x1FD10]  }
0x1f2: {  	v7 =	vmul.f32 v7, v6;
	v54 =	vld [tilespmem:s19+$0xFFFFFED0]  }
0x1f3: {  	v55 =	vld [tilespmem:s19+$0xFFFFFEC0]  }
0x1f4: {  	v59 =	vld [tilespmem:s19+$0xFFFFFEB0];
	v3 =	vmul.f32 v3, v5;
	v2 =	vsub.f32 v7, v2  }
0x1f5: {  	v60 =	vld [tilespmem:s19+$0xFFFFFEA0]  }
0x1f6: {  	v4 =	vld [tilespmem:$0x1FCD0];
	v2 =	vmul.f32 v2, v6;
	v3 =	vsub.f32 v3, v1  }
0x1f7: {  	v50 =	vmul.f32 v9, v42;
	v9 =	vld [tilespmem:$0x1FEE0]  }
0x1f8: {  	v0 =	vadd.f32 v2, v0;
	v2 =	vmul.f32 v3, v5;
	v3 =	vld [tilespmem:$0x1FD20]  }
0x1f9: {  	v7 =	vld [tilespmem:$0x1FD00]  }
0x1fa: {  	v1 =	vld [tilespmem:$0x1FF00]  }
0x1fb: {  	v8 =	vld [tilespmem:$0x1FCF0];
	v4 =	vmul.f32 v4, v10  }
0x1fc: {  	v0 =	vadd.f32 v2, v0;
	v2 =	vld [tilespmem:$0x1FD30]  }
0x1fd: {  	v5 =	vld [tilespmem:$0x1FF20];
	v3 =	vsub.f32 v4, v3  }
0x1fe: {  	[tilespmem:$0x1FFB0] =	vst v12;
	v53 =	vmul.f32 v9, v45;
	v9 =	vld [tilespmem:$0x1FEF0];
	v12 =	vmul.f32 v7, v11  }
0x1ff: {  	v57 =	vmul.f32 v1, v49;
	v1 =	vld [tilespmem:$0x1FF10];
	v3 =	vmul.f32 v3, v10  }
0x200: {  	v7 =	vld [tilespmem:s19+$0xFFFFFE70]  }
0x201: {  	v6 =	vsub.f32 v12, v2;
	v0 =	vadd.f32 v3, v0;
	v3 =	vld [tilespmem:$0x1FD40]  }
0x202: {  	v62 =	vmul.f32 v5, v54;
	v5 =	vld [tilespmem:$0x1FF30]  }
0x203: {  	v2 =	vld [tilespmem:$0x1FF50];
	v6 =	vmul.f32 v6, v11  }
0x204: {  	v8 =	vmul.f32 v8, v14;
	v56 =	vmul.f32 v1, v46;
	v1 =	vld [tilespmem:s19+$0xFFFFFE90]  }
0x205: {  	v63 =	vadd.f32 v6, v0;
	v6 =	vld [tilespmem:$0x1FF90]  }
0x206: {  	v58 =	vsub.f32 v8, v3;
	v8 =	vld [tilespmem:$0x1FF70]  }
0x207: {  	v4 =	vld [tilespmem:s19+$0xFFFFFE80]  }
0x208: {  	v0 =	vld [tilespmem:$0x1FF40]  }
0x209: {  	v61 =	vmul.f32 v5, v51;
	v5 =	vmul.f32 v2, v59;
	v2 =	vld [tilespmem:$0x1FF60]  }
0x20a: {  	v58 =	vmul.f32 v58, v14;
	v14 =	vmul.f32 v6, v7;
	v6 =	vld [tilespmem:$0x1FFA0]  }
0x20b: {  	p0 =	sne.s32 s20, $0xF;
	v11 =	vmul.f32 v8, v1;
	v8 =	vld [tilespmem:$0x1FF80]  }
.Ltmp0:
0x20c: {  	[tilespmem:$0x1FDC0] =	vst v16;
	v16 =	vld [tilespmem:s19+$0xFFFFFE00];
	(pc) =	sbr.rel @p0 .LBB2_2-.Ltmp0, $4  }
0x20d: {  	v41 =	vld [tilespmem:s19+$0xFFFFFE30]  }
0x20e: {  	v18 =	vmul.f32 v9, v48;
	v10 =	vld [tilespmem:s19+$0xFFFFFE60]  }
0x20f: {  	v12 =	vld [tilespmem:s19+$0xFFFFFE50];
	v2 =	vmul.f32 v2, v55  }
0x210: {  	s18 =	smov.u32 s17;
	s17 =	smov.u32 s20;
	s20 =	sadd.s32 $0x1, s20;
	v3 =	vld [tilespmem:s19+$0xFFFFFE40];
	v0 =	vsub.f32 v18, v0;
	v6 =	vmul.f32 v6, v4;
	v8 =	vmul.f32 v8, v60  }
0x211: {  	v9 =	vld [tilespmem:s19+$0xFFFFFE20];
	_ =	sdelay $0x4  }
0x212: {  	[tilespmem:$0x1EE00] =	vst v9;
	v9 =	vld [tilespmem:$0x1F770];
	_ =	sdelay $0x4  }
0x213: {  	v52 =	vmul.f32 v9, v16;
	v9 =	vld [tilespmem:$0x1F790];
	_ =	sdelay $0x4  }
0x214: {  	v9 =	vsub.f32 v52, v9  }
0x215: {  	v18 =	vld [tilespmem:s19+$0xFFFFFE10]  }
0x216: {  	[tilespmem:$0x1EDF0] =	vst v9;
	v9 =	vld [tilespmem:$0x1F780];
	_ =	sdelay $0x4  }
0x217: {  	v52 =	vmul.f32 v9, v18;
	v9 =	vld [tilespmem:$0x1F7A0];
	_ =	sdelay $0x4  }
0x218: {  	v9 =	vsub.f32 v52, v9;
	_ =	sdelay $0x1  }
0x219: {  	[tilespmem:$0x1EE10] =	vst v9;
	v9 =	vld [tilespmem:$0x1EDF0];
	_ =	sdelay $0x4  }
0x21a: {  	v9 =	vmul.f32 v9, v16  }
0x21b: {  	v16 =	vld [tilespmem:$0x1EE00]  }
0x21c: {  	[tilespmem:$0x1EE20] =	vst v9;
	v9 =	vld [tilespmem:$0x1F7C0];
	_ =	sdelay $0x4  }
0x21d: {  	v52 =	vmul.f32 v9, v16;
	v9 =	vld [tilespmem:$0x1F7E0];
	_ =	sdelay $0x4  }
0x21e: {  	v9 =	vmul.f32 v9, v41;
	_ =	sdelay $0x1  }
0x21f: {  	[tilespmem:$0x1EE30] =	vst v9;
	v9 =	vld [tilespmem:$0x1F7D0];
	_ =	sdelay $0x4  }
0x220: {  	v9 =	vsub.f32 v52, v9;
	_ =	sdelay $0x1  }
0x221: {  	[tilespmem:$0x1EE50] =	vst v9;
	v9 =	vld [tilespmem:$0x1EE10];
	_ =	sdelay $0x4  }
0x222: {  	v9 =	vmul.f32 v9, v18;
	_ =	sdelay $0x1  }
0x223: {  	[tilespmem:$0x1EE40] =	vst v9;
	v9 =	vld [tilespmem:$0x1EE20];
	_ =	sdelay $0x3  }
0x224: {  	v18 =	vld [tilespmem:$0x1EE30]  }
0x225: {  	v52 =	vadd.f32 $0.0e+00, v9;
	v9 =	vld [tilespmem:$0x1F800];
	_ =	sdelay $0x4  }
0x226: {  	v9 =	vsub.f32 v18, v9;
	_ =	sdelay $0x1  }
0x227: {  	[tilespmem:$0x1EE70] =	vst v9;
	v9 =	vld [tilespmem:$0x1EE40];
	_ =	sdelay $0x4  }
0x228: {  	v9 =	vadd.f32 v9, v52;
	_ =	sdelay $0x1  }
0x229: {  	[tilespmem:$0x1EE60] =	vst v9;
	v9 =	vld [tilespmem:$0x1EE50];
	_ =	sdelay $0x4  }
0x22a: {  	v18 =	vmul.f32 v9, v16;
	v9 =	vld [tilespmem:$0x1F810];
	_ =	sdelay $0x4  }
0x22b: {  	v16 =	vmul.f32 v9, v3;
	v9 =	vld [tilespmem:$0x1F840];
	_ =	sdelay $0x4  }
0x22c: {  	v52 =	vmul.f32 v9, v12;
	v9 =	vld [tilespmem:$0x1F830];
	_ =	sdelay $0x4  }
0x22d: {  	v16 =	vsub.f32 v16, v9;
	v9 =	vld [tilespmem:$0x1EE60];
	_ =	sdelay $0x4  }
0x22e: {  	v18 =	vadd.f32 v18, v9;
	v9 =	vld [tilespmem:$0x1EE70];
	_ =	sdelay $0x4  }
0x22f: {  	v41 =	vmul.f32 v9, v41;
	v9 =	vld [tilespmem:$0x1F850];
	_ =	sdelay $0x4  }
0x230: {  	v52 =	vsub.f32 v52, v9;
	v9 =	vld [tilespmem:$0x1F860];
	_ =	sdelay $0x4  }
0x231: {  	v3 =	vmul.f32 v16, v3;
	v16 =	vmul.f32 v9, v10;
	v9 =	vld [tilespmem:$0x1F880];
	_ =	sdelay $0x4  }
0x232: {  	v16 =	vsub.f32 v16, v9;
	v9 =	vld [tilespmem:$0x1F8A0];
	_ =	sdelay $0x3  }
0x233: {  	v18 =	vadd.f32 v41, v18  }
0x234: {  	v14 =	vsub.f32 v14, v9;
	v9 =	vld [tilespmem:$0x1F8B0]  }
0x235: {  	v3 =	vadd.f32 v3, v18;
	v12 =	vmul.f32 v52, v12;
	_ =	sdelay $0x1  }
0x236: {  	v3 =	vadd.f32 v12, v3;
	v10 =	vmul.f32 v16, v10;
	_ =	sdelay $0x1  }
0x237: {  	v3 =	vadd.f32 v10, v3;
	v7 =	vmul.f32 v14, v7;
	v6 =	vsub.f32 v6, v9  }
0x238: {  	v9 =	vld [tilespmem:$0x1F8D0]  }
0x239: {  	v3 =	vadd.f32 v7, v3;
	v4 =	vmul.f32 v6, v4  }
0x23a: {  	v6 =	vld [tilespmem:$0x1F8F0]  }
0x23b: {  	v3 =	vadd.f32 v4, v3;
	v4 =	vld [tilespmem:$0x1F900];
	_ =	sdelay $0x1  }
0x23c: {  	v10 =	vsub.f32 v11, v9;
	_ =	sdelay $0x1  }
0x23d: {  	v6 =	vsub.f32 v8, v6;
	v1 =	vmul.f32 v10, v1  }
0x23e: {  	v4 =	vsub.f32 v5, v4;
	v5 =	vld [tilespmem:$0x1F920]  }
0x23f: {  	v1 =	vadd.f32 v1, v3;
	v3 =	vmul.f32 v6, v60;
	_ =	sdelay $0x1  }
0x240: {  	v1 =	vadd.f32 v3, v1;
	v3 =	vmul.f32 v4, v59;
	v4 =	vld [tilespmem:$0x1F940];
	_ =	sdelay $0x1  }
0x241: {  	v2 =	vsub.f32 v2, v5;
	v5 =	vld [tilespmem:$0x1F950];
	_ =	sdelay $0x1  }
0x242: {  	v6 =	vld [tilespmem:$0x1F970]  }
0x243: {  	v1 =	vadd.f32 v3, v1;
	v4 =	vsub.f32 v62, v4;
	v2 =	vmul.f32 v2, v55;
	_ =	sdelay $0x1  }
0x244: {  	v9 =	vld [tilespmem:$0x1F9C0];
	v1 =	vadd.f32 v2, v1;
	v2 =	vmul.f32 v4, v54;
	v5 =	vsub.f32 v61, v5  }
0x245: {  	v4 =	vld [tilespmem:s19+$0xFFFFFF20]  }
0x246: {  	v6 =	vsub.f32 v57, v6;
	v1 =	vadd.f32 v2, v1;
	v2 =	vmul.f32 v5, v51  }
0x247: {  	v3 =	vld [tilespmem:s19+$0xFFFFFF10]  }
0x248: {  	v1 =	vadd.f32 v2, v1;
	v2 =	vmul.f32 v6, v49;
	v6 =	vld [tilespmem:$0x1F9A0]  }
0x249: {  	v5 =	vld [tilespmem:$0x1F990]  }
0x24a: {  	v10 =	vmul.f32 v9, v4;
	v9 =	vld [tilespmem:$0x1F9B0];
	_ =	sdelay $0x2  }
0x24b: {  	v6 =	vmul.f32 v6, v3  }
0x24c: {  	v8 =	vld [tilespmem:s19+$0xFFFFFF40];
	v5 =	vsub.f32 v56, v5  }
0x24d: {  	v6 =	vsub.f32 v6, v9;
	v9 =	vld [tilespmem:$0x1FA20]  }
0x24e: {  	v7 =	vld [tilespmem:s19+$0xFFFFFF30];
	v1 =	vadd.f32 v2, v1;
	v2 =	vmul.f32 v5, v46  }
0x24f: {  	v5 =	vld [tilespmem:$0x1F9E0]  }
0x250: {  	v1 =	vadd.f32 v2, v1;
	v2 =	vmul.f32 v6, v3;
	v3 =	vld [tilespmem:$0x1F9F0];
	_ =	sdelay $0x1  }
0x251: {  	v11 =	vmul.f32 v9, v8;
	v9 =	vld [tilespmem:$0x1FA10];
	_ =	sdelay $0x1  }
0x252: {  	v5 =	vsub.f32 v10, v5  }
0x253: {  	v6 =	vld [tilespmem:s19+$0xFFFFFF60];
	v3 =	vmul.f32 v3, v7  }
0x254: {  	v1 =	vadd.f32 v2, v1;
	v2 =	vmul.f32 v5, v4;
	v4 =	vld [tilespmem:$0x1FA30]  }
0x255: {  	v3 =	vsub.f32 v3, v9;
	v9 =	vld [tilespmem:$0x1FA70];
	_ =	sdelay $0x1  }
0x256: {  	v10 =	vld [tilespmem:s19+$0xFFFFFF50]  }
0x257: {  	v1 =	vadd.f32 v2, v1;
	v2 =	vmul.f32 v3, v7;
	v3 =	vld [tilespmem:$0x1FA40];
	_ =	sdelay $0x1  }
0x258: {  	v4 =	vsub.f32 v11, v4;
	v11 =	vmul.f32 v9, v6;
	v9 =	vld [tilespmem:$0x1FA60];
	_ =	sdelay $0x2  }
0x259: {  	v7 =	vld [tilespmem:s19+$0xFFFFFF80];
	v3 =	vmul.f32 v3, v10  }
0x25a: {  	v1 =	vadd.f32 v2, v1;
	v2 =	vmul.f32 v4, v8;
	v4 =	vld [tilespmem:$0x1FA90]  }
0x25b: {  	v3 =	vsub.f32 v3, v9;
	v9 =	vld [tilespmem:$0x1FAC0];
	_ =	sdelay $0x1  }
0x25c: {  	v5 =	vld [tilespmem:s19+$0xFFFFFF70]  }
0x25d: {  	v1 =	vadd.f32 v2, v1;
	v2 =	vmul.f32 v3, v10;
	v3 =	vld [tilespmem:$0x1FAA0];
	_ =	sdelay $0x1  }
0x25e: {  	v4 =	vsub.f32 v11, v4;
	v11 =	vmul.f32 v9, v7;
	v9 =	vld [tilespmem:$0x1FAB0];
	_ =	sdelay $0x2  }
0x25f: {  	v3 =	vmul.f32 v3, v5  }
0x260: {  	v1 =	vadd.f32 v2, v1;
	v2 =	vmul.f32 v4, v6;
	v4 =	vld [tilespmem:$0x1FAE0]  }
0x261: {  	v8 =	vld [tilespmem:s19+$0xFFFFFF90];
	v3 =	vsub.f32 v3, v9  }
0x262: {  	v10 =	vld [tilespmem:s19+$0xFFFFFFA0]  }
0x263: {  	v1 =	vadd.f32 v2, v1;
	v2 =	vmul.f32 v3, v5;
	v3 =	vld [tilespmem:$0x1FAF0]  }
0x264: {  	v9 =	vld [tilespmem:$0x1FB00]  }
0x265: {  	v4 =	vsub.f32 v11, v4;
	v5 =	vld [tilespmem:$0x1FB10];
	_ =	sdelay $0x1  }
0x266: {  	v1 =	vadd.f32 v2, v1;
	v2 =	vmul.f32 v4, v7;
	v7 =	vld [tilespmem:$0x1FB20]  }
0x267: {  	v3 =	vmul.f32 v3, v8;
	_ =	sdelay $0x1  }
0x268: {  	v5 =	vmul.f32 v5, v10;
	v3 =	vsub.f32 v3, v9  }
0x269: {  	v6 =	vld [tilespmem:s19+$0xFFFFFFB0]  }
0x26a: {  	v1 =	vadd.f32 v2, v1;
	v5 =	vsub.f32 v5, v7;
	v2 =	vmul.f32 v3, v8;
	v3 =	vld [tilespmem:$0x1FB30];
	_ =	sdelay $0x1  }
0x26b: {  	v1 =	vadd.f32 v2, v1;
	v2 =	vmul.f32 v5, v10;
	v5 =	vld [tilespmem:$0x1FB40];
	_ =	sdelay $0x2  }
0x26c: {  	v3 =	vmul.f32 v3, v6  }
0x26d: {  	v4 =	vld [tilespmem:s19+$0xFFFFFFC0]  }
0x26e: {  	v3 =	vsub.f32 v3, v5;
	v5 =	vld [tilespmem:$0x1FB50];
	_ =	sdelay $0x1  }
0x26f: {  	v1 =	vadd.f32 v2, v1;
	v2 =	vmul.f32 v3, v6;
	v3 =	vld [tilespmem:$0x1FB60];
	_ =	sdelay $0x2  }
0x270: {  	v5 =	vmul.f32 v5, v4  }
0x271: {  	v7 =	vld [tilespmem:s19+$0xFFFFFFD0]  }
0x272: {  	v3 =	vsub.f32 v5, v3;
	v5 =	vld [tilespmem:$0x1FB70];
	_ =	sdelay $0x1  }
0x273: {  	v1 =	vadd.f32 v2, v1;
	v2 =	vmul.f32 v3, v4;
	v3 =	vld [tilespmem:$0x1FB80];
	_ =	sdelay $0x2  }
0x274: {  	v5 =	vmul.f32 v5, v7  }
0x275: {  	v8 =	vld [tilespmem:s19+$0xFFFFFFE0]  }
0x276: {  	v4 =	vld [tilespmem:$0x1FB90];
	v3 =	vsub.f32 v5, v3;
	_ =	sdelay $0x1  }
0x277: {  	v1 =	vadd.f32 v2, v1;
	v2 =	vmul.f32 v3, v7;
	v3 =	vld [tilespmem:$0x1FBA0];
	_ =	sdelay $0x2  }
0x278: {  	v4 =	vmul.f32 v4, v8  }
0x279: {  	v6 =	vld [tilespmem:s19+$0xFFFFFFF0]  }
0x27a: {  	v3 =	vsub.f32 v4, v3;
	v4 =	vld [tilespmem:$0x1FBB0];
	_ =	sdelay $0x1  }
0x27b: {  	v7 =	vld [tilespmem:$0x1FBC0];
	_ =	sdelay $0x2  }
0x27c: {  	v4 =	vmul.f32 v4, v6  }
0x27d: {  	v10 =	vld [tilespmem:s19+$0x0]  }
0x27e: {  	v4 =	vsub.f32 v4, v7;
	v7 =	vld [tilespmem:$0x1FBD0];
	_ =	sdelay $0x1  }
0x27f: {  	v6 =	vmul.f32 v4, v6;
	v4 =	vld [tilespmem:$0x1FBE0];
	_ =	sdelay $0x2  }
0x280: {  	v2 =	vadd.f32 v2, v1;
	v3 =	vmul.f32 v3, v8;
	v7 =	vmul.f32 v7, v10  }
0x281: {  	v11 =	vld [tilespmem:s19+$0x10]  }
0x282: {  	v3 =	vadd.f32 v3, v2;
	v7 =	vsub.f32 v7, v4;
	v4 =	vld [tilespmem:$0x1FBF0];
	_ =	sdelay $0x1  }
0x283: {  	v3 =	vadd.f32 v6, v3;
	v6 =	vmul.f32 v7, v10;
	v7 =	vld [tilespmem:$0x1FC00];
	_ =	sdelay $0x2  }
0x284: {  	v8 =	vmul.f32 v4, v11  }
0x285: {  	v12 =	vld [tilespmem:s19+$0x20]  }
0x286: {  	v8 =	vsub.f32 v8, v7;
	v7 =	vld [tilespmem:$0x1FC10];
	_ =	sdelay $0x1  }
0x287: {  	v9 =	vld [tilespmem:$0x1FC20];
	_ =	sdelay $0x2  }
0x288: {  	v10 =	vmul.f32 v7, v12  }
0x289: {  	v14 =	vld [tilespmem:s19+$0x30]  }
0x28a: {  	v3 =	vadd.f32 v6, v3;
	v6 =	vmul.f32 v8, v11;
	v11 =	vsub.f32 v10, v9;
	v9 =	vld [tilespmem:$0x1FC30];
	_ =	sdelay $0x4  }
0x28b: {  	v18 =	vmul.f32 v9, v14;
	v9 =	vld [tilespmem:$0x1FC50];
	_ =	sdelay $0x3  }
0x28c: {  	v16 =	vld [tilespmem:s19+$0x40]  }
0x28d: {  	v3 =	vadd.f32 v6, v3;
	v6 =	vmul.f32 v11, v12;
	v12 =	vsub.f32 v18, v9;
	v9 =	vld [tilespmem:$0x1FC40];
	_ =	sdelay $0x4  }
0x28e: {  	v18 =	vmul.f32 v9, v16;
	v9 =	vld [tilespmem:$0x1FC70];
	_ =	sdelay $0x3  }
0x28f: {  	v56 =	vld [tilespmem:s19+$0x50]  }
0x290: {  	v3 =	vadd.f32 v6, v3;
	v6 =	vmul.f32 v12, v14;
	v14 =	vsub.f32 v18, v9;
	v9 =	vld [tilespmem:$0x1FC60];
	_ =	sdelay $0x4  }
0x291: {  	v59 =	vmul.f32 v9, v56;
	v9 =	vld [tilespmem:$0x1FC80];
	_ =	sdelay $0x3  }
0x292: {  	v57 =	vld [tilespmem:s19+$0x60]  }
0x293: {  	v3 =	vadd.f32 v6, v3;
	v6 =	vmul.f32 v14, v16;
	v14 =	vsub.f32 v59, v9;
	v9 =	vld [tilespmem:$0x1FC90];
	_ =	sdelay $0x4  }
0x294: {  	v16 =	vmul.f32 v9, v57;
	v9 =	vld [tilespmem:$0x1FCB0];
	_ =	sdelay $0x3  }
0x295: {  	v18 =	vld [tilespmem:s19+$0x70]  }
0x296: {  	v3 =	vadd.f32 v6, v3;
	v6 =	vmul.f32 v14, v56;
	v14 =	vsub.f32 v16, v9;
	v9 =	vld [tilespmem:$0x1FCA0];
	_ =	sdelay $0x4  }
0x297: {  	v16 =	vmul.f32 v9, v18;
	v9 =	vld [tilespmem:$0x1FCE0];
	_ =	sdelay $0x3  }
0x298: {  	v52 =	vld [tilespmem:s19+$0x80]  }
0x299: {  	v3 =	vadd.f32 v6, v3;
	v6 =	vmul.f32 v14, v57;
	v14 =	vsub.f32 v16, v9;
	v9 =	vld [tilespmem:$0x1FCC0];
	_ =	sdelay $0x4  }
0x29a: {  	v62 =	vmul.f32 v9, v52;
	v9 =	vld [tilespmem:$0x1FD10];
	_ =	sdelay $0x3  }
0x29b: {  	v41 =	vld [tilespmem:s19+$0x90]  }
0x29c: {  	v0 =	vmul.f32 v0, v48;
	v48 =	vsub.f32 v62, v9;
	v9 =	vld [tilespmem:$0x1FCD0];
	_ =	sdelay $0x4  }
0x29d: {  	v60 =	vadd.f32 v58, v63;
	v63 =	vmul.f32 v9, v41;
	v9 =	vld [tilespmem:$0x1FD20];
	_ =	sdelay $0x2  }
0x29e: {  	v57 =	vld [tilespmem:$0x1F740]  }
0x29f: {  	v16 =	vld [tilespmem:s19+$0xA0]  }
0x2a0: {  	v0 =	vadd.f32 v0, v60;
	v60 =	vsub.f32 v63, v9;
	v9 =	vld [tilespmem:$0x1FD00]  }
0x2a1: {  	v58 =	vld [tilespmem:$0x1F750];
	_ =	sdelay $0x1  }
0x2a2: {  	v56 =	vld [tilespmem:$0x1F760]  }
0x2a3: {  	v3 =	vadd.f32 v6, v3;
	v6 =	vmul.f32 v14, v18;
	v14 =	vsub.f32 v53, v57  }
0x2a4: {  	v62 =	vmul.f32 v9, v16;
	v9 =	vld [tilespmem:$0x1FD30]  }
0x2a5: {  	v14 =	vmul.f32 v14, v45;
	v3 =	vadd.f32 v6, v3;
	v6 =	vsub.f32 v50, v58;
	_ =	sdelay $0x1  }
0x2a6: {  	v0 =	vadd.f32 v14, v0;
	v6 =	vmul.f32 v6, v42;
	v14 =	vsub.f32 v47, v56  }
0x2a7: {  	v53 =	vld [tilespmem:s19+$0xB0]  }
0x2a8: {  	v0 =	vadd.f32 v6, v0;
	v6 =	vmul.f32 v14, v39;
	v63 =	vsub.f32 v62, v9;
	v9 =	vld [tilespmem:$0x1FCF0];
	_ =	sdelay $0x1  }
0x2a9: {  	v0 =	vadd.f32 v6, v0;
	v6 =	vld [tilespmem:$0x1FD40]  }
0x2aa: {  	v51 =	vld [tilespmem:$0x1F7F0];
	v48 =	vmul.f32 v48, v52  }
0x2ab: {  	v52 =	vld [tilespmem:s19+$0xC0]  }
0x2ac: {  	v3 =	vadd.f32 v48, v3;
	v48 =	vld [tilespmem:s19+$0xD0];
	v14 =	vmul.f32 v9, v53  }
0x2ad: {  	v41 =	vmul.f32 v60, v41;
	v60 =	vld [tilespmem:$0x1FF40]  }
0x2ae: {  	v6 =	vsub.f32 v14, v6;
	v14 =	vld [tilespmem:$0x1FEF0]  }
0x2af: {  	v9 =	vld [tilespmem:$0x1F7B0]  }
0x2b0: {  	v62 =	vld [tilespmem:$0x1FEE0]  }
0x2b1: {  	v3 =	vadd.f32 v41, v3;
	v16 =	vmul.f32 v63, v16;
	_ =	sdelay $0x1  }
0x2b2: {  	v3 =	vadd.f32 v16, v3;
	v16 =	vsub.f32 v43, v51;
	v43 =	vld [tilespmem:$0x1F820];
	v14 =	vmul.f32 v14, v52  }
0x2b3: {  	v59 =	vsub.f32 v44, v9  }
0x2b4: {  	v41 =	vmul.f32 v62, v48;
	v6 =	vmul.f32 v6, v53;
	v14 =	vsub.f32 v14, v60  }
0x2b5: {  	v38 =	vmul.f32 v59, v38  }
0x2b6: {  	v3 =	vadd.f32 v6, v3;
	v6 =	vmul.f32 v14, v52;
	v14 =	vsub.f32 v41, v57;
	v41 =	vld [tilespmem:$0x1F870]  }
0x2b7: {  	v16 =	vmul.f32 v16, v35;
	v62 =	vsub.f32 v40, v43;
	v0 =	vadd.f32 v38, v0;
	_ =	sdelay $0x1  }
0x2b8: {  	v30 =	vmul.f32 v62, v30;
	v0 =	vadd.f32 v16, v0  }
0x2b9: {  	v39 =	vld [tilespmem:s19+$0xF0];
	v3 =	vadd.f32 v6, v3  }
0x2ba: {  	v6 =	vmul.f32 v14, v48;
	v0 =	vadd.f32 v30, v0;
	v30 =	vld [tilespmem:$0x1FEC0];
	v14 =	vsub.f32 v32, v41;
	_ =	sdelay $0x1  }
0x2bb: {  	v14 =	vmul.f32 v14, v28;
	v28 =	vld [tilespmem:$0x8040];
	_ =	sdelay $0x2  }
0x2bc: {  	v30 =	vmul.f32 v30, v39  }
0x2bd: {  	v42 =	vld [tilespmem:s19+$0x100]  }
0x2be: {  	[tilespmem:$0x1EF50] =	vst v28;
	v28 =	vsub.f32 v30, v56;
	v30 =	vld [tilespmem:$0x1FEB0];
	_ =	sdelay $0x2  }
0x2bf: {  	v55 =	vld [tilespmem:s19+$0x130]  }
0x2c0: {  	v54 =	vld [tilespmem:s19+$0x140]  }
0x2c1: {  	v61 =	vld [tilespmem:s19+$0x1F0];
	v30 =	vmul.f32 v30, v42  }
0x2c2: {  	v18 =	vld [tilespmem:s19+$0x120]  }
0x2c3: {  	v30 =	vsub.f32 v30, v9;
	v9 =	vld [tilespmem:$0x8450]  }
0x2c4: {  	v38 =	vld [tilespmem:$0x1F890]  }
0x2c5: {  	v44 =	vld [tilespmem:s19+$0xE0]  }
0x2c6: {  	v56 =	vld [tilespmem:$0x1F8C0]  }
0x2c7: {  	v16 =	vld [tilespmem:$0x1FED0]  }
0x2c8: {  	[tilespmem:$0x1EF70] =	vst v9;
	v9 =	vld [tilespmem:$0x1FE90]  }
0x2c9: {  	v49 =	vld [tilespmem:s19+$0x150];
	v3 =	vadd.f32 v6, v3;
	v6 =	vsub.f32 v37, v38  }
0x2ca: {  	v46 =	vld [tilespmem:s19+$0x160]  }
0x2cb: {  	v5 =	vld [tilespmem:$0x8400];
	v6 =	vmul.f32 v6, v26;
	v26 =	vsub.f32 v33, v56  }
0x2cc: {  	v1 =	vld [tilespmem:s19+$0x1E0];
	v16 =	vmul.f32 v16, v44  }
0x2cd: {  	v0 =	vadd.f32 v14, v0;
	v14 =	vmul.f32 v26, v25;
	v26 =	vmul.f32 v9, v18;
	v9 =	vld [tilespmem:$0x8070]  }
0x2ce: {  	v2 =	vld [tilespmem:s19+$0x1D0]  }
0x2cf: {  	v4 =	vld [tilespmem:s19+$0x1C0];
	v16 =	vsub.f32 v16, v58  }
0x2d0: {  	v8 =	vld [tilespmem:s19+$0x1A0]  }
0x2d1: {  	v7 =	vld [tilespmem:s19+$0x1B0];
	v16 =	vmul.f32 v16, v44  }
0x2d2: {  	[tilespmem:$0x1EEC0] =	vst v9;
	v9 =	vld [tilespmem:$0x1FE80]  }
0x2d3: {  	v10 =	vld [tilespmem:s19+$0x190];
	v3 =	vadd.f32 v16, v3;
	v16 =	vmul.f32 v28, v39  }
0x2d4: {  	v11 =	vld [tilespmem:s19+$0x180]  }
0x2d5: {  	v45 =	vld [tilespmem:s19+$0x110];
	v3 =	vadd.f32 v16, v3;
	v16 =	vmul.f32 v30, v42  }
0x2d6: {  	v62 =	vld [tilespmem:$0x1FEA0]  }
0x2d7: {  	v3 =	vadd.f32 v16, v3;
	v16 =	vmul.f32 v9, v55;
	v9 =	vld [tilespmem:$0x8470]  }
0x2d8: {  	v63 =	vld [tilespmem:$0x8010]  }
0x2d9: {  	v12 =	vld [tilespmem:s19+$0x170]  }
0x2da: {  	v28 =	vld [tilespmem:$0x1F8E0]  }
0x2db: {  	v32 =	vmul.f32 v62, v45;
	v30 =	vld [tilespmem:$0x1F910]  }
0x2dc: {  	[tilespmem:$0x1EFD0] =	vst v9;
	v9 =	vld [tilespmem:$0x1FE70]  }
0x2dd: {  	[tilespmem:$0x1EE90] =	vst v63;
	v63 =	vld [tilespmem:$0x8410];
	v25 =	vsub.f32 v32, v51  }
0x2de: {  	v50 =	vld [tilespmem:$0x8060]  }
0x2df: {  	v47 =	vld [tilespmem:$0x8000];
	v0 =	vadd.f32 v6, v0;
	v6 =	vmul.f32 v25, v45;
	v25 =	vsub.f32 v29, v28  }
0x2e0: {  	v40 =	vld [tilespmem:$0x8420]  }
0x2e1: {  	v23 =	vmul.f32 v25, v23;
	v25 =	vsub.f32 v27, v30;
	v27 =	vmul.f32 v9, v54;
	v9 =	vld [tilespmem:$0x1FE60]  }
0x2e2: {  	[tilespmem:$0x1EEA0] =	vst v63;
	v63 =	vld [tilespmem:$0x8030];
	v26 =	vsub.f32 v26, v43  }
0x2e3: {  	v59 =	vld [tilespmem:$0x8430]  }
0x2e4: {  	v60 =	vld [tilespmem:$0x8440];
	v3 =	vadd.f32 v6, v3;
	v18 =	vmul.f32 v26, v18  }
0x2e5: {  	v52 =	vld [tilespmem:$0x8020]  }
0x2e6: {  	v0 =	vadd.f32 v14, v0;
	v3 =	vadd.f32 v18, v3;
	v18 =	vmul.f32 v9, v49;
	v9 =	vld [tilespmem:$0x1FE50]  }
0x2e7: {  	[tilespmem:$0x1EF30] =	vst v63;
	v63 =	vld [tilespmem:$0x8050];
	v16 =	vsub.f32 v16, v41  }
0x2e8: {  	v0 =	vadd.f32 v23, v0;
	v23 =	vld [tilespmem:$0x1F930]  }
0x2e9: {  	v48 =	vld [tilespmem:$0x8090];
	v16 =	vmul.f32 v16, v55  }
0x2ea: {  	v37 =	vld [tilespmem:$0x8490]  }
0x2eb: {  	v3 =	vadd.f32 v16, v3;
	v16 =	vmul.f32 v9, v46;
	v9 =	vld [tilespmem:$0x1F960]  }
0x2ec: {  	[tilespmem:$0x1EEB0] =	vst v63;
	v63 =	vld [tilespmem:$0x8460]  }
0x2ed: {  	v44 =	vld [tilespmem:$0x8080];
	v6 =	vmul.f32 v25, v19;
	v19 =	vsub.f32 v20, v23  }
0x2ee: {  	v20 =	vld [tilespmem:$0x1FE40];
	v14 =	vsub.f32 v27, v38  }
0x2ef: {  	v33 =	vld [tilespmem:$0x84A0];
	v17 =	vmul.f32 v19, v17  }
0x2f0: {  	v29 =	vld [tilespmem:$0x84B0];
	v14 =	vmul.f32 v14, v54;
	v18 =	vsub.f32 v18, v56;
	v19 =	vsub.f32 v24, v9  }
0x2f1: {  	[tilespmem:$0x1EF00] =	vst v5;
	v25 =	vld [tilespmem:$0x84E0];
	v0 =	vadd.f32 v6, v0  }
0x2f2: {  	[tilespmem:$0x1EF90] =	vst v50;
	v3 =	vadd.f32 v14, v3;
	v18 =	vmul.f32 v18, v49;
	v6 =	vmul.f32 v19, v15;
	v19 =	vld [tilespmem:$0x1F980]  }
0x2f3: {  	[tilespmem:$0x1EF20] =	vst v40;
	v0 =	vadd.f32 v17, v0;
	v17 =	vld [tilespmem:$0x1FE10];
	v20 =	vmul.f32 v20, v12  }
0x2f4: {  	[tilespmem:$0x1EF40] =	vst v59;
	v3 =	vadd.f32 v18, v3;
	v18 =	vld [tilespmem:$0x1F9D0];
	v16 =	vsub.f32 v16, v28  }
0x2f5: {  	[tilespmem:$0x1EF60] =	vst v60;
	v26 =	vld [tilespmem:$0x84C0];
	v14 =	vsub.f32 v20, v30  }
0x2f6: {  	[tilespmem:$0x1F040] =	vst v37;
	v55 =	vld [tilespmem:$0x80C0];
	v15 =	vmul.f32 v16, v46  }
0x2f7: {  	[tilespmem:$0x1EFB0] =	vst v63;
	v12 =	vmul.f32 v14, v12;
	v16 =	vld [tilespmem:$0x1FE30];
	v14 =	vsub.f32 v22, v19  }
0x2f8: {  	[tilespmem:$0x1EFF0] =	vst v44;
	v17 =	vmul.f32 v17, v8;
	v3 =	vadd.f32 v15, v3;
	v15 =	vld [tilespmem:$0x1FE20]  }
0x2f9: {  	[tilespmem:$0x1F060] =	vst v33;
	v13 =	vmul.f32 v14, v13;
	v14 =	vsub.f32 v21, v18;
	v21 =	vld [tilespmem:$0x80E0]  }
0x2fa: {  	[tilespmem:$0x1F070] =	vst v29;
	v3 =	vadd.f32 v12, v3;
	v12 =	vsub.f32 v17, v19;
	v19 =	vld [tilespmem:$0x80F0]  }
0x2fb: {  	v60 =	vld [tilespmem:$0x80A0];
	[tilespmem:$0x1F0E0] =	vst v25  }
0x2fc: {  	v32 =	vld [tilespmem:$0x84D0];
	[tilespmem:$0x1F090] =	vst v26  }
0x2fd: {  	v45 =	vld [tilespmem:$0x80B0];
	[tilespmem:$0x1F6F0] =	vst v55  }
0x2fe: {  	v43 =	vld [tilespmem:$0x8480];
	v15 =	vmul.f32 v15, v10;
	[tilespmem:$0x1F6D0] =	vst v21  }
0x2ff: {  	v54 =	vld [tilespmem:$0x80D0];
	v16 =	vmul.f32 v16, v11;
	[tilespmem:$0x1F0F0] =	vst v19  }
0x300: {  	v15 =	vsub.f32 v15, v9;
	v9 =	vld [tilespmem:$0x1FE00]  }
0x301: {  	v16 =	vsub.f32 v16, v23;
	_ =	sdelay $0x1  }
0x302: {  	v11 =	vmul.f32 v16, v11;
	_ =	sdelay $0x1  }
0x303: {  	v10 =	vmul.f32 v15, v10;
	v3 =	vadd.f32 v11, v3;
	v11 =	vmul.f32 v9, v7;
	v9 =	vld [tilespmem:$0x84F0]  }
0x304: {  	v0 =	vadd.f32 v6, v0  }
0x305: {  	v8 =	vmul.f32 v12, v8;
	v3 =	vadd.f32 v10, v3;
	v11 =	vsub.f32 v11, v18  }
0x306: {  	v0 =	vadd.f32 v13, v0;
	v13 =	vld [tilespmem:$0x1FDF0]  }
0x307: {  	v12 =	vld [tilespmem:$0x1FDE0];
	v3 =	vadd.f32 v8, v3;
	v7 =	vmul.f32 v11, v7  }
0x308: {  	[tilespmem:$0x1EED0] =	vst v9;
	v9 =	vld [tilespmem:$0x1FA00]  }
0x309: {  	v3 =	vadd.f32 v7, v3;
	v7 =	vld [tilespmem:$0x8520]  }
0x30a: {  	v6 =	vmul.f32 v14, v34;
	v15 =	vld [tilespmem:$0x1FA50]  }
0x30b: {  	v14 =	vld [tilespmem:$0x1FDB0]  }
0x30c: {  	v0 =	vadd.f32 v6, v0;
	v6 =	vld [tilespmem:$0x1FDC0];
	v12 =	vmul.f32 v12, v4  }
0x30d: {  	v8 =	vld [tilespmem:$0x1FD80];
	v13 =	vsub.f32 v13, v9  }
0x30e: {  	v11 =	vsub.f32 v12, v9;
	[tilespmem:$0x1EEE0] =	vst v7;
	v7 =	vld [tilespmem:$0x1FDA0]  }
0x30f: {  	v10 =	vmul.f32 v13, v31;
	v13 =	vld [tilespmem:$0x1FDD0]  }
0x310: {  	v14 =	vmul.f32 v14, v2;
	v4 =	vmul.f32 v11, v4;
	v11 =	vld [tilespmem:$0x1FA80]  }
0x311: {  	v0 =	vadd.f32 v10, v0;
	v10 =	vld [tilespmem:$0x1FD60]  }
0x312: {  	v9 =	vsub.f32 v14, v15;
	v3 =	vadd.f32 v4, v3;
	v4 =	vld [tilespmem:$0x1FD90];
	_ =	sdelay $0x1  }
0x313: {  	v2 =	vmul.f32 v9, v2;
	v9 =	vld [tilespmem:$0x1FAD0];
	v13 =	vsub.f32 v13, v15  }
0x314: {  	v8 =	vmul.f32 v8, v1;
	v7 =	vsub.f32 v7, v11  }
0x315: {  	v6 =	vmul.f32 v13, v6  }
0x316: {  	v8 =	vsub.f32 v8, v11;
	v10 =	vmul.f32 v10, v61;
	v4 =	vmul.f32 v7, v4;
	v7 =	vld [tilespmem:$0x1FD70]  }
0x317: {  	v2 =	vadd.f32 v2, v3  }
0x318: {  	v3 =	vld [tilespmem:$0x1FD50];
	v1 =	vmul.f32 v8, v1;
	v0 =	vadd.f32 v6, v0;
	v6 =	vsub.f32 v10, v9;
	_ =	sdelay $0x1  }
0x319: {  	v1 =	vadd.f32 v1, v2;
	v0 =	vadd.f32 v4, v0;
	v4 =	vmul.f32 v6, v61  }
0x31a: {  	v7 =	vsub.f32 v7, v9  }
0x31b: {  	v2 =	vadd.f32 v4, v1;
	v1 =	vld [tilespmem:$0x1FFE0]  }
0x31c: {  	v3 =	vmul.f32 v7, v3;
	_ =	sdelay $0x1  }
0x31d: {  	v3 =	vadd.f32 v3, v0;
	_ =	sdelay $0x1  }
0x31e: {  	v0 =	vperm.xlane v3, v1;
	_ =	sdelay $0x1  }
0x31f: {  	[tilespmem:$0x1F4E0] =	vst v3;
	v0 =	vadd.f32 v3, v0;
	v3 =	vld [tilespmem:$0x1FFD0]  }
0x320: {  	v1 =	vperm.xlane v2, v1;
	_ =	sdelay $0x1  }
0x321: {  	v1 =	vadd.f32 v2, v1;
	_ =	sdelay $0x1  }
0x322: {  	[tilespmem:$0x1F5F0] =	vst v2;
	v2 =	vperm.xlane v0, v3;
	v3 =	vperm.xlane v1, v3;
	_ =	sdelay $0x1  }
0x323: {  	v1 =	vadd.f32 v1, v3;
	v3 =	vld [tilespmem:$0x1FFF0];
	_ =	sdelay $0x2  }
0x324: {  	v0 =	vadd.f32 v0, v2;
	_ =	sdelay $0x1  }
0x325: {  	v2 =	vperm.xlane v0, v3;
	v3 =	vperm.xlane v1, v3;
	_ =	sdelay $0x1  }
0x326: {  	v1 =	vadd.f32 v1, v3;
	v3 =	vld [tilespmem:$0x1FFC0];
	_ =	sdelay $0x2  }
0x327: {  	v0 =	vadd.f32 v0, v2;
	_ =	sdelay $0x1  }
0x328: {  	v2 =	vperm.xlane v0, v3;
	_ =	sdelay $0x1  }
0x329: {  	v4 =	vlaneseq.u32;
	v0 =	vadd.f32 v0, v2;
	v2 =	vmov s18  }
0x32a: {  	vm0 =	veq.s32 v2, v4;
	v2 =	vmov s17  }
0x32b: {  	vm14 =	veq.s32 v2, v4;
	v2 =	vld [tilespmem:$0x1F730];
	_ =	sdelay $0x1  }
0x32c: {  	v3 =	vperm.xlane v1, v3;
	_ =	sdelay $0x1  }
0x32d: {  	v1 =	vadd.f32 v1, v3  }
0x32e: {  	v0 =	vsel vm0, v0, v36;
	v2 =	vbroadcast v2, $0x0  }
0x32f: {  	v0 =	vsel vm14, v1, v0  }
0x330: {  	v0 =	vadd.f32 v0, v2;
	_ =	sdelay $0x1  }
0x331: {  	v1 =	vld [tilespmem:$0x8610];
	v0 =	vmul.f32 $-5.000000000e-01, v0;
	_ =	sdelay $0x1  }
0x332: {  	[tilespmem:$0x8880] =	vst v0;
	v0 =	vld [tilespmem:$0x8220];
	_ =	sdelay $0x2  }
0x333: {  	[tilespmem:$0x1F480] =	vst v1;
	v1 =	vld [tilespmem:$0x8620]  }
0x334: {  	s30 =	simm.s32 $0x0  }
0x335: {  	[tilespmem:$0x1F490] =	vst v0;
	v0 =	vld [tilespmem:s30+$0x4000];
	_ =	sdelay $0x1  }
0x336: {  	v36 =	vld [tilespmem:$0x1EE90]  }
0x337: {  	[tilespmem:$0x1F4A0] =	vst v1;
	v1 =	vld [tilespmem:s30+$0x4010]  }
0x338: {  	[tilespmem:$0x1EE80] =	vst v2;
	v2 =	vld [tilespmem:$0x8230]  }
0x339: {  	v27 =	vmov v47;
	v3 =	vmul.f32 v47, v0;
	v47 =	vld [tilespmem:$0x1EEA0];
	_ =	sdelay $0x2  }
0x33a: {  	v3 =	vsub.f32 v3, v5;
	v5 =	vmul.f32 v36, v1  }
0x33b: {  	v6 =	vld [tilespmem:$0x8640]  }
0x33c: {  	[tilespmem:$0x1F4B0] =	vst v2;
	v2 =	vld [tilespmem:$0x8630];
	v0 =	vmul.f32 v3, v0;
	v3 =	vsub.f32 v5, v47  }
0x33d: {  	v4 =	vld [tilespmem:$0x8240]  }
0x33e: {  	v1 =	vmul.f32 v3, v1;
	v3 =	vld [tilespmem:$0x8650]  }
0x33f: {  	v7 =	vld [tilespmem:$0x1EF30]  }
0x340: {  	[tilespmem:$0x1F500] =	vst v6;
	v6 =	vld [tilespmem:$0x8250]  }
0x341: {  	[tilespmem:$0x1F4C0] =	vst v2;
	v2 =	vld [tilespmem:s30+$0x4020]  }
0x342: {  	[tilespmem:$0x1F4D0] =	vst v4;
	v4 =	vld [tilespmem:s30+$0x4030]  }
0x343: {  	v0 =	vadd.f32 $0.0e+00, v0;
	[tilespmem:$0x1F510] =	vst v3;
	v3 =	vld [tilespmem:$0x1EF20];
	_ =	sdelay $0x1  }
0x344: {  	v0 =	vadd.f32 v1, v0;
	v1 =	vld [tilespmem:$0x8260]  }
0x345: {  	[tilespmem:$0x1F4F0] =	vst v6;
	v6 =	vmul.f32 v52, v2;
	_ =	sdelay $0x1  }
0x346: {  	v7 =	vmul.f32 v7, v4;
	v3 =	vsub.f32 v6, v3  }
0x347: {  	v5 =	vld [tilespmem:s30+$0x4040]  }
0x348: {  	[tilespmem:$0x1F520] =	vst v1;
	v1 =	vmul.f32 v3, v2;
	v2 =	vsub.f32 v7, v59;
	v7 =	vld [tilespmem:$0x1EF50];
	_ =	sdelay $0x1  }
0x349: {  	v0 =	vadd.f32 v1, v0;
	v1 =	vmul.f32 v2, v4;
	v2 =	vld [tilespmem:$0x1EF60];
	_ =	sdelay $0x2  }
0x34a: {  	v7 =	vmul.f32 v7, v5  }
0x34b: {  	v59 =	vld [tilespmem:$0x8660]  }
0x34c: {  	v2 =	vsub.f32 v7, v2;
	_ =	sdelay $0x1  }
0x34d: {  	v0 =	vadd.f32 v1, v0;
	v1 =	vmul.f32 v2, v5;
	v2 =	vld [tilespmem:$0x8670]  }
0x34e: {  	v6 =	vld [tilespmem:s30+$0x4050]  }
0x34f: {  	[tilespmem:$0x1F530] =	vst v59;
	v59 =	vld [tilespmem:$0x1EEB0]  }
0x350: {  	v7 =	vld [tilespmem:$0x8270]  }
0x351: {  	v3 =	vld [tilespmem:s30+$0x4060]  }
0x352: {  	[tilespmem:$0x1EFA0] =	vst v2;
	v2 =	vld [tilespmem:$0x1EF70];
	_ =	sdelay $0x1  }
0x353: {  	v0 =	vadd.f32 v1, v0;
	v1 =	vld [tilespmem:$0x8280]  }
0x354: {  	[tilespmem:$0x1EF80] =	vst v7;
	v7 =	vmul.f32 v59, v6;
	_ =	sdelay $0x1  }
0x355: {  	v2 =	vsub.f32 v7, v2;
	v7 =	vmul.f32 v50, v3  }
0x356: {  	v4 =	vld [tilespmem:s30+$0x4070]  }
0x357: {  	[tilespmem:$0x1F540] =	vst v1;
	v50 =	vld [tilespmem:$0x1EEC0];
	v1 =	vmul.f32 v2, v6;
	v2 =	vsub.f32 v7, v63;
	_ =	sdelay $0x1  }
0x358: {  	v0 =	vadd.f32 v1, v0;
	v1 =	vmul.f32 v2, v3;
	v2 =	vld [tilespmem:$0x1EFD0];
	_ =	sdelay $0x2  }
0x359: {  	v7 =	vmul.f32 v50, v4  }
0x35a: {  	v5 =	vld [tilespmem:s30+$0x4080]  }
0x35b: {  	v2 =	vsub.f32 v7, v2;
	v7 =	vld [tilespmem:$0x8290]  }
0x35c: {  	v6 =	vld [tilespmem:s30+$0x4090]  }
0x35d: {  	v0 =	vadd.f32 v1, v0;
	v1 =	vmul.f32 v2, v4;
	v2 =	vld [tilespmem:$0x8690]  }
0x35e: {  	v3 =	vld [tilespmem:s30+$0x40A0]  }
0x35f: {  	v0 =	vadd.f32 v1, v0;
	v1 =	vld [tilespmem:$0x82A0]  }
0x360: {  	[tilespmem:$0x1EFE0] =	vst v7;
	v7 =	vmul.f32 v44, v5;
	_ =	sdelay $0x1  }
0x361: {  	[tilespmem:$0x1F000] =	vst v2;
	v2 =	vsub.f32 v7, v43;
	v7 =	vmul.f32 v48, v6;
	_ =	sdelay $0x1  }
0x362: {  	[tilespmem:$0x1F020] =	vst v1;
	v1 =	vmul.f32 v2, v5;
	v2 =	vsub.f32 v7, v37;
	v7 =	vmul.f32 v60, v3  }
0x363: {  	v4 =	vld [tilespmem:s30+$0x40B0]  }
0x364: {  	v0 =	vadd.f32 v1, v0;
	v1 =	vmul.f32 v2, v6;
	v2 =	vsub.f32 v7, v33;
	v7 =	vld [tilespmem:$0x82B0]  }
0x365: {  	v5 =	vld [tilespmem:s30+$0x40C0]  }
0x366: {  	v0 =	vadd.f32 v1, v0;
	v1 =	vmul.f32 v2, v3;
	v2 =	vld [tilespmem:$0x86B0];
	_ =	sdelay $0x1  }
0x367: {  	v6 =	vld [tilespmem:s30+$0x40D0]  }
0x368: {  	[tilespmem:$0x1F030] =	vst v7;
	v7 =	vmul.f32 v45, v4;
	_ =	sdelay $0x1  }
0x369: {  	[tilespmem:$0x1F050] =	vst v2;
	v2 =	vsub.f32 v7, v29;
	v7 =	vmul.f32 v55, v5  }
0x36a: {  	v0 =	vadd.f32 v1, v0  }
0x36b: {  	v1 =	vmul.f32 v2, v4;
	v2 =	vsub.f32 v7, v26;
	v7 =	vmul.f32 v54, v6  }
0x36c: {  	v3 =	vld [tilespmem:s30+$0x40E0]  }
0x36d: {  	v0 =	vadd.f32 v1, v0;
	v1 =	vmul.f32 v2, v5;
	v2 =	vsub.f32 v7, v32;
	v7 =	vld [tilespmem:$0x82D0]  }
0x36e: {  	v40 =	vld [tilespmem:$0x8100]  }
0x36f: {  	v22 =	vld [tilespmem:$0x8110]  }
0x370: {  	v16 =	vld [tilespmem:$0x8510]  }
0x371: {  	v4 =	vld [tilespmem:s30+$0x40F0];
	v0 =	vadd.f32 v1, v0;
	v1 =	vmul.f32 v2, v6  }
0x372: {  	v5 =	vld [tilespmem:s30+$0x4100];
	[tilespmem:$0x1F6A0] =	vst v7;
	v7 =	vmul.f32 v21, v3  }
0x373: {  	v0 =	vadd.f32 v1, v0;
	v1 =	vld [tilespmem:$0x82E0]  }
0x374: {  	v2 =	vsub.f32 v7, v25;
	v25 =	vld [tilespmem:$0x1EED0]  }
0x375: {  	v24 =	vld [tilespmem:$0x8140]  }
0x376: {  	v18 =	vld [tilespmem:$0x8500]  }
0x377: {  	v46 =	vld [tilespmem:$0x8150];
	v6 =	vmul.f32 v19, v4  }
0x378: {  	v12 =	vld [tilespmem:$0x8130]  }
0x379: {  	v13 =	vld [tilespmem:$0x8120];
	[tilespmem:$0x1F690] =	vst v1;
	v1 =	vmul.f32 v2, v3;
	v3 =	vmul.f32 v40, v5;
	v2 =	vsub.f32 v6, v25  }
0x37a: {  	v7 =	vld [tilespmem:s30+$0x4110]  }
0x37b: {  	v0 =	vadd.f32 v1, v0;
	v1 =	vmul.f32 v2, v4;
	v2 =	vsub.f32 v3, v18;
	v4 =	vld [tilespmem:$0x82F0]  }
0x37c: {  	v19 =	vld [tilespmem:$0x1EEE0]  }
0x37d: {  	v6 =	vld [tilespmem:s30+$0x4120];
	v0 =	vadd.f32 v1, v0;
	v1 =	vmul.f32 v2, v5  }
0x37e: {  	v3 =	vld [tilespmem:s30+$0x4130]  }
0x37f: {  	v0 =	vadd.f32 v1, v0;
	v1 =	vld [tilespmem:$0x8300]  }
0x380: {  	v39 =	vld [tilespmem:$0x8160];
	[tilespmem:$0x1F0C0] =	vst v4;
	v4 =	vmul.f32 v22, v7  }
0x381: {  	v11 =	vld [tilespmem:$0x8530]  }
0x382: {  	v17 =	vld [tilespmem:$0x8560];
	v5 =	vmul.f32 v13, v6;
	v2 =	vsub.f32 v4, v16  }
0x383: {  	v20 =	vld [tilespmem:$0x8580]  }
0x384: {  	v8 =	vld [tilespmem:$0x8550];
	[tilespmem:$0x1F100] =	vst v1;
	v1 =	vmul.f32 v2, v7;
	v2 =	vsub.f32 v5, v19;
	v7 =	vmul.f32 v12, v3  }
0x385: {  	v4 =	vld [tilespmem:s30+$0x4140]  }
0x386: {  	v0 =	vadd.f32 v1, v0;
	v1 =	vmul.f32 v2, v6;
	v2 =	vsub.f32 v7, v11;
	v7 =	vld [tilespmem:$0x8310]  }
0x387: {  	v9 =	vld [tilespmem:$0x8540]  }
0x388: {  	v5 =	vld [tilespmem:s30+$0x4150];
	v0 =	vadd.f32 v1, v0;
	v1 =	vmul.f32 v2, v3  }
0x389: {  	v6 =	vld [tilespmem:s30+$0x4160]  }
0x38a: {  	v0 =	vadd.f32 v1, v0;
	v1 =	vld [tilespmem:$0x8320]  }
0x38b: {  	v30 =	vld [tilespmem:$0x8190];
	[tilespmem:$0x1F110] =	vst v7;
	v7 =	vmul.f32 v24, v4  }
0x38c: {  	v23 =	vld [tilespmem:$0x81A0]  }
0x38d: {  	v58 =	vld [tilespmem:$0x85A0];
	v2 =	vsub.f32 v7, v9;
	v7 =	vmul.f32 v46, v5  }
0x38e: {  	v14 =	vld [tilespmem:$0x8570]  }
0x38f: {  	v10 =	vld [tilespmem:$0x8170];
	[tilespmem:$0x1F160] =	vst v1;
	v1 =	vmul.f32 v2, v4;
	v2 =	vsub.f32 v7, v8;
	v7 =	vmul.f32 v39, v6  }
0x390: {  	v3 =	vld [tilespmem:s30+$0x4170]  }
0x391: {  	v0 =	vadd.f32 v1, v0;
	v1 =	vmul.f32 v2, v5;
	v2 =	vsub.f32 v7, v17;
	v7 =	vld [tilespmem:$0x8330]  }
0x392: {  	v15 =	vld [tilespmem:$0x8180]  }
0x393: {  	v4 =	vld [tilespmem:s30+$0x4180];
	v0 =	vadd.f32 v1, v0;
	v1 =	vmul.f32 v2, v6  }
0x394: {  	v5 =	vld [tilespmem:s30+$0x4190]  }
0x395: {  	v0 =	vadd.f32 v1, v0;
	v1 =	vld [tilespmem:$0x8340]  }
0x396: {  	v57 =	vld [tilespmem:$0x81B0];
	[tilespmem:$0x1F190] =	vst v7;
	v7 =	vmul.f32 v10, v3  }
0x397: {  	v31 =	vld [tilespmem:$0x8590]  }
0x398: {  	v6 =	vld [tilespmem:s30+$0x41A0];
	v2 =	vsub.f32 v7, v14;
	v7 =	vmul.f32 v15, v4  }
0x399: {  	v56 =	vld [tilespmem:$0x85B0]  }
0x39a: {  	[tilespmem:$0x1F1D0] =	vst v1;
	v1 =	vmul.f32 v2, v3;
	v2 =	vsub.f32 v7, v20;
	v3 =	vld [tilespmem:s30+$0x41B0];
	v7 =	vmul.f32 v30, v5  }
0x39b: {  	v28 =	vld [tilespmem:$0x81C0]  }
0x39c: {  	v0 =	vadd.f32 v1, v0;
	v1 =	vmul.f32 v2, v4;
	v2 =	vsub.f32 v7, v31;
	v4 =	vld [tilespmem:s30+$0x41C0]  }
0x39d: {  	v7 =	vmul.f32 v23, v6  }
0x39e: {  	v53 =	vld [tilespmem:$0x85C0];
	v0 =	vadd.f32 v1, v0;
	v1 =	vmul.f32 v2, v5  }
0x39f: {  	v35 =	vld [tilespmem:$0x81D0];
	v2 =	vsub.f32 v7, v58;
	v7 =	vmul.f32 v57, v3  }
0x3a0: {  	v49 =	vld [tilespmem:$0x85D0];
	v0 =	vadd.f32 v1, v0  }
0x3a1: {  	v51 =	vld [tilespmem:$0x81E0];
	v1 =	vmul.f32 v2, v6;
	v2 =	vsub.f32 v7, v56;
	v7 =	vmul.f32 v28, v4  }
0x3a2: {  	v38 =	vld [tilespmem:$0x85E0]  }
0x3a3: {  	v5 =	vld [tilespmem:s30+$0x41D0];
	v0 =	vadd.f32 v1, v0;
	v1 =	vmul.f32 v2, v3;
	v2 =	vsub.f32 v7, v53  }
0x3a4: {  	v34 =	vld [tilespmem:$0x81F0]  }
0x3a5: {  	v41 =	vld [tilespmem:$0x85F0];
	v0 =	vadd.f32 v1, v0;
	v1 =	vmul.f32 v2, v4  }
0x3a6: {  	v6 =	vld [tilespmem:s30+$0x41E0]  }
0x3a7: {  	v0 =	vadd.f32 v1, v0;
	v1 =	vld [tilespmem:$0x8380]  }
0x3a8: {  	v3 =	vld [tilespmem:s30+$0x41F0];
	v7 =	vmul.f32 v35, v5  }
0x3a9: {  	v42 =	vld [tilespmem:$0x8200]  }
0x3aa: {  	v2 =	vsub.f32 v7, v49;
	v4 =	vld [tilespmem:s30+$0x4200]  }
0x3ab: {  	v7 =	vmul.f32 v51, v6  }
0x3ac: {  	v62 =	vld [tilespmem:$0x8600];
	[tilespmem:$0x1F2A0] =	vst v1;
	v1 =	vmul.f32 v2, v5  }
0x3ad: {  	v2 =	vsub.f32 v7, v38;
	v7 =	vmul.f32 v34, v3  }
0x3ae: {  	v0 =	vadd.f32 v1, v0  }
0x3af: {  	v1 =	vmul.f32 v2, v6;
	v2 =	vsub.f32 v7, v41;
	v7 =	vmul.f32 v42, v4  }
0x3b0: {  	v61 =	vld [tilespmem:$0x8210]  }
0x3b1: {  	v5 =	vld [tilespmem:s30+$0x4210];
	v0 =	vadd.f32 v1, v0;
	v1 =	vmul.f32 v2, v3;
	v2 =	vsub.f32 v7, v62;
	_ =	sdelay $0x1  }
0x3b2: {  	v2 =	vmul.f32 v2, v4;
	v4 =	vld [tilespmem:$0x1F480];
	_ =	sdelay $0x1  }
0x3b3: {  	s31 =	simm.s32 $0x400;
	[tilespmem:$0x1F200] =	vst v11;
	v11 =	vld [tilespmem:$0x1EF00]  }
0x3b4: {  	[tilespmem:$0x1F260] =	vst v8;
	v8 =	vld [tilespmem:s31+$0x4000];
	v7 =	vmul.f32 v61, v5  }
0x3b5: {  	v6 =	vld [tilespmem:s30+$0x4220]  }
0x3b6: {  	v0 =	vadd.f32 v1, v0;
	v4 =	vsub.f32 v7, v4;
	v7 =	vld [tilespmem:$0x1F490]  }
0x3b7: {  	[tilespmem:$0x1F230] =	vst v9;
	v9 =	vld [tilespmem:s31+$0x4010]  }
0x3b8: {  	v0 =	vadd.f32 v2, v0;
	v2 =	vmul.f32 v4, v5;
	v4 =	vld [tilespmem:$0x1F4A0];
	_ =	sdelay $0x1  }
0x3b9: {  	[tilespmem:$0x1F2B0] =	vst v10;
	v10 =	vmul.f32 v27, v8  }
0x3ba: {  	v7 =	vmul.f32 v7, v6  }
0x3bb: {  	[tilespmem:$0x1F1E0] =	vst v12;
	v12 =	vmul.f32 v36, v9;
	v10 =	vsub.f32 v10, v11  }
0x3bc: {  	v3 =	vld [tilespmem:s30+$0x4230];
	v4 =	vsub.f32 v7, v4  }
0x3bd: {  	v1 =	vld [tilespmem:s31+$0x4020];
	v7 =	vmul.f32 v10, v8;
	v8 =	vsub.f32 v12, v47  }
0x3be: {  	v0 =	vadd.f32 v2, v0;
	v12 =	vld [tilespmem:$0x1F4B0];
	v2 =	vmul.f32 v4, v6  }
0x3bf: {  	v8 =	vmul.f32 v8, v9;
	v9 =	vld [tilespmem:$0x1F4C0]  }
0x3c0: {  	v0 =	vadd.f32 v2, v0;
	v2 =	vld [tilespmem:$0x1EF20];
	_ =	sdelay $0x2  }
0x3c1: {  	v6 =	vmul.f32 v52, v1;
	v12 =	vmul.f32 v12, v3  }
0x3c2: {  	v11 =	vld [tilespmem:s30+$0x4240]  }
0x3c3: {  	v9 =	vsub.f32 v12, v9;
	v12 =	vld [tilespmem:$0x1F4D0];
	v2 =	vsub.f32 v6, v2  }
0x3c4: {  	v63 =	vld [tilespmem:$0x8680]  }
0x3c5: {  	v1 =	vmul.f32 v2, v1;
	v2 =	vld [tilespmem:$0x1F500]  }
0x3c6: {  	v44 =	vld [tilespmem:$0x86A0]  }
0x3c7: {  	v37 =	vld [tilespmem:$0x1F020]  }
0x3c8: {  	v5 =	vld [tilespmem:s31+$0x4030];
	v7 =	vadd.f32 $0.0e+00, v7;
	v12 =	vmul.f32 v12, v11  }
0x3c9: {  	v10 =	vld [tilespmem:s30+$0x4250]  }
0x3ca: {  	v7 =	vadd.f32 v8, v7;
	v2 =	vsub.f32 v12, v2;
	v12 =	vld [tilespmem:$0x1F4F0]  }
0x3cb: {  	v3 =	vmul.f32 v9, v3;
	v9 =	vld [tilespmem:$0x1EF30]  }
0x3cc: {  	v1 =	vadd.f32 v1, v7;
	v7 =	vld [tilespmem:$0x1F510]  }
0x3cd: {  	v0 =	vadd.f32 v3, v0;
	v3 =	vld [tilespmem:$0x1EF40]  }
0x3ce: {  	v33 =	vld [tilespmem:$0x87A0]  }
0x3cf: {  	[tilespmem:$0x1F1B0] =	vst v13;
	v13 =	vld [tilespmem:$0x1EF50];
	v12 =	vmul.f32 v12, v10  }
0x3d0: {  	[tilespmem:$0x1F350] =	vst v58;
	v58 =	vld [tilespmem:$0x1EF80];
	v9 =	vmul.f32 v9, v5  }
0x3d1: {  	v4 =	vld [tilespmem:s31+$0x4040];
	v2 =	vmul.f32 v2, v11;
	v7 =	vsub.f32 v12, v7  }
0x3d2: {  	v8 =	vld [tilespmem:s31+$0x4050];
	v3 =	vsub.f32 v9, v3  }
0x3d3: {  	v9 =	vld [tilespmem:s30+$0x4270];
	v0 =	vadd.f32 v2, v0;
	v2 =	vmul.f32 v7, v10  }
0x3d4: {  	v3 =	vmul.f32 v3, v5;
	v5 =	vld [tilespmem:$0x1EF60]  }
0x3d5: {  	v0 =	vadd.f32 v2, v0;
	v2 =	vld [tilespmem:$0x1EF70]  }
0x3d6: {  	v55 =	vld [tilespmem:$0x82C0]  }
0x3d7: {  	[tilespmem:$0x1F360] =	vst v57;
	v57 =	vld [tilespmem:$0x1EFA0];
	v13 =	vmul.f32 v13, v4  }
0x3d8: {  	v6 =	vld [tilespmem:s30+$0x4260];
	v10 =	vmul.f32 v59, v8  }
0x3d9: {  	v5 =	vsub.f32 v13, v5;
	v13 =	vld [tilespmem:$0x1F520]  }
0x3da: {  	v12 =	vld [tilespmem:s30+$0x4280];
	v2 =	vsub.f32 v10, v2;
	v10 =	vmul.f32 v58, v9  }
0x3db: {  	v1 =	vadd.f32 v3, v1;
	v3 =	vmul.f32 v5, v4;
	v4 =	vld [tilespmem:$0x1F530]  }
0x3dc: {  	v2 =	vmul.f32 v2, v8;
	v8 =	vsub.f32 v10, v57;
	v10 =	vld [tilespmem:$0x1F540]  }
0x3dd: {  	[tilespmem:$0x1EFC0] =	vst v63;
	v26 =	vld [tilespmem:$0x86C0]  }
0x3de: {  	[tilespmem:$0x1F380] =	vst v56;
	v56 =	vld [tilespmem:$0x1EFC0];
	v13 =	vmul.f32 v13, v6  }
0x3df: {  	[tilespmem:$0x1F3E0] =	vst v49;
	v49 =	vld [tilespmem:$0x1EFE0]  }
0x3e0: {  	v11 =	vld [tilespmem:s31+$0x4060];
	v4 =	vsub.f32 v13, v4  }
0x3e1: {  	v7 =	vld [tilespmem:s31+$0x4070];
	v1 =	vadd.f32 v3, v1;
	v10 =	vmul.f32 v10, v12  }
0x3e2: {  	v4 =	vmul.f32 v4, v6;
	v6 =	vld [tilespmem:$0x1EF90]  }
0x3e3: {  	v3 =	vld [tilespmem:s31+$0x4080];
	v1 =	vadd.f32 v2, v1;
	v2 =	vsub.f32 v10, v56  }
0x3e4: {  	v0 =	vadd.f32 v4, v0;
	v4 =	vld [tilespmem:$0x1EFB0]  }
0x3e5: {  	v2 =	vmul.f32 v2, v12;
	v12 =	vld [tilespmem:$0x1EFF0]  }
0x3e6: {  	v5 =	vld [tilespmem:s30+$0x4290]  }
0x3e7: {  	v8 =	vmul.f32 v8, v9;
	v6 =	vmul.f32 v6, v11;
	v10 =	vld [tilespmem:$0x1EFD0]  }
0x3e8: {  	v63 =	vmov v32;
	v32 =	vld [tilespmem:$0x8360]  }
0x3e9: {  	[tilespmem:$0x1F3F0] =	vst v51;
	v51 =	vld [tilespmem:$0x1F000];
	v0 =	vadd.f32 v8, v0;
	v4 =	vsub.f32 v6, v4  }
0x3ea: {  	v13 =	vmul.f32 v50, v7;
	v6 =	vld [tilespmem:s30+$0x42A0];
	v12 =	vmul.f32 v12, v3  }
0x3eb: {  	v4 =	vmul.f32 v4, v11;
	v11 =	vld [tilespmem:s30+$0x42B0];
	v0 =	vadd.f32 v2, v0  }
0x3ec: {  	[tilespmem:$0x1F010] =	vst v43;
	v10 =	vsub.f32 v13, v10;
	v13 =	vmul.f32 v49, v5;
	v2 =	vsub.f32 v12, v43;
	v43 =	vld [tilespmem:$0x1F030]  }
0x3ed: {  	v21 =	vld [tilespmem:$0x86D0]  }
0x3ee: {  	[tilespmem:$0x1F440] =	vst v41;
	v41 =	vld [tilespmem:$0x1F050];
	v1 =	vadd.f32 v4, v1;
	v4 =	vmul.f32 v10, v7;
	v7 =	vsub.f32 v13, v51  }
0x3ef: {  	[tilespmem:$0x1F130] =	vst v40;
	v40 =	vld [tilespmem:$0x86E0];
	v12 =	vmul.f32 v37, v6  }
0x3f0: {  	v9 =	vld [tilespmem:s31+$0x4090];
	v5 =	vmul.f32 v7, v5;
	v1 =	vadd.f32 v4, v1  }
0x3f1: {  	[tilespmem:$0x1F150] =	vst v18;
	v18 =	vld [tilespmem:$0x8350];
	v2 =	vmul.f32 v2, v3;
	v3 =	vsub.f32 v12, v44;
	v12 =	vmul.f32 v43, v11  }
0x3f2: {  	v0 =	vadd.f32 v5, v0;
	v5 =	vld [tilespmem:$0x1F040]  }
0x3f3: {  	[tilespmem:$0x1F170] =	vst v22;
	v22 =	vld [tilespmem:$0x86F0];
	v3 =	vmul.f32 v3, v6;
	v1 =	vadd.f32 v2, v1;
	v2 =	vsub.f32 v12, v41  }
0x3f4: {  	[tilespmem:$0x1F1A0] =	vst v16;
	v16 =	vld [tilespmem:$0x8700]  }
0x3f5: {  	v4 =	vld [tilespmem:s31+$0x40B0];
	v7 =	vmul.f32 v48, v9;
	v0 =	vadd.f32 v3, v0;
	v2 =	vmul.f32 v2, v11  }
0x3f6: {  	v8 =	vld [tilespmem:s31+$0x40A0]  }
0x3f7: {  	v5 =	vsub.f32 v7, v5;
	v0 =	vadd.f32 v2, v0;
	v2 =	vld [tilespmem:$0x1F070]  }
0x3f8: {  	v10 =	vld [tilespmem:s30+$0x42C0]  }
0x3f9: {  	v5 =	vmul.f32 v5, v9;
	v9 =	vld [tilespmem:$0x1F060]  }
0x3fa: {  	[tilespmem:$0x1F210] =	vst v24;
	v24 =	vld [tilespmem:$0x8710];
	v11 =	vmul.f32 v45, v4  }
0x3fb: {  	v7 =	vld [tilespmem:s30+$0x42D0]  }
0x3fc: {  	v13 =	vmul.f32 v60, v8;
	v2 =	vsub.f32 v11, v2;
	v11 =	vld [tilespmem:$0x1F6A0]  }
0x3fd: {  	[tilespmem:$0x1F240] =	vst v46;
	v46 =	vld [tilespmem:$0x8730]  }
0x3fe: {  	[tilespmem:$0x1F270] =	vst v39;
	v39 =	vld [tilespmem:$0x8720];
	v9 =	vsub.f32 v13, v9;
	v13 =	vmul.f32 v55, v10  }
0x3ff: {  	v6 =	vld [tilespmem:s31+$0x40C0]  }
0x400: {  	v3 =	vld [tilespmem:s31+$0x40D0];
	v1 =	vadd.f32 v5, v1;
	v5 =	vmul.f32 v9, v8;
	v8 =	vsub.f32 v13, v26  }
0x401: {  	v12 =	vld [tilespmem:s30+$0x42E0];
	v11 =	vmul.f32 v11, v7  }
0x402: {  	v8 =	vmul.f32 v8, v10;
	v10 =	vld [tilespmem:$0x1F6F0]  }
0x403: {  	v2 =	vmul.f32 v2, v4;
	v4 =	vsub.f32 v11, v21;
	v11 =	vld [tilespmem:$0x1F690]  }
0x404: {  	v0 =	vadd.f32 v8, v0;
	v8 =	vld [tilespmem:$0x1F090]  }
0x405: {  	[tilespmem:$0x1F2E0] =	vst v15;
	v15 =	vld [tilespmem:s31+$0x4120]  }
0x406: {  	[tilespmem:$0x1F6B0] =	vst v55;
	v55 =	vld [tilespmem:$0x1F0F0]  }
0x407: {  	v9 =	vld [tilespmem:s30+$0x42F0];
	v10 =	vmul.f32 v10, v6  }
0x408: {  	[tilespmem:$0x1F6C0] =	vst v54;
	v13 =	vmul.f32 v54, v3;
	v54 =	vld [tilespmem:$0x1F100];
	v1 =	vadd.f32 v5, v1;
	v11 =	vmul.f32 v11, v12  }
0x409: {  	v5 =	vld [tilespmem:s31+$0x40E0];
	v8 =	vsub.f32 v10, v8  }
0x40a: {  	v1 =	vadd.f32 v2, v1;
	v10 =	vld [tilespmem:s31+$0x40F0];
	v4 =	vmul.f32 v4, v7;
	v2 =	vsub.f32 v11, v40  }
0x40b: {  	[tilespmem:$0x1F0B0] =	vst v63;
	v6 =	vmul.f32 v8, v6;
	v8 =	vsub.f32 v13, v63;
	v63 =	vld [tilespmem:$0x1F0C0]  }
0x40c: {  	v0 =	vadd.f32 v4, v0;
	v2 =	vmul.f32 v2, v12;
	v12 =	vld [tilespmem:$0x1F6D0]  }
0x40d: {  	v7 =	vld [tilespmem:s30+$0x4300]  }
0x40e: {  	v0 =	vadd.f32 v2, v0;
	v2 =	vld [tilespmem:$0x1F0E0]  }
0x40f: {  	[tilespmem:$0x1EF10] =	vst v52;
	v52 =	vld [tilespmem:$0x1F110]  }
0x410: {  	v1 =	vadd.f32 v6, v1;
	v3 =	vmul.f32 v8, v3;
	v11 =	vld [tilespmem:s30+$0x4310];
	v13 =	vmul.f32 v63, v9  }
0x411: {  	v59 =	vld [tilespmem:$0x1F130];
	v12 =	vmul.f32 v12, v5  }
0x412: {  	v50 =	vld [tilespmem:$0x1F160];
	v1 =	vadd.f32 v3, v1;
	v3 =	vmul.f32 v54, v7;
	v6 =	vsub.f32 v13, v22  }
0x413: {  	v4 =	vld [tilespmem:s31+$0x4100];
	v2 =	vsub.f32 v12, v2;
	v12 =	vmul.f32 v55, v10  }
0x414: {  	v8 =	vld [tilespmem:s30+$0x4320];
	v3 =	vsub.f32 v3, v16;
	v6 =	vmul.f32 v6, v9  }
0x415: {  	[tilespmem:$0x1F0A0] =	vst v40;
	v40 =	vld [tilespmem:$0x1F190];
	v13 =	vmul.f32 v52, v11;
	v2 =	vmul.f32 v2, v5;
	v5 =	vsub.f32 v12, v25  }
0x416: {  	v3 =	vmul.f32 v3, v7;
	v7 =	vld [tilespmem:$0x1F150];
	v0 =	vadd.f32 v6, v0  }
0x417: {  	v9 =	vld [tilespmem:s31+$0x4110];
	v1 =	vadd.f32 v2, v1;
	v2 =	vmul.f32 v5, v10;
	v5 =	vsub.f32 v13, v24  }
0x418: {  	v0 =	vadd.f32 v3, v0;
	v3 =	vld [tilespmem:$0x1F1A0]  }
0x419: {  	v5 =	vmul.f32 v5, v11;
	v11 =	vld [tilespmem:$0x1F170]  }
0x41a: {  	v12 =	vld [tilespmem:s30+$0x4330]  }
0x41b: {  	v6 =	vmul.f32 v59, v4;
	v13 =	vld [tilespmem:$0x1F1B0]  }
0x41c: {  	v36 =	vld [tilespmem:$0x1F1D0]  }
0x41d: {  	v6 =	vsub.f32 v6, v7;
	v7 =	vld [tilespmem:s30+$0x4340];
	v10 =	vmul.f32 v50, v8  }
0x41e: {  	[tilespmem:$0x1F290] =	vst v17;
	v17 =	vld [tilespmem:$0x8780];
	v11 =	vmul.f32 v11, v9  }
0x41f: {  	[tilespmem:$0x1F310] =	vst v30;
	v30 =	vld [tilespmem:$0x8740];
	v4 =	vmul.f32 v6, v4;
	v1 =	vadd.f32 v2, v1;
	v6 =	vsub.f32 v10, v39  }
0x420: {  	[tilespmem:$0x1F300] =	vst v20;
	v20 =	vld [tilespmem:$0x8370];
	v10 =	vmul.f32 v40, v12;
	v13 =	vmul.f32 v13, v15;
	v3 =	vsub.f32 v11, v3  }
0x421: {  	[tilespmem:$0x1F330] =	vst v31;
	v31 =	vld [tilespmem:$0x8750];
	v6 =	vmul.f32 v6, v8;
	v1 =	vadd.f32 v4, v1;
	v0 =	vadd.f32 v5, v0  }
0x422: {  	v2 =	vld [tilespmem:s31+$0x4130];
	v3 =	vmul.f32 v3, v9;
	v9 =	vsub.f32 v13, v19;
	v13 =	vmul.f32 v36, v7  }
0x423: {  	v8 =	vld [tilespmem:s31+$0x4140];
	v4 =	vsub.f32 v10, v46;
	v0 =	vadd.f32 v6, v0  }
0x424: {  	v6 =	vld [tilespmem:$0x1F200];
	v1 =	vadd.f32 v3, v1;
	v3 =	vmul.f32 v9, v15;
	v9 =	vsub.f32 v13, v30  }
0x425: {  	v4 =	vmul.f32 v4, v12;
	v12 =	vld [tilespmem:$0x1F1E0]  }
0x426: {  	v7 =	vmul.f32 v9, v7;
	v9 =	vld [tilespmem:$0x1F210]  }
0x427: {  	v11 =	vld [tilespmem:s30+$0x4350]  }
0x428: {  	v0 =	vadd.f32 v4, v0;
	v4 =	vld [tilespmem:$0x1F230]  }
0x429: {  	v10 =	vld [tilespmem:s30+$0x4360]  }
0x42a: {  	[tilespmem:$0x1F3A0] =	vst v28;
	v28 =	vld [tilespmem:$0x8760];
	v12 =	vmul.f32 v12, v2  }
0x42b: {  	v5 =	vld [tilespmem:s31+$0x4150];
	v9 =	vmul.f32 v9, v8  }
0x42c: {  	v15 =	vld [tilespmem:$0x1F240];
	v6 =	vsub.f32 v12, v6;
	v13 =	vmul.f32 v18, v11  }
0x42d: {  	[tilespmem:$0x1F3C0] =	vst v35;
	v35 =	vld [tilespmem:$0x8770];
	v1 =	vadd.f32 v3, v1;
	v4 =	vsub.f32 v9, v4  }
0x42e: {  	v12 =	vld [tilespmem:s30+$0x4370];
	v2 =	vmul.f32 v6, v2;
	v6 =	vsub.f32 v13, v31;
	v13 =	vmul.f32 v32, v10  }
0x42f: {  	v4 =	vmul.f32 v4, v8;
	v8 =	vld [tilespmem:$0x1F260]  }
0x430: {  	[tilespmem:$0x1F3B0] =	vst v53;
	v53 =	vld [tilespmem:$0x8390];
	v1 =	vadd.f32 v2, v1;
	v2 =	vsub.f32 v13, v28  }
0x431: {  	v3 =	vld [tilespmem:s31+$0x4160];
	v15 =	vmul.f32 v15, v5  }
0x432: {  	v0 =	vadd.f32 v7, v0;
	v6 =	vmul.f32 v6, v11;
	v2 =	vmul.f32 v2, v10;
	v10 =	vld [tilespmem:$0x1F270]  }
0x433: {  	[tilespmem:$0x1F250] =	vst v28;
	v28 =	vld [tilespmem:$0x1F2A0]  }
0x434: {  	v0 =	vadd.f32 v6, v0;
	v6 =	vld [tilespmem:$0x1F290];
	v8 =	vsub.f32 v15, v8;
	v15 =	vmul.f32 v20, v12  }
0x435: {  	v9 =	vld [tilespmem:s30+$0x4380]  }
0x436: {  	v11 =	vld [tilespmem:s31+$0x4170];
	v1 =	vadd.f32 v4, v1;
	v4 =	vmul.f32 v8, v5;
	v5 =	vsub.f32 v15, v35  }
0x437: {  	v13 =	vld [tilespmem:s30+$0x4390];
	v10 =	vmul.f32 v10, v3  }
0x438: {  	[tilespmem:$0x1F410] =	vst v38;
	v5 =	vmul.f32 v5, v12;
	v12 =	vld [tilespmem:$0x1F2B0]  }
0x439: {  	[tilespmem:$0x1F2D0] =	vst v14;
	v38 =	vld [tilespmem:$0x8790];
	v6 =	vsub.f32 v10, v6  }
0x43a: {  	v0 =	vadd.f32 v2, v0;
	v2 =	vld [tilespmem:$0x1F2D0];
	v15 =	vmul.f32 v28, v9  }
0x43b: {  	v29 =	vld [tilespmem:$0x87B0];
	v3 =	vmul.f32 v6, v3  }
0x43c: {  	v14 =	vld [tilespmem:$0x87D0];
	v1 =	vadd.f32 v4, v1;
	v6 =	vsub.f32 v15, v17;
	v15 =	vmul.f32 v53, v13  }
0x43d: {  	[tilespmem:$0x1F120] =	vst v16;
	v16 =	vld [tilespmem:$0x1F2E0];
	v12 =	vmul.f32 v12, v11  }
0x43e: {  	v7 =	vld [tilespmem:s31+$0x4180];
	v1 =	vadd.f32 v3, v1;
	v3 =	vsub.f32 v15, v38  }
0x43f: {  	v4 =	vld [tilespmem:s31+$0x4190];
	v2 =	vsub.f32 v12, v2  }
0x440: {  	v3 =	vmul.f32 v3, v13;
	v13 =	vld [tilespmem:$0x1F310]  }
0x441: {  	v6 =	vmul.f32 v6, v9;
	v0 =	vadd.f32 v5, v0;
	v2 =	vmul.f32 v2, v11;
	v11 =	vld [tilespmem:$0x1F300]  }
0x442: {  	[tilespmem:$0x1F420] =	vst v34;
	v34 =	vld [tilespmem:$0x83A0]  }
0x443: {  	[tilespmem:$0x1F720] =	vst v60;
	v0 =	vadd.f32 v6, v0;
	v6 =	vld [tilespmem:$0x1F330]  }
0x444: {  	[tilespmem:$0x1F450] =	vst v42;
	v42 =	vld [tilespmem:$0x83C0];
	v60 =	vmov v18;
	v18 =	vmul.f32 v16, v7  }
0x445: {  	v10 =	vld [tilespmem:s30+$0x43A0]  }
0x446: {  	[tilespmem:$0x1F470] =	vst v61;
	v61 =	vld [tilespmem:$0x83B0];
	v13 =	vmul.f32 v13, v4;
	v11 =	vsub.f32 v18, v11  }
0x447: {  	[tilespmem:$0x1F340] =	vst v23;
	v12 =	vld [tilespmem:s31+$0x41A0]  }
0x448: {  	v1 =	vadd.f32 v2, v1;
	v6 =	vsub.f32 v13, v6;
	v2 =	vmul.f32 v11, v7;
	v11 =	vld [tilespmem:$0x1F340]  }
0x449: {  	[tilespmem:$0x1F700] =	vst v26;
	v26 =	vld [tilespmem:$0x87C0]  }
0x44a: {  	v15 =	vmul.f32 v34, v10;
	v4 =	vmul.f32 v6, v4;
	v6 =	vld [tilespmem:$0x1F350]  }
0x44b: {  	v9 =	vld [tilespmem:s30+$0x43B0]  }
0x44c: {  	v5 =	vld [tilespmem:s30+$0x43C0];
	v7 =	vsub.f32 v15, v33  }
0x44d: {  	v18 =	vld [tilespmem:s31+$0x41B0];
	v11 =	vmul.f32 v11, v12  }
0x44e: {  	v7 =	vmul.f32 v7, v10;
	v10 =	vld [tilespmem:$0x1F360]  }
0x44f: {  	v23 =	vld [tilespmem:$0x87E0];
	v1 =	vadd.f32 v2, v1;
	v6 =	vsub.f32 v11, v6  }
0x450: {  	v47 =	vld [tilespmem:$0x83E0];
	v0 =	vadd.f32 v3, v0  }
0x451: {  	v3 =	vmul.f32 v42, v5;
	v1 =	vadd.f32 v4, v1;
	v4 =	vmul.f32 v6, v12;
	v6 =	vld [tilespmem:$0x1F380]  }
0x452: {  	v15 =	vld [tilespmem:s31+$0x41C0]  }
0x453: {  	v3 =	vsub.f32 v3, v26;
	v2 =	vmul.f32 v61, v9;
	v11 =	vmul.f32 v10, v18;
	v10 =	vld [tilespmem:$0x1F3A0]  }
0x454: {  	[tilespmem:$0x1F6E0] =	vst v45;
	v45 =	vld [tilespmem:$0x83D0]  }
0x455: {  	v3 =	vmul.f32 v3, v5;
	v5 =	vld [tilespmem:$0x1F3B0];
	v2 =	vsub.f32 v2, v29  }
0x456: {  	[tilespmem:$0x1F2C0] =	vst v17;
	v19 =	vld [tilespmem:s30+$0x43D0];
	v6 =	vsub.f32 v11, v6  }
0x457: {  	[tilespmem:$0x1F1F0] =	vst v30;
	v17 =	vld [tilespmem:s30+$0x43E0];
	v0 =	vadd.f32 v7, v0;
	v2 =	vmul.f32 v2, v9  }
0x458: {  	v30 =	vmovc v20;
	v20 =	vld [tilespmem:s31+$0x41D0];
	v1 =	vadd.f32 v4, v1;
	v13 =	vmul.f32 v10, v15;
	v4 =	vmul.f32 v6, v18  }
0x459: {  	v9 =	vld [tilespmem:s31+$0x41E0];
	v0 =	vadd.f32 v2, v0  }
0x45a: {  	v5 =	vsub.f32 v13, v5;
	v1 =	vadd.f32 v4, v1;
	v4 =	vld [tilespmem:$0x1F3C0]  }
0x45b: {  	v0 =	vadd.f32 v3, v0;
	v3 =	vld [tilespmem:$0x1F3E0]  }
0x45c: {  	v7 =	vmul.f32 v47, v17;
	v10 =	vld [tilespmem:$0x1F3F0];
	v5 =	vmul.f32 v5, v15  }
0x45d: {  	v6 =	vmul.f32 v45, v19  }
0x45e: {  	v1 =	vadd.f32 v5, v1;
	v5 =	vsub.f32 v7, v23;
	v7 =	vld [tilespmem:$0x1F410]  }
0x45f: {  	v6 =	vsub.f32 v6, v14;
	v4 =	vmul.f32 v4, v20;
	_ =	sdelay $0x1  }
0x460: {  	[tilespmem:$0x1F080] =	vst v21;
	v2 =	vld [tilespmem:s31+$0x41F0];
	v21 =	vmul.f32 v10, v9;
	v6 =	vmul.f32 v6, v19;
	v3 =	vsub.f32 v4, v3  }
0x461: {  	v10 =	vld [tilespmem:$0x1F450]  }
0x462: {  	v0 =	vadd.f32 v6, v0;
	v6 =	vld [tilespmem:$0x1F420];
	v7 =	vsub.f32 v21, v7;
	v3 =	vmul.f32 v3, v20  }
0x463: {  	v4 =	vld [tilespmem:s31+$0x4200]  }
0x464: {  	v1 =	vadd.f32 v3, v1;
	v3 =	vmul.f32 v7, v9;
	v9 =	vld [tilespmem:$0x1F440];
	_ =	sdelay $0x2  }
0x465: {  	v6 =	vmul.f32 v6, v2;
	_ =	sdelay $0x1  }
0x466: {  	v5 =	vmul.f32 v5, v17;
	v17 =	vmul.f32 v10, v4;
	v6 =	vsub.f32 v6, v9  }
0x467: {  	v21 =	vld [tilespmem:s31+$0x4210]  }
0x468: {  	v1 =	vadd.f32 v3, v1;
	v3 =	vsub.f32 v17, v62;
	v2 =	vmul.f32 v6, v2;
	v6 =	vld [tilespmem:$0x1F470];
	_ =	sdelay $0x1  }
0x469: {  	v1 =	vadd.f32 v2, v1;
	v2 =	vmul.f32 v3, v4;
	v3 =	vld [tilespmem:$0x1F480];
	_ =	sdelay $0x2  }
0x46a: {  	v6 =	vmul.f32 v6, v21  }
0x46b: {  	v9 =	vld [tilespmem:s31+$0x4220]  }
0x46c: {  	v3 =	vsub.f32 v6, v3;
	v6 =	vld [tilespmem:$0x1F490];
	_ =	sdelay $0x1  }
0x46d: {  	v10 =	vld [tilespmem:$0x1F4A0];
	_ =	sdelay $0x2  }
0x46e: {  	[tilespmem:$0x1F140] =	vst v24;
	v24 =	vld [tilespmem:$0x87F0];
	v6 =	vmul.f32 v6, v9  }
0x46f: {  	v0 =	vadd.f32 v5, v0;
	v5 =	vld [tilespmem:s31+$0x4230]  }
0x470: {  	v6 =	vsub.f32 v6, v10;
	v10 =	vld [tilespmem:$0x1F4B0]  }
0x471: {  	[tilespmem:$0x1F1C0] =	vst v46;
	v46 =	vld [tilespmem:$0x83F0]  }
0x472: {  	v8 =	vld [tilespmem:s30+$0x43F0]  }
0x473: {  	v4 =	vld [tilespmem:s31+$0x4240]  }
0x474: {  	v6 =	vmul.f32 v6, v9;
	v9 =	vld [tilespmem:$0x1F4C0]  }
0x475: {  	v17 =	vmul.f32 v10, v5;
	v10 =	vld [tilespmem:$0x1F4D0];
	_ =	sdelay $0x2  }
0x476: {  	v19 =	vmul.f32 v46, v8  }
0x477: {  	[tilespmem:$0x1F3D0] =	vst v14;
	v14 =	vld [tilespmem:$0x1F4E0]  }
0x478: {  	v7 =	vsub.f32 v19, v24;
	v9 =	vsub.f32 v17, v9;
	v17 =	vmul.f32 v10, v4;
	v10 =	vld [tilespmem:$0x1FFB0]  }
0x479: {  	v1 =	vadd.f32 v2, v1;
	v2 =	vmul.f32 v3, v21;
	v3 =	vld [tilespmem:$0x1FFE0]  }
0x47a: {  	v7 =	vmul.f32 v7, v8;
	_ =	sdelay $0x1  }
0x47b: {  	v0 =	vadd.f32 v7, v0  }
0x47c: {  	v16 =	vadd.f32 v14, v10;
	v10 =	vld [tilespmem:$0x1FFD0]  }
0x47d: {  	v3 =	vperm.xlane v0, v3;
	_ =	sdelay $0x1  }
0x47e: {  	v1 =	vadd.f32 v2, v1;
	v2 =	vadd.f32 v0, v3  }
0x47f: {  	v7 =	vld [tilespmem:s31+$0x4250]  }
0x480: {  	[tilespmem:$0x1F400] =	vst v23;
	v23 =	vperm.xlane v2, v10;
	v10 =	vld [tilespmem:$0x1F4F0];
	_ =	sdelay $0x3  }
0x481: {  	v1 =	vadd.f32 v6, v1;
	v6 =	vld [tilespmem:$0x1F500]  }
0x482: {  	v25 =	vmul.f32 v10, v7;
	v10 =	vld [tilespmem:$0x1F510]  }
0x483: {  	[tilespmem:$0x1EEF0] =	vst v27;
	v27 =	vld [tilespmem:s31+$0x4290]  }
0x484: {  	[tilespmem:$0x1F710] =	vst v48;
	v48 =	vld [tilespmem:s31+$0x43E0]  }
0x485: {  	[tilespmem:$0x1F0D0] =	vst v22;
	v22 =	vld [tilespmem:s31+$0x4370]  }
0x486: {  	v8 =	vld [tilespmem:s31+$0x4260]  }
0x487: {  	v6 =	vsub.f32 v17, v6;
	v17 =	vsub.f32 v25, v10;
	v10 =	vld [tilespmem:$0x1F520]  }
0x488: {  	[tilespmem:$0x1F180] =	vst v39;
	v39 =	vld [tilespmem:s31+$0x42F0]  }
0x489: {  	[tilespmem:$0x1F220] =	vst v31;
	v31 =	vld [tilespmem:s31+$0x4330]  }
0x48a: {  	v3 =	vld [tilespmem:s31+$0x4280];
	v5 =	vmul.f32 v9, v5  }
0x48b: {  	v4 =	vmul.f32 v6, v4;
	v6 =	vmul.f32 v17, v7;
	v7 =	vld [tilespmem:$0x1F530]  }
0x48c: {  	v1 =	vadd.f32 v5, v1;
	v2 =	vadd.f32 v2, v23;
	v23 =	vmul.f32 v10, v8;
	v10 =	vld [tilespmem:$0x1F540]  }
0x48d: {  	v11 =	vld [tilespmem:s31+$0x43D0]  }
0x48e: {  	[tilespmem:$0x1F320] =	vst v33;
	v9 =	vld [tilespmem:s31+$0x42B0];
	v1 =	vadd.f32 v4, v1  }
0x48f: {  	[tilespmem:$0x1F280] =	vst v35;
	v35 =	vld [tilespmem:s31+$0x4310]  }
0x490: {  	[tilespmem:$0x1F2F0] =	vst v38;
	v38 =	vld [tilespmem:s31+$0x43F0];
	v1 =	vadd.f32 v6, v1;
	v6 =	vmul.f32 v47, v48  }
0x491: {  	[tilespmem:$0x1F390] =	vst v26;
	v26 =	vld [tilespmem:s31+$0x4350];
	v7 =	vsub.f32 v23, v7;
	v17 =	vmul.f32 v10, v3  }
0x492: {  	v33 =	vld [tilespmem:s31+$0x4320];
	[tilespmem:$0x1F5B0] =	vst v6;
	v6 =	vmul.f32 v45, v11  }
0x493: {  	v12 =	vld [tilespmem:s31+$0x43C0];
	v7 =	vmul.f32 v7, v8;
	v8 =	vsub.f32 v17, v56;
	v17 =	vmul.f32 v43, v9  }
0x494: {  	[tilespmem:$0x1F5E0] =	vst v6;
	v6 =	vld [tilespmem:$0x1F5F0]  }
0x495: {  	[tilespmem:$0x1F370] =	vst v29;
	v29 =	vld [tilespmem:s31+$0x4340];
	v3 =	vmul.f32 v8, v3;
	v8 =	vsub.f32 v17, v41  }
0x496: {  	v19 =	vld [tilespmem:s31+$0x4270]  }
0x497: {  	v10 =	vld [tilespmem:$0x1FFF0];
	v56 =	vmul.f32 v8, v9;
	v8 =	vmul.f32 v46, v38  }
0x498: {  	v13 =	vld [tilespmem:s31+$0x43B0]  }
0x499: {  	v15 =	vld [tilespmem:s31+$0x43A0];
	[tilespmem:$0x1F580] =	vst v8;
	v8 =	vadd.f32 v6, v16;
	v6 =	vmul.f32 v42, v12  }
0x49a: {  	v18 =	vld [tilespmem:s31+$0x4390]  }
0x49b: {  	v5 =	vmul.f32 v58, v19;
	[tilespmem:$0x1F620] =	vst v6;
	v6 =	vld [tilespmem:$0x1FFC0]  }
0x49c: {  	v21 =	vld [tilespmem:s31+$0x42A0];
	v17 =	vperm.xlane v2, v10  }
0x49d: {  	v20 =	vld [tilespmem:s31+$0x4380];
	v5 =	vsub.f32 v5, v57  }
0x49e: {  	s18 =	simm.s32 $0x800;
	[tilespmem:$0x1F430] =	vst v24;
	v24 =	vld [tilespmem:s31+$0x4360];
	v2 =	vadd.f32 v2, v17  }
0x49f: {  	v58 =	vld [tilespmem:s18+$0x40A0];
	v5 =	vmul.f32 v5, v19;
	v1 =	vadd.f32 v7, v1  }
0x4a0: {  	v57 =	vld [tilespmem:s18+$0x40B0];
	v6 =	vperm.xlane v2, v6  }
0x4a1: {  	s17 =	simm.s32 $0x0;
	v25 =	vmul.f32 v37, v21;
	v37 =	vld [tilespmem:s31+$0x4300];
	v23 =	vmul.f32 v49, v27;
	v1 =	vadd.f32 v5, v1  }
0x4a2: {  	[tilespmem:$0x1F590] =	vst v47;
	v47 =	vld [tilespmem:s18+$0x40F0];
	v7 =	vmov s17;
	v9 =	vlaneseq.u32;
	v2 =	vadd.f32 v2, v6  }
0x4a3: {  	v43 =	vld [tilespmem:s31+$0x42D0];
	v3 =	vadd.f32 v3, v1;
	v1 =	vimm.f32 $0.0e+00;
	vm15 =	veq.s32 v7, v9  }
0x4a4: {  	v6 =	vsel vm15, v2, v1;
	v1 =	vld [tilespmem:$0x1F6A0]  }
0x4a5: {  	v19 =	vsub.f32 v23, v51;
	v51 =	vld [tilespmem:s18+$0x40D0]  }
0x4a6: {  	v5 =	vld [tilespmem:$0x1F690]  }
0x4a7: {  	v41 =	vld [tilespmem:s31+$0x42E0]  }
0x4a8: {  	[tilespmem:$0x1F560] =	vst v46;
	v46 =	vld [tilespmem:s31+$0x42C0]  }
0x4a9: {  	[tilespmem:$0x1F600] =	vst v42;
	v42 =	vmul.f32 v52, v35;
	v52 =	vmul.f32 v1, v43;
	v1 =	vld [tilespmem:$0x1F6B0]  }
0x4aa: {  	[tilespmem:$0x1F460] =	vst v62;
	v14 =	vadd.f32 v0, v8;
	v0 =	vld [tilespmem:$0x1F6C0]  }
0x4ab: {  	[tilespmem:$0x1F640] =	vst v34;
	v23 =	vsub.f32 v25, v44;
	v25 =	vmul.f32 v34, v15;
	v7 =	vld [tilespmem:$0x1F700]  }
0x4ac: {  	[tilespmem:$0x1F5C0] =	vst v45;
	v45 =	vld [tilespmem:s18+$0x4100];
	v34 =	vmul.f32 v60, v26;
	v4 =	vmul.f32 v19, v27  }
0x4ad: {  	[tilespmem:$0x1F630] =	vst v61;
	v49 =	vld [tilespmem:s18+$0x40E0];
	v62 =	vmul.f32 v23, v21;
	v23 =	vmul.f32 v61, v13  }
0x4ae: {  	[tilespmem:$0x1F570] =	vst v38;
	v61 =	vld [tilespmem:s18+$0x4090];
	v38 =	vmul.f32 v40, v31;
	v4 =	vadd.f32 v4, v3;
	v2 =	vmul.f32 v1, v46  }
0x4af: {  	[tilespmem:$0x1F680] =	vst v60;
	v40 =	vmul.f32 v50, v33;
	v60 =	vmul.f32 v0, v51;
	v0 =	vld [tilespmem:$0x1F6D0]  }
0x4b0: {  	v50 =	vmul.f32 v5, v41;
	v5 =	vadd.f32 v62, v4;
	v62 =	vsub.f32 v2, v7;
	v2 =	vld [tilespmem:$0x1F710]  }
0x4b1: {  	[tilespmem:$0x1F5A0] =	vst v48;
	v48 =	vmul.f32 v63, v39;
	v63 =	vld [tilespmem:s18+$0x4080]  }
0x4b2: {  	[tilespmem:$0x1F650] =	vst v53;
	v27 =	vmul.f32 v53, v18;
	v53 =	vld [tilespmem:s18+$0x40C0]  }
0x4b3: {  	[tilespmem:$0x1F550] =	vst v44;
	v44 =	vmul.f32 v54, v37;
	v4 =	vld [tilespmem:$0x1F6F0]  }
0x4b4: {  	v54 =	vmul.f32 v59, v45;
	v59 =	vmul.f32 v0, v49;
	v0 =	vld [tilespmem:$0x1F6E0]  }
0x4b5: {  	v7 =	vmul.f32 v2, v61;
	v2 =	vld [tilespmem:$0x1F720]  }
0x4b6: {  	v9 =	vld [tilespmem:s18+$0x4000]  }
0x4b7: {  	[tilespmem:$0x1F660] =	vst v30;
	v30 =	vmul.f32 v30, v22;
	v36 =	vmul.f32 v36, v29;
	v3 =	vld [tilespmem:s18+$0x4060]  }
0x4b8: {  	[tilespmem:$0x1F670] =	vst v32;
	v28 =	vmul.f32 v28, v20;
	v32 =	vmul.f32 v32, v24;
	v16 =	vld [tilespmem:s18+$0x4040]  }
0x4b9: {  	[tilespmem:$0x1F610] =	vst v12;
	v55 =	vmul.f32 v55, v47;
	v8 =	vld [tilespmem:s18+$0x4050];
	v4 =	vmul.f32 v4, v53  }
0x4ba: {  	s19 =	simm.s32 $0x3000;
	[tilespmem:$0x1F5D0] =	vst v11;
	v0 =	vmul.f32 v0, v57;
	v1 =	vld [tilespmem:s18+$0x4070];
	v2 =	vmul.f32 v2, v58  }
.LBB2_4:
0x4bb: {  	v12 =	vld [tilespmem:$0x1F080];
	_ =	sdelay $0x4  }
0x4bc: {  	v52 =	vsub.f32 v52, v12;
	v12 =	vld [tilespmem:$0x1EEB0];
	_ =	sdelay $0x4  }
0x4bd: {  	v5 =	vadd.f32 v56, v5;
	v56 =	vmul.f32 v12, v8;
	v12 =	vld [tilespmem:$0x1EF90];
	_ =	sdelay $0x4  }
0x4be: {  	v46 =	vmul.f32 v62, v46;
	v62 =	vmul.f32 v12, v3;
	v12 =	vld [tilespmem:$0x1F0A0];
	_ =	sdelay $0x3  }
0x4bf: {  	v43 =	vmul.f32 v52, v43;
	v52 =	vld [tilespmem:$0x1EEF0]  }
0x4c0: {  	v5 =	vadd.f32 v46, v5;
	v46 =	vsub.f32 v50, v12;
	v12 =	vld [tilespmem:$0x1EF50];
	_ =	sdelay $0x3  }
0x4c1: {  	v11 =	vld [tilespmem:$0x1EFF0]  }
0x4c2: {  	v50 =	vmul.f32 v52, v9;
	v52 =	vmul.f32 v12, v16;
	v12 =	vld [tilespmem:$0x1F0D0];
	_ =	sdelay $0x3  }
0x4c3: {  	v19 =	vmul.f32 v11, v63;
	v11 =	vld [tilespmem:s18+$0x4010]  }
0x4c4: {  	v5 =	vadd.f32 v43, v5;
	v43 =	vsub.f32 v48, v12;
	v12 =	vld [tilespmem:$0x1EE90];
	_ =	sdelay $0x3  }
0x4c5: {  	v17 =	vld [tilespmem:s18+$0x4030]  }
0x4c6: {  	v41 =	vmul.f32 v46, v41;
	v46 =	vmul.f32 v12, v11;
	v12 =	vld [tilespmem:$0x1EF30];
	_ =	sdelay $0x4  }
0x4c7: {  	v48 =	vmul.f32 v12, v17;
	v12 =	vld [tilespmem:$0x1F120];
	_ =	sdelay $0x4  }
0x4c8: {  	v44 =	vsub.f32 v44, v12;
	v12 =	vld [tilespmem:$0x1EF00];
	_ =	sdelay $0x4  }
0x4c9: {  	v50 =	vsub.f32 v50, v12;
	v12 =	vld [tilespmem:$0x1EEA0];
	_ =	sdelay $0x3  }
0x4ca: {  	v21 =	vld [tilespmem:s18+$0x4020]  }
0x4cb: {  	v5 =	vadd.f32 v41, v5;
	v41 =	vsub.f32 v46, v12;
	v12 =	vld [tilespmem:$0x1EF10];
	_ =	sdelay $0x4  }
0x4cc: {  	v46 =	vmul.f32 v12, v21;
	v12 =	vld [tilespmem:$0x1F140];
	_ =	sdelay $0x4  }
0x4cd: {  	v42 =	vsub.f32 v42, v12;
	v12 =	vld [tilespmem:$0x1EF20];
	_ =	sdelay $0x4  }
0x4ce: {  	v46 =	vsub.f32 v46, v12;
	v12 =	vld [tilespmem:$0x1F180];
	_ =	sdelay $0x4  }
0x4cf: {  	v40 =	vsub.f32 v40, v12;
	v12 =	vld [tilespmem:$0x1EF40];
	_ =	sdelay $0x4  }
0x4d0: {  	v9 =	vmul.f32 v50, v9;
	v50 =	vsub.f32 v48, v12;
	v12 =	vld [tilespmem:$0x1F1C0];
	_ =	sdelay $0x4  }
0x4d1: {  	v38 =	vsub.f32 v38, v12;
	v12 =	vld [tilespmem:$0x1EF60];
	_ =	sdelay $0x2  }
0x4d2: {  	v9 =	vadd.f32 $0.0e+00, v9;
	v11 =	vmul.f32 v41, v11;
	_ =	sdelay $0x1  }
0x4d3: {  	v9 =	vadd.f32 v11, v9;
	v11 =	vmul.f32 v46, v21;
	v21 =	vsub.f32 v52, v12;
	v12 =	vld [tilespmem:$0x1F1F0];
	_ =	sdelay $0x4  }
0x4d4: {  	v52 =	vsub.f32 v36, v12;
	v12 =	vld [tilespmem:$0x1EF70];
	_ =	sdelay $0x4  }
0x4d5: {  	v9 =	vadd.f32 v11, v9;
	v11 =	vmul.f32 v50, v17;
	v17 =	vsub.f32 v56, v12;
	v12 =	vld [tilespmem:$0x1F220];
	_ =	sdelay $0x4  }
0x4d6: {  	v56 =	vsub.f32 v34, v12;
	v12 =	vld [tilespmem:$0x1EFB0];
	_ =	sdelay $0x1  }
0x4d7: {  	v39 =	vmul.f32 v43, v39;
	_ =	sdelay $0x1  }
0x4d8: {  	v5 =	vadd.f32 v39, v5;
	v37 =	vmul.f32 v44, v37  }
0x4d9: {  	v9 =	vadd.f32 v11, v9;
	v11 =	vmul.f32 v21, v16;
	v16 =	vsub.f32 v62, v12;
	v12 =	vld [tilespmem:$0x1F250]  }
0x4da: {  	v5 =	vadd.f32 v37, v5;
	v35 =	vmul.f32 v42, v35  }
0x4db: {  	v10 =	vld [tilespmem:$0x1EEC0]  }
0x4dc: {  	v5 =	vadd.f32 v35, v5  }
0x4dd: {  	v33 =	vmul.f32 v40, v33;
	v9 =	vadd.f32 v11, v9;
	v11 =	vld [tilespmem:$0x1EFD0];
	v8 =	vmul.f32 v17, v8  }
0x4de: {  	v21 =	vmul.f32 v56, v26;
	v26 =	vsub.f32 v32, v12;
	v12 =	vld [tilespmem:$0x1F280]  }
0x4df: {  	v5 =	vadd.f32 v33, v5;
	v31 =	vmul.f32 v38, v31;
	v8 =	vadd.f32 v8, v9;
	v9 =	vld [tilespmem:$0x1F010]  }
0x4e0: {  	v10 =	vmul.f32 v10, v1  }
0x4e1: {  	v5 =	vadd.f32 v31, v5;
	v29 =	vmul.f32 v52, v29  }
0x4e2: {  	v10 =	vsub.f32 v10, v11;
	v3 =	vmul.f32 v16, v3  }
0x4e3: {  	v5 =	vadd.f32 v29, v5;
	v17 =	vsub.f32 v30, v12;
	v12 =	vld [tilespmem:$0x1F2C0]  }
0x4e4: {  	v1 =	vmul.f32 v10, v1;
	v10 =	vld [tilespmem:$0x1F2F0];
	v9 =	vsub.f32 v19, v9;
	v3 =	vadd.f32 v3, v8  }
0x4e5: {  	v5 =	vadd.f32 v21, v5;
	v8 =	vld [tilespmem:$0x1F040]  }
0x4e6: {  	v1 =	vadd.f32 v1, v3;
	v3 =	vmul.f32 v9, v63;
	v9 =	vld [tilespmem:$0x1F060];
	v11 =	vmul.f32 v26, v24;
	_ =	sdelay $0x1  }
0x4e7: {  	v5 =	vadd.f32 v11, v5;
	v16 =	vmul.f32 v17, v22;
	v17 =	vsub.f32 v28, v12  }
0x4e8: {  	v10 =	vsub.f32 v27, v10  }
0x4e9: {  	v7 =	vsub.f32 v7, v8;
	v5 =	vadd.f32 v16, v5;
	v8 =	vmul.f32 v17, v20  }
0x4ea: {  	v2 =	vsub.f32 v2, v9;
	v9 =	vmul.f32 v10, v18;
	v10 =	vld [tilespmem:$0x1F320]  }
0x4eb: {  	v1 =	vadd.f32 v3, v1;
	v3 =	vmul.f32 v7, v61;
	v5 =	vadd.f32 v8, v5;
	v8 =	vld [tilespmem:$0x1F370]  }
0x4ec: {  	v7 =	vld [tilespmem:$0x1F070]  }
0x4ed: {  	v1 =	vadd.f32 v3, v1;
	v3 =	vadd.f32 v9, v5;
	v5 =	vld [tilespmem:$0x1F090];
	_ =	sdelay $0x2  }
0x4ee: {  	v10 =	vsub.f32 v25, v10;
	v8 =	vsub.f32 v23, v8  }
0x4ef: {  	v2 =	vmul.f32 v2, v58;
	v0 =	vsub.f32 v0, v7;
	v9 =	vld [tilespmem:$0x1F620]  }
0x4f0: {  	v7 =	vmul.f32 v10, v15;
	v4 =	vsub.f32 v4, v5;
	v5 =	vmul.f32 v8, v13;
	v8 =	vld [tilespmem:$0x1F390];
	_ =	sdelay $0x1  }
0x4f1: {  	v1 =	vadd.f32 v2, v1;
	v2 =	vadd.f32 v7, v3;
	v7 =	vld [tilespmem:$0x1F610];
	_ =	sdelay $0x2  }
0x4f2: {  	v8 =	vsub.f32 v9, v8  }
0x4f3: {  	v9 =	vld [tilespmem:$0x1F5E0]  }
0x4f4: {  	v7 =	vmul.f32 v8, v7;
	v8 =	vld [tilespmem:$0x1F3D0];
	_ =	sdelay $0x4  }
0x4f5: {  	v8 =	vsub.f32 v9, v8;
	v9 =	vld [tilespmem:$0x1F5D0];
	_ =	sdelay $0x3  }
0x4f6: {  	v10 =	vld [tilespmem:$0x1F5B0]  }
0x4f7: {  	v8 =	vmul.f32 v8, v9;
	v9 =	vld [tilespmem:$0x1F400];
	_ =	sdelay $0x4  }
0x4f8: {  	v9 =	vsub.f32 v10, v9;
	v10 =	vld [tilespmem:$0x1F5A0];
	_ =	sdelay $0x3  }
0x4f9: {  	v11 =	vld [tilespmem:$0x1F580]  }
0x4fa: {  	v9 =	vmul.f32 v9, v10;
	v10 =	vld [tilespmem:$0x1F430]  }
0x4fb: {  	v2 =	vadd.f32 v5, v2  }
0x4fc: {  	v0 =	vmul.f32 v0, v57  }
0x4fd: {  	v3 =	vld [tilespmem:$0x1F0B0];
	v2 =	vadd.f32 v7, v2  }
0x4fe: {  	v0 =	vadd.f32 v0, v1;
	v1 =	vmul.f32 v4, v53;
	v4 =	vld [tilespmem:s18+$0x4110]  }
0x4ff: {  	v2 =	vadd.f32 v8, v2;
	v10 =	vsub.f32 v11, v10;
	v11 =	vld [tilespmem:$0x1F170]  }
0x500: {  	v12 =	vld [tilespmem:$0x1F570]  }
0x501: {  	v2 =	vadd.f32 v9, v2;
	v9 =	vld [tilespmem:$0x1F1A0];
	_ =	sdelay $0x1  }
0x502: {  	v3 =	vsub.f32 v60, v3  }
0x503: {  	v5 =	vld [tilespmem:$0x1F0E0];
	v11 =	vmul.f32 v11, v4  }
0x504: {  	v0 =	vadd.f32 v1, v0;
	v1 =	vmul.f32 v3, v51;
	v3 =	vld [tilespmem:s18+$0x4120]  }
0x505: {  	v10 =	vmul.f32 v10, v12;
	v9 =	vsub.f32 v11, v9;
	v11 =	vld [tilespmem:$0x1F1B0];
	_ =	sdelay $0x1  }
0x506: {  	v2 =	vadd.f32 v10, v2;
	v10 =	vld [tilespmem:$0x1EEE0];
	_ =	sdelay $0x1  }
0x507: {  	v5 =	vsub.f32 v59, v5  }
0x508: {  	v7 =	vld [tilespmem:$0x1EED0];
	v11 =	vmul.f32 v11, v3  }
0x509: {  	v0 =	vadd.f32 v1, v0;
	v1 =	vmul.f32 v5, v49;
	v5 =	vld [tilespmem:s18+$0x4130]  }
0x50a: {  	s17 =	sadd.s32 $0x1, s17;
	v10 =	vsub.f32 v11, v10;
	v11 =	vld [tilespmem:$0x1F1E0]  }
0x50b: {  	v13 =	vlaneseq.u32;
	v12 =	vmov s17  }
0x50c: {  	vm0 =	veq.s32 v12, v13;
	v12 =	vld [tilespmem:$0x1F200];
	_ =	sdelay $0x1  }
0x50d: {  	v7 =	vsub.f32 v55, v7  }
0x50e: {  	v11 =	vmul.f32 v11, v5  }
0x50f: {  	v0 =	vadd.f32 v1, v0;
	v1 =	vmul.f32 v7, v47;
	v7 =	vld [tilespmem:s18+$0x4140]  }
0x510: {  	v11 =	vsub.f32 v11, v12;
	v12 =	vld [tilespmem:$0x1F210];
	_ =	sdelay $0x2  }
0x511: {  	v15 =	vld [tilespmem:s18+$0x43F0]  }
0x512: {  	v8 =	vld [tilespmem:$0x1F150]  }
0x513: {  	v13 =	vmul.f32 v12, v7;
	v12 =	vld [tilespmem:$0x1F560];
	_ =	sdelay $0x3  }
0x514: {  	v8 =	vsub.f32 v54, v8  }
0x515: {  	v12 =	vmul.f32 v12, v15  }
0x516: {  	v0 =	vadd.f32 v1, v0;
	v1 =	vmul.f32 v8, v45;
	v8 =	vld [tilespmem:s18+$0x4150]  }
0x517: {  	[tilespmem:$0x1F580] =	vst v12;
	v12 =	vld [tilespmem:$0x1F240];
	_ =	sdelay $0x3  }
0x518: {  	v16 =	vld [tilespmem:s18+$0x43E0]  }
0x519: {  	[tilespmem:$0x1F570] =	vst v15;
	v15 =	vmul.f32 v12, v8;
	v12 =	vld [tilespmem:$0x1F590];
	_ =	sdelay $0x4  }
0x51a: {  	v12 =	vmul.f32 v12, v16;
	_ =	sdelay $0x1  }
0x51b: {  	[tilespmem:$0x1F5B0] =	vst v12;
	v12 =	vld [tilespmem:$0x1F260];
	_ =	sdelay $0x3  }
0x51c: {  	v0 =	vadd.f32 v1, v0;
	v1 =	vmul.f32 v9, v4;
	v4 =	vld [tilespmem:s18+$0x4160]  }
0x51d: {  	[tilespmem:$0x1F5A0] =	vst v16;
	v16 =	vsub.f32 v15, v12;
	v12 =	vld [tilespmem:$0x1F270];
	_ =	sdelay $0x3  }
0x51e: {  	v18 =	vld [tilespmem:s18+$0x43D0]  }
0x51f: {  	v17 =	vmul.f32 v12, v4;
	v12 =	vld [tilespmem:$0x1F5C0]  }
0x520: {  	v9 =	vld [tilespmem:$0x1FFE0];
	_ =	sdelay $0x1  }
0x521: {  	v0 =	vadd.f32 v1, v0;
	v1 =	vmul.f32 v10, v3;
	_ =	sdelay $0x1  }
0x522: {  	v0 =	vadd.f32 v1, v0;
	v1 =	vmul.f32 v11, v5;
	v11 =	vld [tilespmem:$0x1FFD0];
	v12 =	vmul.f32 v12, v18  }
0x523: {  	v19 =	vld [tilespmem:s18+$0x43C0];
	v9 =	vperm.xlane v2, v9  }
0x524: {  	[tilespmem:$0x1F5E0] =	vst v12;
	v12 =	vld [tilespmem:$0x1F600]  }
0x525: {  	v9 =	vadd.f32 v2, v9;
	_ =	sdelay $0x1  }
0x526: {  	v3 =	vld [tilespmem:s18+$0x4170];
	v11 =	vperm.xlane v9, v11  }
0x527: {  	v10 =	vld [tilespmem:$0x1F230]  }
0x528: {  	v9 =	vadd.f32 v9, v11;
	v11 =	vld [tilespmem:$0x1F2B0];
	v12 =	vmul.f32 v12, v19;
	_ =	sdelay $0x1  }
0x529: {  	[tilespmem:$0x1F620] =	vst v12;
	v12 =	vld [tilespmem:$0x1F2D0];
	_ =	sdelay $0x1  }
0x52a: {  	v10 =	vsub.f32 v13, v10  }
0x52b: {  	v5 =	vld [tilespmem:s18+$0x4180];
	v11 =	vmul.f32 v11, v3  }
0x52c: {  	v0 =	vadd.f32 v1, v0;
	v1 =	vmul.f32 v10, v7;
	v10 =	vld [tilespmem:$0x1F290]  }
0x52d: {  	v11 =	vsub.f32 v11, v12;
	v12 =	vld [tilespmem:$0x1F2E0];
	_ =	sdelay $0x3  }
0x52e: {  	v13 =	vld [tilespmem:s18+$0x43B0]  }
0x52f: {  	v10 =	vsub.f32 v17, v10;
	v17 =	vmul.f32 v12, v5;
	v12 =	vld [tilespmem:$0x1F630];
	_ =	sdelay $0x2  }
0x530: {  	v0 =	vadd.f32 v1, v0;
	v1 =	vmul.f32 v16, v8;
	v16 =	vld [tilespmem:$0x1FFF0]  }
0x531: {  	v7 =	vld [tilespmem:s18+$0x4190]  }
0x532: {  	v23 =	vmul.f32 v12, v13;
	v12 =	vld [tilespmem:$0x1F310];
	_ =	sdelay $0x2  }
0x533: {  	v16 =	vperm.xlane v9, v16  }
0x534: {  	v15 =	vld [tilespmem:s18+$0x43A0]  }
0x535: {  	v9 =	vadd.f32 v9, v16;
	v16 =	vmul.f32 v12, v7;
	v12 =	vld [tilespmem:$0x1F640];
	_ =	sdelay $0x1  }
0x536: {  	v0 =	vadd.f32 v1, v0;
	v1 =	vmul.f32 v10, v4  }
0x537: {  	v10 =	vld [tilespmem:$0x1F300]  }
0x538: {  	v0 =	vadd.f32 v1, v0;
	v1 =	vmul.f32 v11, v3;
	v11 =	vld [tilespmem:$0x1FFC0]  }
0x539: {  	v25 =	vmul.f32 v12, v15;
	v12 =	vld [tilespmem:$0x1F330];
	_ =	sdelay $0x2  }
0x53a: {  	v8 =	vld [tilespmem:s18+$0x41A0]  }
0x53b: {  	v4 =	vld [tilespmem:s18+$0x41B0];
	v10 =	vsub.f32 v17, v10  }
0x53c: {  	v11 =	vperm.xlane v9, v11;
	v16 =	vsub.f32 v16, v12;
	v12 =	vld [tilespmem:$0x1F340]  }
0x53d: {  	v0 =	vadd.f32 v1, v0;
	v1 =	vmul.f32 v10, v5;
	v10 =	vld [tilespmem:$0x1F350]  }
0x53e: {  	v9 =	vadd.f32 v9, v11;
	v11 =	vld [tilespmem:$0x1F360];
	_ =	sdelay $0x1  }
0x53f: {  	v14 =	vadd.f32 v2, v14;
	v2 =	vld [tilespmem:$0x1F380]  }
0x540: {  	v17 =	vmul.f32 v12, v8  }
0x541: {  	v0 =	vadd.f32 v1, v0  }
0x542: {  	v11 =	vmul.f32 v11, v4;
	v1 =	vmul.f32 v16, v7;
	v10 =	vsub.f32 v17, v10  }
0x543: {  	v3 =	vld [tilespmem:s18+$0x41C0];
	v6 =	vsel vm0, v9, v6  }
0x544: {  	v9 =	vld [tilespmem:$0x1F3A0];
	v2 =	vsub.f32 v11, v2;
	v0 =	vadd.f32 v1, v0;
	v1 =	vmul.f32 v10, v8;
	_ =	sdelay $0x1  }
0x545: {  	v0 =	vadd.f32 v1, v0;
	v1 =	vmul.f32 v2, v4;
	v2 =	vld [tilespmem:$0x1F3B0];
	_ =	sdelay $0x2  }
0x546: {  	v9 =	vmul.f32 v9, v3  }
0x547: {  	v5 =	vld [tilespmem:s18+$0x41D0]  }
0x548: {  	v10 =	vld [tilespmem:$0x1F3C0];
	v2 =	vsub.f32 v9, v2;
	_ =	sdelay $0x1  }
0x549: {  	v0 =	vadd.f32 v1, v0;
	v1 =	vmul.f32 v2, v3;
	v2 =	vld [tilespmem:$0x1F3E0];
	_ =	sdelay $0x2  }
0x54a: {  	v10 =	vmul.f32 v10, v5  }
0x54b: {  	v7 =	vld [tilespmem:s18+$0x41E0]  }
0x54c: {  	v9 =	vld [tilespmem:$0x1F3F0];
	v2 =	vsub.f32 v10, v2;
	_ =	sdelay $0x1  }
0x54d: {  	v0 =	vadd.f32 v1, v0;
	v1 =	vmul.f32 v2, v5;
	v2 =	vld [tilespmem:$0x1F410];
	_ =	sdelay $0x2  }
0x54e: {  	v9 =	vmul.f32 v9, v7  }
0x54f: {  	v8 =	vld [tilespmem:s18+$0x41F0]  }
0x550: {  	v10 =	vld [tilespmem:$0x1F420];
	v2 =	vsub.f32 v9, v2;
	_ =	sdelay $0x1  }
0x551: {  	v0 =	vadd.f32 v1, v0;
	v1 =	vmul.f32 v2, v7;
	v2 =	vld [tilespmem:$0x1F440];
	_ =	sdelay $0x1  }
0x552: {  	v24 =	vld [tilespmem:s18+$0x4360]  }
0x553: {  	v11 =	vld [tilespmem:$0x1F670];
	v10 =	vmul.f32 v10, v8  }
0x554: {  	v4 =	vld [tilespmem:s18+$0x4200]  }
0x555: {  	v9 =	vld [tilespmem:$0x1F450];
	v2 =	vsub.f32 v10, v2;
	_ =	sdelay $0x1  }
0x556: {  	v0 =	vadd.f32 v1, v0;
	v1 =	vmul.f32 v2, v8;
	v2 =	vld [tilespmem:$0x1F460]  }
0x557: {  	v43 =	vld [tilespmem:s18+$0x42D0]  }
0x558: {  	v26 =	vld [tilespmem:s18+$0x4350]  }
0x559: {  	v32 =	vmul.f32 v11, v24;
	v11 =	vld [tilespmem:$0x1F680];
	v9 =	vmul.f32 v9, v4  }
0x55a: {  	v3 =	vld [tilespmem:s18+$0x4210]  }
0x55b: {  	v10 =	vld [tilespmem:$0x1F470];
	v2 =	vsub.f32 v9, v2  }
0x55c: {  	v29 =	vld [tilespmem:s18+$0x4340]  }
0x55d: {  	v0 =	vadd.f32 v1, v0;
	v1 =	vmul.f32 v2, v4;
	v2 =	vld [tilespmem:$0x1F480]  }
0x55e: {  	[tilespmem:$0x1F5D0] =	vst v18;
	v18 =	vld [tilespmem:s18+$0x4390]  }
0x55f: {  	v34 =	vmul.f32 v11, v26;
	v11 =	vld [tilespmem:$0x1F1D0]  }
0x560: {  	v12 =	vld [tilespmem:$0x1F650];
	v10 =	vmul.f32 v10, v3  }
0x561: {  	v5 =	vld [tilespmem:s18+$0x4220]  }
0x562: {  	v9 =	vld [tilespmem:$0x1F490];
	v2 =	vsub.f32 v10, v2  }
0x563: {  	v31 =	vld [tilespmem:s18+$0x4330]  }
0x564: {  	v0 =	vadd.f32 v1, v0;
	v1 =	vmul.f32 v2, v3;
	v2 =	vld [tilespmem:$0x1F4A0]  }
0x565: {  	v20 =	vld [tilespmem:s18+$0x4380]  }
0x566: {  	v36 =	vmul.f32 v11, v29;
	v11 =	vld [tilespmem:$0x1F190]  }
0x567: {  	v27 =	vmul.f32 v12, v18;
	v12 =	vld [tilespmem:$0x1F2A0];
	v9 =	vmul.f32 v9, v5  }
0x568: {  	v7 =	vld [tilespmem:s18+$0x4230]  }
0x569: {  	v10 =	vld [tilespmem:$0x1F4B0];
	v2 =	vsub.f32 v9, v2  }
0x56a: {  	v33 =	vld [tilespmem:s18+$0x4320]  }
0x56b: {  	v0 =	vadd.f32 v1, v0;
	v1 =	vmul.f32 v2, v5;
	v2 =	vld [tilespmem:$0x1F4C0]  }
0x56c: {  	v22 =	vld [tilespmem:s18+$0x4370]  }
0x56d: {  	v38 =	vmul.f32 v11, v31;
	v11 =	vld [tilespmem:$0x1F160]  }
0x56e: {  	v28 =	vmul.f32 v12, v20;
	v12 =	vld [tilespmem:$0x1F660];
	v10 =	vmul.f32 v10, v7  }
0x56f: {  	v8 =	vld [tilespmem:s18+$0x4240]  }
0x570: {  	v9 =	vld [tilespmem:$0x1F4D0];
	v2 =	vsub.f32 v10, v2  }
0x571: {  	v41 =	vld [tilespmem:s18+$0x42E0]  }
0x572: {  	v0 =	vadd.f32 v1, v0;
	v1 =	vmul.f32 v2, v7;
	v2 =	vld [tilespmem:$0x1F500]  }
0x573: {  	v35 =	vld [tilespmem:s18+$0x4310]  }
0x574: {  	v40 =	vmul.f32 v11, v33;
	v11 =	vld [tilespmem:$0x1F110]  }
0x575: {  	v30 =	vmul.f32 v12, v22;
	v12 =	vld [tilespmem:$0x1F690];
	v9 =	vmul.f32 v9, v8  }
0x576: {  	v4 =	vld [tilespmem:s18+$0x4250]  }
0x577: {  	v10 =	vld [tilespmem:$0x1F4F0];
	v2 =	vsub.f32 v9, v2  }
0x578: {  	v39 =	vld [tilespmem:s18+$0x42F0]  }
0x579: {  	v0 =	vadd.f32 v1, v0;
	v1 =	vmul.f32 v2, v8;
	v2 =	vld [tilespmem:$0x1F510]  }
0x57a: {  	v37 =	vld [tilespmem:s18+$0x4300]  }
0x57b: {  	v42 =	vmul.f32 v11, v35;
	v11 =	vld [tilespmem:$0x1F100]  }
0x57c: {  	v50 =	vmul.f32 v12, v41;
	v12 =	vld [tilespmem:$0x1F6A0];
	v10 =	vmul.f32 v10, v4  }
0x57d: {  	v3 =	vld [tilespmem:s18+$0x4260]  }
0x57e: {  	v9 =	vld [tilespmem:$0x1F520];
	v2 =	vsub.f32 v10, v2  }
0x57f: {  	v46 =	vld [tilespmem:s18+$0x42C0]  }
0x580: {  	v0 =	vadd.f32 v1, v0;
	v1 =	vmul.f32 v2, v4;
	v2 =	vld [tilespmem:$0x1F530]  }
0x581: {  	v44 =	vmul.f32 v11, v37;
	v11 =	vld [tilespmem:$0x1F0C0]  }
0x582: {  	v16 =	vld [tilespmem:s18+$0x42A0]  }
0x583: {  	v52 =	vmul.f32 v12, v43;
	v12 =	vld [tilespmem:$0x1F6B0];
	v9 =	vmul.f32 v9, v3  }
0x584: {  	v5 =	vld [tilespmem:s18+$0x4270]  }
0x585: {  	v10 =	vld [tilespmem:$0x1EF80];
	v2 =	vsub.f32 v9, v2  }
0x586: {  	v48 =	vmul.f32 v11, v39;
	v11 =	vld [tilespmem:s18+$0x42B0]  }
0x587: {  	v0 =	vadd.f32 v1, v0;
	v1 =	vmul.f32 v2, v3;
	v2 =	vld [tilespmem:$0x1EFA0]  }
0x588: {  	v7 =	vld [tilespmem:s18+$0x4280]  }
0x589: {  	v8 =	vld [tilespmem:s18+$0x4290];
	s18 =	sshra.s32 s19, $0x2  }
0x58a: {  	v45 =	vld [tilespmem:s18+$0x4100];
	v10 =	vmul.f32 v10, v5  }
0x58b: {  	v47 =	vld [tilespmem:s18+$0x40F0]  }
0x58c: {  	v4 =	vld [tilespmem:$0x1F540];
	v2 =	vsub.f32 v10, v2  }
0x58d: {  	v3 =	vld [tilespmem:$0x1EFE0]  }
0x58e: {  	v0 =	vadd.f32 v1, v0;
	v1 =	vmul.f32 v2, v5;
	v2 =	vld [tilespmem:$0x1EFC0]  }
0x58f: {  	v49 =	vld [tilespmem:s18+$0x40E0]  }
0x590: {  	v0 =	vadd.f32 v1, v0;
	v1 =	vld [tilespmem:$0x1F000]  }
0x591: {  	v51 =	vld [tilespmem:s18+$0x40D0];
	v4 =	vmul.f32 v4, v7  }
0x592: {  	v53 =	vld [tilespmem:s18+$0x40C0]  }
0x593: {  	v57 =	vld [tilespmem:s18+$0x40B0];
	v3 =	vmul.f32 v3, v8;
	v2 =	vsub.f32 v4, v2  }
0x594: {  	v58 =	vld [tilespmem:s18+$0x40A0]  }
0x595: {  	v9 =	vld [tilespmem:$0x1F030];
	v2 =	vmul.f32 v2, v7;
	v3 =	vsub.f32 v3, v1  }
0x596: {  	v10 =	vld [tilespmem:$0x1F020]  }
0x597: {  	v4 =	vld [tilespmem:$0x1F0F0];
	v2 =	vadd.f32 v2, v0;
	v5 =	vmul.f32 v3, v8  }
0x598: {  	v0 =	vld [tilespmem:$0x1F550]  }
0x599: {  	v5 =	vadd.f32 v5, v2;
	v2 =	vld [tilespmem:$0x1F050]  }
0x59a: {  	v1 =	vld [tilespmem:$0x1F6C0]  }
0x59b: {  	v61 =	vld [tilespmem:s18+$0x4090];
	v9 =	vmul.f32 v9, v11  }
0x59c: {  	v10 =	vmul.f32 v10, v16;
	v55 =	vmul.f32 v4, v47;
	v4 =	vld [tilespmem:$0x1F130]  }
0x59d: {  	v63 =	vld [tilespmem:s18+$0x4080]  }
0x59e: {  	[tilespmem:$0x1F610] =	vst v19;
	v7 =	vsub.f32 v10, v0;
	v19 =	vsub.f32 v9, v2;
	v2 =	vld [tilespmem:$0x1F710]  }
0x59f: {  	v60 =	vmul.f32 v1, v51;
	v1 =	vld [tilespmem:$0x1F6D0]  }
0x5a0: {  	v0 =	vld [tilespmem:$0x1F6E0];
	v10 =	vmul.f32 v7, v16  }
0x5a1: {  	v54 =	vmul.f32 v4, v45;
	v4 =	vld [tilespmem:$0x1F6F0]  }
0x5a2: {  	v5 =	vadd.f32 v10, v5;
	v10 =	vld [tilespmem:$0x1F700]  }
0x5a3: {  	p0 =	sne.s32 s19, $0xF000;
	v7 =	vmul.f32 v2, v61;
	v2 =	vld [tilespmem:$0x1F720]  }
.Ltmp1:
0x5a4: {  	v3 =	vld [tilespmem:s18+$0x4060];
	(pc) =	sbr.rel @p0 .LBB2_4-.Ltmp1, $4  }
0x5a5: {  	v8 =	vld [tilespmem:s18+$0x4050]  }
0x5a6: {  	v17 =	vmul.f32 v12, v46;
	v16 =	vld [tilespmem:s18+$0x4040];
	v59 =	vmul.f32 v1, v49  }
0x5a7: {  	v9 =	vld [tilespmem:s18+$0x4000];
	v56 =	vmul.f32 v19, v11;
	v0 =	vmul.f32 v0, v57  }
0x5a8: {  	s19 =	sadd.s32 $0x1000, s19;
	v1 =	vld [tilespmem:s18+$0x4070];
	v4 =	vmul.f32 v4, v53;
	v62 =	vsub.f32 v17, v10;
	v2 =	vmul.f32 v2, v58  }
0x5a9: {  	v17 =	vld [tilespmem:$0x1EEF0];
	_ =	sdelay $0x1  }
0x5aa: {  	v12 =	vld [tilespmem:$0x1EF00];
	_ =	sdelay $0x1  }
0x5ab: {  	v10 =	vld [tilespmem:s18+$0x4010]  }
0x5ac: {  	v21 =	vld [tilespmem:$0x1EE90];
	v17 =	vmul.f32 v17, v9;
	_ =	sdelay $0x1  }
0x5ad: {  	v17 =	vsub.f32 v17, v12;
	v12 =	vld [tilespmem:$0x1EEA0];
	_ =	sdelay $0x2  }
0x5ae: {  	v21 =	vmul.f32 v21, v10;
	_ =	sdelay $0x1  }
0x5af: {  	v21 =	vsub.f32 v21, v12;
	v12 =	vmul.f32 v17, v9  }
0x5b0: {  	v19 =	vld [tilespmem:s18+$0x4030]  }
0x5b1: {  	[tilespmem:$0x1EDE0] =	vst v12;
	v12 =	vld [tilespmem:$0x1EF30];
	_ =	sdelay $0x1  }
0x5b2: {  	v11 =	vld [tilespmem:s18+$0x4020]  }
0x5b3: {  	v17 =	vld [tilespmem:$0x1EF10];
	_ =	sdelay $0x1  }
0x5b4: {  	v9 =	vmul.f32 v12, v19;
	v12 =	vld [tilespmem:$0x1EF20];
	_ =	sdelay $0x2  }
0x5b5: {  	v17 =	vmul.f32 v17, v11;
	_ =	sdelay $0x1  }
0x5b6: {  	v17 =	vsub.f32 v17, v12;
	v12 =	vld [tilespmem:$0x1EF40]  }
0x5b7: {  	v10 =	vmul.f32 v21, v10;
	v21 =	vld [tilespmem:$0x1EDE0];
	_ =	sdelay $0x1  }
0x5b8: {  	v11 =	vmul.f32 v17, v11;
	v17 =	vld [tilespmem:$0x1EF50];
	_ =	sdelay $0x1  }
0x5b9: {  	v9 =	vsub.f32 v9, v12;
	v12 =	vld [tilespmem:$0x1EF60]  }
0x5ba: {  	v21 =	vadd.f32 $0.0e+00, v21;
	_ =	sdelay $0x1  }
0x5bb: {  	v10 =	vadd.f32 v10, v21;
	v21 =	vld [tilespmem:$0x1EEB0];
	v17 =	vmul.f32 v17, v16;
	_ =	sdelay $0x1  }
0x5bc: {  	v10 =	vadd.f32 v11, v10;
	v9 =	vmul.f32 v9, v19;
	v17 =	vsub.f32 v17, v12;
	v12 =	vld [tilespmem:$0x1EF70];
	_ =	sdelay $0x1  }
0x5bd: {  	v9 =	vadd.f32 v9, v10;
	v10 =	vmul.f32 v17, v16;
	v17 =	vld [tilespmem:$0x1EF90]  }
0x5be: {  	v21 =	vmul.f32 v21, v8;
	v19 =	vld [tilespmem:$0x1EEC0];
	_ =	sdelay $0x1  }
0x5bf: {  	v11 =	vsub.f32 v21, v12;
	v21 =	vld [tilespmem:$0x1EFB0];
	_ =	sdelay $0x1  }
0x5c0: {  	v16 =	vmul.f32 v17, v3  }
0x5c1: {  	v9 =	vadd.f32 v10, v9;
	v17 =	vmul.f32 v19, v1;
	v12 =	vmul.f32 v11, v8;
	v19 =	vld [tilespmem:$0x1EFD0];
	_ =	sdelay $0x1  }
0x5c2: {  	v8 =	vadd.f32 v12, v9;
	v12 =	vld [tilespmem:$0x1EFF0];
	v16 =	vsub.f32 v16, v21;
	_ =	sdelay $0x1  }
0x5c3: {  	v21 =	vmul.f32 v16, v3;
	v16 =	vld [tilespmem:$0x1F010]  }
0x5c4: {  	v10 =	vsub.f32 v17, v19;
	v19 =	vld [tilespmem:$0x1F040]  }
0x5c5: {  	v5 =	vadd.f32 v56, v5  }
0x5c6: {  	v56 =	vld [tilespmem:s18+$0x42D0];
	v9 =	vmul.f32 v12, v63;
	v3 =	vadd.f32 v21, v8;
	v17 =	vmul.f32 v10, v1  }
0x5c7: {  	v12 =	vld [tilespmem:$0x1F070]  }
0x5c8: {  	v1 =	vadd.f32 v17, v3;
	v17 =	vld [tilespmem:$0x1F0B0];
	v9 =	vsub.f32 v9, v16  }
0x5c9: {  	v7 =	vsub.f32 v7, v19;
	v16 =	vld [tilespmem:$0x1F090]  }
0x5ca: {  	v21 =	vmul.f32 v9, v63;
	v63 =	vld [tilespmem:$0x1F060]  }
0x5cb: {  	v11 =	vmul.f32 v7, v61;
	v61 =	vld [tilespmem:s18+$0x4130]  }
0x5cc: {  	v0 =	vsub.f32 v0, v12;
	v12 =	vld [tilespmem:$0x1F170]  }
0x5cd: {  	v1 =	vadd.f32 v21, v1;
	v21 =	vld [tilespmem:$0x1F0E0]  }
0x5ce: {  	v0 =	vmul.f32 v0, v57;
	v57 =	vld [tilespmem:s18+$0x4120]  }
0x5cf: {  	v3 =	vsub.f32 v4, v16;
	v16 =	vld [tilespmem:$0x1F1B0]  }
0x5d0: {  	v9 =	vld [tilespmem:s18+$0x4140];
	v2 =	vsub.f32 v2, v63  }
0x5d1: {  	v19 =	vmul.f32 v3, v53;
	v3 =	vld [tilespmem:s18+$0x4110]  }
0x5d2: {  	v2 =	vmul.f32 v2, v58;
	v58 =	vld [tilespmem:$0x1EED0]  }
0x5d3: {  	v1 =	vadd.f32 v11, v1;
	v4 =	vsub.f32 v59, v21;
	v21 =	vld [tilespmem:$0x1EEE0]  }
0x5d4: {  	v10 =	vmul.f32 v16, v57;
	v16 =	vld [tilespmem:$0x1F290]  }
0x5d5: {  	v1 =	vadd.f32 v2, v1;
	v2 =	vsub.f32 v60, v17;
	v60 =	vld [tilespmem:$0x1F150]  }
0x5d6: {  	v17 =	vld [tilespmem:$0x1F1A0]  }
0x5d7: {  	v59 =	vmul.f32 v4, v49;
	v49 =	vld [tilespmem:$0x1F1E0];
	v0 =	vadd.f32 v0, v1  }
0x5d8: {  	v53 =	vmul.f32 v2, v51;
	v51 =	vld [tilespmem:$0x1F210]  }
0x5d9: {  	v7 =	vsub.f32 v55, v58;
	v55 =	vld [tilespmem:$0x1F230];
	v0 =	vadd.f32 v19, v0  }
0x5da: {  	v4 =	vsub.f32 v54, v60;
	v60 =	vld [tilespmem:s18+$0x4180]  }
0x5db: {  	v63 =	vmul.f32 v7, v47;
	v7 =	vmul.f32 v12, v3;
	v0 =	vadd.f32 v53, v0;
	v53 =	vld [tilespmem:$0x1F200]  }
0x5dc: {  	v19 =	vmul.f32 v4, v45;
	v45 =	vld [tilespmem:s18+$0x4150]  }
0x5dd: {  	v7 =	vsub.f32 v7, v17;
	v17 =	vld [tilespmem:s18+$0x4190]  }
0x5de: {  	v4 =	vsub.f32 v10, v21;
	v21 =	vld [tilespmem:$0x1F2B0]  }
0x5df: {  	v0 =	vadd.f32 v59, v0;
	v59 =	vld [tilespmem:$0x1F240]  }
0x5e0: {  	v47 =	vmul.f32 v7, v3;
	v7 =	vld [tilespmem:s18+$0x4160]  }
0x5e1: {  	v3 =	vmul.f32 v49, v61;
	v54 =	vmul.f32 v4, v57;
	v57 =	vld [tilespmem:s18+$0x4170]  }
0x5e2: {  	v49 =	vld [tilespmem:$0x1F2D0]  }
0x5e3: {  	v0 =	vadd.f32 v63, v0;
	v63 =	vld [tilespmem:$0x1F260];
	v3 =	vsub.f32 v3, v53  }
0x5e4: {  	v53 =	vld [tilespmem:$0x1F300]  }
0x5e5: {  	v0 =	vadd.f32 v19, v0;
	v58 =	vmul.f32 v3, v61;
	v61 =	vld [tilespmem:$0x1F270]  }
0x5e6: {  	v3 =	vmul.f32 v59, v45;
	v59 =	vld [tilespmem:$0x1F330]  }
0x5e7: {  	v0 =	vadd.f32 v47, v0;
	v47 =	vld [tilespmem:$0x1F2E0]  }
0x5e8: {  	v3 =	vsub.f32 v3, v63;
	v63 =	vld [tilespmem:$0x1F350]  }
0x5e9: {  	v0 =	vadd.f32 v54, v0;
	v54 =	vld [tilespmem:s18+$0x41B0]  }
0x5ea: {  	v11 =	vmul.f32 v51, v9;
	v19 =	vmul.f32 v3, v45;
	v45 =	vld [tilespmem:s18+$0x41A0]  }
0x5eb: {  	v3 =	vmul.f32 v21, v57;
	v21 =	vld [tilespmem:$0x1F380]  }
0x5ec: {  	v2 =	vsub.f32 v11, v55;
	v11 =	vmul.f32 v61, v7;
	v0 =	vadd.f32 v58, v0;
	v58 =	vld [tilespmem:$0x1F340]  }
0x5ed: {  	v61 =	vld [tilespmem:s18+$0x41C0]  }
0x5ee: {  	v12 =	vmul.f32 v2, v9;
	v3 =	vsub.f32 v3, v49;
	v2 =	vsub.f32 v11, v16;
	v16 =	vld [tilespmem:$0x1F360]  }
0x5ef: {  	v11 =	vmul.f32 v47, v60;
	v47 =	vld [tilespmem:$0x1F3A0]  }
0x5f0: {  	v0 =	vadd.f32 v12, v0;
	v55 =	vmul.f32 v3, v57;
	v57 =	vld [tilespmem:$0x1F310]  }
0x5f1: {  	v51 =	vmul.f32 v2, v7;
	v2 =	vsub.f32 v11, v53;
	v53 =	vld [tilespmem:$0x1F3C0]  }
0x5f2: {  	v0 =	vadd.f32 v19, v0;
	v11 =	vld [tilespmem:$0x1F4C0]  }
0x5f3: {  	v4 =	vmul.f32 v58, v45;
	v58 =	vld [tilespmem:$0x1F3F0]  }
0x5f4: {  	v0 =	vadd.f32 v51, v0;
	v51 =	vld [tilespmem:$0x1F3B0]  }
0x5f5: {  	v4 =	vsub.f32 v4, v63;
	v63 =	vld [tilespmem:s18+$0x4210];
	v3 =	vmul.f32 v57, v17  }
0x5f6: {  	v9 =	vmul.f32 v47, v61;
	v47 =	vld [tilespmem:$0x1F460]  }
0x5f7: {  	v60 =	vmul.f32 v2, v60;
	v0 =	vadd.f32 v55, v0;
	v57 =	vld [tilespmem:$0x1F3E0];
	v3 =	vsub.f32 v3, v59  }
0x5f8: {  	v19 =	vmul.f32 v4, v45;
	v45 =	vld [tilespmem:s18+$0x41E0]  }
0x5f9: {  	v0 =	vadd.f32 v60, v0;
	v12 =	vmul.f32 v3, v17;
	v3 =	vmul.f32 v16, v54;
	v17 =	vld [tilespmem:s18+$0x41D0]  }
0x5fa: {  	v59 =	vld [tilespmem:s18+$0x4200]  }
0x5fb: {  	v0 =	vadd.f32 v12, v0;
	v3 =	vsub.f32 v3, v21;
	v12 =	vld [tilespmem:$0x1F420]  }
0x5fc: {  	v21 =	vld [tilespmem:s18+$0x4220]  }
0x5fd: {  	v49 =	vmul.f32 v3, v54;
	v54 =	vld [tilespmem:s18+$0x41F0]  }
0x5fe: {  	v0 =	vadd.f32 v19, v0;
	v3 =	vsub.f32 v9, v51;
	v19 =	vld [tilespmem:$0x1F450];
	v7 =	vmul.f32 v53, v17  }
0x5ff: {  	v51 =	vld [tilespmem:s18+$0x4230]  }
0x600: {  	v55 =	vmul.f32 v3, v61;
	v61 =	vld [tilespmem:$0x1F410];
	v2 =	vsub.f32 v7, v57  }
0x601: {  	v0 =	vadd.f32 v49, v0;
	v49 =	vld [tilespmem:$0x1F470]  }
0x602: {  	v60 =	vmul.f32 v2, v17;
	v17 =	vld [tilespmem:$0x1F440]  }
0x603: {  	v3 =	vmul.f32 v58, v45;
	v57 =	vld [tilespmem:$0x1F490]  }
0x604: {  	v0 =	vadd.f32 v55, v0;
	v55 =	vld [tilespmem:s18+$0x4240]  }
0x605: {  	v8 =	vmul.f32 v12, v54;
	v12 =	vld [tilespmem:$0x1F4D0];
	v2 =	vsub.f32 v3, v61  }
0x606: {  	v4 =	vmul.f32 v19, v59;
	v19 =	vld [tilespmem:$0x1F500]  }
0x607: {  	v0 =	vadd.f32 v60, v0;
	v60 =	vld [tilespmem:$0x1F4B0];
	v16 =	vmul.f32 v2, v45;
	v2 =	vsub.f32 v8, v17  }
0x608: {  	v61 =	vld [tilespmem:s18+$0x4250]  }
0x609: {  	v45 =	vmul.f32 v2, v54;
	v2 =	vsub.f32 v4, v47;
	v54 =	vld [tilespmem:$0x1F480]  }
0x60a: {  	v7 =	vmul.f32 v57, v21;
	v57 =	vld [tilespmem:$0x1EF80];
	v0 =	vadd.f32 v16, v0  }
0x60b: {  	v53 =	vmul.f32 v2, v59;
	v59 =	vld [tilespmem:$0x1F4A0]  }
0x60c: {  	v4 =	vmul.f32 v49, v63;
	v0 =	vadd.f32 v45, v0;
	v45 =	vld [tilespmem:$0x1F4F0]  }
0x60d: {  	v16 =	vld [tilespmem:s18+$0x4260]  }
0x60e: {  	v49 =	vld [tilespmem:$0x1F510];
	v2 =	vsub.f32 v4, v54  }
0x60f: {  	v3 =	vmul.f32 v60, v51;
	v60 =	vld [tilespmem:$0x1EFA0]  }
0x610: {  	v0 =	vadd.f32 v53, v0;
	v53 =	vld [tilespmem:s18+$0x4280];
	v58 =	vmul.f32 v2, v63;
	v2 =	vsub.f32 v7, v59  }
0x611: {  	v9 =	vmul.f32 v45, v61;
	v45 =	vld [tilespmem:$0x1EFC0]  }
0x612: {  	v63 =	vmul.f32 v2, v21;
	v2 =	vsub.f32 v3, v11;
	v3 =	vmul.f32 v12, v55;
	v21 =	vld [tilespmem:s18+$0x4270]  }
0x613: {  	v12 =	vld [tilespmem:$0x1F080]  }
0x614: {  	v17 =	vmul.f32 v2, v51;
	v2 =	vsub.f32 v3, v19;
	v51 =	vld [tilespmem:$0x1F520]  }
0x615: {  	v0 =	vadd.f32 v58, v0;
	v58 =	vld [tilespmem:s18+$0x4290]  }
0x616: {  	v47 =	vmul.f32 v2, v55;
	v55 =	vld [tilespmem:$0x1F530]  }
0x617: {  	v0 =	vadd.f32 v63, v0;
	v63 =	vmul.f32 v62, v46;
	v46 =	vld [tilespmem:$0x1EFE0]  }
0x618: {  	v62 =	vld [tilespmem:s18+$0x42E0];
	v2 =	vsub.f32 v9, v49  }
0x619: {  	v0 =	vadd.f32 v17, v0;
	v19 =	vsub.f32 v52, v12;
	v52 =	vld [tilespmem:s18+$0x42C0];
	v4 =	vmul.f32 v51, v16  }
0x61a: {  	v54 =	vmul.f32 v2, v61;
	v61 =	vld [tilespmem:s18+$0x42A0]  }
0x61b: {  	v0 =	vadd.f32 v47, v0;
	v47 =	vld [tilespmem:s18+$0x42B0];
	v2 =	vsub.f32 v4, v55;
	v4 =	vmul.f32 v57, v21  }
0x61c: {  	v8 =	vmul.f32 v46, v58;
	v51 =	vld [tilespmem:$0x1F020]  }
0x61d: {  	v46 =	vld [tilespmem:s18+$0x4300];
	v0 =	vadd.f32 v54, v0;
	v59 =	vmul.f32 v2, v16;
	v2 =	vsub.f32 v4, v60  }
0x61e: {  	v16 =	vld [tilespmem:$0x1F540]  }
0x61f: {  	v55 =	vld [tilespmem:$0x1F550];
	v0 =	vadd.f32 v59, v0;
	v17 =	vmul.f32 v2, v21  }
0x620: {  	v60 =	vld [tilespmem:$0x1F050];
	v21 =	vadd.f32 v63, v5;
	v2 =	vmul.f32 v19, v43  }
0x621: {  	v0 =	vadd.f32 v17, v0;
	v17 =	vld [tilespmem:$0x1F0D0]  }
0x622: {  	v9 =	vmul.f32 v51, v61;
	v2 =	vadd.f32 v2, v21;
	v21 =	vld [tilespmem:$0x1F120]  }
0x623: {  	v10 =	vmul.f32 v16, v53;
	v16 =	vld [tilespmem:$0x1F0A0]  }
0x624: {  	v19 =	vld [tilespmem:$0x1F700];
	v7 =	vsub.f32 v9, v55  }
0x625: {  	v55 =	vld [tilespmem:s18+$0x4320];
	v5 =	vsub.f32 v10, v45  }
0x626: {  	v4 =	vmul.f32 v7, v61;
	v61 =	vld [tilespmem:$0x1F6B0]  }
0x627: {  	v5 =	vmul.f32 v5, v53;
	v53 =	vsub.f32 v48, v17;
	v59 =	vsub.f32 v44, v21;
	v48 =	vld [tilespmem:s18+$0x4310]  }
0x628: {  	v49 =	vsub.f32 v50, v16;
	v50 =	vld [tilespmem:$0x1F000]  }
0x629: {  	v0 =	vadd.f32 v5, v0;
	v5 =	vmul.f32 v59, v37;
	v37 =	vld [tilespmem:$0x1F140]  }
0x62a: {  	v57 =	vmul.f32 v53, v39;
	v39 =	vld [tilespmem:$0x1F6A0]  }
0x62b: {  	v53 =	vld [tilespmem:$0x1F1F0]  }
0x62c: {  	v59 =	vld [tilespmem:$0x1F110]  }
0x62d: {  	v1 =	vmul.f32 v49, v41;
	v41 =	vld [tilespmem:s18+$0x42F0]  }
0x62e: {  	v8 =	vsub.f32 v8, v50;
	v50 =	vld [tilespmem:$0x1F1C0]  }
0x62f: {  	v1 =	vadd.f32 v1, v2;
	v63 =	vsub.f32 v42, v37;
	v9 =	vmul.f32 v39, v56;
	v42 =	vld [tilespmem:$0x1F180]  }
0x630: {  	v54 =	vmul.f32 v8, v58;
	v58 =	vld [tilespmem:$0x1F030]  }
0x631: {  	v1 =	vadd.f32 v57, v1;
	v57 =	vld [tilespmem:$0x1F220];
	v45 =	vsub.f32 v9, v12  }
0x632: {  	v0 =	vadd.f32 v54, v0;
	v54 =	vsub.f32 v36, v53;
	v36 =	vld [tilespmem:$0x1F160]  }
0x633: {  	v49 =	vmul.f32 v45, v56;
	v56 =	vld [tilespmem:$0x1F100]  }
0x634: {  	v45 =	vld [tilespmem:$0x1F1D0]  }
0x635: {  	v43 =	vsub.f32 v40, v42;
	v40 =	vld [tilespmem:s18+$0x4350];
	v3 =	vmul.f32 v58, v47  }
0x636: {  	v0 =	vadd.f32 v4, v0;
	v4 =	vmul.f32 v63, v35;
	v35 =	vld [tilespmem:s18+$0x43E0];
	v58 =	vsub.f32 v34, v57  }
0x637: {  	v2 =	vsub.f32 v3, v60;
	v60 =	vld [tilespmem:s18+$0x4330]  }
0x638: {  	v3 =	vmul.f32 v61, v52;
	v63 =	vmul.f32 v58, v26;
	v26 =	vld [tilespmem:s18+$0x43C0]  }
0x639: {  	v7 =	vmul.f32 v56, v46;
	v56 =	vld [tilespmem:s18+$0x4390]  }
0x63a: {  	v2 =	vmul.f32 v2, v47;
	v3 =	vsub.f32 v3, v19;
	v47 =	vld [tilespmem:$0x1F690]  }
0x63b: {  	v7 =	vsub.f32 v7, v21;
	v21 =	vld [tilespmem:s18+$0x43B0]  }
0x63c: {  	v1 =	vadd.f32 v5, v1;
	v44 =	vmul.f32 v3, v52;
	v52 =	vld [tilespmem:$0x1F0C0]  }
0x63d: {  	v0 =	vadd.f32 v2, v0;
	v2 =	vmul.f32 v54, v29;
	v54 =	vld [tilespmem:$0x1F2F0]  }
0x63e: {  	v5 =	vmul.f32 v43, v33;
	v1 =	vadd.f32 v4, v1;
	v29 =	vld [tilespmem:s18+$0x43D0]  }
0x63f: {  	v34 =	vmul.f32 v7, v46;
	v46 =	vld [tilespmem:s18+$0x4370];
	v4 =	vmul.f32 v47, v62  }
0x640: {  	v51 =	vsub.f32 v38, v50;
	v1 =	vadd.f32 v5, v1;
	v7 =	vmul.f32 v36, v55;
	v36 =	vld [tilespmem:$0x1F600]  }
0x641: {  	v0 =	vadd.f32 v44, v0;
	v44 =	vld [tilespmem:s18+$0x4360];
	v4 =	vsub.f32 v4, v16;
	v5 =	vmul.f32 v52, v41  }
0x642: {  	v3 =	vmul.f32 v51, v31;
	v7 =	vsub.f32 v7, v42;
	v42 =	vld [tilespmem:$0x1F280]  }
0x643: {  	v0 =	vadd.f32 v49, v0;
	v49 =	vld [tilespmem:$0x1F680];
	v4 =	vmul.f32 v4, v62;
	v5 =	vsub.f32 v5, v17  }
0x644: {  	v1 =	vadd.f32 v3, v1;
	v52 =	vld [tilespmem:s18+$0x4380]  }
0x645: {  	v17 =	vmul.f32 v59, v48;
	v62 =	vld [tilespmem:s18+$0x4340];
	v0 =	vadd.f32 v4, v0;
	v61 =	vmul.f32 v5, v41  }
0x646: {  	v1 =	vadd.f32 v2, v1;
	v7 =	vmul.f32 v7, v55;
	v55 =	vsub.f32 v27, v54;
	v41 =	vld [tilespmem:$0x1F190]  }
0x647: {  	v27 =	vld [tilespmem:$0x1F640];
	v33 =	vsub.f32 v17, v37;
	v0 =	vadd.f32 v61, v0  }
0x648: {  	v1 =	vadd.f32 v63, v1;
	v63 =	vld [tilespmem:$0x1F320]  }
0x649: {  	v43 =	vsub.f32 v30, v42;
	v37 =	vld [tilespmem:$0x1F250];
	v39 =	vmul.f32 v33, v48;
	v0 =	vadd.f32 v34, v0  }
0x64a: {  	v59 =	vld [tilespmem:s18+$0x43A0];
	v17 =	vmul.f32 v45, v62  }
0x64b: {  	v47 =	vmul.f32 v43, v22;
	v22 =	vld [tilespmem:$0x1F650];
	v4 =	vmul.f32 v41, v60;
	v0 =	vadd.f32 v39, v0  }
0x64c: {  	v48 =	vsub.f32 v17, v53;
	v53 =	vld [tilespmem:$0x1F670]  }
0x64d: {  	v39 =	vld [tilespmem:$0x1F5E0];
	v4 =	vsub.f32 v4, v50;
	v0 =	vadd.f32 v7, v0;
	v7 =	vmul.f32 v49, v40  }
0x64e: {  	v38 =	vsub.f32 v32, v37;
	v50 =	vld [tilespmem:$0x1F2C0]  }
0x64f: {  	v4 =	vmul.f32 v4, v60;
	v7 =	vsub.f32 v7, v57;
	v57 =	vld [tilespmem:$0x1F660]  }
0x650: {  	v2 =	vmul.f32 v38, v24;
	v5 =	vmul.f32 v48, v62;
	v62 =	vld [tilespmem:$0x1F2A0]  }
0x651: {  	v24 =	vld [tilespmem:$0x1F370];
	v0 =	vadd.f32 v4, v0  }
0x652: {  	v19 =	vsub.f32 v25, v63;
	v38 =	vld [tilespmem:$0x1F3D0];
	v1 =	vadd.f32 v2, v1;
	v4 =	vmul.f32 v53, v44  }
0x653: {  	v33 =	vld [tilespmem:$0x1F390];
	v60 =	vmul.f32 v55, v18;
	v7 =	vmul.f32 v7, v40;
	v0 =	vadd.f32 v5, v0  }
0x654: {  	v34 =	vld [tilespmem:$0x1F620];
	v1 =	vadd.f32 v47, v1;
	v4 =	vsub.f32 v4, v37;
	v58 =	vmul.f32 v57, v46  }
0x655: {  	v32 =	vld [tilespmem:$0x1F630];
	v51 =	vsub.f32 v28, v50;
	v0 =	vadd.f32 v7, v0;
	v7 =	vmul.f32 v62, v52  }
0x656: {  	v41 =	vld [tilespmem:$0x1F5C0];
	v25 =	vsub.f32 v23, v24;
	v4 =	vmul.f32 v4, v44;
	v61 =	vsub.f32 v58, v42  }
0x657: {  	v48 =	vld [tilespmem:$0x1F560];
	v28 =	vmul.f32 v27, v59;
	v11 =	vsub.f32 v39, v38;
	v7 =	vsub.f32 v7, v50  }
0x658: {  	v49 =	vld [tilespmem:$0x1F5A0];
	v0 =	vadd.f32 v4, v0;
	v4 =	vmul.f32 v22, v56;
	v8 =	vmul.f32 v61, v46  }
0x659: {  	v47 =	vld [tilespmem:$0x1F5B0];
	v2 =	vmul.f32 v51, v20;
	v30 =	vmul.f32 v25, v13;
	v31 =	vsub.f32 v28, v63  }
0x65a: {  	v40 =	vld [tilespmem:s18+$0x43F0];
	v7 =	vmul.f32 v7, v52;
	v4 =	vsub.f32 v4, v54;
	v0 =	vadd.f32 v8, v0  }
0x65b: {  	v37 =	vld [tilespmem:$0x1F610];
	v13 =	vmul.f32 v41, v29;
	v1 =	vadd.f32 v2, v1;
	v2 =	vmul.f32 v19, v15  }
0x65c: {  	v44 =	vld [tilespmem:$0x1F590];
	v4 =	vmul.f32 v4, v56;
	v0 =	vadd.f32 v7, v0;
	v7 =	vmul.f32 v32, v21  }
0x65d: {  	v5 =	vmul.f32 v31, v59;
	v43 =	vsub.f32 v13, v38;
	v42 =	vld [tilespmem:$0x1F5D0];
	v1 =	vadd.f32 v60, v1  }
0x65e: {  	v46 =	vld [tilespmem:$0x1F400];
	v7 =	vsub.f32 v7, v24;
	v0 =	vadd.f32 v4, v0;
	v4 =	vmul.f32 v36, v26  }
0x65f: {  	v51 =	vld [tilespmem:$0x1F580];
	v1 =	vadd.f32 v2, v1;
	v2 =	vsub.f32 v34, v33  }
0x660: {  	v50 =	vld [tilespmem:$0x1F430];
	v7 =	vmul.f32 v7, v21;
	v4 =	vsub.f32 v4, v33;
	v0 =	vadd.f32 v5, v0  }
0x661: {  	v45 =	vmul.f32 v43, v29;
	v2 =	vmul.f32 v2, v37;
	v1 =	vadd.f32 v30, v1  }
0x662: {  	v52 =	vld [tilespmem:$0x1F570];
	v4 =	vmul.f32 v4, v26;
	v0 =	vadd.f32 v7, v0;
	v7 =	vmul.f32 v44, v35  }
0x663: {  	v3 =	vmul.f32 v11, v42;
	v1 =	vadd.f32 v2, v1;
	v5 =	vsub.f32 v47, v46  }
0x664: {  	v7 =	vsub.f32 v7, v46;
	v0 =	vadd.f32 v4, v0;
	v4 =	vmul.f32 v48, v40  }
0x665: {  	v1 =	vadd.f32 v3, v1;
	v3 =	vsub.f32 v51, v50;
	v5 =	vmul.f32 v5, v49  }
0x666: {  	v54 =	vld [tilespmem:$0x1FFE0];
	v7 =	vmul.f32 v7, v35;
	v4 =	vsub.f32 v4, v50;
	v0 =	vadd.f32 v45, v0  }
0x667: {  	v2 =	vmul.f32 v3, v52;
	v1 =	vadd.f32 v5, v1  }
0x668: {  	v53 =	vmul.f32 v4, v40;
	v0 =	vadd.f32 v7, v0  }
0x669: {  	v1 =	vadd.f32 v2, v1  }
0x66a: {  	v55 =	vld [tilespmem:$0x1FFD0];
	v0 =	vadd.f32 v53, v0  }
0x66b: {  	v2 =	vperm.xlane v1, v54  }
0x66c: {  	v3 =	vperm.xlane v0, v54  }
0x66d: {  	v2 =	vadd.f32 v1, v2  }
0x66e: {  	v58 =	vld [tilespmem:$0x1FFF0];
	v3 =	vadd.f32 v0, v3  }
0x66f: {  	v56 =	vperm.xlane v2, v55  }
0x670: {  	v57 =	vperm.xlane v3, v55  }
0x671: {  	v2 =	vadd.f32 v2, v56  }
0x672: {  	v59 =	vld [tilespmem:$0x1FFC0];
	v3 =	vadd.f32 v3, v57  }
0x673: {  	v4 =	vperm.xlane v2, v58  }
0x674: {  	v5 =	vperm.xlane v3, v58  }
0x675: {  	v2 =	vadd.f32 v2, v4  }
0x676: {  	v3 =	vadd.f32 v3, v5  }
0x677: {  	v4 =	vperm.xlane v2, v59  }
0x678: {  	s17 =	sadd.s32 $0x1, s17;
	v63 =	vld [tilespmem:$0x1EE80];
	v5 =	vperm.xlane v3, v59  }
0x679: {  	v60 =	vmov s17;
	s17 =	sadd.s32 $0x1, s17;
	v61 =	vlaneseq.u32;
	v2 =	vadd.f32 v2, v4  }
0x67a: {  	v62 =	vmov s17;
	vm0 =	veq.s32 v60, v61;
	v3 =	vadd.f32 v3, v5  }
0x67b: {  	vm15 =	veq.s32 v62, v61;
	v2 =	vsel vm0, v2, v6  }
0x67c: {  	v1 =	vadd.f32 v1, v14;
	v2 =	vsel vm15, v3, v2  }
0x67d: {  	v2 =	vadd.f32 v2, v63  }
0x67e: {  	v0 =	vadd.f32 v0, v1  }
0x67f: {  	v2 =	vmul.f32 $-5.000000000e-01, v2  }
0x680: {  	[tilespmem:$0x8900] =	vst v0  }
0x681: {  	[tilespmem:$0x8890] =	vst v2  }
0x682: {  	[hbm4b:s7+s4] =	stream.linear.scatter [tilespmem:s14], [sflag:$0x1], $0x20, $0x38;
	[tilespmem:$0x8980] =	vst v63  }
0x683: {  	s16 =	sadd.s32 $0x1, s16;
	_ =	swait.ge [sflag:s10], $0x20  }
0x684: {  	p0 =	sne.s32 s16, s9;
	[sflag:s10] =	ssyncset.done $0x0  }
.Ltmp2:
0x685: {  	[sflag:s10] =	ssyncadd.s32 $0xFFFFFFE0;
	(pc) =	sbr.rel @p0 .LBB2_1-.Ltmp2, $4  }
0x686: {  	[hbm4b:s8+s4] =	stream.linear.scatter [tilespmem:s15], [sflag:$0x1], $0x10, $0x38;
	[tilespmem:$0x8980] =	vst v63  }
0x687: {  	_ =	swait.ge [sflag:s10], $0x10  }
0x688: {  	[sflag:s10] =	ssyncset.done $0x0  }
0x689: {  	[sflag:s10] =	ssyncadd.s32 $0xFFFFFFF0  }
0x68a: {  	_ =	sfence.sel $0x180000  }
0x68b: {  	[bflag:$0x0] =	sbarrier.arrive $0xFFFF  }
0x68c: {  	p0 =	sne.s32 s0, $0x0;
	_ =	strace $0x90000047  }
0x68d: {  	s0 =	sadd.s32 @!p0 $0x100000, s3;
	[bflag:$0x2] =	sbarrier.arrive $0xFFFF  }
0x68e: {  	[sflag:s0] =	ssyncadd.tile.s32 @!p0 $0x1;
	_ =	shalt  }
.Lfunc_end2:
_tile_overlayer_lowered:
.L_overlay_start_2:
0x68f: {  	(tag) =	ssettag $0x2  }
0x690: {  	s0 =	rddreg [dreg:$0x0];
	s2 =	stileid.u32  }
0x691: {  	s1 =	rddreg [dreg:$0x1];
	p0 =	sne.s32 s2, $0x0  }
0x692: {  	s3 =	rddreg [dreg:$0x2];
	[bflag:$0x3] =	sbarrier.arrive $0xFFFF;
	s2 =	simm.s32 @!p0 $0x1C01  }
0x693: {  	[timem:s3], [sflag:s2] =	dma.local @!p0 [hbm:s0], s1  }
0x694: {  	s0 =	simm.s32 @!p0 $0x1  }
0x695: {  	_ =	swait.ge @!p0 [sflag:s0], s1  }
0x696: {  	s1 =	ssub.s32 @!p0 $0x0, s1;
	[sflag:s0] =	ssyncset.done @!p0 $0x0  }
0x697: {  	[sflag:s0] =	ssyncadd.s32 @!p0 s1  }
0x698: {  	[bflag:$0x3] =	sbarrier.arrive $0xFFFF  }
0x699: {  	_ =	shalt  }

</sc_bundles>
